<compile_context>
chip_gen: v7x
topology: tpu7x:2x2x1
jax: 0.10.2.dev20260603
libtpu: 0.0.44.dev20260713+nightly
codegen_flags: <defaults>
</compile_context>

<pallas_src>
import jax
import jax.numpy as jnp
from jax.experimental import pallas as pl
from jax.experimental.pallas import tpu as pltpu
from jax.experimental.pallas import tpu_sc as plsc

N = 10000
E = 320000
D = 128
NPAD = 10240
NW = 32
NT = 16
EPT = E // NW
CAP2 = 448
CH = 64
NCHS = CAP2 // CH
LPAD = NW * CAP2
ROWS = NPAD // NW
TROWS = 336
CHE = 2000
BLK = 1000
GRID = N // BLK

_f32 = jnp.float32
_i32 = jnp.int32

_SCP = pltpu.CompilerParams(use_tc_tiling_on_sc=False,
                            needs_layout_passes=False)
_SCP_EDGE = _SCP


def _bucket(d16):
    return jax.lax.shift_right_logical(
        jax.lax.shift_right_logical(d16, 6) * 6554, 15)


def _vgather(x, idx):
    return jax.lax.gather(
        x, idx[:, None],
        jax.lax.GatherDimensionNumbers(
            offset_dims=(), collapsed_slice_dims=(0,), start_index_map=(0,)),
        (1,), mode=jax.lax.GatherScatterMode.PROMISE_IN_BOUNDS)


def _runs(keys, i16):
    prev = _vgather(keys, jnp.maximum(i16 - 1, 0))
    first = jnp.logical_or(i16 == 0, keys != prev)
    run = plsc.cummax(jnp.where(first, i16, 0))
    nxt = _vgather(keys, jnp.minimum(i16 + 1, 15))
    last = jnp.logical_or(i16 == 15, keys != nxt)
    return run, last



def _part_body(src_hbm, dst_hbm, psrc, pdst,
               es_v, ed_v, os_v, od_v, off_v):
    c = jax.lax.axis_index("c")
    t = jax.lax.axis_index("s")
    wid = c * NT + t
    i16 = jax.lax.iota(_i32, 16)
    z16i = jnp.zeros((16,), _i32)

    off_v[pl.ds(0, 16)] = i16 * CAP2
    off_v[pl.ds(16, 16)] = (i16 + 16) * CAP2

    def _fill(k, carry):
        os_v[pl.ds(k * 16, 16)] = (i16 + k * 16) & 8191
        od_v[pl.ds(k * 16, 16)] = z16i + 2000000
        return carry
    jax.lax.fori_loop(0, LPAD // 16, _fill, 0)

    def _place_chunk(ch, carry):
        pltpu.sync_copy(src_hbm.at[pl.ds(wid * EPT + ch * CHE, CHE)], es_v)
        pltpu.sync_copy(dst_hbm.at[pl.ds(wid * EPT + ch * CHE, CHE)], ed_v)

        def _place(g, carry2):
            s16 = es_v[pl.ds(g * 16, 16)]
            d16 = ed_v[pl.ds(g * 16, 16)]
            bs, perm = plsc.sort_key_val(_bucket(d16), i16)
            run, last = _runs(bs, i16)
            rank = i16 - run
            ss = _vgather(s16, perm)
            ds = _vgather(d16, perm)
            pos = plsc.load_gather(off_v, [bs]) + rank
            plsc.store_scatter(os_v, [pos], ss)
            plsc.store_scatter(od_v, [pos], ds)
            plsc.addupdate_scatter(off_v, [bs], rank + 1, mask=last)
            return carry2
        jax.lax.fori_loop(0, CHE // 16, _place, 0)
        return carry
    jax.lax.fori_loop(0, EPT // CHE, _place_chunk, 0)

    pltpu.sync_copy(os_v.at[pl.ds(0, LPAD)], psrc.at[wid])
    pltpu.sync_copy(od_v.at[pl.ds(0, LPAD)], pdst.at[wid])


def _partition(src, dst):
    mesh = plsc.VectorSubcoreMesh(core_axis_name="c", subcore_axis_name="s")
    fn = pl.kernel(
        _part_body,
        out_type=(jax.ShapeDtypeStruct((NW, LPAD), _i32),
                  jax.ShapeDtypeStruct((NW, LPAD), _i32)),
        mesh=mesh,
        scratch_types=[
            pltpu.VMEM((CHE,), _i32),
            pltpu.VMEM((CHE,), _i32),
            pltpu.VMEM((LPAD + 192,), _i32),
            pltpu.VMEM((LPAD + 192,), _i32),
            pltpu.VMEM((32,), _i32),
        ],
        compiler_params=_SCP,
    )
    return fn(src, dst)



def _logit_body(asdp_hbm, out_hbm, buf_v, out_v):
    c = jax.lax.axis_index("c")
    t = jax.lax.axis_index("s")
    wid = c * NT + t
    i16 = jax.lax.iota(_i32, 16)
    half = jax.lax.shift_right_logical(i16, 1)
    par = jax.lax.bitwise_and(i16, 1)

    for k in range(ROWS // 40):
        pltpu.sync_copy(asdp_hbm.at[pl.ds(wid * ROWS + k * 40, 40)], buf_v)
        for g in range(5):
            v = plsc.load_gather(buf_v, [half + g * 8, par])
            out_v[pl.ds(k * 80 + g * 16, 16)] = v
    pltpu.sync_copy(out_v, out_hbm.at[pl.ds(wid * 2 * ROWS, 2 * ROWS)])


def _logits_1d(asdp):
    mesh = plsc.VectorSubcoreMesh(core_axis_name="c", subcore_axis_name="s")
    fn = pl.kernel(
        _logit_body,
        out_type=jax.ShapeDtypeStruct((2 * NPAD,), _f32),
        mesh=mesh,
        scratch_types=[
            pltpu.VMEM((40, D), _f32),
            pltpu.VMEM((2 * ROWS,), _f32),
        ],
        compiler_params=_SCP,
    )
    return fn(asdp)



def _edge_body(h_hbm, asd1_hbm, psrc, pdst, acc_out,
               src_v, dst_v, dloc_v, rows_v, w_v, tbl_v, s_v, sinv_v, acc_v,
               sem):
    c = jax.lax.axis_index("c")
    t = jax.lax.axis_index("s")
    wid = c * NT + t
    base_row = wid * ROWS
    i16 = jax.lax.iota(_i32, 16)
    z16f = jnp.zeros((16,), _f32)
    z16i = jnp.zeros((16,), _i32)
    ng = D // 16

    pltpu.sync_copy(asd1_hbm, tbl_v)

    def _za(k, carry):
        plsc.store_scatter(acc_v, [z16i + k // ng, i16 + (k % ng) * 16], z16f)
        return carry
    jax.lax.fori_loop(0, TROWS * ng, _za, 0)

    def _zs(k, carry):
        s_v[pl.ds(k * 16, 16)] = z16f
        return carry
    jax.lax.fori_loop(0, TROWS // 16, _zs, 0)

    def _chunk(q, carry):
        w = q // NCHS
        off = wid * CAP2 + (q % NCHS) * CH
        pltpu.sync_copy(psrc.at[w, pl.ds(off, CH)], src_v)
        pltpu.sync_copy(pdst.at[w, pl.ds(off, CH)], dst_v)
        cp = pltpu.async_copy(h_hbm.at[src_v], rows_v, sem)
        for g in range(CH // 16):
            d16 = dst_v[pl.ds(g * 16, 16)]
            s16 = src_v[pl.ds(g * 16, 16)]
            dl16 = jnp.clip(d16 - base_row, 0, ROWS)
            dloc_v[pl.ds(g * 16, 16)] = dl16
            av = plsc.load_gather(tbl_v, [s16 * 2])
            dc = jnp.clip(d16, 0, NPAD - 1)
            dv = plsc.load_gather(tbl_v, [dc * 2 + 1])
            al = av + dv
            al = jnp.where(al >= 0.0, al, al * 0.2)
            wv = jnp.exp(al)
            w_v[pl.ds(g * 16, 16)] = wv
            ks, perm = plsc.sort_key_val(dl16, i16)
            wsrt = _vgather(wv, perm)
            csum = plsc.cumsum(wsrt)
            run, last = _runs(ks, i16)
            pcs = _vgather(csum, jnp.maximum(run - 1, 0))
            pcs = jnp.where(run == 0, 0.0, pcs)
            plsc.addupdate_scatter(s_v, [ks], csum - pcs, mask=last)
        cp.wait()

        def _accum(e, carry3):
            ei = z16i + e
            ws = plsc.load_gather(w_v, [ei])
            dloc = plsc.load_gather(dloc_v, [ei])
            for j in range(ng):
                col = i16 + j * 16
                r = plsc.load_gather(rows_v, [ei, col])
                plsc.addupdate_scatter(acc_v, [dloc, col], r * ws)
            return carry3
        jax.lax.fori_loop(0, CH, _accum, 0, unroll=8)
        return carry
    jax.lax.fori_loop(0, NW * NCHS, _chunk, 0)

    for ck in range(ROWS // CH):
        for g in range(CH // 16):
            n16 = base_row + ck * CH + g * 16 + i16
            nc = jnp.minimum(n16, N - 1)
            src_v[pl.ds(g * 16, 16)] = nc
        cp = pltpu.async_copy(h_hbm.at[src_v], rows_v, sem)
        for g in range(CH // 16):
            n16 = base_row + ck * CH + g * 16 + i16
            nc = jnp.minimum(n16, N - 1)
            av = plsc.load_gather(tbl_v, [nc * 2])
            dv = plsc.load_gather(tbl_v, [nc * 2 + 1])
            al = av + dv
            al = jnp.where(al >= 0.0, al, al * 0.2)
            ws16 = jnp.exp(al)
            w_v[pl.ds(g * 16, 16)] = ws16
            s16 = s_v[pl.ds(ck * CH + g * 16, 16)]
            sinv_v[pl.ds(g * 16, 16)] = 1.0 / (s16 + ws16 + 1e-16)
        cp.wait()

        def _norm(e, carry2):
            ei = z16i + e
            ws = plsc.load_gather(w_v, [ei])
            si = plsc.load_gather(sinv_v, [ei])
            dloc = z16i + ck * CH + e
            for j in range(ng):
                col = i16 + j * 16
                a = plsc.load_gather(acc_v, [dloc, col])
                r = plsc.load_gather(rows_v, [ei, col])
                plsc.store_scatter(acc_v, [dloc, col], (a + ws * r) * si)
            return carry2
        jax.lax.fori_loop(0, CH, _norm, 0)

    for k in range(ROWS // CH):
        pltpu.sync_copy(acc_v.at[pl.ds(k * CH, CH)],
                        acc_out.at[pl.ds(base_row + k * CH, CH)])


def _edge_pass(h, asd1, psrc, pdst):
    mesh = plsc.VectorSubcoreMesh(core_axis_name="c", subcore_axis_name="s")
    fn = pl.kernel(
        _edge_body,
        out_type=jax.ShapeDtypeStruct((NPAD, D), _f32),
        mesh=mesh,
        scratch_types=[
            pltpu.VMEM((CH,), _i32),
            pltpu.VMEM((CH,), _i32),
            pltpu.VMEM((CH,), _i32),
            pltpu.VMEM((CH, D), _f32),
            pltpu.VMEM((CH,), _f32),
            pltpu.VMEM((2 * NPAD,), _f32),
            pltpu.VMEM((TROWS,), _f32),
            pltpu.VMEM((CH,), _f32),
            pltpu.VMEM((TROWS, D), _f32),
            pltpu.SemaphoreType.DMA,
        ],
        compiler_params=_SCP_EDGE,
    )
    return fn(h, asd1, psrc, pdst)



def _asd_pack(asd):
    blk = asd.shape[0]
    return jnp.concatenate([asd, jnp.zeros((blk, D - 2), _f32)], axis=1)


def _pre_body(x_ref, w_ref, a_ref, h_ref, asd_ref):
    h = jnp.dot(x_ref[...], w_ref[...], preferred_element_type=_f32)
    h_ref[...] = h
    asd = jnp.dot(h, a_ref[...], preferred_element_type=_f32)
    asd_ref[...] = _asd_pack(asd)


def _pre(x, W, Acat):
    return pl.pallas_call(
        _pre_body,
        grid=(GRID,),
        in_specs=[pl.BlockSpec((BLK, D), lambda i: (i, 0)),
                  pl.BlockSpec((D, D), lambda i: (0, 0)),
                  pl.BlockSpec((D, 2), lambda i: (0, 0))],
        out_specs=[pl.BlockSpec((BLK, D), lambda i: (i, 0)),
                   pl.BlockSpec((BLK, D), lambda i: (i, 0))],
        out_shape=[jax.ShapeDtypeStruct((N, D), _f32),
                   jax.ShapeDtypeStruct((NPAD, D), _f32)],
    )(x, W, Acat)


def _mid_body(gat_ref, prev_ref, lw_ref, lb_ref, b_ref, wn_ref, an_ref,
              hn_ref, asdn_ref, y_ref, o_ref):
    res = jnp.dot(prev_ref[...], lw_ref[...], preferred_element_type=_f32)
    o = gat_ref[...] + b_ref[...] + res + lb_ref[...]
    o_ref[...] = o
    y = jnp.where(o > 0.0, o, jnp.exp(o) - 1.0)
    y_ref[...] = y
    hn = jnp.dot(y, wn_ref[...], preferred_element_type=_f32)
    hn_ref[...] = hn
    asdn = jnp.dot(hn, an_ref[...], preferred_element_type=_f32)
    asdn_ref[...] = _asd_pack(asdn)


def _mid(gat, prev, LW, Lb, b, Wn, Acatn):
    return pl.pallas_call(
        _mid_body,
        grid=(GRID,),
        in_specs=[pl.BlockSpec((BLK, D), lambda i: (i, 0)),
                  pl.BlockSpec((BLK, D), lambda i: (i, 0)),
                  pl.BlockSpec((D, D), lambda i: (0, 0)),
                  pl.BlockSpec((1, D), lambda i: (0, 0)),
                  pl.BlockSpec((1, D), lambda i: (0, 0)),
                  pl.BlockSpec((D, D), lambda i: (0, 0)),
                  pl.BlockSpec((D, 2), lambda i: (0, 0))],
        out_specs=[pl.BlockSpec((BLK, D), lambda i: (i, 0)),
                   pl.BlockSpec((BLK, D), lambda i: (i, 0)),
                   pl.BlockSpec((BLK, D), lambda i: (i, 0)),
                   pl.BlockSpec((BLK, D), lambda i: (i, 0))],
        out_shape=[jax.ShapeDtypeStruct((N, D), _f32),
                   jax.ShapeDtypeStruct((NPAD, D), _f32),
                   jax.ShapeDtypeStruct((N, D), _f32),
                   jax.ShapeDtypeStruct((N, D), _f32)],
    )(gat, prev, LW, Lb, b, Wn, Acatn)



def _att_cat(att_src, att_dst, pad_to=None):
    a_s = att_src.reshape(-1, 1)
    a_d = att_dst.reshape(-1, 1)
    cat = jnp.concatenate([a_s, a_d], axis=1)
    if pad_to is not None and cat.shape[0] < pad_to:
        cat = jnp.pad(cat, ((0, pad_to - cat.shape[0]), (0, 0)))
    return cat


def kernel(x, edge_index, W1, att_src1, att_dst1, b1, W2, att_src2, att_dst2,
           b2, W3, att_src3, att_dst3, b3, L1W, L1b, L2W, L2b, L3W, L3b):
    src = edge_index[0]
    dst = edge_index[1]

    Acat1 = _att_cat(att_src1, att_dst1)
    Acat2 = _att_cat(att_src2, att_dst2)
    Acat3 = _att_cat(att_src3, att_dst3, pad_to=D)
    W3p = jnp.pad(W3, ((0, 0), (0, D - W3.shape[1])))
    L3Wp = jnp.pad(L3W, ((0, 0), (0, D - L3W.shape[1])))
    pad3 = D - b3.shape[0]
    b3p = jnp.pad(b3, (0, pad3)).reshape(1, D)
    L3bp = jnp.pad(L3b, (0, pad3)).reshape(1, D)

    psrc, pdst = _partition(src, dst)
    h1, asd1 = _pre(x, W1, Acat1)

    LWs = jnp.stack([L1W, L2W, L3Wp])
    Lbs = jnp.stack([L1b.reshape(1, D), L2b.reshape(1, D), L3bp])
    bs = jnp.stack([b1.reshape(1, D), b2.reshape(1, D), b3p])
    Wns = jnp.stack([W2, W3p, W3p])
    Acats = jnp.stack([Acat2, Acat3, Acat3])

    def _layer(carry, params):
        h, asd, prev = carry
        LW, Lb, b, Wn, Acatn = params
        a1d = _logits_1d(asd)
        gat = _edge_pass(h, a1d, psrc, pdst)[:N]
        hn, asdn, y, o = _mid(gat, prev, LW, Lb, b, Wn, Acatn)
        return (hn, asdn, y), o

    _, os = jax.lax.scan(_layer, (h1, asd1, x), (LWs, Lbs, bs, Wns, Acats))
    return os[2][:, :b3.shape[0]]

# --- scband reference (transcript-rebuilt; emitter-appended) ---
"""Pipeline reference for scband-gat-50044958933132 (READ-ONLY COPY).

The authoritative reference and input builder live on the scoring server;
editing this copy changes nothing except your own understanding.
"""

import jax, jax.numpy as jnp
import numpy as np

N = 10000
E = 320000
IN_DIM = 128
HID = 128
HEADS = 1
OUT_DIM = 121


def setup_inputs(seed: int = 0) -> dict:
    key = jax.random.key(seed)
    ks = jax.random.split(key, 20)
    HC = HEADS * HID
    inp = {}
    inp["x"] = jax.random.normal(ks[0], (N, IN_DIM), dtype=jnp.float32)
    inp["edge_index"] = jax.random.randint(ks[1], (2, E), 0, N, dtype=jnp.int32)
    inp["W1"] = jax.random.normal(ks[2], (IN_DIM, HC), dtype=jnp.float32) * 0.05
    inp["att_src1"] = jax.random.normal(ks[3], (1, HEADS, HID), dtype=jnp.float32) * 0.05
    inp["att_dst1"] = jax.random.normal(ks[4], (1, HEADS, HID), dtype=jnp.float32) * 0.05
    inp["b1"] = jnp.zeros((HC,), dtype=jnp.float32)
    inp["W2"] = jax.random.normal(ks[5], (HC, HC), dtype=jnp.float32) * 0.05
    inp["att_src2"] = jax.random.normal(ks[6], (1, HEADS, HID), dtype=jnp.float32) * 0.05
    inp["att_dst2"] = jax.random.normal(ks[7], (1, HEADS, HID), dtype=jnp.float32) * 0.05
    inp["b2"] = jnp.zeros((HC,), dtype=jnp.float32)
    inp["W3"] = jax.random.normal(ks[8], (HC, HEADS * OUT_DIM), dtype=jnp.float32) * 0.05
    inp["att_src3"] = jax.random.normal(ks[9], (1, HEADS, OUT_DIM), dtype=jnp.float32) * 0.05
    inp["att_dst3"] = jax.random.normal(ks[10], (1, HEADS, OUT_DIM), dtype=jnp.float32) * 0.05
    inp["b3"] = jnp.zeros((OUT_DIM,), dtype=jnp.float32)
    inp["L1W"] = jax.random.normal(ks[11], (IN_DIM, HC), dtype=jnp.float32) * 0.05
    inp["L1b"] = jnp.zeros((HC,), dtype=jnp.float32)
    inp["L2W"] = jax.random.normal(ks[12], (HC, HC), dtype=jnp.float32) * 0.05
    inp["L2b"] = jnp.zeros((HC,), dtype=jnp.float32)
    inp["L3W"] = jax.random.normal(ks[13], (HC, OUT_DIM), dtype=jnp.float32) * 0.05
    inp["L3b"] = jnp.zeros((OUT_DIM,), dtype=jnp.float32)
    return inp


def _segment_softmax(alpha, dst, n):
    m = jax.ops.segment_max(alpha, dst, num_segments=n)
    alpha = jnp.exp(alpha - m[dst])
    s = jax.ops.segment_sum(alpha, dst, num_segments=n)
    return alpha / (s[dst] + 1e-16)


def _gat_conv(x, W, att_src, att_dst, bias, edge_index, concat):
    n = x.shape[0]
    H = att_src.shape[1]
    C = att_src.shape[2]
    h = (x @ W).reshape(n, H, C)
    a_s = jnp.sum(h * att_src, axis=-1)
    a_d = jnp.sum(h * att_dst, axis=-1)
    loop = jnp.arange(n, dtype=edge_index.dtype)
    src = jnp.concatenate([edge_index[0], loop])
    dst = jnp.concatenate([edge_index[1], loop])
    alpha = a_s[src] + a_d[dst]
    alpha = jax.nn.leaky_relu(alpha, negative_slope=0.2)
    alpha = _segment_softmax(alpha, dst, n)
    msg = h[src] * alpha[:, :, None]
    out = jax.ops.segment_sum(msg, dst, num_segments=n)
    if concat:
        out = out.reshape(n, H * C)
    else:
        out = out.mean(axis=1)
    return out + bias


def reference(x, edge_index, W1, att_src1, att_dst1, b1, W2, att_src2, att_dst2, b2, W3, att_src3, att_dst3, b3, L1W, L1b, L2W, L2b, L3W, L3b):
    # dropout is identity in eval mode
    h = _gat_conv(x, W1, att_src1, att_dst1, b1, edge_index, True) + (x @ L1W + L1b)
    h = jax.nn.elu(h)
    h = _gat_conv(h, W2, att_src2, att_dst2, b2, edge_index, True) + (h @ L2W + L2b)
    h = jax.nn.elu(h)
    out = _gat_conv(h, W3, att_src3, att_dst3, b3, edge_index, False) + (h @ L3W + L3b)
    return out

if __name__ == "__main__":
    import jax
    _d = setup_inputs()
    print(jax.jit(kernel)(*tuple(_d.values())))

</pallas_src>

<mosaic_0001>
#map = affine_map<(d0, d1) -> (0)>
#map1 = affine_map<(d0, d1) -> (0, 0)>
module attributes {stable_mosaic.version = 14 : i64} {
  func.func @_part_body(%arg0: i32, %arg1: i32, %arg2: memref<320000xi32, #tpu.memory_space<hbm>>, %arg3: memref<320000xi32, #tpu.memory_space<hbm>>, %arg4: memref<32x14336xi32, #tpu.memory_space<hbm>>, %arg5: memref<32x14336xi32, #tpu.memory_space<hbm>>, %arg6: memref<2000xi32, #tpu.memory_space<vmem>>, %arg7: memref<2000xi32, #tpu.memory_space<vmem>>, %arg8: memref<14528xi32, #tpu.memory_space<vmem>>, %arg9: memref<14528xi32, #tpu.memory_space<vmem>>, %arg10: memref<32xi32, #tpu.memory_space<vmem>>) attributes {dimension_semantics = [#tpu.dimension_semantics<core_parallel>, #tpu.dimension_semantics<subcore_parallel>], iteration_bounds = array<i64: 2, 16>, scalar_prefetch = 0 : i64, scratch_operands = 5 : i64, tpu.core_type = #tpu.core_type<sc_vector_subcore>, window_params = [{transform_indices = #map}, {transform_indices = #map}, {transform_indices = #map1}, {transform_indices = #map1}]} {
    %mul3A = arith.constant 16 : i32
    %mul3A_0 = arith.muli %arg0, %mul3A : i32
    %add3A = arith.addi %mul3A_0, %arg1 : i32
    %iota3A = tpu.iota {dimensions = array<i32: 0>} : vector<16xi32>
    %broadcast_in_dim3A = arith.constant 0 : i32
    %broadcast_in_dim3A_1 = vector.broadcast %broadcast_in_dim3A : i32 to vector<16xi32>
    %mul3A_2 = arith.constant 448 : i32
    %mul3A_3 = vector.broadcast %mul3A_2 : i32 to vector<16xi32>
    %mul3A_4 = arith.muli %iota3A, %mul3A_3 : vector<16xi32>
    %swap3A = arith.constant 0 : index
    %swap3A_5 = tpu.vector_load %arg10[%swap3A] {strides = array<i32>} : memref<32xi32, #tpu.memory_space<vmem>>, vector<16xi32>,
    tpu.vector_store %arg10[%swap3A], %mul3A_4 {strides = array<i32>} : memref<32xi32, #tpu.memory_space<vmem>>, vector<16xi32>,
    %add3A_6 = arith.constant 16 : i32
    %add3A_7 = vector.broadcast %add3A_6 : i32 to vector<16xi32>
    %add3A_8 = arith.addi %iota3A, %add3A_7 : vector<16xi32>
    %mul3A_9 = arith.constant 448 : i32
    %mul3A_10 = vector.broadcast %mul3A_9 : i32 to vector<16xi32>
    %mul3A_11 = arith.muli %add3A_8, %mul3A_10 : vector<16xi32>
    %swap3A_12 = arith.constant 16 : index
    %swap3A_13 = tpu.vector_load %arg10[%swap3A_12] {strides = array<i32>} : memref<32xi32, #tpu.memory_space<vmem>>, vector<16xi32>,
    tpu.vector_store %arg10[%swap3A_12], %mul3A_11 {strides = array<i32>} : memref<32xi32, #tpu.memory_space<vmem>>, vector<16xi32>,
    %scan3A = arith.constant 0 : i32
    %scan3A_14 = arith.constant 0 : i32
    %scan3A_15 = arith.constant 896 : i32
    %scan3A_16 = arith.addi %scan3A_14, %scan3A_15 : i32
    %scan3A_17 = arith.constant 1 : i32
    scf.for %scan3A_25 = %scan3A_14 to %scan3A_16 step %scan3A_17  : i32 {
      %mul3A_26 = arith.constant 16 : i32
      %mul3A_27 = arith.muli %scan3A_25, %mul3A_26 : i32
      %add3A_28 = vector.broadcast %mul3A_27 : i32 to vector<16xi32>
      %add3A_29 = arith.addi %iota3A, %add3A_28 : vector<16xi32>
      %and3A = arith.constant 8191 : i32
      %and3A_30 = vector.broadcast %and3A : i32 to vector<16xi32>
      %and3A_31 = arith.andi %add3A_29, %and3A_30 : vector<16xi32>
      %mul3A_32 = arith.constant 16 : i32
      %mul3A_33 = arith.muli %scan3A_25, %mul3A_32 : i32
      %swap3A_34 = arith.index_cast %mul3A_33 : i32 to index
      %swap3A_35 = tpu.vector_load %arg8[%swap3A_34] {strides = array<i32>} : memref<14528xi32, #tpu.memory_space<vmem>>, vector<16xi32>,
      tpu.vector_store %arg8[%swap3A_34], %and3A_31 {strides = array<i32>} : memref<14528xi32, #tpu.memory_space<vmem>>, vector<16xi32>,
      %add3A_36 = arith.constant 2000000 : i32
      %add3A_37 = vector.broadcast %add3A_36 : i32 to vector<16xi32>
      %add3A_38 = arith.addi %broadcast_in_dim3A_1, %add3A_37 : vector<16xi32>
      %mul3A_39 = arith.constant 16 : i32
      %mul3A_40 = arith.muli %scan3A_25, %mul3A_39 : i32
      %swap3A_41 = arith.index_cast %mul3A_40 : i32 to index
      %swap3A_42 = tpu.vector_load %arg9[%swap3A_41] {strides = array<i32>} : memref<14528xi32, #tpu.memory_space<vmem>>, vector<16xi32>,
      tpu.vector_store %arg9[%swap3A_41], %add3A_38 {strides = array<i32>} : memref<14528xi32, #tpu.memory_space<vmem>>, vector<16xi32>,
    }
    %scan3A_18 = arith.constant 896 : i32
    %scan3A_19 = arith.constant 0 : i32
    %scan3A_20 = arith.constant 0 : i32
    %scan3A_21 = arith.constant 5 : i32
    %scan3A_22 = arith.addi %scan3A_20, %scan3A_21 : i32
    %scan3A_23 = arith.constant 1 : i32
    scf.for %scan3A_25 = %scan3A_20 to %scan3A_22 step %scan3A_23  : i32 {
      %mul3A_26 = arith.constant 10000 : i32
      %mul3A_27 = arith.muli %add3A, %mul3A_26 : i32
      %mul3A_28 = arith.constant 2000 : i32
      %mul3A_29 = arith.muli %scan3A_25, %mul3A_28 : i32
      %add3A_30 = arith.addi %mul3A_27, %mul3A_29 : i32
      "tpu.region"() ({
        %run_scoped3A = tpu.sem_alloc : memref<!tpu.dma_semaphore, #tpu.memory_space<semaphore_mem>>
        %dma_start3A = tpu.memref_slice %arg2[%add3A_30] : memref<320000xi32, #tpu.memory_space<hbm>> -> memref<2000xi32, #tpu.memory_space<hbm>>
        %dma_start3A_42 = tpu.memref_slice %arg2[%add3A_30] : memref<320000xi32, #tpu.memory_space<hbm>> -> memref<2000xi32, #tpu.memory_space<hbm>>
        tpu.enqueue_dma source(%dma_start3A_42 : memref<2000xi32, #tpu.memory_space<hbm>>) target(%arg6 : memref<2000xi32, #tpu.memory_space<vmem>>) target_semaphore(%run_scoped3A : memref<!tpu.dma_semaphore, #tpu.memory_space<semaphore_mem>>)
        %dma_wait3A = tpu.memref_slice %arg2[%add3A_30] : memref<320000xi32, #tpu.memory_space<hbm>> -> memref<2000xi32, #tpu.memory_space<hbm>>
        %dma_wait3A_43 = tpu.memref_slice %arg2[%add3A_30] : memref<320000xi32, #tpu.memory_space<hbm>> -> memref<2000xi32, #tpu.memory_space<hbm>>
        tpu.wait_dma2 semaphore(%run_scoped3A : memref<!tpu.dma_semaphore, #tpu.memory_space<semaphore_mem>>) src(%dma_wait3A_43 : memref<2000xi32, #tpu.memory_space<hbm>>) dst(%arg6 : memref<2000xi32, #tpu.memory_space<vmem>>)
        tpu.yield
      }) : () -> ()
      %mul3A_31 = arith.constant 10000 : i32
      %mul3A_32 = arith.muli %add3A, %mul3A_31 : i32
      %mul3A_33 = arith.constant 2000 : i32
      %mul3A_34 = arith.muli %scan3A_25, %mul3A_33 : i32
      %add3A_35 = arith.addi %mul3A_32, %mul3A_34 : i32
      "tpu.region"() ({
        %run_scoped3A = tpu.sem_alloc : memref<!tpu.dma_semaphore, #tpu.memory_space<semaphore_mem>>
        %dma_start3A = tpu.memref_slice %arg3[%add3A_35] : memref<320000xi32, #tpu.memory_space<hbm>> -> memref<2000xi32, #tpu.memory_space<hbm>>
        %dma_start3A_42 = tpu.memref_slice %arg3[%add3A_35] : memref<320000xi32, #tpu.memory_space<hbm>> -> memref<2000xi32, #tpu.memory_space<hbm>>
        tpu.enqueue_dma source(%dma_start3A_42 : memref<2000xi32, #tpu.memory_space<hbm>>) target(%arg7 : memref<2000xi32, #tpu.memory_space<vmem>>) target_semaphore(%run_scoped3A : memref<!tpu.dma_semaphore, #tpu.memory_space<semaphore_mem>>)
        %dma_wait3A = tpu.memref_slice %arg3[%add3A_35] : memref<320000xi32, #tpu.memory_space<hbm>> -> memref<2000xi32, #tpu.memory_space<hbm>>
        %dma_wait3A_43 = tpu.memref_slice %arg3[%add3A_35] : memref<320000xi32, #tpu.memory_space<hbm>> -> memref<2000xi32, #tpu.memory_space<hbm>>
        tpu.wait_dma2 semaphore(%run_scoped3A : memref<!tpu.dma_semaphore, #tpu.memory_space<semaphore_mem>>) src(%dma_wait3A_43 : memref<2000xi32, #tpu.memory_space<hbm>>) dst(%arg7 : memref<2000xi32, #tpu.memory_space<vmem>>)
        tpu.yield
      }) : () -> ()
      %scan3A_36 = arith.constant 0 : i32
      %scan3A_37 = arith.constant 0 : i32
      %scan3A_38 = arith.constant 125 : i32
      %scan3A_39 = arith.addi %scan3A_37, %scan3A_38 : i32
      %scan3A_40 = arith.constant 1 : i32
      scf.for %scan3A_42 = %scan3A_37 to %scan3A_39 step %scan3A_40  : i32 {
        %mul3A_43 = arith.constant 16 : i32
        %mul3A_44 = arith.muli %scan3A_42, %mul3A_43 : i32
        %get3A = arith.index_cast %mul3A_44 : i32 to index
        %get3A_45 = tpu.vector_load %arg6[%get3A] {strides = array<i32>} : memref<2000xi32, #tpu.memory_space<vmem>>, vector<16xi32>,
        %mul3A_46 = arith.constant 16 : i32
        %mul3A_47 = arith.muli %scan3A_42, %mul3A_46 : i32
        %get3A_48 = arith.index_cast %mul3A_47 : i32 to index
        %get3A_49 = tpu.vector_load %arg7[%get3A_48] {strides = array<i32>} : memref<2000xi32, #tpu.memory_space<vmem>>, vector<16xi32>,
        %shift_right_logical3A = arith.constant 6 : i32
        %shift_right_logical3A_50 = vector.broadcast %shift_right_logical3A : i32 to vector<16xi32>
        %shift_right_logical3A_51 = arith.shrui %get3A_49, %shift_right_logical3A_50 : vector<16xi32>
        %mul3A_52 = arith.constant 6554 : i32
        %mul3A_53 = vector.broadcast %mul3A_52 : i32 to vector<16xi32>
        %mul3A_54 = arith.muli %shift_right_logical3A_51, %mul3A_53 : vector<16xi32>
        %shift_right_logical3A_55 = arith.constant 15 : i32
        %shift_right_logical3A_56 = vector.broadcast %shift_right_logical3A_55 : i32 to vector<16xi32>
        %shift_right_logical3A_57 = arith.shrui %mul3A_54, %shift_right_logical3A_56 : vector<16xi32>
        %masked_sort3A = arith.constant dense<true> : vector<16xi1>
        %masked_sort3A_58 = arith.constant -2147483648 : i32
        %masked_sort3A_59 = vector.broadcast %masked_sort3A_58 : i32 to vector<16xi32>
        %masked_sort3A_60 = arith.xori %shift_right_logical3A_57, %masked_sort3A_59 : vector<16xi32>
        %masked_sort3A_61, %masked_sort3A_62, %masked_sort3A_63 = tpu.sort %masked_sort3A_60, %iota3A masked %masked_sort3A : (vector<16xi32>, vector<16xi32>, vector<16xi1>) -> (vector<16xi1>, vector<16xi32>, vector<16xi32>)
        %masked_sort3A_64 = arith.xori %masked_sort3A_62, %masked_sort3A_59 : vector<16xi32>
        %sub3A = arith.constant 1 : i32
        %sub3A_65 = vector.broadcast %sub3A : i32 to vector<16xi32>
        %sub3A_66 = arith.subi %iota3A, %sub3A_65 : vector<16xi32>
        %max3A = arith.constant 0 : i32
        %max3A_67 = vector.broadcast %max3A : i32 to vector<16xi32>
        %max3A_68 = arith.maxsi %sub3A_66, %max3A_67 : vector<16xi32>
        %broadcast_in_dim3A_69 = vector.shape_cast %max3A_68 : vector<16xi32> to vector<16x1xi32>
        %gather3A = vector.shape_cast %broadcast_in_dim3A_69 : vector<16x1xi32> to vector<16xi32>
        %gather3A_70 = tpu.dynamic_gather %masked_sort3A_64[%gather3A] in [0] : vector<16xi32>, vector<16xi32> -> vector<16xi32>
        %eq3A = arith.constant 0 : i32
        %eq3A_71 = vector.broadcast %eq3A : i32 to vector<16xi32>
        %eq3A_72 = arith.cmpi eq, %iota3A, %eq3A_71 : vector<16xi32>
        %ne3A = arith.cmpi ne, %masked_sort3A_64, %gather3A_70 : vector<16xi32>
        %or3A = arith.ori %eq3A_72, %ne3A : vector<16xi1>
        %jit3A = arith.constant 0 : i32
        %broadcast_in_dim3A_73 = vector.broadcast %jit3A : i32 to vector<16xi32>
        %select_n3A = arith.select %or3A, %iota3A, %broadcast_in_dim3A_73 : vector<16xi1>, vector<16xi32>
        %broadcast_in_dim3A_74 = arith.constant true
        %broadcast_in_dim3A_75 = vector.broadcast %broadcast_in_dim3A_74 : i1 to vector<16xi1>
        %masked_cummax3A = arith.constant -2147483648 : i32
        %masked_cummax3A_76 = vector.broadcast %masked_cummax3A : i32 to vector<16xi32>
        %masked_cummax3A_77 = arith.xori %select_n3A, %masked_cummax3A_76 : vector<16xi32>
        %masked_cummax3A_78 = tpu.scan <max>, %masked_cummax3A_77 masked %broadcast_in_dim3A_75 : vector<16xi32>, vector<16xi1> -> vector<16xi32>
        %masked_cummax3A_79 = arith.xori %masked_cummax3A_78, %masked_cummax3A_76 : vector<16xi32>
        %add3A_80 = arith.constant 1 : i32
        %add3A_81 = vector.broadcast %add3A_80 : i32 to vector<16xi32>
        %add3A_82 = arith.addi %iota3A, %add3A_81 : vector<16xi32>
        %min3A = arith.constant 15 : i32
        %min3A_83 = vector.broadcast %min3A : i32 to vector<16xi32>
        %min3A_84 = arith.minsi %add3A_82, %min3A_83 : vector<16xi32>
        %broadcast_in_dim3A_85 = vector.shape_cast %min3A_84 : vector<16xi32> to vector<16x1xi32>
        %gather3A_86 = vector.shape_cast %broadcast_in_dim3A_85 : vector<16x1xi32> to vector<16xi32>
        %gather3A_87 = tpu.dynamic_gather %masked_sort3A_64[%gather3A_86] in [0] : vector<16xi32>, vector<16xi32> -> vector<16xi32>
        %eq3A_88 = arith.constant 15 : i32
        %eq3A_89 = vector.broadcast %eq3A_88 : i32 to vector<16xi32>
        %eq3A_90 = arith.cmpi eq, %iota3A, %eq3A_89 : vector<16xi32>
        %ne3A_91 = arith.cmpi ne, %masked_sort3A_64, %gather3A_87 : vector<16xi32>
        %or3A_92 = arith.ori %eq3A_90, %ne3A_91 : vector<16xi1>
        %sub3A_93 = arith.subi %iota3A, %masked_cummax3A_79 : vector<16xi32>
        %broadcast_in_dim3A_94 = vector.shape_cast %masked_sort3A_63 : vector<16xi32> to vector<16x1xi32>
        %gather3A_95 = vector.shape_cast %broadcast_in_dim3A_94 : vector<16x1xi32> to vector<16xi32>
        %gather3A_96 = tpu.dynamic_gather %get3A_45[%gather3A_95] in [0] : vector<16xi32>, vector<16xi32> -> vector<16xi32>
        %broadcast_in_dim3A_97 = vector.shape_cast %masked_sort3A_63 : vector<16xi32> to vector<16x1xi32>
        %gather3A_98 = vector.shape_cast %broadcast_in_dim3A_97 : vector<16x1xi32> to vector<16xi32>
        %gather3A_99 = tpu.dynamic_gather %get3A_49[%gather3A_98] in [0] : vector<16xi32>, vector<16xi32> -> vector<16xi32>
        %gather3A_100 = tpu.vector_load_idx %arg10[%masked_sort3A_64] : memref<32xi32, #tpu.memory_space<vmem>>[vector<16xi32>], vector<16xi32>,
        %add3A_101 = arith.addi %gather3A_100, %sub3A_93 : vector<16xi32>
        tpu.vector_store_idx %arg8[%add3A_101], %gather3A_96 : memref<14528xi32, #tpu.memory_space<vmem>>[vector<16xi32>], vector<16xi32>,
        tpu.vector_store_idx %arg9[%add3A_101], %gather3A_99 : memref<14528xi32, #tpu.memory_space<vmem>>[vector<16xi32>], vector<16xi32>,
        %add3A_102 = arith.constant 1 : i32
        %add3A_103 = vector.broadcast %add3A_102 : i32 to vector<16xi32>
        %add3A_104 = arith.addi %sub3A_93, %add3A_103 : vector<16xi32>
        tpu.vector_store_idx %arg10[%masked_sort3A_64], %add3A_104 masked %or3A_92 {add = true} : memref<32xi32, #tpu.memory_space<vmem>>[vector<16xi32>], vector<16xi32>, vector<16xi1>
      }
      %scan3A_41 = arith.constant 125 : i32
    }
    %scan3A_24 = arith.constant 5 : i32
    "tpu.region"() ({
      %run_scoped3A = tpu.sem_alloc : memref<!tpu.dma_semaphore, #tpu.memory_space<semaphore_mem>>
      %dma_start3A = arith.constant 0 : i32
      %dma_start3A_25 = tpu.memref_slice %arg8[%dma_start3A] : memref<14528xi32, #tpu.memory_space<vmem>> -> memref<14336xi32, #tpu.memory_space<vmem>>
      %dma_start3A_26 = arith.constant 0 : i32
      %dma_start3A_27 = tpu.memref_slice %arg4[%add3A, %dma_start3A_26] : memref<32x14336xi32, #tpu.memory_space<hbm>> -> memref<1x14336xi32, #tpu.memory_space<hbm>>
      %dma_start3A_28 = tpu.memref_squeeze %dma_start3A_27 : memref<1x14336xi32, #tpu.memory_space<hbm>> -> memref<14336xi32, #tpu.memory_space<hbm>>
      %dma_start3A_29 = arith.constant 0 : i32
      %dma_start3A_30 = tpu.memref_slice %arg4[%add3A, %dma_start3A_29] : memref<32x14336xi32, #tpu.memory_space<hbm>> -> memref<1x14336xi32, #tpu.memory_space<hbm>>
      %dma_start3A_31 = tpu.memref_squeeze %dma_start3A_30 : memref<1x14336xi32, #tpu.memory_space<hbm>> -> memref<14336xi32, #tpu.memory_space<hbm>>
      %dma_start3A_32 = arith.constant 0 : i32
      %dma_start3A_33 = tpu.memref_slice %arg8[%dma_start3A_32] : memref<14528xi32, #tpu.memory_space<vmem>> -> memref<14336xi32, #tpu.memory_space<vmem>>
      tpu.enqueue_dma source(%dma_start3A_33 : memref<14336xi32, #tpu.memory_space<vmem>>) target(%dma_start3A_31 : memref<14336xi32, #tpu.memory_space<hbm>>) target_semaphore(%run_scoped3A : memref<!tpu.dma_semaphore, #tpu.memory_space<semaphore_mem>>)
      %dma_wait3A = arith.constant 0 : i32
      %dma_wait3A_34 = tpu.memref_slice %arg8[%dma_wait3A] : memref<14528xi32, #tpu.memory_space<vmem>> -> memref<14336xi32, #tpu.memory_space<vmem>>
      %dma_wait3A_35 = arith.constant 0 : i32
      %dma_wait3A_36 = tpu.memref_slice %arg4[%add3A, %dma_wait3A_35] : memref<32x14336xi32, #tpu.memory_space<hbm>> -> memref<1x14336xi32, #tpu.memory_space<hbm>>
      %dma_wait3A_37 = tpu.memref_squeeze %dma_wait3A_36 : memref<1x14336xi32, #tpu.memory_space<hbm>> -> memref<14336xi32, #tpu.memory_space<hbm>>
      %dma_wait3A_38 = arith.constant 0 : i32
      %dma_wait3A_39 = tpu.memref_slice %arg4[%add3A, %dma_wait3A_38] : memref<32x14336xi32, #tpu.memory_space<hbm>> -> memref<1x14336xi32, #tpu.memory_space<hbm>>
      %dma_wait3A_40 = tpu.memref_squeeze %dma_wait3A_39 : memref<1x14336xi32, #tpu.memory_space<hbm>> -> memref<14336xi32, #tpu.memory_space<hbm>>
      %dma_wait3A_41 = arith.constant 0 : i32
      %dma_wait3A_42 = tpu.memref_slice %arg8[%dma_wait3A_41] : memref<14528xi32, #tpu.memory_space<vmem>> -> memref<14336xi32, #tpu.memory_space<vmem>>
      tpu.wait_dma2 semaphore(%run_scoped3A : memref<!tpu.dma_semaphore, #tpu.memory_space<semaphore_mem>>) src(%dma_wait3A_42 : memref<14336xi32, #tpu.memory_space<vmem>>) dst(%dma_wait3A_40 : memref<14336xi32, #tpu.memory_space<hbm>>)
      tpu.yield
    }) : () -> ()
    "tpu.region"() ({
      %run_scoped3A = tpu.sem_alloc : memref<!tpu.dma_semaphore, #tpu.memory_space<semaphore_mem>>
      %dma_start3A = arith.constant 0 : i32
      %dma_start3A_25 = tpu.memref_slice %arg9[%dma_start3A] : memref<14528xi32, #tpu.memory_space<vmem>> -> memref<14336xi32, #tpu.memory_space<vmem>>
      %dma_start3A_26 = arith.constant 0 : i32
      %dma_start3A_27 = tpu.memref_slice %arg5[%add3A, %dma_start3A_26] : memref<32x14336xi32, #tpu.memory_space<hbm>> -> memref<1x14336xi32, #tpu.memory_space<hbm>>
      %dma_start3A_28 = tpu.memref_squeeze %dma_start3A_27 : memref<1x14336xi32, #tpu.memory_space<hbm>> -> memref<14336xi32, #tpu.memory_space<hbm>>
      %dma_start3A_29 = arith.constant 0 : i32
      %dma_start3A_30 = tpu.memref_slice %arg5[%add3A, %dma_start3A_29] : memref<32x14336xi32, #tpu.memory_space<hbm>> -> memref<1x14336xi32, #tpu.memory_space<hbm>>
      %dma_start3A_31 = tpu.memref_squeeze %dma_start3A_30 : memref<1x14336xi32, #tpu.memory_space<hbm>> -> memref<14336xi32, #tpu.memory_space<hbm>>
      %dma_start3A_32 = arith.constant 0 : i32
      %dma_start3A_33 = tpu.memref_slice %arg9[%dma_start3A_32] : memref<14528xi32, #tpu.memory_space<vmem>> -> memref<14336xi32, #tpu.memory_space<vmem>>
      tpu.enqueue_dma source(%dma_start3A_33 : memref<14336xi32, #tpu.memory_space<vmem>>) target(%dma_start3A_31 : memref<14336xi32, #tpu.memory_space<hbm>>) target_semaphore(%run_scoped3A : memref<!tpu.dma_semaphore, #tpu.memory_space<semaphore_mem>>)
      %dma_wait3A = arith.constant 0 : i32
      %dma_wait3A_34 = tpu.memref_slice %arg9[%dma_wait3A] : memref<14528xi32, #tpu.memory_space<vmem>> -> memref<14336xi32, #tpu.memory_space<vmem>>
      %dma_wait3A_35 = arith.constant 0 : i32
      %dma_wait3A_36 = tpu.memref_slice %arg5[%add3A, %dma_wait3A_35] : memref<32x14336xi32, #tpu.memory_space<hbm>> -> memref<1x14336xi32, #tpu.memory_space<hbm>>
      %dma_wait3A_37 = tpu.memref_squeeze %dma_wait3A_36 : memref<1x14336xi32, #tpu.memory_space<hbm>> -> memref<14336xi32, #tpu.memory_space<hbm>>
      %dma_wait3A_38 = arith.constant 0 : i32
      %dma_wait3A_39 = tpu.memref_slice %arg5[%add3A, %dma_wait3A_38] : memref<32x14336xi32, #tpu.memory_space<hbm>> -> memref<1x14336xi32, #tpu.memory_space<hbm>>
      %dma_wait3A_40 = tpu.memref_squeeze %dma_wait3A_39 : memref<1x14336xi32, #tpu.memory_space<hbm>> -> memref<14336xi32, #tpu.memory_space<hbm>>
      %dma_wait3A_41 = arith.constant 0 : i32
      %dma_wait3A_42 = tpu.memref_slice %arg9[%dma_wait3A_41] : memref<14528xi32, #tpu.memory_space<vmem>> -> memref<14336xi32, #tpu.memory_space<vmem>>
      tpu.wait_dma2 semaphore(%run_scoped3A : memref<!tpu.dma_semaphore, #tpu.memory_space<semaphore_mem>>) src(%dma_wait3A_42 : memref<14336xi32, #tpu.memory_space<vmem>>) dst(%dma_wait3A_40 : memref<14336xi32, #tpu.memory_space<hbm>>)
      tpu.yield
    }) : () -> ()
    return
  }
}

#map = affine_map<(d0, d1) -> (0, 0)>
#map1 = affine_map<(d0, d1) -> (0)>
module attributes {stable_mosaic.version = 14 : i64} {
  func.func @_logit_body(%arg0: i32, %arg1: i32, %arg2: memref<10240x128xf32, #tpu.memory_space<hbm>>, %arg3: memref<20480xf32, #tpu.memory_space<hbm>>, %arg4: memref<40x128xf32, #tpu.memory_space<vmem>>, %arg5: memref<640xf32, #tpu.memory_space<vmem>>) attributes {dimension_semantics = [#tpu.dimension_semantics<core_parallel>, #tpu.dimension_semantics<subcore_parallel>], iteration_bounds = array<i64: 2, 16>, scalar_prefetch = 0 : i64, scratch_operands = 2 : i64, tpu.core_type = #tpu.core_type<sc_vector_subcore>, window_params = [{transform_indices = #map}, {transform_indices = #map1}]} {
    %mul3A = arith.constant 16 : i32
    %mul3A_0 = arith.muli %arg0, %mul3A : i32
    %add3A = arith.addi %mul3A_0, %arg1 : i32
    %iota3A = tpu.iota {dimensions = array<i32: 0>} : vector<16xi32>
    %shift_right_logical3A = arith.constant 1 : i32
    %shift_right_logical3A_1 = vector.broadcast %shift_right_logical3A : i32 to vector<16xi32>
    %shift_right_logical3A_2 = arith.shrui %iota3A, %shift_right_logical3A_1 : vector<16xi32>
    %and3A = arith.constant 1 : i32
    %and3A_3 = vector.broadcast %and3A : i32 to vector<16xi32>
    %and3A_4 = arith.andi %iota3A, %and3A_3 : vector<16xi32>
    %mul3A_5 = arith.constant 320 : i32
    %mul3A_6 = arith.muli %add3A, %mul3A_5 : i32
    %add3A_7 = arith.constant 0 : i32
    %add3A_8 = arith.addi %mul3A_6, %add3A_7 : i32
    "tpu.region"() ({
      %run_scoped3A = tpu.sem_alloc : memref<!tpu.dma_semaphore, #tpu.memory_space<semaphore_mem>>
      %dma_start3A = arith.constant 0 : i32
      %dma_start3A_279 = tpu.memref_slice %arg2[%add3A_8, %dma_start3A] : memref<10240x128xf32, #tpu.memory_space<hbm>> -> memref<40x128xf32, #tpu.memory_space<hbm>>
      %dma_start3A_280 = arith.constant 0 : i32
      %dma_start3A_281 = tpu.memref_slice %arg2[%add3A_8, %dma_start3A_280] : memref<10240x128xf32, #tpu.memory_space<hbm>> -> memref<40x128xf32, #tpu.memory_space<hbm>>
      tpu.enqueue_dma source(%dma_start3A_281 : memref<40x128xf32, #tpu.memory_space<hbm>>) target(%arg4 : memref<40x128xf32, #tpu.memory_space<vmem>>) target_semaphore(%run_scoped3A : memref<!tpu.dma_semaphore, #tpu.memory_space<semaphore_mem>>)
      %dma_wait3A = arith.constant 0 : i32
      %dma_wait3A_282 = tpu.memref_slice %arg2[%add3A_8, %dma_wait3A] : memref<10240x128xf32, #tpu.memory_space<hbm>> -> memref<40x128xf32, #tpu.memory_space<hbm>>
      %dma_wait3A_283 = arith.constant 0 : i32
      %dma_wait3A_284 = tpu.memref_slice %arg2[%add3A_8, %dma_wait3A_283] : memref<10240x128xf32, #tpu.memory_space<hbm>> -> memref<40x128xf32, #tpu.memory_space<hbm>>
      tpu.wait_dma2 semaphore(%run_scoped3A : memref<!tpu.dma_semaphore, #tpu.memory_space<semaphore_mem>>) src(%dma_wait3A_284 : memref<40x128xf32, #tpu.memory_space<hbm>>) dst(%arg4 : memref<40x128xf32, #tpu.memory_space<vmem>>)
      tpu.yield
    }) : () -> ()
    %add3A_9 = arith.constant 0 : i32
    %add3A_10 = vector.broadcast %add3A_9 : i32 to vector<16xi32>
    %add3A_11 = arith.addi %shift_right_logical3A_2, %add3A_10 : vector<16xi32>
    %gather3A = tpu.vector_load_idx %arg4[%add3A_11, %and3A_4] : memref<40x128xf32, #tpu.memory_space<vmem>>[vector<16xi32>, vector<16xi32>], vector<16xf32>,
    %swap3A = arith.constant 0 : index
    %swap3A_12 = tpu.vector_load %arg5[%swap3A] {strides = array<i32>} : memref<640xf32, #tpu.memory_space<vmem>>, vector<16xf32>,
    tpu.vector_store %arg5[%swap3A], %gather3A {strides = array<i32>} : memref<640xf32, #tpu.memory_space<vmem>>, vector<16xf32>,
    %add3A_13 = arith.constant 8 : i32
    %add3A_14 = vector.broadcast %add3A_13 : i32 to vector<16xi32>
    %add3A_15 = arith.addi %shift_right_logical3A_2, %add3A_14 : vector<16xi32>
    %gather3A_16 = tpu.vector_load_idx %arg4[%add3A_15, %and3A_4] : memref<40x128xf32, #tpu.memory_space<vmem>>[vector<16xi32>, vector<16xi32>], vector<16xf32>,
    %swap3A_17 = arith.constant 16 : index
    %swap3A_18 = tpu.vector_load %arg5[%swap3A_17] {strides = array<i32>} : memref<640xf32, #tpu.memory_space<vmem>>, vector<16xf32>,
    tpu.vector_store %arg5[%swap3A_17], %gather3A_16 {strides = array<i32>} : memref<640xf32, #tpu.memory_space<vmem>>, vector<16xf32>,
    %add3A_19 = arith.constant 16 : i32
    %add3A_20 = vector.broadcast %add3A_19 : i32 to vector<16xi32>
    %add3A_21 = arith.addi %shift_right_logical3A_2, %add3A_20 : vector<16xi32>
    %gather3A_22 = tpu.vector_load_idx %arg4[%add3A_21, %and3A_4] : memref<40x128xf32, #tpu.memory_space<vmem>>[vector<16xi32>, vector<16xi32>], vector<16xf32>,
    %swap3A_23 = arith.constant 32 : index
    %swap3A_24 = tpu.vector_load %arg5[%swap3A_23] {strides = array<i32>} : memref<640xf32, #tpu.memory_space<vmem>>, vector<16xf32>,
    tpu.vector_store %arg5[%swap3A_23], %gather3A_22 {strides = array<i32>} : memref<640xf32, #tpu.memory_space<vmem>>, vector<16xf32>,
    %add3A_25 = arith.constant 24 : i32
    %add3A_26 = vector.broadcast %add3A_25 : i32 to vector<16xi32>
    %add3A_27 = arith.addi %shift_right_logical3A_2, %add3A_26 : vector<16xi32>
    %gather3A_28 = tpu.vector_load_idx %arg4[%add3A_27, %and3A_4] : memref<40x128xf32, #tpu.memory_space<vmem>>[vector<16xi32>, vector<16xi32>], vector<16xf32>,
    %swap3A_29 = arith.constant 48 : index
    %swap3A_30 = tpu.vector_load %arg5[%swap3A_29] {strides = array<i32>} : memref<640xf32, #tpu.memory_space<vmem>>, vector<16xf32>,
    tpu.vector_store %arg5[%swap3A_29], %gather3A_28 {strides = array<i32>} : memref<640xf32, #tpu.memory_space<vmem>>, vector<16xf32>,
    %add3A_31 = arith.constant 32 : i32
    %add3A_32 = vector.broadcast %add3A_31 : i32 to vector<16xi32>
    %add3A_33 = arith.addi %shift_right_logical3A_2, %add3A_32 : vector<16xi32>
    %gather3A_34 = tpu.vector_load_idx %arg4[%add3A_33, %and3A_4] : memref<40x128xf32, #tpu.memory_space<vmem>>[vector<16xi32>, vector<16xi32>], vector<16xf32>,
    %swap3A_35 = arith.constant 64 : index
    %swap3A_36 = tpu.vector_load %arg5[%swap3A_35] {strides = array<i32>} : memref<640xf32, #tpu.memory_space<vmem>>, vector<16xf32>,
    tpu.vector_store %arg5[%swap3A_35], %gather3A_34 {strides = array<i32>} : memref<640xf32, #tpu.memory_space<vmem>>, vector<16xf32>,
    %mul3A_37 = arith.constant 320 : i32
    %mul3A_38 = arith.muli %add3A, %mul3A_37 : i32
    %add3A_39 = arith.constant 40 : i32
    %add3A_40 = arith.addi %mul3A_38, %add3A_39 : i32
    "tpu.region"() ({
      %run_scoped3A = tpu.sem_alloc : memref<!tpu.dma_semaphore, #tpu.memory_space<semaphore_mem>>
      %dma_start3A = arith.constant 0 : i32
      %dma_start3A_279 = tpu.memref_slice %arg2[%add3A_40, %dma_start3A] : memref<10240x128xf32, #tpu.memory_space<hbm>> -> memref<40x128xf32, #tpu.memory_space<hbm>>
      %dma_start3A_280 = arith.constant 0 : i32
      %dma_start3A_281 = tpu.memref_slice %arg2[%add3A_40, %dma_start3A_280] : memref<10240x128xf32, #tpu.memory_space<hbm>> -> memref<40x128xf32, #tpu.memory_space<hbm>>
      tpu.enqueue_dma source(%dma_start3A_281 : memref<40x128xf32, #tpu.memory_space<hbm>>) target(%arg4 : memref<40x128xf32, #tpu.memory_space<vmem>>) target_semaphore(%run_scoped3A : memref<!tpu.dma_semaphore, #tpu.memory_space<semaphore_mem>>)
      %dma_wait3A = arith.constant 0 : i32
      %dma_wait3A_282 = tpu.memref_slice %arg2[%add3A_40, %dma_wait3A] : memref<10240x128xf32, #tpu.memory_space<hbm>> -> memref<40x128xf32, #tpu.memory_space<hbm>>
      %dma_wait3A_283 = arith.constant 0 : i32
      %dma_wait3A_284 = tpu.memref_slice %arg2[%add3A_40, %dma_wait3A_283] : memref<10240x128xf32, #tpu.memory_space<hbm>> -> memref<40x128xf32, #tpu.memory_space<hbm>>
      tpu.wait_dma2 semaphore(%run_scoped3A : memref<!tpu.dma_semaphore, #tpu.memory_space<semaphore_mem>>) src(%dma_wait3A_284 : memref<40x128xf32, #tpu.memory_space<hbm>>) dst(%arg4 : memref<40x128xf32, #tpu.memory_space<vmem>>)
      tpu.yield
    }) : () -> ()
    %add3A_41 = arith.constant 0 : i32
    %add3A_42 = vector.broadcast %add3A_41 : i32 to vector<16xi32>
    %add3A_43 = arith.addi %shift_right_logical3A_2, %add3A_42 : vector<16xi32>
    %gather3A_44 = tpu.vector_load_idx %arg4[%add3A_43, %and3A_4] : memref<40x128xf32, #tpu.memory_space<vmem>>[vector<16xi32>, vector<16xi32>], vector<16xf32>,
    %swap3A_45 = arith.constant 80 : index
    %swap3A_46 = tpu.vector_load %arg5[%swap3A_45] {strides = array<i32>} : memref<640xf32, #tpu.memory_space<vmem>>, vector<16xf32>,
    tpu.vector_store %arg5[%swap3A_45], %gather3A_44 {strides = array<i32>} : memref<640xf32, #tpu.memory_space<vmem>>, vector<16xf32>,
    %add3A_47 = arith.constant 8 : i32
    %add3A_48 = vector.broadcast %add3A_47 : i32 to vector<16xi32>
    %add3A_49 = arith.addi %shift_right_logical3A_2, %add3A_48 : vector<16xi32>
    %gather3A_50 = tpu.vector_load_idx %arg4[%add3A_49, %and3A_4] : memref<40x128xf32, #tpu.memory_space<vmem>>[vector<16xi32>, vector<16xi32>], vector<16xf32>,
    %swap3A_51 = arith.constant 96 : index
    %swap3A_52 = tpu.vector_load %arg5[%swap3A_51] {strides = array<i32>} : memref<640xf32, #tpu.memory_space<vmem>>, vector<16xf32>,
    tpu.vector_store %arg5[%swap3A_51], %gather3A_50 {strides = array<i32>} : memref<640xf32, #tpu.memory_space<vmem>>, vector<16xf32>,
    %add3A_53 = arith.constant 16 : i32
    %add3A_54 = vector.broadcast %add3A_53 : i32 to vector<16xi32>
    %add3A_55 = arith.addi %shift_right_logical3A_2, %add3A_54 : vector<16xi32>
    %gather3A_56 = tpu.vector_load_idx %arg4[%add3A_55, %and3A_4] : memref<40x128xf32, #tpu.memory_space<vmem>>[vector<16xi32>, vector<16xi32>], vector<16xf32>,
    %swap3A_57 = arith.constant 112 : index
    %swap3A_58 = tpu.vector_load %arg5[%swap3A_57] {strides = array<i32>} : memref<640xf32, #tpu.memory_space<vmem>>, vector<16xf32>,
    tpu.vector_store %arg5[%swap3A_57], %gather3A_56 {strides = array<i32>} : memref<640xf32, #tpu.memory_space<vmem>>, vector<16xf32>,
    %add3A_59 = arith.constant 24 : i32
    %add3A_60 = vector.broadcast %add3A_59 : i32 to vector<16xi32>
    %add3A_61 = arith.addi %shift_right_logical3A_2, %add3A_60 : vector<16xi32>
    %gather3A_62 = tpu.vector_load_idx %arg4[%add3A_61, %and3A_4] : memref<40x128xf32, #tpu.memory_space<vmem>>[vector<16xi32>, vector<16xi32>], vector<16xf32>,
    %swap3A_63 = arith.constant 128 : index
    %swap3A_64 = tpu.vector_load %arg5[%swap3A_63] {strides = array<i32>} : memref<640xf32, #tpu.memory_space<vmem>>, vector<16xf32>,
    tpu.vector_store %arg5[%swap3A_63], %gather3A_62 {strides = array<i32>} : memref<640xf32, #tpu.memory_space<vmem>>, vector<16xf32>,
    %add3A_65 = arith.constant 32 : i32
    %add3A_66 = vector.broadcast %add3A_65 : i32 to vector<16xi32>
    %add3A_67 = arith.addi %shift_right_logical3A_2, %add3A_66 : vector<16xi32>
    %gather3A_68 = tpu.vector_load_idx %arg4[%add3A_67, %and3A_4] : memref<40x128xf32, #tpu.memory_space<vmem>>[vector<16xi32>, vector<16xi32>], vector<16xf32>,
    %swap3A_69 = arith.constant 144 : index
    %swap3A_70 = tpu.vector_load %arg5[%swap3A_69] {strides = array<i32>} : memref<640xf32, #tpu.memory_space<vmem>>, vector<16xf32>,
    tpu.vector_store %arg5[%swap3A_69], %gather3A_68 {strides = array<i32>} : memref<640xf32, #tpu.memory_space<vmem>>, vector<16xf32>,
    %mul3A_71 = arith.constant 320 : i32
    %mul3A_72 = arith.muli %add3A, %mul3A_71 : i32
    %add3A_73 = arith.constant 80 : i32
    %add3A_74 = arith.addi %mul3A_72, %add3A_73 : i32
    "tpu.region"() ({
      %run_scoped3A = tpu.sem_alloc : memref<!tpu.dma_semaphore, #tpu.memory_space<semaphore_mem>>
      %dma_start3A = arith.constant 0 : i32
      %dma_start3A_279 = tpu.memref_slice %arg2[%add3A_74, %dma_start3A] : memref<10240x128xf32, #tpu.memory_space<hbm>> -> memref<40x128xf32, #tpu.memory_space<hbm>>
      %dma_start3A_280 = arith.constant 0 : i32
      %dma_start3A_281 = tpu.memref_slice %arg2[%add3A_74, %dma_start3A_280] : memref<10240x128xf32, #tpu.memory_space<hbm>> -> memref<40x128xf32, #tpu.memory_space<hbm>>
      tpu.enqueue_dma source(%dma_start3A_281 : memref<40x128xf32, #tpu.memory_space<hbm>>) target(%arg4 : memref<40x128xf32, #tpu.memory_space<vmem>>) target_semaphore(%run_scoped3A : memref<!tpu.dma_semaphore, #tpu.memory_space<semaphore_mem>>)
      %dma_wait3A = arith.constant 0 : i32
      %dma_wait3A_282 = tpu.memref_slice %arg2[%add3A_74, %dma_wait3A] : memref<10240x128xf32, #tpu.memory_space<hbm>> -> memref<40x128xf32, #tpu.memory_space<hbm>>
      %dma_wait3A_283 = arith.constant 0 : i32
      %dma_wait3A_284 = tpu.memref_slice %arg2[%add3A_74, %dma_wait3A_283] : memref<10240x128xf32, #tpu.memory_space<hbm>> -> memref<40x128xf32, #tpu.memory_space<hbm>>
      tpu.wait_dma2 semaphore(%run_scoped3A : memref<!tpu.dma_semaphore, #tpu.memory_space<semaphore_mem>>) src(%dma_wait3A_284 : memref<40x128xf32, #tpu.memory_space<hbm>>) dst(%arg4 : memref<40x128xf32, #tpu.memory_space<vmem>>)
      tpu.yield
    }) : () -> ()
    %add3A_75 = arith.constant 0 : i32
    %add3A_76 = vector.broadcast %add3A_75 : i32 to vector<16xi32>
    %add3A_77 = arith.addi %shift_right_logical3A_2, %add3A_76 : vector<16xi32>
    %gather3A_78 = tpu.vector_load_idx %arg4[%add3A_77, %and3A_4] : memref<40x128xf32, #tpu.memory_space<vmem>>[vector<16xi32>, vector<16xi32>], vector<16xf32>,
    %swap3A_79 = arith.constant 160 : index
    %swap3A_80 = tpu.vector_load %arg5[%swap3A_79] {strides = array<i32>} : memref<640xf32, #tpu.memory_space<vmem>>, vector<16xf32>,
    tpu.vector_store %arg5[%swap3A_79], %gather3A_78 {strides = array<i32>} : memref<640xf32, #tpu.memory_space<vmem>>, vector<16xf32>,
    %add3A_81 = arith.constant 8 : i32
    %add3A_82 = vector.broadcast %add3A_81 : i32 to vector<16xi32>
    %add3A_83 = arith.addi %shift_right_logical3A_2, %add3A_82 : vector<16xi32>
    %gather3A_84 = tpu.vector_load_idx %arg4[%add3A_83, %and3A_4] : memref<40x128xf32, #tpu.memory_space<vmem>>[vector<16xi32>, vector<16xi32>], vector<16xf32>,
    %swap3A_85 = arith.constant 176 : index
    %swap3A_86 = tpu.vector_load %arg5[%swap3A_85] {strides = array<i32>} : memref<640xf32, #tpu.memory_space<vmem>>, vector<16xf32>,
    tpu.vector_store %arg5[%swap3A_85], %gather3A_84 {strides = array<i32>} : memref<640xf32, #tpu.memory_space<vmem>>, vector<16xf32>,
    %add3A_87 = arith.constant 16 : i32
    %add3A_88 = vector.broadcast %add3A_87 : i32 to vector<16xi32>
    %add3A_89 = arith.addi %shift_right_logical3A_2, %add3A_88 : vector<16xi32>
    %gather3A_90 = tpu.vector_load_idx %arg4[%add3A_89, %and3A_4] : memref<40x128xf32, #tpu.memory_space<vmem>>[vector<16xi32>, vector<16xi32>], vector<16xf32>,
    %swap3A_91 = arith.constant 192 : index
    %swap3A_92 = tpu.vector_load %arg5[%swap3A_91] {strides = array<i32>} : memref<640xf32, #tpu.memory_space<vmem>>, vector<16xf32>,
    tpu.vector_store %arg5[%swap3A_91], %gather3A_90 {strides = array<i32>} : memref<640xf32, #tpu.memory_space<vmem>>, vector<16xf32>,
    %add3A_93 = arith.constant 24 : i32
    %add3A_94 = vector.broadcast %add3A_93 : i32 to vector<16xi32>
    %add3A_95 = arith.addi %shift_right_logical3A_2, %add3A_94 : vector<16xi32>
    %gather3A_96 = tpu.vector_load_idx %arg4[%add3A_95, %and3A_4] : memref<40x128xf32, #tpu.memory_space<vmem>>[vector<16xi32>, vector<16xi32>], vector<16xf32>,
    %swap3A_97 = arith.constant 208 : index
    %swap3A_98 = tpu.vector_load %arg5[%swap3A_97] {strides = array<i32>} : memref<640xf32, #tpu.memory_space<vmem>>, vector<16xf32>,
    tpu.vector_store %arg5[%swap3A_97], %gather3A_96 {strides = array<i32>} : memref<640xf32, #tpu.memory_space<vmem>>, vector<16xf32>,
    %add3A_99 = arith.constant 32 : i32
    %add3A_100 = vector.broadcast %add3A_99 : i32 to vector<16xi32>
    %add3A_101 = arith.addi %shift_right_logical3A_2, %add3A_100 : vector<16xi32>
    %gather3A_102 = tpu.vector_load_idx %arg4[%add3A_101, %and3A_4] : memref<40x128xf32, #tpu.memory_space<vmem>>[vector<16xi32>, vector<16xi32>], vector<16xf32>,
    %swap3A_103 = arith.constant 224 : index
    %swap3A_104 = tpu.vector_load %arg5[%swap3A_103] {strides = array<i32>} : memref<640xf32, #tpu.memory_space<vmem>>, vector<16xf32>,
    tpu.vector_store %arg5[%swap3A_103], %gather3A_102 {strides = array<i32>} : memref<640xf32, #tpu.memory_space<vmem>>, vector<16xf32>,
    %mul3A_105 = arith.constant 320 : i32
    %mul3A_106 = arith.muli %add3A, %mul3A_105 : i32
    %add3A_107 = arith.constant 120 : i32
    %add3A_108 = arith.addi %mul3A_106, %add3A_107 : i32
    "tpu.region"() ({
      %run_scoped3A = tpu.sem_alloc : memref<!tpu.dma_semaphore, #tpu.memory_space<semaphore_mem>>
      %dma_start3A = arith.constant 0 : i32
      %dma_start3A_279 = tpu.memref_slice %arg2[%add3A_108, %dma_start3A] : memref<10240x128xf32, #tpu.memory_space<hbm>> -> memref<40x128xf32, #tpu.memory_space<hbm>>
      %dma_start3A_280 = arith.constant 0 : i32
      %dma_start3A_281 = tpu.memref_slice %arg2[%add3A_108, %dma_start3A_280] : memref<10240x128xf32, #tpu.memory_space<hbm>> -> memref<40x128xf32, #tpu.memory_space<hbm>>
      tpu.enqueue_dma source(%dma_start3A_281 : memref<40x128xf32, #tpu.memory_space<hbm>>) target(%arg4 : memref<40x128xf32, #tpu.memory_space<vmem>>) target_semaphore(%run_scoped3A : memref<!tpu.dma_semaphore, #tpu.memory_space<semaphore_mem>>)
      %dma_wait3A = arith.constant 0 : i32
      %dma_wait3A_282 = tpu.memref_slice %arg2[%add3A_108, %dma_wait3A] : memref<10240x128xf32, #tpu.memory_space<hbm>> -> memref<40x128xf32, #tpu.memory_space<hbm>>
      %dma_wait3A_283 = arith.constant 0 : i32
      %dma_wait3A_284 = tpu.memref_slice %arg2[%add3A_108, %dma_wait3A_283] : memref<10240x128xf32, #tpu.memory_space<hbm>> -> memref<40x128xf32, #tpu.memory_space<hbm>>
      tpu.wait_dma2 semaphore(%run_scoped3A : memref<!tpu.dma_semaphore, #tpu.memory_space<semaphore_mem>>) src(%dma_wait3A_284 : memref<40x128xf32, #tpu.memory_space<hbm>>) dst(%arg4 : memref<40x128xf32, #tpu.memory_space<vmem>>)
      tpu.yield
    }) : () -> ()
    %add3A_109 = arith.constant 0 : i32
    %add3A_110 = vector.broadcast %add3A_109 : i32 to vector<16xi32>
    %add3A_111 = arith.addi %shift_right_logical3A_2, %add3A_110 : vector<16xi32>
    %gather3A_112 = tpu.vector_load_idx %arg4[%add3A_111, %and3A_4] : memref<40x128xf32, #tpu.memory_space<vmem>>[vector<16xi32>, vector<16xi32>], vector<16xf32>,
    %swap3A_113 = arith.constant 240 : index
    %swap3A_114 = tpu.vector_load %arg5[%swap3A_113] {strides = array<i32>} : memref<640xf32, #tpu.memory_space<vmem>>, vector<16xf32>,
    tpu.vector_store %arg5[%swap3A_113], %gather3A_112 {strides = array<i32>} : memref<640xf32, #tpu.memory_space<vmem>>, vector<16xf32>,
    %add3A_115 = arith.constant 8 : i32
    %add3A_116 = vector.broadcast %add3A_115 : i32 to vector<16xi32>
    %add3A_117 = arith.addi %shift_right_logical3A_2, %add3A_116 : vector<16xi32>
    %gather3A_118 = tpu.vector_load_idx %arg4[%add3A_117, %and3A_4] : memref<40x128xf32, #tpu.memory_space<vmem>>[vector<16xi32>, vector<16xi32>], vector<16xf32>,
    %swap3A_119 = arith.constant 256 : index
    %swap3A_120 = tpu.vector_load %arg5[%swap3A_119] {strides = array<i32>} : memref<640xf32, #tpu.memory_space<vmem>>, vector<16xf32>,
    tpu.vector_store %arg5[%swap3A_119], %gather3A_118 {strides = array<i32>} : memref<640xf32, #tpu.memory_space<vmem>>, vector<16xf32>,
    %add3A_121 = arith.constant 16 : i32
    %add3A_122 = vector.broadcast %add3A_121 : i32 to vector<16xi32>
    %add3A_123 = arith.addi %shift_right_logical3A_2, %add3A_122 : vector<16xi32>
    %gather3A_124 = tpu.vector_load_idx %arg4[%add3A_123, %and3A_4] : memref<40x128xf32, #tpu.memory_space<vmem>>[vector<16xi32>, vector<16xi32>], vector<16xf32>,
    %swap3A_125 = arith.constant 272 : index
    %swap3A_126 = tpu.vector_load %arg5[%swap3A_125] {strides = array<i32>} : memref<640xf32, #tpu.memory_space<vmem>>, vector<16xf32>,
    tpu.vector_store %arg5[%swap3A_125], %gather3A_124 {strides = array<i32>} : memref<640xf32, #tpu.memory_space<vmem>>, vector<16xf32>,
    %add3A_127 = arith.constant 24 : i32
    %add3A_128 = vector.broadcast %add3A_127 : i32 to vector<16xi32>
    %add3A_129 = arith.addi %shift_right_logical3A_2, %add3A_128 : vector<16xi32>
    %gather3A_130 = tpu.vector_load_idx %arg4[%add3A_129, %and3A_4] : memref<40x128xf32, #tpu.memory_space<vmem>>[vector<16xi32>, vector<16xi32>], vector<16xf32>,
    %swap3A_131 = arith.constant 288 : index
    %swap3A_132 = tpu.vector_load %arg5[%swap3A_131] {strides = array<i32>} : memref<640xf32, #tpu.memory_space<vmem>>, vector<16xf32>,
    tpu.vector_store %arg5[%swap3A_131], %gather3A_130 {strides = array<i32>} : memref<640xf32, #tpu.memory_space<vmem>>, vector<16xf32>,
    %add3A_133 = arith.constant 32 : i32
    %add3A_134 = vector.broadcast %add3A_133 : i32 to vector<16xi32>
    %add3A_135 = arith.addi %shift_right_logical3A_2, %add3A_134 : vector<16xi32>
    %gather3A_136 = tpu.vector_load_idx %arg4[%add3A_135, %and3A_4] : memref<40x128xf32, #tpu.memory_space<vmem>>[vector<16xi32>, vector<16xi32>], vector<16xf32>,
    %swap3A_137 = arith.constant 304 : index
    %swap3A_138 = tpu.vector_load %arg5[%swap3A_137] {strides = array<i32>} : memref<640xf32, #tpu.memory_space<vmem>>, vector<16xf32>,
    tpu.vector_store %arg5[%swap3A_137], %gather3A_136 {strides = array<i32>} : memref<640xf32, #tpu.memory_space<vmem>>, vector<16xf32>,
    %mul3A_139 = arith.constant 320 : i32
    %mul3A_140 = arith.muli %add3A, %mul3A_139 : i32
    %add3A_141 = arith.constant 160 : i32
    %add3A_142 = arith.addi %mul3A_140, %add3A_141 : i32
    "tpu.region"() ({
      %run_scoped3A = tpu.sem_alloc : memref<!tpu.dma_semaphore, #tpu.memory_space<semaphore_mem>>
      %dma_start3A = arith.constant 0 : i32
      %dma_start3A_279 = tpu.memref_slice %arg2[%add3A_142, %dma_start3A] : memref<10240x128xf32, #tpu.memory_space<hbm>> -> memref<40x128xf32, #tpu.memory_space<hbm>>
      %dma_start3A_280 = arith.constant 0 : i32
      %dma_start3A_281 = tpu.memref_slice %arg2[%add3A_142, %dma_start3A_280] : memref<10240x128xf32, #tpu.memory_space<hbm>> -> memref<40x128xf32, #tpu.memory_space<hbm>>
      tpu.enqueue_dma source(%dma_start3A_281 : memref<40x128xf32, #tpu.memory_space<hbm>>) target(%arg4 : memref<40x128xf32, #tpu.memory_space<vmem>>) target_semaphore(%run_scoped3A : memref<!tpu.dma_semaphore, #tpu.memory_space<semaphore_mem>>)
      %dma_wait3A = arith.constant 0 : i32
      %dma_wait3A_282 = tpu.memref_slice %arg2[%add3A_142, %dma_wait3A] : memref<10240x128xf32, #tpu.memory_space<hbm>> -> memref<40x128xf32, #tpu.memory_space<hbm>>
      %dma_wait3A_283 = arith.constant 0 : i32
      %dma_wait3A_284 = tpu.memref_slice %arg2[%add3A_142, %dma_wait3A_283] : memref<10240x128xf32, #tpu.memory_space<hbm>> -> memref<40x128xf32, #tpu.memory_space<hbm>>
      tpu.wait_dma2 semaphore(%run_scoped3A : memref<!tpu.dma_semaphore, #tpu.memory_space<semaphore_mem>>) src(%dma_wait3A_284 : memref<40x128xf32, #tpu.memory_space<hbm>>) dst(%arg4 : memref<40x128xf32, #tpu.memory_space<vmem>>)
      tpu.yield
    }) : () -> ()
    %add3A_143 = arith.constant 0 : i32
    %add3A_144 = vector.broadcast %add3A_143 : i32 to vector<16xi32>
    %add3A_145 = arith.addi %shift_right_logical3A_2, %add3A_144 : vector<16xi32>
    %gather3A_146 = tpu.vector_load_idx %arg4[%add3A_145, %and3A_4] : memref<40x128xf32, #tpu.memory_space<vmem>>[vector<16xi32>, vector<16xi32>], vector<16xf32>,
    %swap3A_147 = arith.constant 320 : index
    %swap3A_148 = tpu.vector_load %arg5[%swap3A_147] {strides = array<i32>} : memref<640xf32, #tpu.memory_space<vmem>>, vector<16xf32>,
    tpu.vector_store %arg5[%swap3A_147], %gather3A_146 {strides = array<i32>} : memref<640xf32, #tpu.memory_space<vmem>>, vector<16xf32>,
    %add3A_149 = arith.constant 8 : i32
    %add3A_150 = vector.broadcast %add3A_149 : i32 to vector<16xi32>
    %add3A_151 = arith.addi %shift_right_logical3A_2, %add3A_150 : vector<16xi32>
    %gather3A_152 = tpu.vector_load_idx %arg4[%add3A_151, %and3A_4] : memref<40x128xf32, #tpu.memory_space<vmem>>[vector<16xi32>, vector<16xi32>], vector<16xf32>,
    %swap3A_153 = arith.constant 336 : index
    %swap3A_154 = tpu.vector_load %arg5[%swap3A_153] {strides = array<i32>} : memref<640xf32, #tpu.memory_space<vmem>>, vector<16xf32>,
    tpu.vector_store %arg5[%swap3A_153], %gather3A_152 {strides = array<i32>} : memref<640xf32, #tpu.memory_space<vmem>>, vector<16xf32>,
    %add3A_155 = arith.constant 16 : i32
    %add3A_156 = vector.broadcast %add3A_155 : i32 to vector<16xi32>
    %add3A_157 = arith.addi %shift_right_logical3A_2, %add3A_156 : vector<16xi32>
    %gather3A_158 = tpu.vector_load_idx %arg4[%add3A_157, %and3A_4] : memref<40x128xf32, #tpu.memory_space<vmem>>[vector<16xi32>, vector<16xi32>], vector<16xf32>,
    %swap3A_159 = arith.constant 352 : index
    %swap3A_160 = tpu.vector_load %arg5[%swap3A_159] {strides = array<i32>} : memref<640xf32, #tpu.memory_space<vmem>>, vector<16xf32>,
    tpu.vector_store %arg5[%swap3A_159], %gather3A_158 {strides = array<i32>} : memref<640xf32, #tpu.memory_space<vmem>>, vector<16xf32>,
    %add3A_161 = arith.constant 24 : i32
    %add3A_162 = vector.broadcast %add3A_161 : i32 to vector<16xi32>
    %add3A_163 = arith.addi %shift_right_logical3A_2, %add3A_162 : vector<16xi32>
    %gather3A_164 = tpu.vector_load_idx %arg4[%add3A_163, %and3A_4] : memref<40x128xf32, #tpu.memory_space<vmem>>[vector<16xi32>, vector<16xi32>], vector<16xf32>,
    %swap3A_165 = arith.constant 368 : index
    %swap3A_166 = tpu.vector_load %arg5[%swap3A_165] {strides = array<i32>} : memref<640xf32, #tpu.memory_space<vmem>>, vector<16xf32>,
    tpu.vector_store %arg5[%swap3A_165], %gather3A_164 {strides = array<i32>} : memref<640xf32, #tpu.memory_space<vmem>>, vector<16xf32>,
    %add3A_167 = arith.constant 32 : i32
    %add3A_168 = vector.broadcast %add3A_167 : i32 to vector<16xi32>
    %add3A_169 = arith.addi %shift_right_logical3A_2, %add3A_168 : vector<16xi32>
    %gather3A_170 = tpu.vector_load_idx %arg4[%add3A_169, %and3A_4] : memref<40x128xf32, #tpu.memory_space<vmem>>[vector<16xi32>, vector<16xi32>], vector<16xf32>,
    %swap3A_171 = arith.constant 384 : index
    %swap3A_172 = tpu.vector_load %arg5[%swap3A_171] {strides = array<i32>} : memref<640xf32, #tpu.memory_space<vmem>>, vector<16xf32>,
    tpu.vector_store %arg5[%swap3A_171], %gather3A_170 {strides = array<i32>} : memref<640xf32, #tpu.memory_space<vmem>>, vector<16xf32>,
    %mul3A_173 = arith.constant 320 : i32
    %mul3A_174 = arith.muli %add3A, %mul3A_173 : i32
    %add3A_175 = arith.constant 200 : i32
    %add3A_176 = arith.addi %mul3A_174, %add3A_175 : i32
    "tpu.region"() ({
      %run_scoped3A = tpu.sem_alloc : memref<!tpu.dma_semaphore, #tpu.memory_space<semaphore_mem>>
      %dma_start3A = arith.constant 0 : i32
      %dma_start3A_279 = tpu.memref_slice %arg2[%add3A_176, %dma_start3A] : memref<10240x128xf32, #tpu.memory_space<hbm>> -> memref<40x128xf32, #tpu.memory_space<hbm>>
      %dma_start3A_280 = arith.constant 0 : i32
      %dma_start3A_281 = tpu.memref_slice %arg2[%add3A_176, %dma_start3A_280] : memref<10240x128xf32, #tpu.memory_space<hbm>> -> memref<40x128xf32, #tpu.memory_space<hbm>>
      tpu.enqueue_dma source(%dma_start3A_281 : memref<40x128xf32, #tpu.memory_space<hbm>>) target(%arg4 : memref<40x128xf32, #tpu.memory_space<vmem>>) target_semaphore(%run_scoped3A : memref<!tpu.dma_semaphore, #tpu.memory_space<semaphore_mem>>)
      %dma_wait3A = arith.constant 0 : i32
      %dma_wait3A_282 = tpu.memref_slice %arg2[%add3A_176, %dma_wait3A] : memref<10240x128xf32, #tpu.memory_space<hbm>> -> memref<40x128xf32, #tpu.memory_space<hbm>>
      %dma_wait3A_283 = arith.constant 0 : i32
      %dma_wait3A_284 = tpu.memref_slice %arg2[%add3A_176, %dma_wait3A_283] : memref<10240x128xf32, #tpu.memory_space<hbm>> -> memref<40x128xf32, #tpu.memory_space<hbm>>
      tpu.wait_dma2 semaphore(%run_scoped3A : memref<!tpu.dma_semaphore, #tpu.memory_space<semaphore_mem>>) src(%dma_wait3A_284 : memref<40x128xf32, #tpu.memory_space<hbm>>) dst(%arg4 : memref<40x128xf32, #tpu.memory_space<vmem>>)
      tpu.yield
    }) : () -> ()
    %add3A_177 = arith.constant 0 : i32
    %add3A_178 = vector.broadcast %add3A_177 : i32 to vector<16xi32>
    %add3A_179 = arith.addi %shift_right_logical3A_2, %add3A_178 : vector<16xi32>
    %gather3A_180 = tpu.vector_load_idx %arg4[%add3A_179, %and3A_4] : memref<40x128xf32, #tpu.memory_space<vmem>>[vector<16xi32>, vector<16xi32>], vector<16xf32>,
    %swap3A_181 = arith.constant 400 : index
    %swap3A_182 = tpu.vector_load %arg5[%swap3A_181] {strides = array<i32>} : memref<640xf32, #tpu.memory_space<vmem>>, vector<16xf32>,
    tpu.vector_store %arg5[%swap3A_181], %gather3A_180 {strides = array<i32>} : memref<640xf32, #tpu.memory_space<vmem>>, vector<16xf32>,
    %add3A_183 = arith.constant 8 : i32
    %add3A_184 = vector.broadcast %add3A_183 : i32 to vector<16xi32>
    %add3A_185 = arith.addi %shift_right_logical3A_2, %add3A_184 : vector<16xi32>
    %gather3A_186 = tpu.vector_load_idx %arg4[%add3A_185, %and3A_4] : memref<40x128xf32, #tpu.memory_space<vmem>>[vector<16xi32>, vector<16xi32>], vector<16xf32>,
    %swap3A_187 = arith.constant 416 : index
    %swap3A_188 = tpu.vector_load %arg5[%swap3A_187] {strides = array<i32>} : memref<640xf32, #tpu.memory_space<vmem>>, vector<16xf32>,
    tpu.vector_store %arg5[%swap3A_187], %gather3A_186 {strides = array<i32>} : memref<640xf32, #tpu.memory_space<vmem>>, vector<16xf32>,
    %add3A_189 = arith.constant 16 : i32
    %add3A_190 = vector.broadcast %add3A_189 : i32 to vector<16xi32>
    %add3A_191 = arith.addi %shift_right_logical3A_2, %add3A_190 : vector<16xi32>
    %gather3A_192 = tpu.vector_load_idx %arg4[%add3A_191, %and3A_4] : memref<40x128xf32, #tpu.memory_space<vmem>>[vector<16xi32>, vector<16xi32>], vector<16xf32>,
    %swap3A_193 = arith.constant 432 : index
    %swap3A_194 = tpu.vector_load %arg5[%swap3A_193] {strides = array<i32>} : memref<640xf32, #tpu.memory_space<vmem>>, vector<16xf32>,
    tpu.vector_store %arg5[%swap3A_193], %gather3A_192 {strides = array<i32>} : memref<640xf32, #tpu.memory_space<vmem>>, vector<16xf32>,
    %add3A_195 = arith.constant 24 : i32
    %add3A_196 = vector.broadcast %add3A_195 : i32 to vector<16xi32>
    %add3A_197 = arith.addi %shift_right_logical3A_2, %add3A_196 : vector<16xi32>
    %gather3A_198 = tpu.vector_load_idx %arg4[%add3A_197, %and3A_4] : memref<40x128xf32, #tpu.memory_space<vmem>>[vector<16xi32>, vector<16xi32>], vector<16xf32>,
    %swap3A_199 = arith.constant 448 : index
    %swap3A_200 = tpu.vector_load %arg5[%swap3A_199] {strides = array<i32>} : memref<640xf32, #tpu.memory_space<vmem>>, vector<16xf32>,
    tpu.vector_store %arg5[%swap3A_199], %gather3A_198 {strides = array<i32>} : memref<640xf32, #tpu.memory_space<vmem>>, vector<16xf32>,
    %add3A_201 = arith.constant 32 : i32
    %add3A_202 = vector.broadcast %add3A_201 : i32 to vector<16xi32>
    %add3A_203 = arith.addi %shift_right_logical3A_2, %add3A_202 : vector<16xi32>
    %gather3A_204 = tpu.vector_load_idx %arg4[%add3A_203, %and3A_4] : memref<40x128xf32, #tpu.memory_space<vmem>>[vector<16xi32>, vector<16xi32>], vector<16xf32>,
    %swap3A_205 = arith.constant 464 : index
    %swap3A_206 = tpu.vector_load %arg5[%swap3A_205] {strides = array<i32>} : memref<640xf32, #tpu.memory_space<vmem>>, vector<16xf32>,
    tpu.vector_store %arg5[%swap3A_205], %gather3A_204 {strides = array<i32>} : memref<640xf32, #tpu.memory_space<vmem>>, vector<16xf32>,
    %mul3A_207 = arith.constant 320 : i32
    %mul3A_208 = arith.muli %add3A, %mul3A_207 : i32
    %add3A_209 = arith.constant 240 : i32
    %add3A_210 = arith.addi %mul3A_208, %add3A_209 : i32
    "tpu.region"() ({
      %run_scoped3A = tpu.sem_alloc : memref<!tpu.dma_semaphore, #tpu.memory_space<semaphore_mem>>
      %dma_start3A = arith.constant 0 : i32
      %dma_start3A_279 = tpu.memref_slice %arg2[%add3A_210, %dma_start3A] : memref<10240x128xf32, #tpu.memory_space<hbm>> -> memref<40x128xf32, #tpu.memory_space<hbm>>
      %dma_start3A_280 = arith.constant 0 : i32
      %dma_start3A_281 = tpu.memref_slice %arg2[%add3A_210, %dma_start3A_280] : memref<10240x128xf32, #tpu.memory_space<hbm>> -> memref<40x128xf32, #tpu.memory_space<hbm>>
      tpu.enqueue_dma source(%dma_start3A_281 : memref<40x128xf32, #tpu.memory_space<hbm>>) target(%arg4 : memref<40x128xf32, #tpu.memory_space<vmem>>) target_semaphore(%run_scoped3A : memref<!tpu.dma_semaphore, #tpu.memory_space<semaphore_mem>>)
      %dma_wait3A = arith.constant 0 : i32
      %dma_wait3A_282 = tpu.memref_slice %arg2[%add3A_210, %dma_wait3A] : memref<10240x128xf32, #tpu.memory_space<hbm>> -> memref<40x128xf32, #tpu.memory_space<hbm>>
      %dma_wait3A_283 = arith.constant 0 : i32
      %dma_wait3A_284 = tpu.memref_slice %arg2[%add3A_210, %dma_wait3A_283] : memref<10240x128xf32, #tpu.memory_space<hbm>> -> memref<40x128xf32, #tpu.memory_space<hbm>>
      tpu.wait_dma2 semaphore(%run_scoped3A : memref<!tpu.dma_semaphore, #tpu.memory_space<semaphore_mem>>) src(%dma_wait3A_284 : memref<40x128xf32, #tpu.memory_space<hbm>>) dst(%arg4 : memref<40x128xf32, #tpu.memory_space<vmem>>)
      tpu.yield
    }) : () -> ()
    %add3A_211 = arith.constant 0 : i32
    %add3A_212 = vector.broadcast %add3A_211 : i32 to vector<16xi32>
    %add3A_213 = arith.addi %shift_right_logical3A_2, %add3A_212 : vector<16xi32>
    %gather3A_214 = tpu.vector_load_idx %arg4[%add3A_213, %and3A_4] : memref<40x128xf32, #tpu.memory_space<vmem>>[vector<16xi32>, vector<16xi32>], vector<16xf32>,
    %swap3A_215 = arith.constant 480 : index
    %swap3A_216 = tpu.vector_load %arg5[%swap3A_215] {strides = array<i32>} : memref<640xf32, #tpu.memory_space<vmem>>, vector<16xf32>,
    tpu.vector_store %arg5[%swap3A_215], %gather3A_214 {strides = array<i32>} : memref<640xf32, #tpu.memory_space<vmem>>, vector<16xf32>,
    %add3A_217 = arith.constant 8 : i32
    %add3A_218 = vector.broadcast %add3A_217 : i32 to vector<16xi32>
    %add3A_219 = arith.addi %shift_right_logical3A_2, %add3A_218 : vector<16xi32>
    %gather3A_220 = tpu.vector_load_idx %arg4[%add3A_219, %and3A_4] : memref<40x128xf32, #tpu.memory_space<vmem>>[vector<16xi32>, vector<16xi32>], vector<16xf32>,
    %swap3A_221 = arith.constant 496 : index
    %swap3A_222 = tpu.vector_load %arg5[%swap3A_221] {strides = array<i32>} : memref<640xf32, #tpu.memory_space<vmem>>, vector<16xf32>,
    tpu.vector_store %arg5[%swap3A_221], %gather3A_220 {strides = array<i32>} : memref<640xf32, #tpu.memory_space<vmem>>, vector<16xf32>,
    %add3A_223 = arith.constant 16 : i32
    %add3A_224 = vector.broadcast %add3A_223 : i32 to vector<16xi32>
    %add3A_225 = arith.addi %shift_right_logical3A_2, %add3A_224 : vector<16xi32>
    %gather3A_226 = tpu.vector_load_idx %arg4[%add3A_225, %and3A_4] : memref<40x128xf32, #tpu.memory_space<vmem>>[vector<16xi32>, vector<16xi32>], vector<16xf32>,
    %swap3A_227 = arith.constant 512 : index
    %swap3A_228 = tpu.vector_load %arg5[%swap3A_227] {strides = array<i32>} : memref<640xf32, #tpu.memory_space<vmem>>, vector<16xf32>,
    tpu.vector_store %arg5[%swap3A_227], %gather3A_226 {strides = array<i32>} : memref<640xf32, #tpu.memory_space<vmem>>, vector<16xf32>,
    %add3A_229 = arith.constant 24 : i32
    %add3A_230 = vector.broadcast %add3A_229 : i32 to vector<16xi32>
    %add3A_231 = arith.addi %shift_right_logical3A_2, %add3A_230 : vector<16xi32>
    %gather3A_232 = tpu.vector_load_idx %arg4[%add3A_231, %and3A_4] : memref<40x128xf32, #tpu.memory_space<vmem>>[vector<16xi32>, vector<16xi32>], vector<16xf32>,
    %swap3A_233 = arith.constant 528 : index
    %swap3A_234 = tpu.vector_load %arg5[%swap3A_233] {strides = array<i32>} : memref<640xf32, #tpu.memory_space<vmem>>, vector<16xf32>,
    tpu.vector_store %arg5[%swap3A_233], %gather3A_232 {strides = array<i32>} : memref<640xf32, #tpu.memory_space<vmem>>, vector<16xf32>,
    %add3A_235 = arith.constant 32 : i32
    %add3A_236 = vector.broadcast %add3A_235 : i32 to vector<16xi32>
    %add3A_237 = arith.addi %shift_right_logical3A_2, %add3A_236 : vector<16xi32>
    %gather3A_238 = tpu.vector_load_idx %arg4[%add3A_237, %and3A_4] : memref<40x128xf32, #tpu.memory_space<vmem>>[vector<16xi32>, vector<16xi32>], vector<16xf32>,
    %swap3A_239 = arith.constant 544 : index
    %swap3A_240 = tpu.vector_load %arg5[%swap3A_239] {strides = array<i32>} : memref<640xf32, #tpu.memory_space<vmem>>, vector<16xf32>,
    tpu.vector_store %arg5[%swap3A_239], %gather3A_238 {strides = array<i32>} : memref<640xf32, #tpu.memory_space<vmem>>, vector<16xf32>,
    %mul3A_241 = arith.constant 320 : i32
    %mul3A_242 = arith.muli %add3A, %mul3A_241 : i32
    %add3A_243 = arith.constant 280 : i32
    %add3A_244 = arith.addi %mul3A_242, %add3A_243 : i32
    "tpu.region"() ({
      %run_scoped3A = tpu.sem_alloc : memref<!tpu.dma_semaphore, #tpu.memory_space<semaphore_mem>>
      %dma_start3A = arith.constant 0 : i32
      %dma_start3A_279 = tpu.memref_slice %arg2[%add3A_244, %dma_start3A] : memref<10240x128xf32, #tpu.memory_space<hbm>> -> memref<40x128xf32, #tpu.memory_space<hbm>>
      %dma_start3A_280 = arith.constant 0 : i32
      %dma_start3A_281 = tpu.memref_slice %arg2[%add3A_244, %dma_start3A_280] : memref<10240x128xf32, #tpu.memory_space<hbm>> -> memref<40x128xf32, #tpu.memory_space<hbm>>
      tpu.enqueue_dma source(%dma_start3A_281 : memref<40x128xf32, #tpu.memory_space<hbm>>) target(%arg4 : memref<40x128xf32, #tpu.memory_space<vmem>>) target_semaphore(%run_scoped3A : memref<!tpu.dma_semaphore, #tpu.memory_space<semaphore_mem>>)
      %dma_wait3A = arith.constant 0 : i32
      %dma_wait3A_282 = tpu.memref_slice %arg2[%add3A_244, %dma_wait3A] : memref<10240x128xf32, #tpu.memory_space<hbm>> -> memref<40x128xf32, #tpu.memory_space<hbm>>
      %dma_wait3A_283 = arith.constant 0 : i32
      %dma_wait3A_284 = tpu.memref_slice %arg2[%add3A_244, %dma_wait3A_283] : memref<10240x128xf32, #tpu.memory_space<hbm>> -> memref<40x128xf32, #tpu.memory_space<hbm>>
      tpu.wait_dma2 semaphore(%run_scoped3A : memref<!tpu.dma_semaphore, #tpu.memory_space<semaphore_mem>>) src(%dma_wait3A_284 : memref<40x128xf32, #tpu.memory_space<hbm>>) dst(%arg4 : memref<40x128xf32, #tpu.memory_space<vmem>>)
      tpu.yield
    }) : () -> ()
    %add3A_245 = arith.constant 0 : i32
    %add3A_246 = vector.broadcast %add3A_245 : i32 to vector<16xi32>
    %add3A_247 = arith.addi %shift_right_logical3A_2, %add3A_246 : vector<16xi32>
    %gather3A_248 = tpu.vector_load_idx %arg4[%add3A_247, %and3A_4] : memref<40x128xf32, #tpu.memory_space<vmem>>[vector<16xi32>, vector<16xi32>], vector<16xf32>,
    %swap3A_249 = arith.constant 560 : index
    %swap3A_250 = tpu.vector_load %arg5[%swap3A_249] {strides = array<i32>} : memref<640xf32, #tpu.memory_space<vmem>>, vector<16xf32>,
    tpu.vector_store %arg5[%swap3A_249], %gather3A_248 {strides = array<i32>} : memref<640xf32, #tpu.memory_space<vmem>>, vector<16xf32>,
    %add3A_251 = arith.constant 8 : i32
    %add3A_252 = vector.broadcast %add3A_251 : i32 to vector<16xi32>
    %add3A_253 = arith.addi %shift_right_logical3A_2, %add3A_252 : vector<16xi32>
    %gather3A_254 = tpu.vector_load_idx %arg4[%add3A_253, %and3A_4] : memref<40x128xf32, #tpu.memory_space<vmem>>[vector<16xi32>, vector<16xi32>], vector<16xf32>,
    %swap3A_255 = arith.constant 576 : index
    %swap3A_256 = tpu.vector_load %arg5[%swap3A_255] {strides = array<i32>} : memref<640xf32, #tpu.memory_space<vmem>>, vector<16xf32>,
    tpu.vector_store %arg5[%swap3A_255], %gather3A_254 {strides = array<i32>} : memref<640xf32, #tpu.memory_space<vmem>>, vector<16xf32>,
    %add3A_257 = arith.constant 16 : i32
    %add3A_258 = vector.broadcast %add3A_257 : i32 to vector<16xi32>
    %add3A_259 = arith.addi %shift_right_logical3A_2, %add3A_258 : vector<16xi32>
    %gather3A_260 = tpu.vector_load_idx %arg4[%add3A_259, %and3A_4] : memref<40x128xf32, #tpu.memory_space<vmem>>[vector<16xi32>, vector<16xi32>], vector<16xf32>,
    %swap3A_261 = arith.constant 592 : index
    %swap3A_262 = tpu.vector_load %arg5[%swap3A_261] {strides = array<i32>} : memref<640xf32, #tpu.memory_space<vmem>>, vector<16xf32>,
    tpu.vector_store %arg5[%swap3A_261], %gather3A_260 {strides = array<i32>} : memref<640xf32, #tpu.memory_space<vmem>>, vector<16xf32>,
    %add3A_263 = arith.constant 24 : i32
    %add3A_264 = vector.broadcast %add3A_263 : i32 to vector<16xi32>
    %add3A_265 = arith.addi %shift_right_logical3A_2, %add3A_264 : vector<16xi32>
    %gather3A_266 = tpu.vector_load_idx %arg4[%add3A_265, %and3A_4] : memref<40x128xf32, #tpu.memory_space<vmem>>[vector<16xi32>, vector<16xi32>], vector<16xf32>,
    %swap3A_267 = arith.constant 608 : index
    %swap3A_268 = tpu.vector_load %arg5[%swap3A_267] {strides = array<i32>} : memref<640xf32, #tpu.memory_space<vmem>>, vector<16xf32>,
    tpu.vector_store %arg5[%swap3A_267], %gather3A_266 {strides = array<i32>} : memref<640xf32, #tpu.memory_space<vmem>>, vector<16xf32>,
    %add3A_269 = arith.constant 32 : i32
    %add3A_270 = vector.broadcast %add3A_269 : i32 to vector<16xi32>
    %add3A_271 = arith.addi %shift_right_logical3A_2, %add3A_270 : vector<16xi32>
    %gather3A_272 = tpu.vector_load_idx %arg4[%add3A_271, %and3A_4] : memref<40x128xf32, #tpu.memory_space<vmem>>[vector<16xi32>, vector<16xi32>], vector<16xf32>,
    %swap3A_273 = arith.constant 624 : index
    %swap3A_274 = tpu.vector_load %arg5[%swap3A_273] {strides = array<i32>} : memref<640xf32, #tpu.memory_space<vmem>>, vector<16xf32>,
    tpu.vector_store %arg5[%swap3A_273], %gather3A_272 {strides = array<i32>} : memref<640xf32, #tpu.memory_space<vmem>>, vector<16xf32>,
    %mul3A_275 = arith.constant 2 : i32
    %mul3A_276 = arith.muli %add3A, %mul3A_275 : i32
    %mul3A_277 = arith.constant 320 : i32
    %mul3A_278 = arith.muli %mul3A_276, %mul3A_277 : i32
    "tpu.region"() ({
      %run_scoped3A = tpu.sem_alloc : memref<!tpu.dma_semaphore, #tpu.memory_space<semaphore_mem>>
      %dma_start3A = tpu.memref_slice %arg3[%mul3A_278] : memref<20480xf32, #tpu.memory_space<hbm>> -> memref<640xf32, #tpu.memory_space<hbm>>
      %dma_start3A_279 = tpu.memref_slice %arg3[%mul3A_278] : memref<20480xf32, #tpu.memory_space<hbm>> -> memref<640xf32, #tpu.memory_space<hbm>>
      tpu.enqueue_dma source(%arg5 : memref<640xf32, #tpu.memory_space<vmem>>) target(%dma_start3A_279 : memref<640xf32, #tpu.memory_space<hbm>>) target_semaphore(%run_scoped3A : memref<!tpu.dma_semaphore, #tpu.memory_space<semaphore_mem>>)
      %dma_wait3A = tpu.memref_slice %arg3[%mul3A_278] : memref<20480xf32, #tpu.memory_space<hbm>> -> memref<640xf32, #tpu.memory_space<hbm>>
      %dma_wait3A_280 = tpu.memref_slice %arg3[%mul3A_278] : memref<20480xf32, #tpu.memory_space<hbm>> -> memref<640xf32, #tpu.memory_space<hbm>>
      tpu.wait_dma2 semaphore(%run_scoped3A : memref<!tpu.dma_semaphore, #tpu.memory_space<semaphore_mem>>) src(%arg5 : memref<640xf32, #tpu.memory_space<vmem>>) dst(%dma_wait3A_280 : memref<640xf32, #tpu.memory_space<hbm>>)
      tpu.yield
    }) : () -> ()
    return
  }
}

#map = affine_map<(d0, d1) -> (0, 0)>
#map1 = affine_map<(d0, d1) -> (0)>
module attributes {stable_mosaic.version = 14 : i64} {
  func.func @_edge_body(%arg0: i32, %arg1: i32, %arg2: memref<10000x128xf32, #tpu.memory_space<hbm>>, %arg3: memref<20480xf32, #tpu.memory_space<hbm>>, %arg4: memref<32x14336xi32, #tpu.memory_space<hbm>>, %arg5: memref<32x14336xi32, #tpu.memory_space<hbm>>, %arg6: memref<10240x128xf32, #tpu.memory_space<hbm>>, %arg7: memref<64xi32, #tpu.memory_space<vmem>>, %arg8: memref<64xi32, #tpu.memory_space<vmem>>, %arg9: memref<64xi32, #tpu.memory_space<vmem>>, %arg10: memref<64x128xf32, #tpu.memory_space<vmem>>, %arg11: memref<64xf32, #tpu.memory_space<vmem>>, %arg12: memref<20480xf32, #tpu.memory_space<vmem>>, %arg13: memref<336xf32, #tpu.memory_space<vmem>>, %arg14: memref<64xf32, #tpu.memory_space<vmem>>, %arg15: memref<336x128xf32, #tpu.memory_space<vmem>>, %arg16: memref<!tpu.dma_semaphore, #tpu.memory_space<semaphore_mem>>) attributes {dimension_semantics = [#tpu.dimension_semantics<core_parallel>, #tpu.dimension_semantics<subcore_parallel>], iteration_bounds = array<i64: 2, 16>, scalar_prefetch = 0 : i64, scratch_operands = 10 : i64, tpu.core_type = #tpu.core_type<sc_vector_subcore>, window_params = [{transform_indices = #map}, {transform_indices = #map1}, {transform_indices = #map}, {transform_indices = #map}, {transform_indices = #map}]} {
    %mul3A = arith.constant 16 : i32
    %mul3A_0 = arith.muli %arg0, %mul3A : i32
    %add3A = arith.addi %mul3A_0, %arg1 : i32
    %mul3A_1 = arith.constant 320 : i32
    %mul3A_2 = arith.muli %add3A, %mul3A_1 : i32
    %iota3A = tpu.iota {dimensions = array<i32: 0>} : vector<16xi32>
    %broadcast_in_dim3A = arith.constant 0.000000e+00 : f32
    %broadcast_in_dim3A_3 = vector.broadcast %broadcast_in_dim3A : f32 to vector<16xf32>
    %broadcast_in_dim3A_4 = arith.constant 0 : i32
    %broadcast_in_dim3A_5 = vector.broadcast %broadcast_in_dim3A_4 : i32 to vector<16xi32>
    "tpu.region"() ({
      %run_scoped3A = tpu.sem_alloc : memref<!tpu.dma_semaphore, #tpu.memory_space<semaphore_mem>>
      tpu.enqueue_dma source(%arg3 : memref<20480xf32, #tpu.memory_space<hbm>>) target(%arg12 : memref<20480xf32, #tpu.memory_space<vmem>>) target_semaphore(%run_scoped3A : memref<!tpu.dma_semaphore, #tpu.memory_space<semaphore_mem>>)
      tpu.wait_dma2 semaphore(%run_scoped3A : memref<!tpu.dma_semaphore, #tpu.memory_space<semaphore_mem>>) src(%arg3 : memref<20480xf32, #tpu.memory_space<hbm>>) dst(%arg12 : memref<20480xf32, #tpu.memory_space<vmem>>)
      tpu.yield
    }) : () -> ()
    %scan3A = arith.constant 0 : i32
    %scan3A_6 = arith.constant 0 : i32
    %scan3A_7 = arith.constant 2688 : i32
    %scan3A_8 = arith.addi %scan3A_6, %scan3A_7 : i32
    %scan3A_9 = arith.constant 1 : i32
    scf.for %scan3A_1143 = %scan3A_6 to %scan3A_8 step %scan3A_9  : i32 {
      %jit3A = arith.constant 8 : i32
      %div3A_1144 = arith.divsi %scan3A_1143, %jit3A : i32
      %sign3A = arith.constant 0 : i32
      %sign3A_1145 = arith.cmpi sgt, %scan3A_1143, %sign3A : i32
      %sign3A_1146 = arith.extui %sign3A_1145 : i1 to i32
      %sign3A_1147 = arith.constant 0 : i32
      %sign3A_1148 = arith.cmpi slt, %scan3A_1143, %sign3A_1147 : i32
      %sign3A_1149 = arith.extui %sign3A_1148 : i1 to i32
      %sign3A_1150 = arith.subi %sign3A_1146, %sign3A_1149 : i32
      %sign3A_1151 = arith.constant 0 : i32
      %sign3A_1152 = arith.cmpi sgt, %jit3A, %sign3A_1151 : i32
      %sign3A_1153 = arith.extui %sign3A_1152 : i1 to i32
      %sign3A_1154 = arith.constant 0 : i32
      %sign3A_1155 = arith.cmpi slt, %jit3A, %sign3A_1154 : i32
      %sign3A_1156 = arith.extui %sign3A_1155 : i1 to i32
      %sign3A_1157 = arith.subi %sign3A_1153, %sign3A_1156 : i32
      %ne3A = arith.cmpi ne, %sign3A_1150, %sign3A_1157 : i32
      %rem3A = arith.remsi %scan3A_1143, %jit3A : i32
      %ne3A_1158 = arith.constant 0 : i32
      %ne3A_1159 = arith.cmpi ne, %rem3A, %ne3A_1158 : i32
      %and3A = arith.andi %ne3A, %ne3A_1159 : i1
      %sub3A = arith.constant 1 : i32
      %sub3A_1160 = arith.subi %div3A_1144, %sub3A : i32
      %select_n3A_1161 = arith.select %and3A, %sub3A_1160, %div3A_1144 : i32
      %add3A_1162 = vector.broadcast %select_n3A_1161 : i32 to vector<16xi32>
      %add3A_1163 = arith.addi %broadcast_in_dim3A_5, %add3A_1162 : vector<16xi32>
      %jit3A_1164 = arith.constant 8 : i32
      %eq3A = arith.constant 0 : i32
      %eq3A_1165 = arith.cmpi eq, %jit3A_1164, %eq3A : i32
      %jit3A_1166 = arith.constant 1 : i32
      %select_n3A_1167 = arith.select %eq3A_1165, %jit3A_1166, %jit3A_1164 : i32
      %rem3A_1168 = arith.remsi %scan3A_1143, %select_n3A_1167 : i32
      %ne3A_1169 = arith.constant 0 : i32
      %ne3A_1170 = arith.cmpi ne, %rem3A_1168, %ne3A_1169 : i32
      %lt3A = arith.constant 0 : i32
      %lt3A_1171 = arith.cmpi slt, %rem3A_1168, %lt3A : i32
      %lt3A_1172 = arith.constant 0 : i32
      %lt3A_1173 = arith.cmpi slt, %select_n3A_1167, %lt3A_1172 : i32
      %ne3A_1174 = arith.xori %lt3A_1171, %lt3A_1173 : i1
      %and3A_1175 = arith.andi %ne3A_1174, %ne3A_1170 : i1
      %add3A_1176 = arith.addi %rem3A_1168, %select_n3A_1167 : i32
      %select_n3A_1177 = arith.select %and3A_1175, %add3A_1176, %rem3A_1168 : i32
      %mul3A_1178 = arith.constant 16 : i32
      %mul3A_1179 = arith.muli %select_n3A_1177, %mul3A_1178 : i32
      %add3A_1180 = vector.broadcast %mul3A_1179 : i32 to vector<16xi32>
      %add3A_1181 = arith.addi %iota3A, %add3A_1180 : vector<16xi32>
      tpu.vector_store_idx %arg15[%add3A_1163, %add3A_1181], %broadcast_in_dim3A_3 : memref<336x128xf32, #tpu.memory_space<vmem>>[vector<16xi32>, vector<16xi32>], vector<16xf32>,
    }
    %scan3A_10 = arith.constant 2688 : i32
    %scan3A_11 = arith.constant 0 : i32
    %scan3A_12 = arith.constant 0 : i32
    %scan3A_13 = arith.constant 21 : i32
    %scan3A_14 = arith.addi %scan3A_12, %scan3A_13 : i32
    %scan3A_15 = arith.constant 1 : i32
    scf.for %scan3A_1143 = %scan3A_12 to %scan3A_14 step %scan3A_15  : i32 {
      %mul3A_1144 = arith.constant 16 : i32
      %mul3A_1145 = arith.muli %scan3A_1143, %mul3A_1144 : i32
      %swap3A_1146 = arith.index_cast %mul3A_1145 : i32 to index
      %swap3A_1147 = tpu.vector_load %arg13[%swap3A_1146] {strides = array<i32>} : memref<336xf32, #tpu.memory_space<vmem>>, vector<16xf32>,
      tpu.vector_store %arg13[%swap3A_1146], %broadcast_in_dim3A_3 {strides = array<i32>} : memref<336xf32, #tpu.memory_space<vmem>>, vector<16xf32>,
    }
    %scan3A_16 = arith.constant 21 : i32
    %scan3A_17 = arith.constant 0 : i32
    %scan3A_18 = arith.constant 0 : i32
    %scan3A_19 = arith.constant 224 : i32
    %scan3A_20 = arith.addi %scan3A_18, %scan3A_19 : i32
    %scan3A_21 = arith.constant 1 : i32
    scf.for %scan3A_1143 = %scan3A_18 to %scan3A_20 step %scan3A_21  : i32 {
      %jit3A = arith.constant 7 : i32
      %div3A_1144 = arith.divsi %scan3A_1143, %jit3A : i32
      %sign3A = arith.constant 0 : i32
      %sign3A_1145 = arith.cmpi sgt, %scan3A_1143, %sign3A : i32
      %sign3A_1146 = arith.extui %sign3A_1145 : i1 to i32
      %sign3A_1147 = arith.constant 0 : i32
      %sign3A_1148 = arith.cmpi slt, %scan3A_1143, %sign3A_1147 : i32
      %sign3A_1149 = arith.extui %sign3A_1148 : i1 to i32
      %sign3A_1150 = arith.subi %sign3A_1146, %sign3A_1149 : i32
      %sign3A_1151 = arith.constant 0 : i32
      %sign3A_1152 = arith.cmpi sgt, %jit3A, %sign3A_1151 : i32
      %sign3A_1153 = arith.extui %sign3A_1152 : i1 to i32
      %sign3A_1154 = arith.constant 0 : i32
      %sign3A_1155 = arith.cmpi slt, %jit3A, %sign3A_1154 : i32
      %sign3A_1156 = arith.extui %sign3A_1155 : i1 to i32
      %sign3A_1157 = arith.subi %sign3A_1153, %sign3A_1156 : i32
      %ne3A = arith.cmpi ne, %sign3A_1150, %sign3A_1157 : i32
      %rem3A = arith.remsi %scan3A_1143, %jit3A : i32
      %ne3A_1158 = arith.constant 0 : i32
      %ne3A_1159 = arith.cmpi ne, %rem3A, %ne3A_1158 : i32
      %and3A = arith.andi %ne3A, %ne3A_1159 : i1
      %sub3A = arith.constant 1 : i32
      %sub3A_1160 = arith.subi %div3A_1144, %sub3A : i32
      %select_n3A_1161 = arith.select %and3A, %sub3A_1160, %div3A_1144 : i32
      %mul3A_1162 = arith.constant 448 : i32
      %mul3A_1163 = arith.muli %add3A, %mul3A_1162 : i32
      %jit3A_1164 = arith.constant 7 : i32
      %eq3A = arith.constant 0 : i32
      %eq3A_1165 = arith.cmpi eq, %jit3A_1164, %eq3A : i32
      %jit3A_1166 = arith.constant 1 : i32
      %select_n3A_1167 = arith.select %eq3A_1165, %jit3A_1166, %jit3A_1164 : i32
      %rem3A_1168 = arith.remsi %scan3A_1143, %select_n3A_1167 : i32
      %ne3A_1169 = arith.constant 0 : i32
      %ne3A_1170 = arith.cmpi ne, %rem3A_1168, %ne3A_1169 : i32
      %lt3A = arith.constant 0 : i32
      %lt3A_1171 = arith.cmpi slt, %rem3A_1168, %lt3A : i32
      %lt3A_1172 = arith.constant 0 : i32
      %lt3A_1173 = arith.cmpi slt, %select_n3A_1167, %lt3A_1172 : i32
      %ne3A_1174 = arith.xori %lt3A_1171, %lt3A_1173 : i1
      %and3A_1175 = arith.andi %ne3A_1174, %ne3A_1170 : i1
      %add3A_1176 = arith.addi %rem3A_1168, %select_n3A_1167 : i32
      %select_n3A_1177 = arith.select %and3A_1175, %add3A_1176, %rem3A_1168 : i32
      %mul3A_1178 = arith.constant 64 : i32
      %mul3A_1179 = arith.muli %select_n3A_1177, %mul3A_1178 : i32
      %add3A_1180 = arith.addi %mul3A_1163, %mul3A_1179 : i32
      "tpu.region"() ({
        %run_scoped3A = tpu.sem_alloc : memref<!tpu.dma_semaphore, #tpu.memory_space<semaphore_mem>>
        %dma_start3A_1628 = tpu.memref_slice %arg4[%select_n3A_1161, %add3A_1180] : memref<32x14336xi32, #tpu.memory_space<hbm>> -> memref<1x64xi32, #tpu.memory_space<hbm>>
        %dma_start3A_1629 = tpu.memref_squeeze %dma_start3A_1628 : memref<1x64xi32, #tpu.memory_space<hbm>> -> memref<64xi32, #tpu.memory_space<hbm>>
        %dma_start3A_1630 = tpu.memref_slice %arg4[%select_n3A_1161, %add3A_1180] : memref<32x14336xi32, #tpu.memory_space<hbm>> -> memref<1x64xi32, #tpu.memory_space<hbm>>
        %dma_start3A_1631 = tpu.memref_squeeze %dma_start3A_1630 : memref<1x64xi32, #tpu.memory_space<hbm>> -> memref<64xi32, #tpu.memory_space<hbm>>
        tpu.enqueue_dma source(%dma_start3A_1631 : memref<64xi32, #tpu.memory_space<hbm>>) target(%arg7 : memref<64xi32, #tpu.memory_space<vmem>>) target_semaphore(%run_scoped3A : memref<!tpu.dma_semaphore, #tpu.memory_space<semaphore_mem>>)
        %dma_wait3A_1632 = tpu.memref_slice %arg4[%select_n3A_1161, %add3A_1180] : memref<32x14336xi32, #tpu.memory_space<hbm>> -> memref<1x64xi32, #tpu.memory_space<hbm>>
        %dma_wait3A_1633 = tpu.memref_squeeze %dma_wait3A_1632 : memref<1x64xi32, #tpu.memory_space<hbm>> -> memref<64xi32, #tpu.memory_space<hbm>>
        %dma_wait3A_1634 = tpu.memref_slice %arg4[%select_n3A_1161, %add3A_1180] : memref<32x14336xi32, #tpu.memory_space<hbm>> -> memref<1x64xi32, #tpu.memory_space<hbm>>
        %dma_wait3A_1635 = tpu.memref_squeeze %dma_wait3A_1634 : memref<1x64xi32, #tpu.memory_space<hbm>> -> memref<64xi32, #tpu.memory_space<hbm>>
        tpu.wait_dma2 semaphore(%run_scoped3A : memref<!tpu.dma_semaphore, #tpu.memory_space<semaphore_mem>>) src(%dma_wait3A_1635 : memref<64xi32, #tpu.memory_space<hbm>>) dst(%arg7 : memref<64xi32, #tpu.memory_space<vmem>>)
        tpu.yield
      }) : () -> ()
      "tpu.region"() ({
        %run_scoped3A = tpu.sem_alloc : memref<!tpu.dma_semaphore, #tpu.memory_space<semaphore_mem>>
        %dma_start3A_1628 = tpu.memref_slice %arg5[%select_n3A_1161, %add3A_1180] : memref<32x14336xi32, #tpu.memory_space<hbm>> -> memref<1x64xi32, #tpu.memory_space<hbm>>
        %dma_start3A_1629 = tpu.memref_squeeze %dma_start3A_1628 : memref<1x64xi32, #tpu.memory_space<hbm>> -> memref<64xi32, #tpu.memory_space<hbm>>
        %dma_start3A_1630 = tpu.memref_slice %arg5[%select_n3A_1161, %add3A_1180] : memref<32x14336xi32, #tpu.memory_space<hbm>> -> memref<1x64xi32, #tpu.memory_space<hbm>>
        %dma_start3A_1631 = tpu.memref_squeeze %dma_start3A_1630 : memref<1x64xi32, #tpu.memory_space<hbm>> -> memref<64xi32, #tpu.memory_space<hbm>>
        tpu.enqueue_dma source(%dma_start3A_1631 : memref<64xi32, #tpu.memory_space<hbm>>) target(%arg8 : memref<64xi32, #tpu.memory_space<vmem>>) target_semaphore(%run_scoped3A : memref<!tpu.dma_semaphore, #tpu.memory_space<semaphore_mem>>)
        %dma_wait3A_1632 = tpu.memref_slice %arg5[%select_n3A_1161, %add3A_1180] : memref<32x14336xi32, #tpu.memory_space<hbm>> -> memref<1x64xi32, #tpu.memory_space<hbm>>
        %dma_wait3A_1633 = tpu.memref_squeeze %dma_wait3A_1632 : memref<1x64xi32, #tpu.memory_space<hbm>> -> memref<64xi32, #tpu.memory_space<hbm>>
        %dma_wait3A_1634 = tpu.memref_slice %arg5[%select_n3A_1161, %add3A_1180] : memref<32x14336xi32, #tpu.memory_space<hbm>> -> memref<1x64xi32, #tpu.memory_space<hbm>>
        %dma_wait3A_1635 = tpu.memref_squeeze %dma_wait3A_1634 : memref<1x64xi32, #tpu.memory_space<hbm>> -> memref<64xi32, #tpu.memory_space<hbm>>
        tpu.wait_dma2 semaphore(%run_scoped3A : memref<!tpu.dma_semaphore, #tpu.memory_space<semaphore_mem>>) src(%dma_wait3A_1635 : memref<64xi32, #tpu.memory_space<hbm>>) dst(%arg8 : memref<64xi32, #tpu.memory_space<vmem>>)
        tpu.yield
      }) : () -> ()
      %dma_start3A_1181 = arith.constant 0 : i32
      %dma_start3A_1182 = arith.constant 0 : i32
      %dma_start3A_1183 = tpu.memref_slice %arg2[%dma_start3A_1181, %dma_start3A_1182] : memref<10000x128xf32, #tpu.memory_space<hbm>> -> memref<10000x128xf32, #tpu.memory_space<hbm>>
      tpu.enqueue_indirect_dma source(%dma_start3A_1183 : memref<10000x128xf32, #tpu.memory_space<hbm>>) target(%arg10 : memref<64x128xf32, #tpu.memory_space<vmem>>) offsets(%arg7 : memref<64xi32, #tpu.memory_space<vmem>>) semaphore(%arg16 : memref<!tpu.dma_semaphore, #tpu.memory_space<semaphore_mem>>)
      %get3A_1184 = arith.constant 0 : index
      %get3A_1185 = tpu.vector_load %arg8[%get3A_1184] {strides = array<i32>} : memref<64xi32, #tpu.memory_space<vmem>>, vector<16xi32>,
      %get3A_1186 = arith.constant 0 : index
      %get3A_1187 = tpu.vector_load %arg7[%get3A_1186] {strides = array<i32>} : memref<64xi32, #tpu.memory_space<vmem>>, vector<16xi32>,
      %sub3A_1188 = vector.broadcast %mul3A_2 : i32 to vector<16xi32>
      %sub3A_1189 = arith.subi %get3A_1185, %sub3A_1188 : vector<16xi32>
      %jit3A_1190 = arith.constant 0 : i32
      %jit3A_1191 = arith.constant 320 : i32
      %max3A = vector.broadcast %jit3A_1190 : i32 to vector<16xi32>
      %max3A_1192 = arith.maxsi %max3A, %sub3A_1189 : vector<16xi32>
      %min3A_1193 = vector.broadcast %jit3A_1191 : i32 to vector<16xi32>
      %min3A_1194 = arith.minsi %min3A_1193, %max3A_1192 : vector<16xi32>
      %swap3A_1195 = arith.constant 0 : index
      %swap3A_1196 = tpu.vector_load %arg9[%swap3A_1195] {strides = array<i32>} : memref<64xi32, #tpu.memory_space<vmem>>, vector<16xi32>,
      tpu.vector_store %arg9[%swap3A_1195], %min3A_1194 {strides = array<i32>} : memref<64xi32, #tpu.memory_space<vmem>>, vector<16xi32>,
      %mul3A_1197 = arith.constant 2 : i32
      %mul3A_1198 = vector.broadcast %mul3A_1197 : i32 to vector<16xi32>
      %mul3A_1199 = arith.muli %get3A_1187, %mul3A_1198 : vector<16xi32>
      %gather3A_1200 = tpu.vector_load_idx %arg12[%mul3A_1199] : memref<20480xf32, #tpu.memory_space<vmem>>[vector<16xi32>], vector<16xf32>,
      %jit3A_1201 = arith.constant 0 : i32
      %jit3A_1202 = arith.constant 10239 : i32
      %max3A_1203 = vector.broadcast %jit3A_1201 : i32 to vector<16xi32>
      %max3A_1204 = arith.maxsi %max3A_1203, %get3A_1185 : vector<16xi32>
      %min3A_1205 = vector.broadcast %jit3A_1202 : i32 to vector<16xi32>
      %min3A_1206 = arith.minsi %min3A_1205, %max3A_1204 : vector<16xi32>
      %mul3A_1207 = arith.constant 2 : i32
      %mul3A_1208 = vector.broadcast %mul3A_1207 : i32 to vector<16xi32>
      %mul3A_1209 = arith.muli %min3A_1206, %mul3A_1208 : vector<16xi32>
      %add3A_1210 = arith.constant 1 : i32
      %add3A_1211 = vector.broadcast %add3A_1210 : i32 to vector<16xi32>
      %add3A_1212 = arith.addi %mul3A_1209, %add3A_1211 : vector<16xi32>
      %gather3A_1213 = tpu.vector_load_idx %arg12[%add3A_1212] : memref<20480xf32, #tpu.memory_space<vmem>>[vector<16xi32>], vector<16xf32>,
      %add3A_1214 = arith.addf %gather3A_1200, %gather3A_1213 : vector<16xf32>
      %ge3A_1215 = arith.constant 0.000000e+00 : f32
      %ge3A_1216 = vector.broadcast %ge3A_1215 : f32 to vector<16xf32>
      %ge3A_1217 = arith.cmpf oge, %add3A_1214, %ge3A_1216 : vector<16xf32>
      %mul3A_1218 = arith.constant 2.000000e-01 : f32
      %mul3A_1219 = vector.broadcast %mul3A_1218 : f32 to vector<16xf32>
      %mul3A_1220 = arith.mulf %add3A_1214, %mul3A_1219 : vector<16xf32>
      %select_n3A_1221 = arith.select %ge3A_1217, %add3A_1214, %mul3A_1220 : vector<16xi1>, vector<16xf32>
      %exp3A_1222 = math.exp %select_n3A_1221 : vector<16xf32>
      %swap3A_1223 = arith.constant 0 : index
      %swap3A_1224 = tpu.vector_load %arg11[%swap3A_1223] {strides = array<i32>} : memref<64xf32, #tpu.memory_space<vmem>>, vector<16xf32>,
      tpu.vector_store %arg11[%swap3A_1223], %exp3A_1222 {strides = array<i32>} : memref<64xf32, #tpu.memory_space<vmem>>, vector<16xf32>,
      %masked_sort3A = arith.constant dense<true> : vector<16xi1>
      %masked_sort3A_1225 = arith.constant -2147483648 : i32
      %masked_sort3A_1226 = vector.broadcast %masked_sort3A_1225 : i32 to vector<16xi32>
      %masked_sort3A_1227 = arith.xori %min3A_1194, %masked_sort3A_1226 : vector<16xi32>
      %masked_sort3A_1228, %masked_sort3A_1229, %masked_sort3A_1230 = tpu.sort %masked_sort3A_1227, %iota3A masked %masked_sort3A : (vector<16xi32>, vector<16xi32>, vector<16xi1>) -> (vector<16xi1>, vector<16xi32>, vector<16xi32>)
      %masked_sort3A_1231 = arith.xori %masked_sort3A_1229, %masked_sort3A_1226 : vector<16xi32>
      %broadcast_in_dim3A_1232 = vector.shape_cast %masked_sort3A_1230 : vector<16xi32> to vector<16x1xi32>
      %gather3A_1233 = vector.shape_cast %broadcast_in_dim3A_1232 : vector<16x1xi32> to vector<16xi32>
      %gather3A_1234 = tpu.dynamic_gather %exp3A_1222[%gather3A_1233] in [0] : vector<16xf32>, vector<16xi32> -> vector<16xf32>
      %broadcast_in_dim3A_1235 = arith.constant true
      %broadcast_in_dim3A_1236 = vector.broadcast %broadcast_in_dim3A_1235 : i1 to vector<16xi1>
      %masked_cumsum3A = tpu.scan <sum>, %gather3A_1234 masked %broadcast_in_dim3A_1236 : vector<16xf32>, vector<16xi1> -> vector<16xf32>
      %sub3A_1237 = arith.constant 1 : i32
      %sub3A_1238 = vector.broadcast %sub3A_1237 : i32 to vector<16xi32>
      %sub3A_1239 = arith.subi %iota3A, %sub3A_1238 : vector<16xi32>
      %max3A_1240 = arith.constant 0 : i32
      %max3A_1241 = vector.broadcast %max3A_1240 : i32 to vector<16xi32>
      %max3A_1242 = arith.maxsi %sub3A_1239, %max3A_1241 : vector<16xi32>
      %broadcast_in_dim3A_1243 = vector.shape_cast %max3A_1242 : vector<16xi32> to vector<16x1xi32>
      %gather3A_1244 = vector.shape_cast %broadcast_in_dim3A_1243 : vector<16x1xi32> to vector<16xi32>
      %gather3A_1245 = tpu.dynamic_gather %masked_sort3A_1231[%gather3A_1244] in [0] : vector<16xi32>, vector<16xi32> -> vector<16xi32>
      %eq3A_1246 = arith.constant 0 : i32
      %eq3A_1247 = vector.broadcast %eq3A_1246 : i32 to vector<16xi32>
      %eq3A_1248 = arith.cmpi eq, %iota3A, %eq3A_1247 : vector<16xi32>
      %ne3A_1249 = arith.cmpi ne, %masked_sort3A_1231, %gather3A_1245 : vector<16xi32>
      %or3A = arith.ori %eq3A_1248, %ne3A_1249 : vector<16xi1>
      %jit3A_1250 = arith.constant 0 : i32
      %broadcast_in_dim3A_1251 = vector.broadcast %jit3A_1250 : i32 to vector<16xi32>
      %select_n3A_1252 = arith.select %or3A, %iota3A, %broadcast_in_dim3A_1251 : vector<16xi1>, vector<16xi32>
      %broadcast_in_dim3A_1253 = arith.constant true
      %broadcast_in_dim3A_1254 = vector.broadcast %broadcast_in_dim3A_1253 : i1 to vector<16xi1>
      %masked_cummax3A = arith.constant -2147483648 : i32
      %masked_cummax3A_1255 = vector.broadcast %masked_cummax3A : i32 to vector<16xi32>
      %masked_cummax3A_1256 = arith.xori %select_n3A_1252, %masked_cummax3A_1255 : vector<16xi32>
      %masked_cummax3A_1257 = tpu.scan <max>, %masked_cummax3A_1256 masked %broadcast_in_dim3A_1254 : vector<16xi32>, vector<16xi1> -> vector<16xi32>
      %masked_cummax3A_1258 = arith.xori %masked_cummax3A_1257, %masked_cummax3A_1255 : vector<16xi32>
      %add3A_1259 = arith.constant 1 : i32
      %add3A_1260 = vector.broadcast %add3A_1259 : i32 to vector<16xi32>
      %add3A_1261 = arith.addi %iota3A, %add3A_1260 : vector<16xi32>
      %min3A_1262 = arith.constant 15 : i32
      %min3A_1263 = vector.broadcast %min3A_1262 : i32 to vector<16xi32>
      %min3A_1264 = arith.minsi %add3A_1261, %min3A_1263 : vector<16xi32>
      %broadcast_in_dim3A_1265 = vector.shape_cast %min3A_1264 : vector<16xi32> to vector<16x1xi32>
      %gather3A_1266 = vector.shape_cast %broadcast_in_dim3A_1265 : vector<16x1xi32> to vector<16xi32>
      %gather3A_1267 = tpu.dynamic_gather %masked_sort3A_1231[%gather3A_1266] in [0] : vector<16xi32>, vector<16xi32> -> vector<16xi32>
      %eq3A_1268 = arith.constant 15 : i32
      %eq3A_1269 = vector.broadcast %eq3A_1268 : i32 to vector<16xi32>
      %eq3A_1270 = arith.cmpi eq, %iota3A, %eq3A_1269 : vector<16xi32>
      %ne3A_1271 = arith.cmpi ne, %masked_sort3A_1231, %gather3A_1267 : vector<16xi32>
      %or3A_1272 = arith.ori %eq3A_1270, %ne3A_1271 : vector<16xi1>
      %sub3A_1273 = arith.constant 1 : i32
      %sub3A_1274 = vector.broadcast %sub3A_1273 : i32 to vector<16xi32>
      %sub3A_1275 = arith.subi %masked_cummax3A_1258, %sub3A_1274 : vector<16xi32>
      %max3A_1276 = arith.constant 0 : i32
      %max3A_1277 = vector.broadcast %max3A_1276 : i32 to vector<16xi32>
      %max3A_1278 = arith.maxsi %sub3A_1275, %max3A_1277 : vector<16xi32>
      %broadcast_in_dim3A_1279 = vector.shape_cast %max3A_1278 : vector<16xi32> to vector<16x1xi32>
      %gather3A_1280 = vector.shape_cast %broadcast_in_dim3A_1279 : vector<16x1xi32> to vector<16xi32>
      %gather3A_1281 = tpu.dynamic_gather %masked_cumsum3A[%gather3A_1280] in [0] : vector<16xf32>, vector<16xi32> -> vector<16xf32>
      %eq3A_1282 = arith.constant 0 : i32
      %eq3A_1283 = vector.broadcast %eq3A_1282 : i32 to vector<16xi32>
      %eq3A_1284 = arith.cmpi eq, %masked_cummax3A_1258, %eq3A_1283 : vector<16xi32>
      %jit3A_1285 = arith.constant 0.000000e+00 : f32
      %broadcast_in_dim3A_1286 = vector.broadcast %jit3A_1285 : f32 to vector<16xf32>
      %select_n3A_1287 = arith.select %eq3A_1284, %broadcast_in_dim3A_1286, %gather3A_1281 : vector<16xi1>, vector<16xf32>
      %sub3A_1288 = arith.subf %masked_cumsum3A, %select_n3A_1287 : vector<16xf32>
      tpu.vector_store_idx %arg13[%masked_sort3A_1231], %sub3A_1288 masked %or3A_1272 {add = true} : memref<336xf32, #tpu.memory_space<vmem>>[vector<16xi32>], vector<16xf32>, vector<16xi1>
      %get3A_1289 = arith.constant 16 : index
      %get3A_1290 = tpu.vector_load %arg8[%get3A_1289] {strides = array<i32>} : memref<64xi32, #tpu.memory_space<vmem>>, vector<16xi32>,
      %get3A_1291 = arith.constant 16 : index
      %get3A_1292 = tpu.vector_load %arg7[%get3A_1291] {strides = array<i32>} : memref<64xi32, #tpu.memory_space<vmem>>, vector<16xi32>,
      %sub3A_1293 = vector.broadcast %mul3A_2 : i32 to vector<16xi32>
      %sub3A_1294 = arith.subi %get3A_1290, %sub3A_1293 : vector<16xi32>
      %jit3A_1295 = arith.constant 0 : i32
      %jit3A_1296 = arith.constant 320 : i32
      %max3A_1297 = vector.broadcast %jit3A_1295 : i32 to vector<16xi32>
      %max3A_1298 = arith.maxsi %max3A_1297, %sub3A_1294 : vector<16xi32>
      %min3A_1299 = vector.broadcast %jit3A_1296 : i32 to vector<16xi32>
      %min3A_1300 = arith.minsi %min3A_1299, %max3A_1298 : vector<16xi32>
      %swap3A_1301 = arith.constant 16 : index
      %swap3A_1302 = tpu.vector_load %arg9[%swap3A_1301] {strides = array<i32>} : memref<64xi32, #tpu.memory_space<vmem>>, vector<16xi32>,
      tpu.vector_store %arg9[%swap3A_1301], %min3A_1300 {strides = array<i32>} : memref<64xi32, #tpu.memory_space<vmem>>, vector<16xi32>,
      %mul3A_1303 = arith.constant 2 : i32
      %mul3A_1304 = vector.broadcast %mul3A_1303 : i32 to vector<16xi32>
      %mul3A_1305 = arith.muli %get3A_1292, %mul3A_1304 : vector<16xi32>
      %gather3A_1306 = tpu.vector_load_idx %arg12[%mul3A_1305] : memref<20480xf32, #tpu.memory_space<vmem>>[vector<16xi32>], vector<16xf32>,
      %jit3A_1307 = arith.constant 0 : i32
      %jit3A_1308 = arith.constant 10239 : i32
      %max3A_1309 = vector.broadcast %jit3A_1307 : i32 to vector<16xi32>
      %max3A_1310 = arith.maxsi %max3A_1309, %get3A_1290 : vector<16xi32>
      %min3A_1311 = vector.broadcast %jit3A_1308 : i32 to vector<16xi32>
      %min3A_1312 = arith.minsi %min3A_1311, %max3A_1310 : vector<16xi32>
      %mul3A_1313 = arith.constant 2 : i32
      %mul3A_1314 = vector.broadcast %mul3A_1313 : i32 to vector<16xi32>
      %mul3A_1315 = arith.muli %min3A_1312, %mul3A_1314 : vector<16xi32>
      %add3A_1316 = arith.constant 1 : i32
      %add3A_1317 = vector.broadcast %add3A_1316 : i32 to vector<16xi32>
      %add3A_1318 = arith.addi %mul3A_1315, %add3A_1317 : vector<16xi32>
      %gather3A_1319 = tpu.vector_load_idx %arg12[%add3A_1318] : memref<20480xf32, #tpu.memory_space<vmem>>[vector<16xi32>], vector<16xf32>,
      %add3A_1320 = arith.addf %gather3A_1306, %gather3A_1319 : vector<16xf32>
      %ge3A_1321 = arith.constant 0.000000e+00 : f32
      %ge3A_1322 = vector.broadcast %ge3A_1321 : f32 to vector<16xf32>
      %ge3A_1323 = arith.cmpf oge, %add3A_1320, %ge3A_1322 : vector<16xf32>
      %mul3A_1324 = arith.constant 2.000000e-01 : f32
      %mul3A_1325 = vector.broadcast %mul3A_1324 : f32 to vector<16xf32>
      %mul3A_1326 = arith.mulf %add3A_1320, %mul3A_1325 : vector<16xf32>
      %select_n3A_1327 = arith.select %ge3A_1323, %add3A_1320, %mul3A_1326 : vector<16xi1>, vector<16xf32>
      %exp3A_1328 = math.exp %select_n3A_1327 : vector<16xf32>
      %swap3A_1329 = arith.constant 16 : index
      %swap3A_1330 = tpu.vector_load %arg11[%swap3A_1329] {strides = array<i32>} : memref<64xf32, #tpu.memory_space<vmem>>, vector<16xf32>,
      tpu.vector_store %arg11[%swap3A_1329], %exp3A_1328 {strides = array<i32>} : memref<64xf32, #tpu.memory_space<vmem>>, vector<16xf32>,
      %masked_sort3A_1331 = arith.constant dense<true> : vector<16xi1>
      %masked_sort3A_1332 = arith.constant -2147483648 : i32
      %masked_sort3A_1333 = vector.broadcast %masked_sort3A_1332 : i32 to vector<16xi32>
      %masked_sort3A_1334 = arith.xori %min3A_1300, %masked_sort3A_1333 : vector<16xi32>
      %masked_sort3A_1335, %masked_sort3A_1336, %masked_sort3A_1337 = tpu.sort %masked_sort3A_1334, %iota3A masked %masked_sort3A_1331 : (vector<16xi32>, vector<16xi32>, vector<16xi1>) -> (vector<16xi1>, vector<16xi32>, vector<16xi32>)
      %masked_sort3A_1338 = arith.xori %masked_sort3A_1336, %masked_sort3A_1333 : vector<16xi32>
      %broadcast_in_dim3A_1339 = vector.shape_cast %masked_sort3A_1337 : vector<16xi32> to vector<16x1xi32>
      %gather3A_1340 = vector.shape_cast %broadcast_in_dim3A_1339 : vector<16x1xi32> to vector<16xi32>
      %gather3A_1341 = tpu.dynamic_gather %exp3A_1328[%gather3A_1340] in [0] : vector<16xf32>, vector<16xi32> -> vector<16xf32>
      %broadcast_in_dim3A_1342 = arith.constant true
      %broadcast_in_dim3A_1343 = vector.broadcast %broadcast_in_dim3A_1342 : i1 to vector<16xi1>
      %masked_cumsum3A_1344 = tpu.scan <sum>, %gather3A_1341 masked %broadcast_in_dim3A_1343 : vector<16xf32>, vector<16xi1> -> vector<16xf32>
      %sub3A_1345 = arith.constant 1 : i32
      %sub3A_1346 = vector.broadcast %sub3A_1345 : i32 to vector<16xi32>
      %sub3A_1347 = arith.subi %iota3A, %sub3A_1346 : vector<16xi32>
      %max3A_1348 = arith.constant 0 : i32
      %max3A_1349 = vector.broadcast %max3A_1348 : i32 to vector<16xi32>
      %max3A_1350 = arith.maxsi %sub3A_1347, %max3A_1349 : vector<16xi32>
      %broadcast_in_dim3A_1351 = vector.shape_cast %max3A_1350 : vector<16xi32> to vector<16x1xi32>
      %gather3A_1352 = vector.shape_cast %broadcast_in_dim3A_1351 : vector<16x1xi32> to vector<16xi32>
      %gather3A_1353 = tpu.dynamic_gather %masked_sort3A_1338[%gather3A_1352] in [0] : vector<16xi32>, vector<16xi32> -> vector<16xi32>
      %eq3A_1354 = arith.constant 0 : i32
      %eq3A_1355 = vector.broadcast %eq3A_1354 : i32 to vector<16xi32>
      %eq3A_1356 = arith.cmpi eq, %iota3A, %eq3A_1355 : vector<16xi32>
      %ne3A_1357 = arith.cmpi ne, %masked_sort3A_1338, %gather3A_1353 : vector<16xi32>
      %or3A_1358 = arith.ori %eq3A_1356, %ne3A_1357 : vector<16xi1>
      %jit3A_1359 = arith.constant 0 : i32
      %broadcast_in_dim3A_1360 = vector.broadcast %jit3A_1359 : i32 to vector<16xi32>
      %select_n3A_1361 = arith.select %or3A_1358, %iota3A, %broadcast_in_dim3A_1360 : vector<16xi1>, vector<16xi32>
      %broadcast_in_dim3A_1362 = arith.constant true
      %broadcast_in_dim3A_1363 = vector.broadcast %broadcast_in_dim3A_1362 : i1 to vector<16xi1>
      %masked_cummax3A_1364 = arith.constant -2147483648 : i32
      %masked_cummax3A_1365 = vector.broadcast %masked_cummax3A_1364 : i32 to vector<16xi32>
      %masked_cummax3A_1366 = arith.xori %select_n3A_1361, %masked_cummax3A_1365 : vector<16xi32>
      %masked_cummax3A_1367 = tpu.scan <max>, %masked_cummax3A_1366 masked %broadcast_in_dim3A_1363 : vector<16xi32>, vector<16xi1> -> vector<16xi32>
      %masked_cummax3A_1368 = arith.xori %masked_cummax3A_1367, %masked_cummax3A_1365 : vector<16xi32>
      %add3A_1369 = arith.constant 1 : i32
      %add3A_1370 = vector.broadcast %add3A_1369 : i32 to vector<16xi32>
      %add3A_1371 = arith.addi %iota3A, %add3A_1370 : vector<16xi32>
      %min3A_1372 = arith.constant 15 : i32
      %min3A_1373 = vector.broadcast %min3A_1372 : i32 to vector<16xi32>
      %min3A_1374 = arith.minsi %add3A_1371, %min3A_1373 : vector<16xi32>
      %broadcast_in_dim3A_1375 = vector.shape_cast %min3A_1374 : vector<16xi32> to vector<16x1xi32>
      %gather3A_1376 = vector.shape_cast %broadcast_in_dim3A_1375 : vector<16x1xi32> to vector<16xi32>
      %gather3A_1377 = tpu.dynamic_gather %masked_sort3A_1338[%gather3A_1376] in [0] : vector<16xi32>, vector<16xi32> -> vector<16xi32>
      %eq3A_1378 = arith.constant 15 : i32
      %eq3A_1379 = vector.broadcast %eq3A_1378 : i32 to vector<16xi32>
      %eq3A_1380 = arith.cmpi eq, %iota3A, %eq3A_1379 : vector<16xi32>
      %ne3A_1381 = arith.cmpi ne, %masked_sort3A_1338, %gather3A_1377 : vector<16xi32>
      %or3A_1382 = arith.ori %eq3A_1380, %ne3A_1381 : vector<16xi1>
      %sub3A_1383 = arith.constant 1 : i32
      %sub3A_1384 = vector.broadcast %sub3A_1383 : i32 to vector<16xi32>
      %sub3A_1385 = arith.subi %masked_cummax3A_1368, %sub3A_1384 : vector<16xi32>
      %max3A_1386 = arith.constant 0 : i32
      %max3A_1387 = vector.broadcast %max3A_1386 : i32 to vector<16xi32>
      %max3A_1388 = arith.maxsi %sub3A_1385, %max3A_1387 : vector<16xi32>
      %broadcast_in_dim3A_1389 = vector.shape_cast %max3A_1388 : vector<16xi32> to vector<16x1xi32>
      %gather3A_1390 = vector.shape_cast %broadcast_in_dim3A_1389 : vector<16x1xi32> to vector<16xi32>
      %gather3A_1391 = tpu.dynamic_gather %masked_cumsum3A_1344[%gather3A_1390] in [0] : vector<16xf32>, vector<16xi32> -> vector<16xf32>
      %eq3A_1392 = arith.constant 0 : i32
      %eq3A_1393 = vector.broadcast %eq3A_1392 : i32 to vector<16xi32>
      %eq3A_1394 = arith.cmpi eq, %masked_cummax3A_1368, %eq3A_1393 : vector<16xi32>
      %jit3A_1395 = arith.constant 0.000000e+00 : f32
      %broadcast_in_dim3A_1396 = vector.broadcast %jit3A_1395 : f32 to vector<16xf32>
      %select_n3A_1397 = arith.select %eq3A_1394, %broadcast_in_dim3A_1396, %gather3A_1391 : vector<16xi1>, vector<16xf32>
      %sub3A_1398 = arith.subf %masked_cumsum3A_1344, %select_n3A_1397 : vector<16xf32>
      tpu.vector_store_idx %arg13[%masked_sort3A_1338], %sub3A_1398 masked %or3A_1382 {add = true} : memref<336xf32, #tpu.memory_space<vmem>>[vector<16xi32>], vector<16xf32>, vector<16xi1>
      %get3A_1399 = arith.constant 32 : index
      %get3A_1400 = tpu.vector_load %arg8[%get3A_1399] {strides = array<i32>} : memref<64xi32, #tpu.memory_space<vmem>>, vector<16xi32>,
      %get3A_1401 = arith.constant 32 : index
      %get3A_1402 = tpu.vector_load %arg7[%get3A_1401] {strides = array<i32>} : memref<64xi32, #tpu.memory_space<vmem>>, vector<16xi32>,
      %sub3A_1403 = vector.broadcast %mul3A_2 : i32 to vector<16xi32>
      %sub3A_1404 = arith.subi %get3A_1400, %sub3A_1403 : vector<16xi32>
      %jit3A_1405 = arith.constant 0 : i32
      %jit3A_1406 = arith.constant 320 : i32
      %max3A_1407 = vector.broadcast %jit3A_1405 : i32 to vector<16xi32>
      %max3A_1408 = arith.maxsi %max3A_1407, %sub3A_1404 : vector<16xi32>
      %min3A_1409 = vector.broadcast %jit3A_1406 : i32 to vector<16xi32>
      %min3A_1410 = arith.minsi %min3A_1409, %max3A_1408 : vector<16xi32>
      %swap3A_1411 = arith.constant 32 : index
      %swap3A_1412 = tpu.vector_load %arg9[%swap3A_1411] {strides = array<i32>} : memref<64xi32, #tpu.memory_space<vmem>>, vector<16xi32>,
      tpu.vector_store %arg9[%swap3A_1411], %min3A_1410 {strides = array<i32>} : memref<64xi32, #tpu.memory_space<vmem>>, vector<16xi32>,
      %mul3A_1413 = arith.constant 2 : i32
      %mul3A_1414 = vector.broadcast %mul3A_1413 : i32 to vector<16xi32>
      %mul3A_1415 = arith.muli %get3A_1402, %mul3A_1414 : vector<16xi32>
      %gather3A_1416 = tpu.vector_load_idx %arg12[%mul3A_1415] : memref<20480xf32, #tpu.memory_space<vmem>>[vector<16xi32>], vector<16xf32>,
      %jit3A_1417 = arith.constant 0 : i32
      %jit3A_1418 = arith.constant 10239 : i32
      %max3A_1419 = vector.broadcast %jit3A_1417 : i32 to vector<16xi32>
      %max3A_1420 = arith.maxsi %max3A_1419, %get3A_1400 : vector<16xi32>
      %min3A_1421 = vector.broadcast %jit3A_1418 : i32 to vector<16xi32>
      %min3A_1422 = arith.minsi %min3A_1421, %max3A_1420 : vector<16xi32>
      %mul3A_1423 = arith.constant 2 : i32
      %mul3A_1424 = vector.broadcast %mul3A_1423 : i32 to vector<16xi32>
      %mul3A_1425 = arith.muli %min3A_1422, %mul3A_1424 : vector<16xi32>
      %add3A_1426 = arith.constant 1 : i32
      %add3A_1427 = vector.broadcast %add3A_1426 : i32 to vector<16xi32>
      %add3A_1428 = arith.addi %mul3A_1425, %add3A_1427 : vector<16xi32>
      %gather3A_1429 = tpu.vector_load_idx %arg12[%add3A_1428] : memref<20480xf32, #tpu.memory_space<vmem>>[vector<16xi32>], vector<16xf32>,
      %add3A_1430 = arith.addf %gather3A_1416, %gather3A_1429 : vector<16xf32>
      %ge3A_1431 = arith.constant 0.000000e+00 : f32
      %ge3A_1432 = vector.broadcast %ge3A_1431 : f32 to vector<16xf32>
      %ge3A_1433 = arith.cmpf oge, %add3A_1430, %ge3A_1432 : vector<16xf32>
      %mul3A_1434 = arith.constant 2.000000e-01 : f32
      %mul3A_1435 = vector.broadcast %mul3A_1434 : f32 to vector<16xf32>
      %mul3A_1436 = arith.mulf %add3A_1430, %mul3A_1435 : vector<16xf32>
      %select_n3A_1437 = arith.select %ge3A_1433, %add3A_1430, %mul3A_1436 : vector<16xi1>, vector<16xf32>
      %exp3A_1438 = math.exp %select_n3A_1437 : vector<16xf32>
      %swap3A_1439 = arith.constant 32 : index
      %swap3A_1440 = tpu.vector_load %arg11[%swap3A_1439] {strides = array<i32>} : memref<64xf32, #tpu.memory_space<vmem>>, vector<16xf32>,
      tpu.vector_store %arg11[%swap3A_1439], %exp3A_1438 {strides = array<i32>} : memref<64xf32, #tpu.memory_space<vmem>>, vector<16xf32>,
      %masked_sort3A_1441 = arith.constant dense<true> : vector<16xi1>
      %masked_sort3A_1442 = arith.constant -2147483648 : i32
      %masked_sort3A_1443 = vector.broadcast %masked_sort3A_1442 : i32 to vector<16xi32>
      %masked_sort3A_1444 = arith.xori %min3A_1410, %masked_sort3A_1443 : vector<16xi32>
      %masked_sort3A_1445, %masked_sort3A_1446, %masked_sort3A_1447 = tpu.sort %masked_sort3A_1444, %iota3A masked %masked_sort3A_1441 : (vector<16xi32>, vector<16xi32>, vector<16xi1>) -> (vector<16xi1>, vector<16xi32>, vector<16xi32>)
      %masked_sort3A_1448 = arith.xori %masked_sort3A_1446, %masked_sort3A_1443 : vector<16xi32>
      %broadcast_in_dim3A_1449 = vector.shape_cast %masked_sort3A_1447 : vector<16xi32> to vector<16x1xi32>
      %gather3A_1450 = vector.shape_cast %broadcast_in_dim3A_1449 : vector<16x1xi32> to vector<16xi32>
      %gather3A_1451 = tpu.dynamic_gather %exp3A_1438[%gather3A_1450] in [0] : vector<16xf32>, vector<16xi32> -> vector<16xf32>
      %broadcast_in_dim3A_1452 = arith.constant true
      %broadcast_in_dim3A_1453 = vector.broadcast %broadcast_in_dim3A_1452 : i1 to vector<16xi1>
      %masked_cumsum3A_1454 = tpu.scan <sum>, %gather3A_1451 masked %broadcast_in_dim3A_1453 : vector<16xf32>, vector<16xi1> -> vector<16xf32>
      %sub3A_1455 = arith.constant 1 : i32
      %sub3A_1456 = vector.broadcast %sub3A_1455 : i32 to vector<16xi32>
      %sub3A_1457 = arith.subi %iota3A, %sub3A_1456 : vector<16xi32>
      %max3A_1458 = arith.constant 0 : i32
      %max3A_1459 = vector.broadcast %max3A_1458 : i32 to vector<16xi32>
      %max3A_1460 = arith.maxsi %sub3A_1457, %max3A_1459 : vector<16xi32>
      %broadcast_in_dim3A_1461 = vector.shape_cast %max3A_1460 : vector<16xi32> to vector<16x1xi32>
      %gather3A_1462 = vector.shape_cast %broadcast_in_dim3A_1461 : vector<16x1xi32> to vector<16xi32>
      %gather3A_1463 = tpu.dynamic_gather %masked_sort3A_1448[%gather3A_1462] in [0] : vector<16xi32>, vector<16xi32> -> vector<16xi32>
      %eq3A_1464 = arith.constant 0 : i32
      %eq3A_1465 = vector.broadcast %eq3A_1464 : i32 to vector<16xi32>
      %eq3A_1466 = arith.cmpi eq, %iota3A, %eq3A_1465 : vector<16xi32>
      %ne3A_1467 = arith.cmpi ne, %masked_sort3A_1448, %gather3A_1463 : vector<16xi32>
      %or3A_1468 = arith.ori %eq3A_1466, %ne3A_1467 : vector<16xi1>
      %jit3A_1469 = arith.constant 0 : i32
      %broadcast_in_dim3A_1470 = vector.broadcast %jit3A_1469 : i32 to vector<16xi32>
      %select_n3A_1471 = arith.select %or3A_1468, %iota3A, %broadcast_in_dim3A_1470 : vector<16xi1>, vector<16xi32>
      %broadcast_in_dim3A_1472 = arith.constant true
      %broadcast_in_dim3A_1473 = vector.broadcast %broadcast_in_dim3A_1472 : i1 to vector<16xi1>
      %masked_cummax3A_1474 = arith.constant -2147483648 : i32
      %masked_cummax3A_1475 = vector.broadcast %masked_cummax3A_1474 : i32 to vector<16xi32>
      %masked_cummax3A_1476 = arith.xori %select_n3A_1471, %masked_cummax3A_1475 : vector<16xi32>
      %masked_cummax3A_1477 = tpu.scan <max>, %masked_cummax3A_1476 masked %broadcast_in_dim3A_1473 : vector<16xi32>, vector<16xi1> -> vector<16xi32>
      %masked_cummax3A_1478 = arith.xori %masked_cummax3A_1477, %masked_cummax3A_1475 : vector<16xi32>
      %add3A_1479 = arith.constant 1 : i32
      %add3A_1480 = vector.broadcast %add3A_1479 : i32 to vector<16xi32>
      %add3A_1481 = arith.addi %iota3A, %add3A_1480 : vector<16xi32>
      %min3A_1482 = arith.constant 15 : i32
      %min3A_1483 = vector.broadcast %min3A_1482 : i32 to vector<16xi32>
      %min3A_1484 = arith.minsi %add3A_1481, %min3A_1483 : vector<16xi32>
      %broadcast_in_dim3A_1485 = vector.shape_cast %min3A_1484 : vector<16xi32> to vector<16x1xi32>
      %gather3A_1486 = vector.shape_cast %broadcast_in_dim3A_1485 : vector<16x1xi32> to vector<16xi32>
      %gather3A_1487 = tpu.dynamic_gather %masked_sort3A_1448[%gather3A_1486] in [0] : vector<16xi32>, vector<16xi32> -> vector<16xi32>
      %eq3A_1488 = arith.constant 15 : i32
      %eq3A_1489 = vector.broadcast %eq3A_1488 : i32 to vector<16xi32>
      %eq3A_1490 = arith.cmpi eq, %iota3A, %eq3A_1489 : vector<16xi32>
      %ne3A_1491 = arith.cmpi ne, %masked_sort3A_1448, %gather3A_1487 : vector<16xi32>
      %or3A_1492 = arith.ori %eq3A_1490, %ne3A_1491 : vector<16xi1>
      %sub3A_1493 = arith.constant 1 : i32
      %sub3A_1494 = vector.broadcast %sub3A_1493 : i32 to vector<16xi32>
      %sub3A_1495 = arith.subi %masked_cummax3A_1478, %sub3A_1494 : vector<16xi32>
      %max3A_1496 = arith.constant 0 : i32
      %max3A_1497 = vector.broadcast %max3A_1496 : i32 to vector<16xi32>
      %max3A_1498 = arith.maxsi %sub3A_1495, %max3A_1497 : vector<16xi32>
      %broadcast_in_dim3A_1499 = vector.shape_cast %max3A_1498 : vector<16xi32> to vector<16x1xi32>
      %gather3A_1500 = vector.shape_cast %broadcast_in_dim3A_1499 : vector<16x1xi32> to vector<16xi32>
      %gather3A_1501 = tpu.dynamic_gather %masked_cumsum3A_1454[%gather3A_1500] in [0] : vector<16xf32>, vector<16xi32> -> vector<16xf32>
      %eq3A_1502 = arith.constant 0 : i32
      %eq3A_1503 = vector.broadcast %eq3A_1502 : i32 to vector<16xi32>
      %eq3A_1504 = arith.cmpi eq, %masked_cummax3A_1478, %eq3A_1503 : vector<16xi32>
      %jit3A_1505 = arith.constant 0.000000e+00 : f32
      %broadcast_in_dim3A_1506 = vector.broadcast %jit3A_1505 : f32 to vector<16xf32>
      %select_n3A_1507 = arith.select %eq3A_1504, %broadcast_in_dim3A_1506, %gather3A_1501 : vector<16xi1>, vector<16xf32>
      %sub3A_1508 = arith.subf %masked_cumsum3A_1454, %select_n3A_1507 : vector<16xf32>
      tpu.vector_store_idx %arg13[%masked_sort3A_1448], %sub3A_1508 masked %or3A_1492 {add = true} : memref<336xf32, #tpu.memory_space<vmem>>[vector<16xi32>], vector<16xf32>, vector<16xi1>
      %get3A_1509 = arith.constant 48 : index
      %get3A_1510 = tpu.vector_load %arg8[%get3A_1509] {strides = array<i32>} : memref<64xi32, #tpu.memory_space<vmem>>, vector<16xi32>,
      %get3A_1511 = arith.constant 48 : index
      %get3A_1512 = tpu.vector_load %arg7[%get3A_1511] {strides = array<i32>} : memref<64xi32, #tpu.memory_space<vmem>>, vector<16xi32>,
      %sub3A_1513 = vector.broadcast %mul3A_2 : i32 to vector<16xi32>
      %sub3A_1514 = arith.subi %get3A_1510, %sub3A_1513 : vector<16xi32>
      %jit3A_1515 = arith.constant 0 : i32
      %jit3A_1516 = arith.constant 320 : i32
      %max3A_1517 = vector.broadcast %jit3A_1515 : i32 to vector<16xi32>
      %max3A_1518 = arith.maxsi %max3A_1517, %sub3A_1514 : vector<16xi32>
      %min3A_1519 = vector.broadcast %jit3A_1516 : i32 to vector<16xi32>
      %min3A_1520 = arith.minsi %min3A_1519, %max3A_1518 : vector<16xi32>
      %swap3A_1521 = arith.constant 48 : index
      %swap3A_1522 = tpu.vector_load %arg9[%swap3A_1521] {strides = array<i32>} : memref<64xi32, #tpu.memory_space<vmem>>, vector<16xi32>,
      tpu.vector_store %arg9[%swap3A_1521], %min3A_1520 {strides = array<i32>} : memref<64xi32, #tpu.memory_space<vmem>>, vector<16xi32>,
      %mul3A_1523 = arith.constant 2 : i32
      %mul3A_1524 = vector.broadcast %mul3A_1523 : i32 to vector<16xi32>
      %mul3A_1525 = arith.muli %get3A_1512, %mul3A_1524 : vector<16xi32>
      %gather3A_1526 = tpu.vector_load_idx %arg12[%mul3A_1525] : memref<20480xf32, #tpu.memory_space<vmem>>[vector<16xi32>], vector<16xf32>,
      %jit3A_1527 = arith.constant 0 : i32
      %jit3A_1528 = arith.constant 10239 : i32
      %max3A_1529 = vector.broadcast %jit3A_1527 : i32 to vector<16xi32>
      %max3A_1530 = arith.maxsi %max3A_1529, %get3A_1510 : vector<16xi32>
      %min3A_1531 = vector.broadcast %jit3A_1528 : i32 to vector<16xi32>
      %min3A_1532 = arith.minsi %min3A_1531, %max3A_1530 : vector<16xi32>
      %mul3A_1533 = arith.constant 2 : i32
      %mul3A_1534 = vector.broadcast %mul3A_1533 : i32 to vector<16xi32>
      %mul3A_1535 = arith.muli %min3A_1532, %mul3A_1534 : vector<16xi32>
      %add3A_1536 = arith.constant 1 : i32
      %add3A_1537 = vector.broadcast %add3A_1536 : i32 to vector<16xi32>
      %add3A_1538 = arith.addi %mul3A_1535, %add3A_1537 : vector<16xi32>
      %gather3A_1539 = tpu.vector_load_idx %arg12[%add3A_1538] : memref<20480xf32, #tpu.memory_space<vmem>>[vector<16xi32>], vector<16xf32>,
      %add3A_1540 = arith.addf %gather3A_1526, %gather3A_1539 : vector<16xf32>
      %ge3A_1541 = arith.constant 0.000000e+00 : f32
      %ge3A_1542 = vector.broadcast %ge3A_1541 : f32 to vector<16xf32>
      %ge3A_1543 = arith.cmpf oge, %add3A_1540, %ge3A_1542 : vector<16xf32>
      %mul3A_1544 = arith.constant 2.000000e-01 : f32
      %mul3A_1545 = vector.broadcast %mul3A_1544 : f32 to vector<16xf32>
      %mul3A_1546 = arith.mulf %add3A_1540, %mul3A_1545 : vector<16xf32>
      %select_n3A_1547 = arith.select %ge3A_1543, %add3A_1540, %mul3A_1546 : vector<16xi1>, vector<16xf32>
      %exp3A_1548 = math.exp %select_n3A_1547 : vector<16xf32>
      %swap3A_1549 = arith.constant 48 : index
      %swap3A_1550 = tpu.vector_load %arg11[%swap3A_1549] {strides = array<i32>} : memref<64xf32, #tpu.memory_space<vmem>>, vector<16xf32>,
      tpu.vector_store %arg11[%swap3A_1549], %exp3A_1548 {strides = array<i32>} : memref<64xf32, #tpu.memory_space<vmem>>, vector<16xf32>,
      %masked_sort3A_1551 = arith.constant dense<true> : vector<16xi1>
      %masked_sort3A_1552 = arith.constant -2147483648 : i32
      %masked_sort3A_1553 = vector.broadcast %masked_sort3A_1552 : i32 to vector<16xi32>
      %masked_sort3A_1554 = arith.xori %min3A_1520, %masked_sort3A_1553 : vector<16xi32>
      %masked_sort3A_1555, %masked_sort3A_1556, %masked_sort3A_1557 = tpu.sort %masked_sort3A_1554, %iota3A masked %masked_sort3A_1551 : (vector<16xi32>, vector<16xi32>, vector<16xi1>) -> (vector<16xi1>, vector<16xi32>, vector<16xi32>)
      %masked_sort3A_1558 = arith.xori %masked_sort3A_1556, %masked_sort3A_1553 : vector<16xi32>
      %broadcast_in_dim3A_1559 = vector.shape_cast %masked_sort3A_1557 : vector<16xi32> to vector<16x1xi32>
      %gather3A_1560 = vector.shape_cast %broadcast_in_dim3A_1559 : vector<16x1xi32> to vector<16xi32>
      %gather3A_1561 = tpu.dynamic_gather %exp3A_1548[%gather3A_1560] in [0] : vector<16xf32>, vector<16xi32> -> vector<16xf32>
      %broadcast_in_dim3A_1562 = arith.constant true
      %broadcast_in_dim3A_1563 = vector.broadcast %broadcast_in_dim3A_1562 : i1 to vector<16xi1>
      %masked_cumsum3A_1564 = tpu.scan <sum>, %gather3A_1561 masked %broadcast_in_dim3A_1563 : vector<16xf32>, vector<16xi1> -> vector<16xf32>
      %sub3A_1565 = arith.constant 1 : i32
      %sub3A_1566 = vector.broadcast %sub3A_1565 : i32 to vector<16xi32>
      %sub3A_1567 = arith.subi %iota3A, %sub3A_1566 : vector<16xi32>
      %max3A_1568 = arith.constant 0 : i32
      %max3A_1569 = vector.broadcast %max3A_1568 : i32 to vector<16xi32>
      %max3A_1570 = arith.maxsi %sub3A_1567, %max3A_1569 : vector<16xi32>
      %broadcast_in_dim3A_1571 = vector.shape_cast %max3A_1570 : vector<16xi32> to vector<16x1xi32>
      %gather3A_1572 = vector.shape_cast %broadcast_in_dim3A_1571 : vector<16x1xi32> to vector<16xi32>
      %gather3A_1573 = tpu.dynamic_gather %masked_sort3A_1558[%gather3A_1572] in [0] : vector<16xi32>, vector<16xi32> -> vector<16xi32>
      %eq3A_1574 = arith.constant 0 : i32
      %eq3A_1575 = vector.broadcast %eq3A_1574 : i32 to vector<16xi32>
      %eq3A_1576 = arith.cmpi eq, %iota3A, %eq3A_1575 : vector<16xi32>
      %ne3A_1577 = arith.cmpi ne, %masked_sort3A_1558, %gather3A_1573 : vector<16xi32>
      %or3A_1578 = arith.ori %eq3A_1576, %ne3A_1577 : vector<16xi1>
      %jit3A_1579 = arith.constant 0 : i32
      %broadcast_in_dim3A_1580 = vector.broadcast %jit3A_1579 : i32 to vector<16xi32>
      %select_n3A_1581 = arith.select %or3A_1578, %iota3A, %broadcast_in_dim3A_1580 : vector<16xi1>, vector<16xi32>
      %broadcast_in_dim3A_1582 = arith.constant true
      %broadcast_in_dim3A_1583 = vector.broadcast %broadcast_in_dim3A_1582 : i1 to vector<16xi1>
      %masked_cummax3A_1584 = arith.constant -2147483648 : i32
      %masked_cummax3A_1585 = vector.broadcast %masked_cummax3A_1584 : i32 to vector<16xi32>
      %masked_cummax3A_1586 = arith.xori %select_n3A_1581, %masked_cummax3A_1585 : vector<16xi32>
      %masked_cummax3A_1587 = tpu.scan <max>, %masked_cummax3A_1586 masked %broadcast_in_dim3A_1583 : vector<16xi32>, vector<16xi1> -> vector<16xi32>
      %masked_cummax3A_1588 = arith.xori %masked_cummax3A_1587, %masked_cummax3A_1585 : vector<16xi32>
      %add3A_1589 = arith.constant 1 : i32
      %add3A_1590 = vector.broadcast %add3A_1589 : i32 to vector<16xi32>
      %add3A_1591 = arith.addi %iota3A, %add3A_1590 : vector<16xi32>
      %min3A_1592 = arith.constant 15 : i32
      %min3A_1593 = vector.broadcast %min3A_1592 : i32 to vector<16xi32>
      %min3A_1594 = arith.minsi %add3A_1591, %min3A_1593 : vector<16xi32>
      %broadcast_in_dim3A_1595 = vector.shape_cast %min3A_1594 : vector<16xi32> to vector<16x1xi32>
      %gather3A_1596 = vector.shape_cast %broadcast_in_dim3A_1595 : vector<16x1xi32> to vector<16xi32>
      %gather3A_1597 = tpu.dynamic_gather %masked_sort3A_1558[%gather3A_1596] in [0] : vector<16xi32>, vector<16xi32> -> vector<16xi32>
      %eq3A_1598 = arith.constant 15 : i32
      %eq3A_1599 = vector.broadcast %eq3A_1598 : i32 to vector<16xi32>
      %eq3A_1600 = arith.cmpi eq, %iota3A, %eq3A_1599 : vector<16xi32>
      %ne3A_1601 = arith.cmpi ne, %masked_sort3A_1558, %gather3A_1597 : vector<16xi32>
      %or3A_1602 = arith.ori %eq3A_1600, %ne3A_1601 : vector<16xi1>
      %sub3A_1603 = arith.constant 1 : i32
      %sub3A_1604 = vector.broadcast %sub3A_1603 : i32 to vector<16xi32>
      %sub3A_1605 = arith.subi %masked_cummax3A_1588, %sub3A_1604 : vector<16xi32>
      %max3A_1606 = arith.constant 0 : i32
      %max3A_1607 = vector.broadcast %max3A_1606 : i32 to vector<16xi32>
      %max3A_1608 = arith.maxsi %sub3A_1605, %max3A_1607 : vector<16xi32>
      %broadcast_in_dim3A_1609 = vector.shape_cast %max3A_1608 : vector<16xi32> to vector<16x1xi32>
      %gather3A_1610 = vector.shape_cast %broadcast_in_dim3A_1609 : vector<16x1xi32> to vector<16xi32>
      %gather3A_1611 = tpu.dynamic_gather %masked_cumsum3A_1564[%gather3A_1610] in [0] : vector<16xf32>, vector<16xi32> -> vector<16xf32>
      %eq3A_1612 = arith.constant 0 : i32
      %eq3A_1613 = vector.broadcast %eq3A_1612 : i32 to vector<16xi32>
      %eq3A_1614 = arith.cmpi eq, %masked_cummax3A_1588, %eq3A_1613 : vector<16xi32>
      %jit3A_1615 = arith.constant 0.000000e+00 : f32
      %broadcast_in_dim3A_1616 = vector.broadcast %jit3A_1615 : f32 to vector<16xf32>
      %select_n3A_1617 = arith.select %eq3A_1614, %broadcast_in_dim3A_1616, %gather3A_1611 : vector<16xi1>, vector<16xf32>
      %sub3A_1618 = arith.subf %masked_cumsum3A_1564, %select_n3A_1617 : vector<16xf32>
      tpu.vector_store_idx %arg13[%masked_sort3A_1558], %sub3A_1618 masked %or3A_1602 {add = true} : memref<336xf32, #tpu.memory_space<vmem>>[vector<16xi32>], vector<16xf32>, vector<16xi1>
      %dma_wait3A_1619 = arith.constant 0 : i32
      %dma_wait3A_1620 = arith.constant 0 : i32
      %dma_wait3A_1621 = tpu.memref_slice %arg2[%dma_wait3A_1619, %dma_wait3A_1620] : memref<10000x128xf32, #tpu.memory_space<hbm>> -> memref<10000x128xf32, #tpu.memory_space<hbm>>
      tpu.wait_indirect_dma semaphore(%arg16 : memref<!tpu.dma_semaphore, #tpu.memory_space<semaphore_mem>>) src(%dma_wait3A_1621 : memref<10000x128xf32, #tpu.memory_space<hbm>>) dst(%arg10 : memref<64x128xf32, #tpu.memory_space<vmem>>)
      %scan3A_1622 = arith.constant 0 : i32
      %scan3A_1623 = arith.constant 0 : i32
      %scan3A_1624 = arith.constant 64 : i32
      %scan3A_1625 = arith.addi %scan3A_1623, %scan3A_1624 : i32
      %scan3A_1626 = arith.constant 8 : i32
      scf.for %scan3A_1628 = %scan3A_1623 to %scan3A_1625 step %scan3A_1626  : i32 {
        %add3A_1629 = vector.broadcast %scan3A_1628 : i32 to vector<16xi32>
        %add3A_1630 = arith.addi %broadcast_in_dim3A_5, %add3A_1629 : vector<16xi32>
        %gather3A_1631 = tpu.vector_load_idx %arg11[%add3A_1630] : memref<64xf32, #tpu.memory_space<vmem>>[vector<16xi32>], vector<16xf32>,
        %gather3A_1632 = tpu.vector_load_idx %arg9[%add3A_1630] : memref<64xi32, #tpu.memory_space<vmem>>[vector<16xi32>], vector<16xi32>,
        %add3A_1633 = arith.constant 0 : i32
        %add3A_1634 = vector.broadcast %add3A_1633 : i32 to vector<16xi32>
        %add3A_1635 = arith.addi %iota3A, %add3A_1634 : vector<16xi32>
        %gather3A_1636 = tpu.vector_load_idx %arg10[%add3A_1630, %add3A_1635] : memref<64x128xf32, #tpu.memory_space<vmem>>[vector<16xi32>, vector<16xi32>], vector<16xf32>,
        %mul3A_1637 = arith.mulf %gather3A_1636, %gather3A_1631 : vector<16xf32>
        tpu.vector_store_idx %arg15[%gather3A_1632, %add3A_1635], %mul3A_1637 {add = true} : memref<336x128xf32, #tpu.memory_space<vmem>>[vector<16xi32>, vector<16xi32>], vector<16xf32>,
        %add3A_1638 = arith.constant 16 : i32
        %add3A_1639 = vector.broadcast %add3A_1638 : i32 to vector<16xi32>
        %add3A_1640 = arith.addi %iota3A, %add3A_1639 : vector<16xi32>
        %gather3A_1641 = tpu.vector_load_idx %arg10[%add3A_1630, %add3A_1640] : memref<64x128xf32, #tpu.memory_space<vmem>>[vector<16xi32>, vector<16xi32>], vector<16xf32>,
        %mul3A_1642 = arith.mulf %gather3A_1641, %gather3A_1631 : vector<16xf32>
        tpu.vector_store_idx %arg15[%gather3A_1632, %add3A_1640], %mul3A_1642 {add = true} : memref<336x128xf32, #tpu.memory_space<vmem>>[vector<16xi32>, vector<16xi32>], vector<16xf32>,
        %add3A_1643 = arith.constant 32 : i32
        %add3A_1644 = vector.broadcast %add3A_1643 : i32 to vector<16xi32>
        %add3A_1645 = arith.addi %iota3A, %add3A_1644 : vector<16xi32>
        %gather3A_1646 = tpu.vector_load_idx %arg10[%add3A_1630, %add3A_1645] : memref<64x128xf32, #tpu.memory_space<vmem>>[vector<16xi32>, vector<16xi32>], vector<16xf32>,
        %mul3A_1647 = arith.mulf %gather3A_1646, %gather3A_1631 : vector<16xf32>
        tpu.vector_store_idx %arg15[%gather3A_1632, %add3A_1645], %mul3A_1647 {add = true} : memref<336x128xf32, #tpu.memory_space<vmem>>[vector<16xi32>, vector<16xi32>], vector<16xf32>,
        %add3A_1648 = arith.constant 48 : i32
        %add3A_1649 = vector.broadcast %add3A_1648 : i32 to vector<16xi32>
        %add3A_1650 = arith.addi %iota3A, %add3A_1649 : vector<16xi32>
        %gather3A_1651 = tpu.vector_load_idx %arg10[%add3A_1630, %add3A_1650] : memref<64x128xf32, #tpu.memory_space<vmem>>[vector<16xi32>, vector<16xi32>], vector<16xf32>,
        %mul3A_1652 = arith.mulf %gather3A_1651, %gather3A_1631 : vector<16xf32>
        tpu.vector_store_idx %arg15[%gather3A_1632, %add3A_1650], %mul3A_1652 {add = true} : memref<336x128xf32, #tpu.memory_space<vmem>>[vector<16xi32>, vector<16xi32>], vector<16xf32>,
        %add3A_1653 = arith.constant 64 : i32
        %add3A_1654 = vector.broadcast %add3A_1653 : i32 to vector<16xi32>
        %add3A_1655 = arith.addi %iota3A, %add3A_1654 : vector<16xi32>
        %gather3A_1656 = tpu.vector_load_idx %arg10[%add3A_1630, %add3A_1655] : memref<64x128xf32, #tpu.memory_space<vmem>>[vector<16xi32>, vector<16xi32>], vector<16xf32>,
        %mul3A_1657 = arith.mulf %gather3A_1656, %gather3A_1631 : vector<16xf32>
        tpu.vector_store_idx %arg15[%gather3A_1632, %add3A_1655], %mul3A_1657 {add = true} : memref<336x128xf32, #tpu.memory_space<vmem>>[vector<16xi32>, vector<16xi32>], vector<16xf32>,
        %add3A_1658 = arith.constant 80 : i32
        %add3A_1659 = vector.broadcast %add3A_1658 : i32 to vector<16xi32>
        %add3A_1660 = arith.addi %iota3A, %add3A_1659 : vector<16xi32>
        %gather3A_1661 = tpu.vector_load_idx %arg10[%add3A_1630, %add3A_1660] : memref<64x128xf32, #tpu.memory_space<vmem>>[vector<16xi32>, vector<16xi32>], vector<16xf32>,
        %mul3A_1662 = arith.mulf %gather3A_1661, %gather3A_1631 : vector<16xf32>
        tpu.vector_store_idx %arg15[%gather3A_1632, %add3A_1660], %mul3A_1662 {add = true} : memref<336x128xf32, #tpu.memory_space<vmem>>[vector<16xi32>, vector<16xi32>], vector<16xf32>,
        %add3A_1663 = arith.constant 96 : i32
        %add3A_1664 = vector.broadcast %add3A_1663 : i32 to vector<16xi32>
        %add3A_1665 = arith.addi %iota3A, %add3A_1664 : vector<16xi32>
        %gather3A_1666 = tpu.vector_load_idx %arg10[%add3A_1630, %add3A_1665] : memref<64x128xf32, #tpu.memory_space<vmem>>[vector<16xi32>, vector<16xi32>], vector<16xf32>,
        %mul3A_1667 = arith.mulf %gather3A_1666, %gather3A_1631 : vector<16xf32>
        tpu.vector_store_idx %arg15[%gather3A_1632, %add3A_1665], %mul3A_1667 {add = true} : memref<336x128xf32, #tpu.memory_space<vmem>>[vector<16xi32>, vector<16xi32>], vector<16xf32>,
        %add3A_1668 = arith.constant 112 : i32
        %add3A_1669 = vector.broadcast %add3A_1668 : i32 to vector<16xi32>
        %add3A_1670 = arith.addi %iota3A, %add3A_1669 : vector<16xi32>
        %gather3A_1671 = tpu.vector_load_idx %arg10[%add3A_1630, %add3A_1670] : memref<64x128xf32, #tpu.memory_space<vmem>>[vector<16xi32>, vector<16xi32>], vector<16xf32>,
        %mul3A_1672 = arith.mulf %gather3A_1671, %gather3A_1631 : vector<16xf32>
        tpu.vector_store_idx %arg15[%gather3A_1632, %add3A_1670], %mul3A_1672 {add = true} : memref<336x128xf32, #tpu.memory_space<vmem>>[vector<16xi32>, vector<16xi32>], vector<16xf32>,
        %scan3A_1673 = arith.constant 1 : i32
        %scan3A_1674 = arith.addi %scan3A_1628, %scan3A_1673 : i32
        %add3A_1675 = vector.broadcast %scan3A_1674 : i32 to vector<16xi32>
        %add3A_1676 = arith.addi %broadcast_in_dim3A_5, %add3A_1675 : vector<16xi32>
        %gather3A_1677 = tpu.vector_load_idx %arg11[%add3A_1676] : memref<64xf32, #tpu.memory_space<vmem>>[vector<16xi32>], vector<16xf32>,
        %gather3A_1678 = tpu.vector_load_idx %arg9[%add3A_1676] : memref<64xi32, #tpu.memory_space<vmem>>[vector<16xi32>], vector<16xi32>,
        %add3A_1679 = arith.constant 0 : i32
        %add3A_1680 = vector.broadcast %add3A_1679 : i32 to vector<16xi32>
        %add3A_1681 = arith.addi %iota3A, %add3A_1680 : vector<16xi32>
        %gather3A_1682 = tpu.vector_load_idx %arg10[%add3A_1676, %add3A_1681] : memref<64x128xf32, #tpu.memory_space<vmem>>[vector<16xi32>, vector<16xi32>], vector<16xf32>,
        %mul3A_1683 = arith.mulf %gather3A_1682, %gather3A_1677 : vector<16xf32>
        tpu.vector_store_idx %arg15[%gather3A_1678, %add3A_1681], %mul3A_1683 {add = true} : memref<336x128xf32, #tpu.memory_space<vmem>>[vector<16xi32>, vector<16xi32>], vector<16xf32>,
        %add3A_1684 = arith.constant 16 : i32
        %add3A_1685 = vector.broadcast %add3A_1684 : i32 to vector<16xi32>
        %add3A_1686 = arith.addi %iota3A, %add3A_1685 : vector<16xi32>
        %gather3A_1687 = tpu.vector_load_idx %arg10[%add3A_1676, %add3A_1686] : memref<64x128xf32, #tpu.memory_space<vmem>>[vector<16xi32>, vector<16xi32>], vector<16xf32>,
        %mul3A_1688 = arith.mulf %gather3A_1687, %gather3A_1677 : vector<16xf32>
        tpu.vector_store_idx %arg15[%gather3A_1678, %add3A_1686], %mul3A_1688 {add = true} : memref<336x128xf32, #tpu.memory_space<vmem>>[vector<16xi32>, vector<16xi32>], vector<16xf32>,
        %add3A_1689 = arith.constant 32 : i32
        %add3A_1690 = vector.broadcast %add3A_1689 : i32 to vector<16xi32>
        %add3A_1691 = arith.addi %iota3A, %add3A_1690 : vector<16xi32>
        %gather3A_1692 = tpu.vector_load_idx %arg10[%add3A_1676, %add3A_1691] : memref<64x128xf32, #tpu.memory_space<vmem>>[vector<16xi32>, vector<16xi32>], vector<16xf32>,
        %mul3A_1693 = arith.mulf %gather3A_1692, %gather3A_1677 : vector<16xf32>
        tpu.vector_store_idx %arg15[%gather3A_1678, %add3A_1691], %mul3A_1693 {add = true} : memref<336x128xf32, #tpu.memory_space<vmem>>[vector<16xi32>, vector<16xi32>], vector<16xf32>,
        %add3A_1694 = arith.constant 48 : i32
        %add3A_1695 = vector.broadcast %add3A_1694 : i32 to vector<16xi32>
        %add3A_1696 = arith.addi %iota3A, %add3A_1695 : vector<16xi32>
        %gather3A_1697 = tpu.vector_load_idx %arg10[%add3A_1676, %add3A_1696] : memref<64x128xf32, #tpu.memory_space<vmem>>[vector<16xi32>, vector<16xi32>], vector<16xf32>,
        %mul3A_1698 = arith.mulf %gather3A_1697, %gather3A_1677 : vector<16xf32>
        tpu.vector_store_idx %arg15[%gather3A_1678, %add3A_1696], %mul3A_1698 {add = true} : memref<336x128xf32, #tpu.memory_space<vmem>>[vector<16xi32>, vector<16xi32>], vector<16xf32>,
        %add3A_1699 = arith.constant 64 : i32
        %add3A_1700 = vector.broadcast %add3A_1699 : i32 to vector<16xi32>
        %add3A_1701 = arith.addi %iota3A, %add3A_1700 : vector<16xi32>
        %gather3A_1702 = tpu.vector_load_idx %arg10[%add3A_1676, %add3A_1701] : memref<64x128xf32, #tpu.memory_space<vmem>>[vector<16xi32>, vector<16xi32>], vector<16xf32>,
        %mul3A_1703 = arith.mulf %gather3A_1702, %gather3A_1677 : vector<16xf32>
        tpu.vector_store_idx %arg15[%gather3A_1678, %add3A_1701], %mul3A_1703 {add = true} : memref<336x128xf32, #tpu.memory_space<vmem>>[vector<16xi32>, vector<16xi32>], vector<16xf32>,
        %add3A_1704 = arith.constant 80 : i32
        %add3A_1705 = vector.broadcast %add3A_1704 : i32 to vector<16xi32>
        %add3A_1706 = arith.addi %iota3A, %add3A_1705 : vector<16xi32>
        %gather3A_1707 = tpu.vector_load_idx %arg10[%add3A_1676, %add3A_1706] : memref<64x128xf32, #tpu.memory_space<vmem>>[vector<16xi32>, vector<16xi32>], vector<16xf32>,
        %mul3A_1708 = arith.mulf %gather3A_1707, %gather3A_1677 : vector<16xf32>
        tpu.vector_store_idx %arg15[%gather3A_1678, %add3A_1706], %mul3A_1708 {add = true} : memref<336x128xf32, #tpu.memory_space<vmem>>[vector<16xi32>, vector<16xi32>], vector<16xf32>,
        %add3A_1709 = arith.constant 96 : i32
        %add3A_1710 = vector.broadcast %add3A_1709 : i32 to vector<16xi32>
        %add3A_1711 = arith.addi %iota3A, %add3A_1710 : vector<16xi32>
        %gather3A_1712 = tpu.vector_load_idx %arg10[%add3A_1676, %add3A_1711] : memref<64x128xf32, #tpu.memory_space<vmem>>[vector<16xi32>, vector<16xi32>], vector<16xf32>,
        %mul3A_1713 = arith.mulf %gather3A_1712, %gather3A_1677 : vector<16xf32>
        tpu.vector_store_idx %arg15[%gather3A_1678, %add3A_1711], %mul3A_1713 {add = true} : memref<336x128xf32, #tpu.memory_space<vmem>>[vector<16xi32>, vector<16xi32>], vector<16xf32>,
        %add3A_1714 = arith.constant 112 : i32
        %add3A_1715 = vector.broadcast %add3A_1714 : i32 to vector<16xi32>
        %add3A_1716 = arith.addi %iota3A, %add3A_1715 : vector<16xi32>
        %gather3A_1717 = tpu.vector_load_idx %arg10[%add3A_1676, %add3A_1716] : memref<64x128xf32, #tpu.memory_space<vmem>>[vector<16xi32>, vector<16xi32>], vector<16xf32>,
        %mul3A_1718 = arith.mulf %gather3A_1717, %gather3A_1677 : vector<16xf32>
        tpu.vector_store_idx %arg15[%gather3A_1678, %add3A_1716], %mul3A_1718 {add = true} : memref<336x128xf32, #tpu.memory_space<vmem>>[vector<16xi32>, vector<16xi32>], vector<16xf32>,
        %scan3A_1719 = arith.constant 2 : i32
        %scan3A_1720 = arith.addi %scan3A_1628, %scan3A_1719 : i32
        %add3A_1721 = vector.broadcast %scan3A_1720 : i32 to vector<16xi32>
        %add3A_1722 = arith.addi %broadcast_in_dim3A_5, %add3A_1721 : vector<16xi32>
        %gather3A_1723 = tpu.vector_load_idx %arg11[%add3A_1722] : memref<64xf32, #tpu.memory_space<vmem>>[vector<16xi32>], vector<16xf32>,
        %gather3A_1724 = tpu.vector_load_idx %arg9[%add3A_1722] : memref<64xi32, #tpu.memory_space<vmem>>[vector<16xi32>], vector<16xi32>,
        %add3A_1725 = arith.constant 0 : i32
        %add3A_1726 = vector.broadcast %add3A_1725 : i32 to vector<16xi32>
        %add3A_1727 = arith.addi %iota3A, %add3A_1726 : vector<16xi32>
        %gather3A_1728 = tpu.vector_load_idx %arg10[%add3A_1722, %add3A_1727] : memref<64x128xf32, #tpu.memory_space<vmem>>[vector<16xi32>, vector<16xi32>], vector<16xf32>,
        %mul3A_1729 = arith.mulf %gather3A_1728, %gather3A_1723 : vector<16xf32>
        tpu.vector_store_idx %arg15[%gather3A_1724, %add3A_1727], %mul3A_1729 {add = true} : memref<336x128xf32, #tpu.memory_space<vmem>>[vector<16xi32>, vector<16xi32>], vector<16xf32>,
        %add3A_1730 = arith.constant 16 : i32
        %add3A_1731 = vector.broadcast %add3A_1730 : i32 to vector<16xi32>
        %add3A_1732 = arith.addi %iota3A, %add3A_1731 : vector<16xi32>
        %gather3A_1733 = tpu.vector_load_idx %arg10[%add3A_1722, %add3A_1732] : memref<64x128xf32, #tpu.memory_space<vmem>>[vector<16xi32>, vector<16xi32>], vector<16xf32>,
        %mul3A_1734 = arith.mulf %gather3A_1733, %gather3A_1723 : vector<16xf32>
        tpu.vector_store_idx %arg15[%gather3A_1724, %add3A_1732], %mul3A_1734 {add = true} : memref<336x128xf32, #tpu.memory_space<vmem>>[vector<16xi32>, vector<16xi32>], vector<16xf32>,
        %add3A_1735 = arith.constant 32 : i32
        %add3A_1736 = vector.broadcast %add3A_1735 : i32 to vector<16xi32>
        %add3A_1737 = arith.addi %iota3A, %add3A_1736 : vector<16xi32>
        %gather3A_1738 = tpu.vector_load_idx %arg10[%add3A_1722, %add3A_1737] : memref<64x128xf32, #tpu.memory_space<vmem>>[vector<16xi32>, vector<16xi32>], vector<16xf32>,
        %mul3A_1739 = arith.mulf %gather3A_1738, %gather3A_1723 : vector<16xf32>
        tpu.vector_store_idx %arg15[%gather3A_1724, %add3A_1737], %mul3A_1739 {add = true} : memref<336x128xf32, #tpu.memory_space<vmem>>[vector<16xi32>, vector<16xi32>], vector<16xf32>,
        %add3A_1740 = arith.constant 48 : i32
        %add3A_1741 = vector.broadcast %add3A_1740 : i32 to vector<16xi32>
        %add3A_1742 = arith.addi %iota3A, %add3A_1741 : vector<16xi32>
        %gather3A_1743 = tpu.vector_load_idx %arg10[%add3A_1722, %add3A_1742] : memref<64x128xf32, #tpu.memory_space<vmem>>[vector<16xi32>, vector<16xi32>], vector<16xf32>,
        %mul3A_1744 = arith.mulf %gather3A_1743, %gather3A_1723 : vector<16xf32>
        tpu.vector_store_idx %arg15[%gather3A_1724, %add3A_1742], %mul3A_1744 {add = true} : memref<336x128xf32, #tpu.memory_space<vmem>>[vector<16xi32>, vector<16xi32>], vector<16xf32>,
        %add3A_1745 = arith.constant 64 : i32
        %add3A_1746 = vector.broadcast %add3A_1745 : i32 to vector<16xi32>
        %add3A_1747 = arith.addi %iota3A, %add3A_1746 : vector<16xi32>
        %gather3A_1748 = tpu.vector_load_idx %arg10[%add3A_1722, %add3A_1747] : memref<64x128xf32, #tpu.memory_space<vmem>>[vector<16xi32>, vector<16xi32>], vector<16xf32>,
        %mul3A_1749 = arith.mulf %gather3A_1748, %gather3A_1723 : vector<16xf32>
        tpu.vector_store_idx %arg15[%gather3A_1724, %add3A_1747], %mul3A_1749 {add = true} : memref<336x128xf32, #tpu.memory_space<vmem>>[vector<16xi32>, vector<16xi32>], vector<16xf32>,
        %add3A_1750 = arith.constant 80 : i32
        %add3A_1751 = vector.broadcast %add3A_1750 : i32 to vector<16xi32>
        %add3A_1752 = arith.addi %iota3A, %add3A_1751 : vector<16xi32>
        %gather3A_1753 = tpu.vector_load_idx %arg10[%add3A_1722, %add3A_1752] : memref<64x128xf32, #tpu.memory_space<vmem>>[vector<16xi32>, vector<16xi32>], vector<16xf32>,
        %mul3A_1754 = arith.mulf %gather3A_1753, %gather3A_1723 : vector<16xf32>
        tpu.vector_store_idx %arg15[%gather3A_1724, %add3A_1752], %mul3A_1754 {add = true} : memref<336x128xf32, #tpu.memory_space<vmem>>[vector<16xi32>, vector<16xi32>], vector<16xf32>,
        %add3A_1755 = arith.constant 96 : i32
        %add3A_1756 = vector.broadcast %add3A_1755 : i32 to vector<16xi32>
        %add3A_1757 = arith.addi %iota3A, %add3A_1756 : vector<16xi32>
        %gather3A_1758 = tpu.vector_load_idx %arg10[%add3A_1722, %add3A_1757] : memref<64x128xf32, #tpu.memory_space<vmem>>[vector<16xi32>, vector<16xi32>], vector<16xf32>,
        %mul3A_1759 = arith.mulf %gather3A_1758, %gather3A_1723 : vector<16xf32>
        tpu.vector_store_idx %arg15[%gather3A_1724, %add3A_1757], %mul3A_1759 {add = true} : memref<336x128xf32, #tpu.memory_space<vmem>>[vector<16xi32>, vector<16xi32>], vector<16xf32>,
        %add3A_1760 = arith.constant 112 : i32
        %add3A_1761 = vector.broadcast %add3A_1760 : i32 to vector<16xi32>
        %add3A_1762 = arith.addi %iota3A, %add3A_1761 : vector<16xi32>
        %gather3A_1763 = tpu.vector_load_idx %arg10[%add3A_1722, %add3A_1762] : memref<64x128xf32, #tpu.memory_space<vmem>>[vector<16xi32>, vector<16xi32>], vector<16xf32>,
        %mul3A_1764 = arith.mulf %gather3A_1763, %gather3A_1723 : vector<16xf32>
        tpu.vector_store_idx %arg15[%gather3A_1724, %add3A_1762], %mul3A_1764 {add = true} : memref<336x128xf32, #tpu.memory_space<vmem>>[vector<16xi32>, vector<16xi32>], vector<16xf32>,
        %scan3A_1765 = arith.constant 3 : i32
        %scan3A_1766 = arith.addi %scan3A_1628, %scan3A_1765 : i32
        %add3A_1767 = vector.broadcast %scan3A_1766 : i32 to vector<16xi32>
        %add3A_1768 = arith.addi %broadcast_in_dim3A_5, %add3A_1767 : vector<16xi32>
        %gather3A_1769 = tpu.vector_load_idx %arg11[%add3A_1768] : memref<64xf32, #tpu.memory_space<vmem>>[vector<16xi32>], vector<16xf32>,
        %gather3A_1770 = tpu.vector_load_idx %arg9[%add3A_1768] : memref<64xi32, #tpu.memory_space<vmem>>[vector<16xi32>], vector<16xi32>,
        %add3A_1771 = arith.constant 0 : i32
        %add3A_1772 = vector.broadcast %add3A_1771 : i32 to vector<16xi32>
        %add3A_1773 = arith.addi %iota3A, %add3A_1772 : vector<16xi32>
        %gather3A_1774 = tpu.vector_load_idx %arg10[%add3A_1768, %add3A_1773] : memref<64x128xf32, #tpu.memory_space<vmem>>[vector<16xi32>, vector<16xi32>], vector<16xf32>,
        %mul3A_1775 = arith.mulf %gather3A_1774, %gather3A_1769 : vector<16xf32>
        tpu.vector_store_idx %arg15[%gather3A_1770, %add3A_1773], %mul3A_1775 {add = true} : memref<336x128xf32, #tpu.memory_space<vmem>>[vector<16xi32>, vector<16xi32>], vector<16xf32>,
        %add3A_1776 = arith.constant 16 : i32
        %add3A_1777 = vector.broadcast %add3A_1776 : i32 to vector<16xi32>
        %add3A_1778 = arith.addi %iota3A, %add3A_1777 : vector<16xi32>
        %gather3A_1779 = tpu.vector_load_idx %arg10[%add3A_1768, %add3A_1778] : memref<64x128xf32, #tpu.memory_space<vmem>>[vector<16xi32>, vector<16xi32>], vector<16xf32>,
        %mul3A_1780 = arith.mulf %gather3A_1779, %gather3A_1769 : vector<16xf32>
        tpu.vector_store_idx %arg15[%gather3A_1770, %add3A_1778], %mul3A_1780 {add = true} : memref<336x128xf32, #tpu.memory_space<vmem>>[vector<16xi32>, vector<16xi32>], vector<16xf32>,
        %add3A_1781 = arith.constant 32 : i32
        %add3A_1782 = vector.broadcast %add3A_1781 : i32 to vector<16xi32>
        %add3A_1783 = arith.addi %iota3A, %add3A_1782 : vector<16xi32>
        %gather3A_1784 = tpu.vector_load_idx %arg10[%add3A_1768, %add3A_1783] : memref<64x128xf32, #tpu.memory_space<vmem>>[vector<16xi32>, vector<16xi32>], vector<16xf32>,
        %mul3A_1785 = arith.mulf %gather3A_1784, %gather3A_1769 : vector<16xf32>
        tpu.vector_store_idx %arg15[%gather3A_1770, %add3A_1783], %mul3A_1785 {add = true} : memref<336x128xf32, #tpu.memory_space<vmem>>[vector<16xi32>, vector<16xi32>], vector<16xf32>,
        %add3A_1786 = arith.constant 48 : i32
        %add3A_1787 = vector.broadcast %add3A_1786 : i32 to vector<16xi32>
        %add3A_1788 = arith.addi %iota3A, %add3A_1787 : vector<16xi32>
        %gather3A_1789 = tpu.vector_load_idx %arg10[%add3A_1768, %add3A_1788] : memref<64x128xf32, #tpu.memory_space<vmem>>[vector<16xi32>, vector<16xi32>], vector<16xf32>,
        %mul3A_1790 = arith.mulf %gather3A_1789, %gather3A_1769 : vector<16xf32>
        tpu.vector_store_idx %arg15[%gather3A_1770, %add3A_1788], %mul3A_1790 {add = true} : memref<336x128xf32, #tpu.memory_space<vmem>>[vector<16xi32>, vector<16xi32>], vector<16xf32>,
        %add3A_1791 = arith.constant 64 : i32
        %add3A_1792 = vector.broadcast %add3A_1791 : i32 to vector<16xi32>
        %add3A_1793 = arith.addi %iota3A, %add3A_1792 : vector<16xi32>
        %gather3A_1794 = tpu.vector_load_idx %arg10[%add3A_1768, %add3A_1793] : memref<64x128xf32, #tpu.memory_space<vmem>>[vector<16xi32>, vector<16xi32>], vector<16xf32>,
        %mul3A_1795 = arith.mulf %gather3A_1794, %gather3A_1769 : vector<16xf32>
        tpu.vector_store_idx %arg15[%gather3A_1770, %add3A_1793], %mul3A_1795 {add = true} : memref<336x128xf32, #tpu.memory_space<vmem>>[vector<16xi32>, vector<16xi32>], vector<16xf32>,
        %add3A_1796 = arith.constant 80 : i32
        %add3A_1797 = vector.broadcast %add3A_1796 : i32 to vector<16xi32>
        %add3A_1798 = arith.addi %iota3A, %add3A_1797 : vector<16xi32>
        %gather3A_1799 = tpu.vector_load_idx %arg10[%add3A_1768, %add3A_1798] : memref<64x128xf32, #tpu.memory_space<vmem>>[vector<16xi32>, vector<16xi32>], vector<16xf32>,
        %mul3A_1800 = arith.mulf %gather3A_1799, %gather3A_1769 : vector<16xf32>
        tpu.vector_store_idx %arg15[%gather3A_1770, %add3A_1798], %mul3A_1800 {add = true} : memref<336x128xf32, #tpu.memory_space<vmem>>[vector<16xi32>, vector<16xi32>], vector<16xf32>,
        %add3A_1801 = arith.constant 96 : i32
        %add3A_1802 = vector.broadcast %add3A_1801 : i32 to vector<16xi32>
        %add3A_1803 = arith.addi %iota3A, %add3A_1802 : vector<16xi32>
        %gather3A_1804 = tpu.vector_load_idx %arg10[%add3A_1768, %add3A_1803] : memref<64x128xf32, #tpu.memory_space<vmem>>[vector<16xi32>, vector<16xi32>], vector<16xf32>,
        %mul3A_1805 = arith.mulf %gather3A_1804, %gather3A_1769 : vector<16xf32>
        tpu.vector_store_idx %arg15[%gather3A_1770, %add3A_1803], %mul3A_1805 {add = true} : memref<336x128xf32, #tpu.memory_space<vmem>>[vector<16xi32>, vector<16xi32>], vector<16xf32>,
        %add3A_1806 = arith.constant 112 : i32
        %add3A_1807 = vector.broadcast %add3A_1806 : i32 to vector<16xi32>
        %add3A_1808 = arith.addi %iota3A, %add3A_1807 : vector<16xi32>
        %gather3A_1809 = tpu.vector_load_idx %arg10[%add3A_1768, %add3A_1808] : memref<64x128xf32, #tpu.memory_space<vmem>>[vector<16xi32>, vector<16xi32>], vector<16xf32>,
        %mul3A_1810 = arith.mulf %gather3A_1809, %gather3A_1769 : vector<16xf32>
        tpu.vector_store_idx %arg15[%gather3A_1770, %add3A_1808], %mul3A_1810 {add = true} : memref<336x128xf32, #tpu.memory_space<vmem>>[vector<16xi32>, vector<16xi32>], vector<16xf32>,
        %scan3A_1811 = arith.constant 4 : i32
        %scan3A_1812 = arith.addi %scan3A_1628, %scan3A_1811 : i32
        %add3A_1813 = vector.broadcast %scan3A_1812 : i32 to vector<16xi32>
        %add3A_1814 = arith.addi %broadcast_in_dim3A_5, %add3A_1813 : vector<16xi32>
        %gather3A_1815 = tpu.vector_load_idx %arg11[%add3A_1814] : memref<64xf32, #tpu.memory_space<vmem>>[vector<16xi32>], vector<16xf32>,
        %gather3A_1816 = tpu.vector_load_idx %arg9[%add3A_1814] : memref<64xi32, #tpu.memory_space<vmem>>[vector<16xi32>], vector<16xi32>,
        %add3A_1817 = arith.constant 0 : i32
        %add3A_1818 = vector.broadcast %add3A_1817 : i32 to vector<16xi32>
        %add3A_1819 = arith.addi %iota3A, %add3A_1818 : vector<16xi32>
        %gather3A_1820 = tpu.vector_load_idx %arg10[%add3A_1814, %add3A_1819] : memref<64x128xf32, #tpu.memory_space<vmem>>[vector<16xi32>, vector<16xi32>], vector<16xf32>,
        %mul3A_1821 = arith.mulf %gather3A_1820, %gather3A_1815 : vector<16xf32>
        tpu.vector_store_idx %arg15[%gather3A_1816, %add3A_1819], %mul3A_1821 {add = true} : memref<336x128xf32, #tpu.memory_space<vmem>>[vector<16xi32>, vector<16xi32>], vector<16xf32>,
        %add3A_1822 = arith.constant 16 : i32
        %add3A_1823 = vector.broadcast %add3A_1822 : i32 to vector<16xi32>
        %add3A_1824 = arith.addi %iota3A, %add3A_1823 : vector<16xi32>
        %gather3A_1825 = tpu.vector_load_idx %arg10[%add3A_1814, %add3A_1824] : memref<64x128xf32, #tpu.memory_space<vmem>>[vector<16xi32>, vector<16xi32>], vector<16xf32>,
        %mul3A_1826 = arith.mulf %gather3A_1825, %gather3A_1815 : vector<16xf32>
        tpu.vector_store_idx %arg15[%gather3A_1816, %add3A_1824], %mul3A_1826 {add = true} : memref<336x128xf32, #tpu.memory_space<vmem>>[vector<16xi32>, vector<16xi32>], vector<16xf32>,
        %add3A_1827 = arith.constant 32 : i32
        %add3A_1828 = vector.broadcast %add3A_1827 : i32 to vector<16xi32>
        %add3A_1829 = arith.addi %iota3A, %add3A_1828 : vector<16xi32>
        %gather3A_1830 = tpu.vector_load_idx %arg10[%add3A_1814, %add3A_1829] : memref<64x128xf32, #tpu.memory_space<vmem>>[vector<16xi32>, vector<16xi32>], vector<16xf32>,
        %mul3A_1831 = arith.mulf %gather3A_1830, %gather3A_1815 : vector<16xf32>
        tpu.vector_store_idx %arg15[%gather3A_1816, %add3A_1829], %mul3A_1831 {add = true} : memref<336x128xf32, #tpu.memory_space<vmem>>[vector<16xi32>, vector<16xi32>], vector<16xf32>,
        %add3A_1832 = arith.constant 48 : i32
        %add3A_1833 = vector.broadcast %add3A_1832 : i32 to vector<16xi32>
        %add3A_1834 = arith.addi %iota3A, %add3A_1833 : vector<16xi32>
        %gather3A_1835 = tpu.vector_load_idx %arg10[%add3A_1814, %add3A_1834] : memref<64x128xf32, #tpu.memory_space<vmem>>[vector<16xi32>, vector<16xi32>], vector<16xf32>,
        %mul3A_1836 = arith.mulf %gather3A_1835, %gather3A_1815 : vector<16xf32>
        tpu.vector_store_idx %arg15[%gather3A_1816, %add3A_1834], %mul3A_1836 {add = true} : memref<336x128xf32, #tpu.memory_space<vmem>>[vector<16xi32>, vector<16xi32>], vector<16xf32>,
        %add3A_1837 = arith.constant 64 : i32
        %add3A_1838 = vector.broadcast %add3A_1837 : i32 to vector<16xi32>
        %add3A_1839 = arith.addi %iota3A, %add3A_1838 : vector<16xi32>
        %gather3A_1840 = tpu.vector_load_idx %arg10[%add3A_1814, %add3A_1839] : memref<64x128xf32, #tpu.memory_space<vmem>>[vector<16xi32>, vector<16xi32>], vector<16xf32>,
        %mul3A_1841 = arith.mulf %gather3A_1840, %gather3A_1815 : vector<16xf32>
        tpu.vector_store_idx %arg15[%gather3A_1816, %add3A_1839], %mul3A_1841 {add = true} : memref<336x128xf32, #tpu.memory_space<vmem>>[vector<16xi32>, vector<16xi32>], vector<16xf32>,
        %add3A_1842 = arith.constant 80 : i32
        %add3A_1843 = vector.broadcast %add3A_1842 : i32 to vector<16xi32>
        %add3A_1844 = arith.addi %iota3A, %add3A_1843 : vector<16xi32>
        %gather3A_1845 = tpu.vector_load_idx %arg10[%add3A_1814, %add3A_1844] : memref<64x128xf32, #tpu.memory_space<vmem>>[vector<16xi32>, vector<16xi32>], vector<16xf32>,
        %mul3A_1846 = arith.mulf %gather3A_1845, %gather3A_1815 : vector<16xf32>
        tpu.vector_store_idx %arg15[%gather3A_1816, %add3A_1844], %mul3A_1846 {add = true} : memref<336x128xf32, #tpu.memory_space<vmem>>[vector<16xi32>, vector<16xi32>], vector<16xf32>,
        %add3A_1847 = arith.constant 96 : i32
        %add3A_1848 = vector.broadcast %add3A_1847 : i32 to vector<16xi32>
        %add3A_1849 = arith.addi %iota3A, %add3A_1848 : vector<16xi32>
        %gather3A_1850 = tpu.vector_load_idx %arg10[%add3A_1814, %add3A_1849] : memref<64x128xf32, #tpu.memory_space<vmem>>[vector<16xi32>, vector<16xi32>], vector<16xf32>,
        %mul3A_1851 = arith.mulf %gather3A_1850, %gather3A_1815 : vector<16xf32>
        tpu.vector_store_idx %arg15[%gather3A_1816, %add3A_1849], %mul3A_1851 {add = true} : memref<336x128xf32, #tpu.memory_space<vmem>>[vector<16xi32>, vector<16xi32>], vector<16xf32>,
        %add3A_1852 = arith.constant 112 : i32
        %add3A_1853 = vector.broadcast %add3A_1852 : i32 to vector<16xi32>
        %add3A_1854 = arith.addi %iota3A, %add3A_1853 : vector<16xi32>
        %gather3A_1855 = tpu.vector_load_idx %arg10[%add3A_1814, %add3A_1854] : memref<64x128xf32, #tpu.memory_space<vmem>>[vector<16xi32>, vector<16xi32>], vector<16xf32>,
        %mul3A_1856 = arith.mulf %gather3A_1855, %gather3A_1815 : vector<16xf32>
        tpu.vector_store_idx %arg15[%gather3A_1816, %add3A_1854], %mul3A_1856 {add = true} : memref<336x128xf32, #tpu.memory_space<vmem>>[vector<16xi32>, vector<16xi32>], vector<16xf32>,
        %scan3A_1857 = arith.constant 5 : i32
        %scan3A_1858 = arith.addi %scan3A_1628, %scan3A_1857 : i32
        %add3A_1859 = vector.broadcast %scan3A_1858 : i32 to vector<16xi32>
        %add3A_1860 = arith.addi %broadcast_in_dim3A_5, %add3A_1859 : vector<16xi32>
        %gather3A_1861 = tpu.vector_load_idx %arg11[%add3A_1860] : memref<64xf32, #tpu.memory_space<vmem>>[vector<16xi32>], vector<16xf32>,
        %gather3A_1862 = tpu.vector_load_idx %arg9[%add3A_1860] : memref<64xi32, #tpu.memory_space<vmem>>[vector<16xi32>], vector<16xi32>,
        %add3A_1863 = arith.constant 0 : i32
        %add3A_1864 = vector.broadcast %add3A_1863 : i32 to vector<16xi32>
        %add3A_1865 = arith.addi %iota3A, %add3A_1864 : vector<16xi32>
        %gather3A_1866 = tpu.vector_load_idx %arg10[%add3A_1860, %add3A_1865] : memref<64x128xf32, #tpu.memory_space<vmem>>[vector<16xi32>, vector<16xi32>], vector<16xf32>,
        %mul3A_1867 = arith.mulf %gather3A_1866, %gather3A_1861 : vector<16xf32>
        tpu.vector_store_idx %arg15[%gather3A_1862, %add3A_1865], %mul3A_1867 {add = true} : memref<336x128xf32, #tpu.memory_space<vmem>>[vector<16xi32>, vector<16xi32>], vector<16xf32>,
        %add3A_1868 = arith.constant 16 : i32
        %add3A_1869 = vector.broadcast %add3A_1868 : i32 to vector<16xi32>
        %add3A_1870 = arith.addi %iota3A, %add3A_1869 : vector<16xi32>
        %gather3A_1871 = tpu.vector_load_idx %arg10[%add3A_1860, %add3A_1870] : memref<64x128xf32, #tpu.memory_space<vmem>>[vector<16xi32>, vector<16xi32>], vector<16xf32>,
        %mul3A_1872 = arith.mulf %gather3A_1871, %gather3A_1861 : vector<16xf32>
        tpu.vector_store_idx %arg15[%gather3A_1862, %add3A_1870], %mul3A_1872 {add = true} : memref<336x128xf32, #tpu.memory_space<vmem>>[vector<16xi32>, vector<16xi32>], vector<16xf32>,
        %add3A_1873 = arith.constant 32 : i32
        %add3A_1874 = vector.broadcast %add3A_1873 : i32 to vector<16xi32>
        %add3A_1875 = arith.addi %iota3A, %add3A_1874 : vector<16xi32>
        %gather3A_1876 = tpu.vector_load_idx %arg10[%add3A_1860, %add3A_1875] : memref<64x128xf32, #tpu.memory_space<vmem>>[vector<16xi32>, vector<16xi32>], vector<16xf32>,
        %mul3A_1877 = arith.mulf %gather3A_1876, %gather3A_1861 : vector<16xf32>
        tpu.vector_store_idx %arg15[%gather3A_1862, %add3A_1875], %mul3A_1877 {add = true} : memref<336x128xf32, #tpu.memory_space<vmem>>[vector<16xi32>, vector<16xi32>], vector<16xf32>,
        %add3A_1878 = arith.constant 48 : i32
        %add3A_1879 = vector.broadcast %add3A_1878 : i32 to vector<16xi32>
        %add3A_1880 = arith.addi %iota3A, %add3A_1879 : vector<16xi32>
        %gather3A_1881 = tpu.vector_load_idx %arg10[%add3A_1860, %add3A_1880] : memref<64x128xf32, #tpu.memory_space<vmem>>[vector<16xi32>, vector<16xi32>], vector<16xf32>,
        %mul3A_1882 = arith.mulf %gather3A_1881, %gather3A_1861 : vector<16xf32>
        tpu.vector_store_idx %arg15[%gather3A_1862, %add3A_1880], %mul3A_1882 {add = true} : memref<336x128xf32, #tpu.memory_space<vmem>>[vector<16xi32>, vector<16xi32>], vector<16xf32>,
        %add3A_1883 = arith.constant 64 : i32
        %add3A_1884 = vector.broadcast %add3A_1883 : i32 to vector<16xi32>
        %add3A_1885 = arith.addi %iota3A, %add3A_1884 : vector<16xi32>
        %gather3A_1886 = tpu.vector_load_idx %arg10[%add3A_1860, %add3A_1885] : memref<64x128xf32, #tpu.memory_space<vmem>>[vector<16xi32>, vector<16xi32>], vector<16xf32>,
        %mul3A_1887 = arith.mulf %gather3A_1886, %gather3A_1861 : vector<16xf32>
        tpu.vector_store_idx %arg15[%gather3A_1862, %add3A_1885], %mul3A_1887 {add = true} : memref<336x128xf32, #tpu.memory_space<vmem>>[vector<16xi32>, vector<16xi32>], vector<16xf32>,
        %add3A_1888 = arith.constant 80 : i32
        %add3A_1889 = vector.broadcast %add3A_1888 : i32 to vector<16xi32>
        %add3A_1890 = arith.addi %iota3A, %add3A_1889 : vector<16xi32>
        %gather3A_1891 = tpu.vector_load_idx %arg10[%add3A_1860, %add3A_1890] : memref<64x128xf32, #tpu.memory_space<vmem>>[vector<16xi32>, vector<16xi32>], vector<16xf32>,
        %mul3A_1892 = arith.mulf %gather3A_1891, %gather3A_1861 : vector<16xf32>
        tpu.vector_store_idx %arg15[%gather3A_1862, %add3A_1890], %mul3A_1892 {add = true} : memref<336x128xf32, #tpu.memory_space<vmem>>[vector<16xi32>, vector<16xi32>], vector<16xf32>,
        %add3A_1893 = arith.constant 96 : i32
        %add3A_1894 = vector.broadcast %add3A_1893 : i32 to vector<16xi32>
        %add3A_1895 = arith.addi %iota3A, %add3A_1894 : vector<16xi32>
        %gather3A_1896 = tpu.vector_load_idx %arg10[%add3A_1860, %add3A_1895] : memref<64x128xf32, #tpu.memory_space<vmem>>[vector<16xi32>, vector<16xi32>], vector<16xf32>,
        %mul3A_1897 = arith.mulf %gather3A_1896, %gather3A_1861 : vector<16xf32>
        tpu.vector_store_idx %arg15[%gather3A_1862, %add3A_1895], %mul3A_1897 {add = true} : memref<336x128xf32, #tpu.memory_space<vmem>>[vector<16xi32>, vector<16xi32>], vector<16xf32>,
        %add3A_1898 = arith.constant 112 : i32
        %add3A_1899 = vector.broadcast %add3A_1898 : i32 to vector<16xi32>
        %add3A_1900 = arith.addi %iota3A, %add3A_1899 : vector<16xi32>
        %gather3A_1901 = tpu.vector_load_idx %arg10[%add3A_1860, %add3A_1900] : memref<64x128xf32, #tpu.memory_space<vmem>>[vector<16xi32>, vector<16xi32>], vector<16xf32>,
        %mul3A_1902 = arith.mulf %gather3A_1901, %gather3A_1861 : vector<16xf32>
        tpu.vector_store_idx %arg15[%gather3A_1862, %add3A_1900], %mul3A_1902 {add = true} : memref<336x128xf32, #tpu.memory_space<vmem>>[vector<16xi32>, vector<16xi32>], vector<16xf32>,
        %scan3A_1903 = arith.constant 6 : i32
        %scan3A_1904 = arith.addi %scan3A_1628, %scan3A_1903 : i32
        %add3A_1905 = vector.broadcast %scan3A_1904 : i32 to vector<16xi32>
        %add3A_1906 = arith.addi %broadcast_in_dim3A_5, %add3A_1905 : vector<16xi32>
        %gather3A_1907 = tpu.vector_load_idx %arg11[%add3A_1906] : memref<64xf32, #tpu.memory_space<vmem>>[vector<16xi32>], vector<16xf32>,
        %gather3A_1908 = tpu.vector_load_idx %arg9[%add3A_1906] : memref<64xi32, #tpu.memory_space<vmem>>[vector<16xi32>], vector<16xi32>,
        %add3A_1909 = arith.constant 0 : i32
        %add3A_1910 = vector.broadcast %add3A_1909 : i32 to vector<16xi32>
        %add3A_1911 = arith.addi %iota3A, %add3A_1910 : vector<16xi32>
        %gather3A_1912 = tpu.vector_load_idx %arg10[%add3A_1906, %add3A_1911] : memref<64x128xf32, #tpu.memory_space<vmem>>[vector<16xi32>, vector<16xi32>], vector<16xf32>,
        %mul3A_1913 = arith.mulf %gather3A_1912, %gather3A_1907 : vector<16xf32>
        tpu.vector_store_idx %arg15[%gather3A_1908, %add3A_1911], %mul3A_1913 {add = true} : memref<336x128xf32, #tpu.memory_space<vmem>>[vector<16xi32>, vector<16xi32>], vector<16xf32>,
        %add3A_1914 = arith.constant 16 : i32
        %add3A_1915 = vector.broadcast %add3A_1914 : i32 to vector<16xi32>
        %add3A_1916 = arith.addi %iota3A, %add3A_1915 : vector<16xi32>
        %gather3A_1917 = tpu.vector_load_idx %arg10[%add3A_1906, %add3A_1916] : memref<64x128xf32, #tpu.memory_space<vmem>>[vector<16xi32>, vector<16xi32>], vector<16xf32>,
        %mul3A_1918 = arith.mulf %gather3A_1917, %gather3A_1907 : vector<16xf32>
        tpu.vector_store_idx %arg15[%gather3A_1908, %add3A_1916], %mul3A_1918 {add = true} : memref<336x128xf32, #tpu.memory_space<vmem>>[vector<16xi32>, vector<16xi32>], vector<16xf32>,
        %add3A_1919 = arith.constant 32 : i32
        %add3A_1920 = vector.broadcast %add3A_1919 : i32 to vector<16xi32>
        %add3A_1921 = arith.addi %iota3A, %add3A_1920 : vector<16xi32>
        %gather3A_1922 = tpu.vector_load_idx %arg10[%add3A_1906, %add3A_1921] : memref<64x128xf32, #tpu.memory_space<vmem>>[vector<16xi32>, vector<16xi32>], vector<16xf32>,
        %mul3A_1923 = arith.mulf %gather3A_1922, %gather3A_1907 : vector<16xf32>
        tpu.vector_store_idx %arg15[%gather3A_1908, %add3A_1921], %mul3A_1923 {add = true} : memref<336x128xf32, #tpu.memory_space<vmem>>[vector<16xi32>, vector<16xi32>], vector<16xf32>,
        %add3A_1924 = arith.constant 48 : i32
        %add3A_1925 = vector.broadcast %add3A_1924 : i32 to vector<16xi32>
        %add3A_1926 = arith.addi %iota3A, %add3A_1925 : vector<16xi32>
        %gather3A_1927 = tpu.vector_load_idx %arg10[%add3A_1906, %add3A_1926] : memref<64x128xf32, #tpu.memory_space<vmem>>[vector<16xi32>, vector<16xi32>], vector<16xf32>,
        %mul3A_1928 = arith.mulf %gather3A_1927, %gather3A_1907 : vector<16xf32>
        tpu.vector_store_idx %arg15[%gather3A_1908, %add3A_1926], %mul3A_1928 {add = true} : memref<336x128xf32, #tpu.memory_space<vmem>>[vector<16xi32>, vector<16xi32>], vector<16xf32>,
        %add3A_1929 = arith.constant 64 : i32
        %add3A_1930 = vector.broadcast %add3A_1929 : i32 to vector<16xi32>
        %add3A_1931 = arith.addi %iota3A, %add3A_1930 : vector<16xi32>
        %gather3A_1932 = tpu.vector_load_idx %arg10[%add3A_1906, %add3A_1931] : memref<64x128xf32, #tpu.memory_space<vmem>>[vector<16xi32>, vector<16xi32>], vector<16xf32>,
        %mul3A_1933 = arith.mulf %gather3A_1932, %gather3A_1907 : vector<16xf32>
        tpu.vector_store_idx %arg15[%gather3A_1908, %add3A_1931], %mul3A_1933 {add = true} : memref<336x128xf32, #tpu.memory_space<vmem>>[vector<16xi32>, vector<16xi32>], vector<16xf32>,
        %add3A_1934 = arith.constant 80 : i32
        %add3A_1935 = vector.broadcast %add3A_1934 : i32 to vector<16xi32>
        %add3A_1936 = arith.addi %iota3A, %add3A_1935 : vector<16xi32>
        %gather3A_1937 = tpu.vector_load_idx %arg10[%add3A_1906, %add3A_1936] : memref<64x128xf32, #tpu.memory_space<vmem>>[vector<16xi32>, vector<16xi32>], vector<16xf32>,
        %mul3A_1938 = arith.mulf %gather3A_1937, %gather3A_1907 : vector<16xf32>
        tpu.vector_store_idx %arg15[%gather3A_1908, %add3A_1936], %mul3A_1938 {add = true} : memref<336x128xf32, #tpu.memory_space<vmem>>[vector<16xi32>, vector<16xi32>], vector<16xf32>,
        %add3A_1939 = arith.constant 96 : i32
        %add3A_1940 = vector.broadcast %add3A_1939 : i32 to vector<16xi32>
        %add3A_1941 = arith.addi %iota3A, %add3A_1940 : vector<16xi32>
        %gather3A_1942 = tpu.vector_load_idx %arg10[%add3A_1906, %add3A_1941] : memref<64x128xf32, #tpu.memory_space<vmem>>[vector<16xi32>, vector<16xi32>], vector<16xf32>,
        %mul3A_1943 = arith.mulf %gather3A_1942, %gather3A_1907 : vector<16xf32>
        tpu.vector_store_idx %arg15[%gather3A_1908, %add3A_1941], %mul3A_1943 {add = true} : memref<336x128xf32, #tpu.memory_space<vmem>>[vector<16xi32>, vector<16xi32>], vector<16xf32>,
        %add3A_1944 = arith.constant 112 : i32
        %add3A_1945 = vector.broadcast %add3A_1944 : i32 to vector<16xi32>
        %add3A_1946 = arith.addi %iota3A, %add3A_1945 : vector<16xi32>
        %gather3A_1947 = tpu.vector_load_idx %arg10[%add3A_1906, %add3A_1946] : memref<64x128xf32, #tpu.memory_space<vmem>>[vector<16xi32>, vector<16xi32>], vector<16xf32>,
        %mul3A_1948 = arith.mulf %gather3A_1947, %gather3A_1907 : vector<16xf32>
        tpu.vector_store_idx %arg15[%gather3A_1908, %add3A_1946], %mul3A_1948 {add = true} : memref<336x128xf32, #tpu.memory_space<vmem>>[vector<16xi32>, vector<16xi32>], vector<16xf32>,
        %scan3A_1949 = arith.constant 7 : i32
        %scan3A_1950 = arith.addi %scan3A_1628, %scan3A_1949 : i32
        %add3A_1951 = vector.broadcast %scan3A_1950 : i32 to vector<16xi32>
        %add3A_1952 = arith.addi %broadcast_in_dim3A_5, %add3A_1951 : vector<16xi32>
        %gather3A_1953 = tpu.vector_load_idx %arg11[%add3A_1952] : memref<64xf32, #tpu.memory_space<vmem>>[vector<16xi32>], vector<16xf32>,
        %gather3A_1954 = tpu.vector_load_idx %arg9[%add3A_1952] : memref<64xi32, #tpu.memory_space<vmem>>[vector<16xi32>], vector<16xi32>,
        %add3A_1955 = arith.constant 0 : i32
        %add3A_1956 = vector.broadcast %add3A_1955 : i32 to vector<16xi32>
        %add3A_1957 = arith.addi %iota3A, %add3A_1956 : vector<16xi32>
        %gather3A_1958 = tpu.vector_load_idx %arg10[%add3A_1952, %add3A_1957] : memref<64x128xf32, #tpu.memory_space<vmem>>[vector<16xi32>, vector<16xi32>], vector<16xf32>,
        %mul3A_1959 = arith.mulf %gather3A_1958, %gather3A_1953 : vector<16xf32>
        tpu.vector_store_idx %arg15[%gather3A_1954, %add3A_1957], %mul3A_1959 {add = true} : memref<336x128xf32, #tpu.memory_space<vmem>>[vector<16xi32>, vector<16xi32>], vector<16xf32>,
        %add3A_1960 = arith.constant 16 : i32
        %add3A_1961 = vector.broadcast %add3A_1960 : i32 to vector<16xi32>
        %add3A_1962 = arith.addi %iota3A, %add3A_1961 : vector<16xi32>
        %gather3A_1963 = tpu.vector_load_idx %arg10[%add3A_1952, %add3A_1962] : memref<64x128xf32, #tpu.memory_space<vmem>>[vector<16xi32>, vector<16xi32>], vector<16xf32>,
        %mul3A_1964 = arith.mulf %gather3A_1963, %gather3A_1953 : vector<16xf32>
        tpu.vector_store_idx %arg15[%gather3A_1954, %add3A_1962], %mul3A_1964 {add = true} : memref<336x128xf32, #tpu.memory_space<vmem>>[vector<16xi32>, vector<16xi32>], vector<16xf32>,
        %add3A_1965 = arith.constant 32 : i32
        %add3A_1966 = vector.broadcast %add3A_1965 : i32 to vector<16xi32>
        %add3A_1967 = arith.addi %iota3A, %add3A_1966 : vector<16xi32>
        %gather3A_1968 = tpu.vector_load_idx %arg10[%add3A_1952, %add3A_1967] : memref<64x128xf32, #tpu.memory_space<vmem>>[vector<16xi32>, vector<16xi32>], vector<16xf32>,
        %mul3A_1969 = arith.mulf %gather3A_1968, %gather3A_1953 : vector<16xf32>
        tpu.vector_store_idx %arg15[%gather3A_1954, %add3A_1967], %mul3A_1969 {add = true} : memref<336x128xf32, #tpu.memory_space<vmem>>[vector<16xi32>, vector<16xi32>], vector<16xf32>,
        %add3A_1970 = arith.constant 48 : i32
        %add3A_1971 = vector.broadcast %add3A_1970 : i32 to vector<16xi32>
        %add3A_1972 = arith.addi %iota3A, %add3A_1971 : vector<16xi32>
        %gather3A_1973 = tpu.vector_load_idx %arg10[%add3A_1952, %add3A_1972] : memref<64x128xf32, #tpu.memory_space<vmem>>[vector<16xi32>, vector<16xi32>], vector<16xf32>,
        %mul3A_1974 = arith.mulf %gather3A_1973, %gather3A_1953 : vector<16xf32>
        tpu.vector_store_idx %arg15[%gather3A_1954, %add3A_1972], %mul3A_1974 {add = true} : memref<336x128xf32, #tpu.memory_space<vmem>>[vector<16xi32>, vector<16xi32>], vector<16xf32>,
        %add3A_1975 = arith.constant 64 : i32
        %add3A_1976 = vector.broadcast %add3A_1975 : i32 to vector<16xi32>
        %add3A_1977 = arith.addi %iota3A, %add3A_1976 : vector<16xi32>
        %gather3A_1978 = tpu.vector_load_idx %arg10[%add3A_1952, %add3A_1977] : memref<64x128xf32, #tpu.memory_space<vmem>>[vector<16xi32>, vector<16xi32>], vector<16xf32>,
        %mul3A_1979 = arith.mulf %gather3A_1978, %gather3A_1953 : vector<16xf32>
        tpu.vector_store_idx %arg15[%gather3A_1954, %add3A_1977], %mul3A_1979 {add = true} : memref<336x128xf32, #tpu.memory_space<vmem>>[vector<16xi32>, vector<16xi32>], vector<16xf32>,
        %add3A_1980 = arith.constant 80 : i32
        %add3A_1981 = vector.broadcast %add3A_1980 : i32 to vector<16xi32>
        %add3A_1982 = arith.addi %iota3A, %add3A_1981 : vector<16xi32>
        %gather3A_1983 = tpu.vector_load_idx %arg10[%add3A_1952, %add3A_1982] : memref<64x128xf32, #tpu.memory_space<vmem>>[vector<16xi32>, vector<16xi32>], vector<16xf32>,
        %mul3A_1984 = arith.mulf %gather3A_1983, %gather3A_1953 : vector<16xf32>
        tpu.vector_store_idx %arg15[%gather3A_1954, %add3A_1982], %mul3A_1984 {add = true} : memref<336x128xf32, #tpu.memory_space<vmem>>[vector<16xi32>, vector<16xi32>], vector<16xf32>,
        %add3A_1985 = arith.constant 96 : i32
        %add3A_1986 = vector.broadcast %add3A_1985 : i32 to vector<16xi32>
        %add3A_1987 = arith.addi %iota3A, %add3A_1986 : vector<16xi32>
        %gather3A_1988 = tpu.vector_load_idx %arg10[%add3A_1952, %add3A_1987] : memref<64x128xf32, #tpu.memory_space<vmem>>[vector<16xi32>, vector<16xi32>], vector<16xf32>,
        %mul3A_1989 = arith.mulf %gather3A_1988, %gather3A_1953 : vector<16xf32>
        tpu.vector_store_idx %arg15[%gather3A_1954, %add3A_1987], %mul3A_1989 {add = true} : memref<336x128xf32, #tpu.memory_space<vmem>>[vector<16xi32>, vector<16xi32>], vector<16xf32>,
        %add3A_1990 = arith.constant 112 : i32
        %add3A_1991 = vector.broadcast %add3A_1990 : i32 to vector<16xi32>
        %add3A_1992 = arith.addi %iota3A, %add3A_1991 : vector<16xi32>
        %gather3A_1993 = tpu.vector_load_idx %arg10[%add3A_1952, %add3A_1992] : memref<64x128xf32, #tpu.memory_space<vmem>>[vector<16xi32>, vector<16xi32>], vector<16xf32>,
        %mul3A_1994 = arith.mulf %gather3A_1993, %gather3A_1953 : vector<16xf32>
        tpu.vector_store_idx %arg15[%gather3A_1954, %add3A_1992], %mul3A_1994 {add = true} : memref<336x128xf32, #tpu.memory_space<vmem>>[vector<16xi32>, vector<16xi32>], vector<16xf32>,
      }
      %scan3A_1627 = arith.constant 64 : i32
    }
    %scan3A_22 = arith.constant 224 : i32
    %add3A_23 = arith.constant 0 : i32
    %add3A_24 = arith.addi %mul3A_2, %add3A_23 : i32
    %add3A_25 = arith.constant 0 : i32
    %add3A_26 = arith.addi %add3A_24, %add3A_25 : i32
    %add3A_27 = vector.broadcast %add3A_26 : i32 to vector<16xi32>
    %add3A_28 = arith.addi %add3A_27, %iota3A : vector<16xi32>
    %min3A = arith.constant 9999 : i32
    %min3A_29 = vector.broadcast %min3A : i32 to vector<16xi32>
    %min3A_30 = arith.minsi %add3A_28, %min3A_29 : vector<16xi32>
    %swap3A = arith.constant 0 : index
    %swap3A_31 = tpu.vector_load %arg7[%swap3A] {strides = array<i32>} : memref<64xi32, #tpu.memory_space<vmem>>, vector<16xi32>,
    tpu.vector_store %arg7[%swap3A], %min3A_30 {strides = array<i32>} : memref<64xi32, #tpu.memory_space<vmem>>, vector<16xi32>,
    %add3A_32 = arith.constant 0 : i32
    %add3A_33 = arith.addi %mul3A_2, %add3A_32 : i32
    %add3A_34 = arith.constant 16 : i32
    %add3A_35 = arith.addi %add3A_33, %add3A_34 : i32
    %add3A_36 = vector.broadcast %add3A_35 : i32 to vector<16xi32>
    %add3A_37 = arith.addi %add3A_36, %iota3A : vector<16xi32>
    %min3A_38 = arith.constant 9999 : i32
    %min3A_39 = vector.broadcast %min3A_38 : i32 to vector<16xi32>
    %min3A_40 = arith.minsi %add3A_37, %min3A_39 : vector<16xi32>
    %swap3A_41 = arith.constant 16 : index
    %swap3A_42 = tpu.vector_load %arg7[%swap3A_41] {strides = array<i32>} : memref<64xi32, #tpu.memory_space<vmem>>, vector<16xi32>,
    tpu.vector_store %arg7[%swap3A_41], %min3A_40 {strides = array<i32>} : memref<64xi32, #tpu.memory_space<vmem>>, vector<16xi32>,
    %add3A_43 = arith.constant 0 : i32
    %add3A_44 = arith.addi %mul3A_2, %add3A_43 : i32
    %add3A_45 = arith.constant 32 : i32
    %add3A_46 = arith.addi %add3A_44, %add3A_45 : i32
    %add3A_47 = vector.broadcast %add3A_46 : i32 to vector<16xi32>
    %add3A_48 = arith.addi %add3A_47, %iota3A : vector<16xi32>
    %min3A_49 = arith.constant 9999 : i32
    %min3A_50 = vector.broadcast %min3A_49 : i32 to vector<16xi32>
    %min3A_51 = arith.minsi %add3A_48, %min3A_50 : vector<16xi32>
    %swap3A_52 = arith.constant 32 : index
    %swap3A_53 = tpu.vector_load %arg7[%swap3A_52] {strides = array<i32>} : memref<64xi32, #tpu.memory_space<vmem>>, vector<16xi32>,
    tpu.vector_store %arg7[%swap3A_52], %min3A_51 {strides = array<i32>} : memref<64xi32, #tpu.memory_space<vmem>>, vector<16xi32>,
    %add3A_54 = arith.constant 0 : i32
    %add3A_55 = arith.addi %mul3A_2, %add3A_54 : i32
    %add3A_56 = arith.constant 48 : i32
    %add3A_57 = arith.addi %add3A_55, %add3A_56 : i32
    %add3A_58 = vector.broadcast %add3A_57 : i32 to vector<16xi32>
    %add3A_59 = arith.addi %add3A_58, %iota3A : vector<16xi32>
    %min3A_60 = arith.constant 9999 : i32
    %min3A_61 = vector.broadcast %min3A_60 : i32 to vector<16xi32>
    %min3A_62 = arith.minsi %add3A_59, %min3A_61 : vector<16xi32>
    %swap3A_63 = arith.constant 48 : index
    %swap3A_64 = tpu.vector_load %arg7[%swap3A_63] {strides = array<i32>} : memref<64xi32, #tpu.memory_space<vmem>>, vector<16xi32>,
    tpu.vector_store %arg7[%swap3A_63], %min3A_62 {strides = array<i32>} : memref<64xi32, #tpu.memory_space<vmem>>, vector<16xi32>,
    %dma_start3A = arith.constant 0 : i32
    %dma_start3A_65 = arith.constant 0 : i32
    %dma_start3A_66 = tpu.memref_slice %arg2[%dma_start3A, %dma_start3A_65] : memref<10000x128xf32, #tpu.memory_space<hbm>> -> memref<10000x128xf32, #tpu.memory_space<hbm>>
    tpu.enqueue_indirect_dma source(%dma_start3A_66 : memref<10000x128xf32, #tpu.memory_space<hbm>>) target(%arg10 : memref<64x128xf32, #tpu.memory_space<vmem>>) offsets(%arg7 : memref<64xi32, #tpu.memory_space<vmem>>) semaphore(%arg16 : memref<!tpu.dma_semaphore, #tpu.memory_space<semaphore_mem>>)
    %add3A_67 = arith.constant 0 : i32
    %add3A_68 = arith.addi %mul3A_2, %add3A_67 : i32
    %add3A_69 = arith.constant 0 : i32
    %add3A_70 = arith.addi %add3A_68, %add3A_69 : i32
    %add3A_71 = vector.broadcast %add3A_70 : i32 to vector<16xi32>
    %add3A_72 = arith.addi %add3A_71, %iota3A : vector<16xi32>
    %min3A_73 = arith.constant 9999 : i32
    %min3A_74 = vector.broadcast %min3A_73 : i32 to vector<16xi32>
    %min3A_75 = arith.minsi %add3A_72, %min3A_74 : vector<16xi32>
    %mul3A_76 = arith.constant 2 : i32
    %mul3A_77 = vector.broadcast %mul3A_76 : i32 to vector<16xi32>
    %mul3A_78 = arith.muli %min3A_75, %mul3A_77 : vector<16xi32>
    %gather3A = tpu.vector_load_idx %arg12[%mul3A_78] : memref<20480xf32, #tpu.memory_space<vmem>>[vector<16xi32>], vector<16xf32>,
    %mul3A_79 = arith.constant 2 : i32
    %mul3A_80 = vector.broadcast %mul3A_79 : i32 to vector<16xi32>
    %mul3A_81 = arith.muli %min3A_75, %mul3A_80 : vector<16xi32>
    %add3A_82 = arith.constant 1 : i32
    %add3A_83 = vector.broadcast %add3A_82 : i32 to vector<16xi32>
    %add3A_84 = arith.addi %mul3A_81, %add3A_83 : vector<16xi32>
    %gather3A_85 = tpu.vector_load_idx %arg12[%add3A_84] : memref<20480xf32, #tpu.memory_space<vmem>>[vector<16xi32>], vector<16xf32>,
    %add3A_86 = arith.addf %gather3A, %gather3A_85 : vector<16xf32>
    %ge3A = arith.constant 0.000000e+00 : f32
    %ge3A_87 = vector.broadcast %ge3A : f32 to vector<16xf32>
    %ge3A_88 = arith.cmpf oge, %add3A_86, %ge3A_87 : vector<16xf32>
    %mul3A_89 = arith.constant 2.000000e-01 : f32
    %mul3A_90 = vector.broadcast %mul3A_89 : f32 to vector<16xf32>
    %mul3A_91 = arith.mulf %add3A_86, %mul3A_90 : vector<16xf32>
    %select_n3A = arith.select %ge3A_88, %add3A_86, %mul3A_91 : vector<16xi1>, vector<16xf32>
    %exp3A = math.exp %select_n3A : vector<16xf32>
    %swap3A_92 = arith.constant 0 : index
    %swap3A_93 = tpu.vector_load %arg11[%swap3A_92] {strides = array<i32>} : memref<64xf32, #tpu.memory_space<vmem>>, vector<16xf32>,
    tpu.vector_store %arg11[%swap3A_92], %exp3A {strides = array<i32>} : memref<64xf32, #tpu.memory_space<vmem>>, vector<16xf32>,
    %get3A = arith.constant 0 : index
    %get3A_94 = tpu.vector_load %arg13[%get3A] {strides = array<i32>} : memref<336xf32, #tpu.memory_space<vmem>>, vector<16xf32>,
    %add3A_95 = arith.addf %get3A_94, %exp3A : vector<16xf32>
    %add3A_96 = arith.constant 1.000000e-16 : f32
    %add3A_97 = vector.broadcast %add3A_96 : f32 to vector<16xf32>
    %add3A_98 = arith.addf %add3A_95, %add3A_97 : vector<16xf32>
    %div3A = arith.constant 1.000000e+00 : f32
    %div3A_99 = vector.broadcast %div3A : f32 to vector<16xf32>
    %div3A_100 = arith.divf %div3A_99, %add3A_98 : vector<16xf32>
    %swap3A_101 = arith.constant 0 : index
    %swap3A_102 = tpu.vector_load %arg14[%swap3A_101] {strides = array<i32>} : memref<64xf32, #tpu.memory_space<vmem>>, vector<16xf32>,
    tpu.vector_store %arg14[%swap3A_101], %div3A_100 {strides = array<i32>} : memref<64xf32, #tpu.memory_space<vmem>>, vector<16xf32>,
    %add3A_103 = arith.constant 0 : i32
    %add3A_104 = arith.addi %mul3A_2, %add3A_103 : i32
    %add3A_105 = arith.constant 16 : i32
    %add3A_106 = arith.addi %add3A_104, %add3A_105 : i32
    %add3A_107 = vector.broadcast %add3A_106 : i32 to vector<16xi32>
    %add3A_108 = arith.addi %add3A_107, %iota3A : vector<16xi32>
    %min3A_109 = arith.constant 9999 : i32
    %min3A_110 = vector.broadcast %min3A_109 : i32 to vector<16xi32>
    %min3A_111 = arith.minsi %add3A_108, %min3A_110 : vector<16xi32>
    %mul3A_112 = arith.constant 2 : i32
    %mul3A_113 = vector.broadcast %mul3A_112 : i32 to vector<16xi32>
    %mul3A_114 = arith.muli %min3A_111, %mul3A_113 : vector<16xi32>
    %gather3A_115 = tpu.vector_load_idx %arg12[%mul3A_114] : memref<20480xf32, #tpu.memory_space<vmem>>[vector<16xi32>], vector<16xf32>,
    %mul3A_116 = arith.constant 2 : i32
    %mul3A_117 = vector.broadcast %mul3A_116 : i32 to vector<16xi32>
    %mul3A_118 = arith.muli %min3A_111, %mul3A_117 : vector<16xi32>
    %add3A_119 = arith.constant 1 : i32
    %add3A_120 = vector.broadcast %add3A_119 : i32 to vector<16xi32>
    %add3A_121 = arith.addi %mul3A_118, %add3A_120 : vector<16xi32>
    %gather3A_122 = tpu.vector_load_idx %arg12[%add3A_121] : memref<20480xf32, #tpu.memory_space<vmem>>[vector<16xi32>], vector<16xf32>,
    %add3A_123 = arith.addf %gather3A_115, %gather3A_122 : vector<16xf32>
    %ge3A_124 = arith.constant 0.000000e+00 : f32
    %ge3A_125 = vector.broadcast %ge3A_124 : f32 to vector<16xf32>
    %ge3A_126 = arith.cmpf oge, %add3A_123, %ge3A_125 : vector<16xf32>
    %mul3A_127 = arith.constant 2.000000e-01 : f32
    %mul3A_128 = vector.broadcast %mul3A_127 : f32 to vector<16xf32>
    %mul3A_129 = arith.mulf %add3A_123, %mul3A_128 : vector<16xf32>
    %select_n3A_130 = arith.select %ge3A_126, %add3A_123, %mul3A_129 : vector<16xi1>, vector<16xf32>
    %exp3A_131 = math.exp %select_n3A_130 : vector<16xf32>
    %swap3A_132 = arith.constant 16 : index
    %swap3A_133 = tpu.vector_load %arg11[%swap3A_132] {strides = array<i32>} : memref<64xf32, #tpu.memory_space<vmem>>, vector<16xf32>,
    tpu.vector_store %arg11[%swap3A_132], %exp3A_131 {strides = array<i32>} : memref<64xf32, #tpu.memory_space<vmem>>, vector<16xf32>,
    %get3A_134 = arith.constant 16 : index
    %get3A_135 = tpu.vector_load %arg13[%get3A_134] {strides = array<i32>} : memref<336xf32, #tpu.memory_space<vmem>>, vector<16xf32>,
    %add3A_136 = arith.addf %get3A_135, %exp3A_131 : vector<16xf32>
    %add3A_137 = arith.constant 1.000000e-16 : f32
    %add3A_138 = vector.broadcast %add3A_137 : f32 to vector<16xf32>
    %add3A_139 = arith.addf %add3A_136, %add3A_138 : vector<16xf32>
    %div3A_140 = arith.constant 1.000000e+00 : f32
    %div3A_141 = vector.broadcast %div3A_140 : f32 to vector<16xf32>
    %div3A_142 = arith.divf %div3A_141, %add3A_139 : vector<16xf32>
    %swap3A_143 = arith.constant 16 : index
    %swap3A_144 = tpu.vector_load %arg14[%swap3A_143] {strides = array<i32>} : memref<64xf32, #tpu.memory_space<vmem>>, vector<16xf32>,
    tpu.vector_store %arg14[%swap3A_143], %div3A_142 {strides = array<i32>} : memref<64xf32, #tpu.memory_space<vmem>>, vector<16xf32>,
    %add3A_145 = arith.constant 0 : i32
    %add3A_146 = arith.addi %mul3A_2, %add3A_145 : i32
    %add3A_147 = arith.constant 32 : i32
    %add3A_148 = arith.addi %add3A_146, %add3A_147 : i32
    %add3A_149 = vector.broadcast %add3A_148 : i32 to vector<16xi32>
    %add3A_150 = arith.addi %add3A_149, %iota3A : vector<16xi32>
    %min3A_151 = arith.constant 9999 : i32
    %min3A_152 = vector.broadcast %min3A_151 : i32 to vector<16xi32>
    %min3A_153 = arith.minsi %add3A_150, %min3A_152 : vector<16xi32>
    %mul3A_154 = arith.constant 2 : i32
    %mul3A_155 = vector.broadcast %mul3A_154 : i32 to vector<16xi32>
    %mul3A_156 = arith.muli %min3A_153, %mul3A_155 : vector<16xi32>
    %gather3A_157 = tpu.vector_load_idx %arg12[%mul3A_156] : memref<20480xf32, #tpu.memory_space<vmem>>[vector<16xi32>], vector<16xf32>,
    %mul3A_158 = arith.constant 2 : i32
    %mul3A_159 = vector.broadcast %mul3A_158 : i32 to vector<16xi32>
    %mul3A_160 = arith.muli %min3A_153, %mul3A_159 : vector<16xi32>
    %add3A_161 = arith.constant 1 : i32
    %add3A_162 = vector.broadcast %add3A_161 : i32 to vector<16xi32>
    %add3A_163 = arith.addi %mul3A_160, %add3A_162 : vector<16xi32>
    %gather3A_164 = tpu.vector_load_idx %arg12[%add3A_163] : memref<20480xf32, #tpu.memory_space<vmem>>[vector<16xi32>], vector<16xf32>,
    %add3A_165 = arith.addf %gather3A_157, %gather3A_164 : vector<16xf32>
    %ge3A_166 = arith.constant 0.000000e+00 : f32
    %ge3A_167 = vector.broadcast %ge3A_166 : f32 to vector<16xf32>
    %ge3A_168 = arith.cmpf oge, %add3A_165, %ge3A_167 : vector<16xf32>
    %mul3A_169 = arith.constant 2.000000e-01 : f32
    %mul3A_170 = vector.broadcast %mul3A_169 : f32 to vector<16xf32>
    %mul3A_171 = arith.mulf %add3A_165, %mul3A_170 : vector<16xf32>
    %select_n3A_172 = arith.select %ge3A_168, %add3A_165, %mul3A_171 : vector<16xi1>, vector<16xf32>
    %exp3A_173 = math.exp %select_n3A_172 : vector<16xf32>
    %swap3A_174 = arith.constant 32 : index
    %swap3A_175 = tpu.vector_load %arg11[%swap3A_174] {strides = array<i32>} : memref<64xf32, #tpu.memory_space<vmem>>, vector<16xf32>,
    tpu.vector_store %arg11[%swap3A_174], %exp3A_173 {strides = array<i32>} : memref<64xf32, #tpu.memory_space<vmem>>, vector<16xf32>,
    %get3A_176 = arith.constant 32 : index
    %get3A_177 = tpu.vector_load %arg13[%get3A_176] {strides = array<i32>} : memref<336xf32, #tpu.memory_space<vmem>>, vector<16xf32>,
    %add3A_178 = arith.addf %get3A_177, %exp3A_173 : vector<16xf32>
    %add3A_179 = arith.constant 1.000000e-16 : f32
    %add3A_180 = vector.broadcast %add3A_179 : f32 to vector<16xf32>
    %add3A_181 = arith.addf %add3A_178, %add3A_180 : vector<16xf32>
    %div3A_182 = arith.constant 1.000000e+00 : f32
    %div3A_183 = vector.broadcast %div3A_182 : f32 to vector<16xf32>
    %div3A_184 = arith.divf %div3A_183, %add3A_181 : vector<16xf32>
    %swap3A_185 = arith.constant 32 : index
    %swap3A_186 = tpu.vector_load %arg14[%swap3A_185] {strides = array<i32>} : memref<64xf32, #tpu.memory_space<vmem>>, vector<16xf32>,
    tpu.vector_store %arg14[%swap3A_185], %div3A_184 {strides = array<i32>} : memref<64xf32, #tpu.memory_space<vmem>>, vector<16xf32>,
    %add3A_187 = arith.constant 0 : i32
    %add3A_188 = arith.addi %mul3A_2, %add3A_187 : i32
    %add3A_189 = arith.constant 48 : i32
    %add3A_190 = arith.addi %add3A_188, %add3A_189 : i32
    %add3A_191 = vector.broadcast %add3A_190 : i32 to vector<16xi32>
    %add3A_192 = arith.addi %add3A_191, %iota3A : vector<16xi32>
    %min3A_193 = arith.constant 9999 : i32
    %min3A_194 = vector.broadcast %min3A_193 : i32 to vector<16xi32>
    %min3A_195 = arith.minsi %add3A_192, %min3A_194 : vector<16xi32>
    %mul3A_196 = arith.constant 2 : i32
    %mul3A_197 = vector.broadcast %mul3A_196 : i32 to vector<16xi32>
    %mul3A_198 = arith.muli %min3A_195, %mul3A_197 : vector<16xi32>
    %gather3A_199 = tpu.vector_load_idx %arg12[%mul3A_198] : memref<20480xf32, #tpu.memory_space<vmem>>[vector<16xi32>], vector<16xf32>,
    %mul3A_200 = arith.constant 2 : i32
    %mul3A_201 = vector.broadcast %mul3A_200 : i32 to vector<16xi32>
    %mul3A_202 = arith.muli %min3A_195, %mul3A_201 : vector<16xi32>
    %add3A_203 = arith.constant 1 : i32
    %add3A_204 = vector.broadcast %add3A_203 : i32 to vector<16xi32>
    %add3A_205 = arith.addi %mul3A_202, %add3A_204 : vector<16xi32>
    %gather3A_206 = tpu.vector_load_idx %arg12[%add3A_205] : memref<20480xf32, #tpu.memory_space<vmem>>[vector<16xi32>], vector<16xf32>,
    %add3A_207 = arith.addf %gather3A_199, %gather3A_206 : vector<16xf32>
    %ge3A_208 = arith.constant 0.000000e+00 : f32
    %ge3A_209 = vector.broadcast %ge3A_208 : f32 to vector<16xf32>
    %ge3A_210 = arith.cmpf oge, %add3A_207, %ge3A_209 : vector<16xf32>
    %mul3A_211 = arith.constant 2.000000e-01 : f32
    %mul3A_212 = vector.broadcast %mul3A_211 : f32 to vector<16xf32>
    %mul3A_213 = arith.mulf %add3A_207, %mul3A_212 : vector<16xf32>
    %select_n3A_214 = arith.select %ge3A_210, %add3A_207, %mul3A_213 : vector<16xi1>, vector<16xf32>
    %exp3A_215 = math.exp %select_n3A_214 : vector<16xf32>
    %swap3A_216 = arith.constant 48 : index
    %swap3A_217 = tpu.vector_load %arg11[%swap3A_216] {strides = array<i32>} : memref<64xf32, #tpu.memory_space<vmem>>, vector<16xf32>,
    tpu.vector_store %arg11[%swap3A_216], %exp3A_215 {strides = array<i32>} : memref<64xf32, #tpu.memory_space<vmem>>, vector<16xf32>,
    %get3A_218 = arith.constant 48 : index
    %get3A_219 = tpu.vector_load %arg13[%get3A_218] {strides = array<i32>} : memref<336xf32, #tpu.memory_space<vmem>>, vector<16xf32>,
    %add3A_220 = arith.addf %get3A_219, %exp3A_215 : vector<16xf32>
    %add3A_221 = arith.constant 1.000000e-16 : f32
    %add3A_222 = vector.broadcast %add3A_221 : f32 to vector<16xf32>
    %add3A_223 = arith.addf %add3A_220, %add3A_222 : vector<16xf32>
    %div3A_224 = arith.constant 1.000000e+00 : f32
    %div3A_225 = vector.broadcast %div3A_224 : f32 to vector<16xf32>
    %div3A_226 = arith.divf %div3A_225, %add3A_223 : vector<16xf32>
    %swap3A_227 = arith.constant 48 : index
    %swap3A_228 = tpu.vector_load %arg14[%swap3A_227] {strides = array<i32>} : memref<64xf32, #tpu.memory_space<vmem>>, vector<16xf32>,
    tpu.vector_store %arg14[%swap3A_227], %div3A_226 {strides = array<i32>} : memref<64xf32, #tpu.memory_space<vmem>>, vector<16xf32>,
    %dma_wait3A = arith.constant 0 : i32
    %dma_wait3A_229 = arith.constant 0 : i32
    %dma_wait3A_230 = tpu.memref_slice %arg2[%dma_wait3A, %dma_wait3A_229] : memref<10000x128xf32, #tpu.memory_space<hbm>> -> memref<10000x128xf32, #tpu.memory_space<hbm>>
    tpu.wait_indirect_dma semaphore(%arg16 : memref<!tpu.dma_semaphore, #tpu.memory_space<semaphore_mem>>) src(%dma_wait3A_230 : memref<10000x128xf32, #tpu.memory_space<hbm>>) dst(%arg10 : memref<64x128xf32, #tpu.memory_space<vmem>>)
    %scan3A_231 = arith.constant 0 : i32
    %scan3A_232 = arith.constant 0 : i32
    %scan3A_233 = arith.constant 64 : i32
    %scan3A_234 = arith.addi %scan3A_232, %scan3A_233 : i32
    %scan3A_235 = arith.constant 1 : i32
    scf.for %scan3A_1143 = %scan3A_232 to %scan3A_234 step %scan3A_235  : i32 {
      %add3A_1144 = vector.broadcast %scan3A_1143 : i32 to vector<16xi32>
      %add3A_1145 = arith.addi %broadcast_in_dim3A_5, %add3A_1144 : vector<16xi32>
      %gather3A_1146 = tpu.vector_load_idx %arg11[%add3A_1145] : memref<64xf32, #tpu.memory_space<vmem>>[vector<16xi32>], vector<16xf32>,
      %gather3A_1147 = tpu.vector_load_idx %arg14[%add3A_1145] : memref<64xf32, #tpu.memory_space<vmem>>[vector<16xi32>], vector<16xf32>,
      %add3A_1148 = arith.constant 0 : i32
      %add3A_1149 = vector.broadcast %add3A_1148 : i32 to vector<16xi32>
      %add3A_1150 = arith.addi %broadcast_in_dim3A_5, %add3A_1149 : vector<16xi32>
      %add3A_1151 = vector.broadcast %scan3A_1143 : i32 to vector<16xi32>
      %add3A_1152 = arith.addi %add3A_1150, %add3A_1151 : vector<16xi32>
      %add3A_1153 = arith.constant 0 : i32
      %add3A_1154 = vector.broadcast %add3A_1153 : i32 to vector<16xi32>
      %add3A_1155 = arith.addi %iota3A, %add3A_1154 : vector<16xi32>
      %gather3A_1156 = tpu.vector_load_idx %arg15[%add3A_1152, %add3A_1155] : memref<336x128xf32, #tpu.memory_space<vmem>>[vector<16xi32>, vector<16xi32>], vector<16xf32>,
      %gather3A_1157 = tpu.vector_load_idx %arg10[%add3A_1145, %add3A_1155] : memref<64x128xf32, #tpu.memory_space<vmem>>[vector<16xi32>, vector<16xi32>], vector<16xf32>,
      %mul3A_1158 = arith.mulf %gather3A_1146, %gather3A_1157 : vector<16xf32>
      %add3A_1159 = arith.addf %gather3A_1156, %mul3A_1158 : vector<16xf32>
      %mul3A_1160 = arith.mulf %add3A_1159, %gather3A_1147 : vector<16xf32>
      tpu.vector_store_idx %arg15[%add3A_1152, %add3A_1155], %mul3A_1160 : memref<336x128xf32, #tpu.memory_space<vmem>>[vector<16xi32>, vector<16xi32>], vector<16xf32>,
      %add3A_1161 = arith.constant 16 : i32
      %add3A_1162 = vector.broadcast %add3A_1161 : i32 to vector<16xi32>
      %add3A_1163 = arith.addi %iota3A, %add3A_1162 : vector<16xi32>
      %gather3A_1164 = tpu.vector_load_idx %arg15[%add3A_1152, %add3A_1163] : memref<336x128xf32, #tpu.memory_space<vmem>>[vector<16xi32>, vector<16xi32>], vector<16xf32>,
      %gather3A_1165 = tpu.vector_load_idx %arg10[%add3A_1145, %add3A_1163] : memref<64x128xf32, #tpu.memory_space<vmem>>[vector<16xi32>, vector<16xi32>], vector<16xf32>,
      %mul3A_1166 = arith.mulf %gather3A_1146, %gather3A_1165 : vector<16xf32>
      %add3A_1167 = arith.addf %gather3A_1164, %mul3A_1166 : vector<16xf32>
      %mul3A_1168 = arith.mulf %add3A_1167, %gather3A_1147 : vector<16xf32>
      tpu.vector_store_idx %arg15[%add3A_1152, %add3A_1163], %mul3A_1168 : memref<336x128xf32, #tpu.memory_space<vmem>>[vector<16xi32>, vector<16xi32>], vector<16xf32>,
      %add3A_1169 = arith.constant 32 : i32
      %add3A_1170 = vector.broadcast %add3A_1169 : i32 to vector<16xi32>
      %add3A_1171 = arith.addi %iota3A, %add3A_1170 : vector<16xi32>
      %gather3A_1172 = tpu.vector_load_idx %arg15[%add3A_1152, %add3A_1171] : memref<336x128xf32, #tpu.memory_space<vmem>>[vector<16xi32>, vector<16xi32>], vector<16xf32>,
      %gather3A_1173 = tpu.vector_load_idx %arg10[%add3A_1145, %add3A_1171] : memref<64x128xf32, #tpu.memory_space<vmem>>[vector<16xi32>, vector<16xi32>], vector<16xf32>,
      %mul3A_1174 = arith.mulf %gather3A_1146, %gather3A_1173 : vector<16xf32>
      %add3A_1175 = arith.addf %gather3A_1172, %mul3A_1174 : vector<16xf32>
      %mul3A_1176 = arith.mulf %add3A_1175, %gather3A_1147 : vector<16xf32>
      tpu.vector_store_idx %arg15[%add3A_1152, %add3A_1171], %mul3A_1176 : memref<336x128xf32, #tpu.memory_space<vmem>>[vector<16xi32>, vector<16xi32>], vector<16xf32>,
      %add3A_1177 = arith.constant 48 : i32
      %add3A_1178 = vector.broadcast %add3A_1177 : i32 to vector<16xi32>
      %add3A_1179 = arith.addi %iota3A, %add3A_1178 : vector<16xi32>
      %gather3A_1180 = tpu.vector_load_idx %arg15[%add3A_1152, %add3A_1179] : memref<336x128xf32, #tpu.memory_space<vmem>>[vector<16xi32>, vector<16xi32>], vector<16xf32>,
      %gather3A_1181 = tpu.vector_load_idx %arg10[%add3A_1145, %add3A_1179] : memref<64x128xf32, #tpu.memory_space<vmem>>[vector<16xi32>, vector<16xi32>], vector<16xf32>,
      %mul3A_1182 = arith.mulf %gather3A_1146, %gather3A_1181 : vector<16xf32>
      %add3A_1183 = arith.addf %gather3A_1180, %mul3A_1182 : vector<16xf32>
      %mul3A_1184 = arith.mulf %add3A_1183, %gather3A_1147 : vector<16xf32>
      tpu.vector_store_idx %arg15[%add3A_1152, %add3A_1179], %mul3A_1184 : memref<336x128xf32, #tpu.memory_space<vmem>>[vector<16xi32>, vector<16xi32>], vector<16xf32>,
      %add3A_1185 = arith.constant 64 : i32
      %add3A_1186 = vector.broadcast %add3A_1185 : i32 to vector<16xi32>
      %add3A_1187 = arith.addi %iota3A, %add3A_1186 : vector<16xi32>
      %gather3A_1188 = tpu.vector_load_idx %arg15[%add3A_1152, %add3A_1187] : memref<336x128xf32, #tpu.memory_space<vmem>>[vector<16xi32>, vector<16xi32>], vector<16xf32>,
      %gather3A_1189 = tpu.vector_load_idx %arg10[%add3A_1145, %add3A_1187] : memref<64x128xf32, #tpu.memory_space<vmem>>[vector<16xi32>, vector<16xi32>], vector<16xf32>,
      %mul3A_1190 = arith.mulf %gather3A_1146, %gather3A_1189 : vector<16xf32>
      %add3A_1191 = arith.addf %gather3A_1188, %mul3A_1190 : vector<16xf32>
      %mul3A_1192 = arith.mulf %add3A_1191, %gather3A_1147 : vector<16xf32>
      tpu.vector_store_idx %arg15[%add3A_1152, %add3A_1187], %mul3A_1192 : memref<336x128xf32, #tpu.memory_space<vmem>>[vector<16xi32>, vector<16xi32>], vector<16xf32>,
      %add3A_1193 = arith.constant 80 : i32
      %add3A_1194 = vector.broadcast %add3A_1193 : i32 to vector<16xi32>
      %add3A_1195 = arith.addi %iota3A, %add3A_1194 : vector<16xi32>
      %gather3A_1196 = tpu.vector_load_idx %arg15[%add3A_1152, %add3A_1195] : memref<336x128xf32, #tpu.memory_space<vmem>>[vector<16xi32>, vector<16xi32>], vector<16xf32>,
      %gather3A_1197 = tpu.vector_load_idx %arg10[%add3A_1145, %add3A_1195] : memref<64x128xf32, #tpu.memory_space<vmem>>[vector<16xi32>, vector<16xi32>], vector<16xf32>,
      %mul3A_1198 = arith.mulf %gather3A_1146, %gather3A_1197 : vector<16xf32>
      %add3A_1199 = arith.addf %gather3A_1196, %mul3A_1198 : vector<16xf32>
      %mul3A_1200 = arith.mulf %add3A_1199, %gather3A_1147 : vector<16xf32>
      tpu.vector_store_idx %arg15[%add3A_1152, %add3A_1195], %mul3A_1200 : memref<336x128xf32, #tpu.memory_space<vmem>>[vector<16xi32>, vector<16xi32>], vector<16xf32>,
      %add3A_1201 = arith.constant 96 : i32
      %add3A_1202 = vector.broadcast %add3A_1201 : i32 to vector<16xi32>
      %add3A_1203 = arith.addi %iota3A, %add3A_1202 : vector<16xi32>
      %gather3A_1204 = tpu.vector_load_idx %arg15[%add3A_1152, %add3A_1203] : memref<336x128xf32, #tpu.memory_space<vmem>>[vector<16xi32>, vector<16xi32>], vector<16xf32>,
      %gather3A_1205 = tpu.vector_load_idx %arg10[%add3A_1145, %add3A_1203] : memref<64x128xf32, #tpu.memory_space<vmem>>[vector<16xi32>, vector<16xi32>], vector<16xf32>,
      %mul3A_1206 = arith.mulf %gather3A_1146, %gather3A_1205 : vector<16xf32>
      %add3A_1207 = arith.addf %gather3A_1204, %mul3A_1206 : vector<16xf32>
      %mul3A_1208 = arith.mulf %add3A_1207, %gather3A_1147 : vector<16xf32>
      tpu.vector_store_idx %arg15[%add3A_1152, %add3A_1203], %mul3A_1208 : memref<336x128xf32, #tpu.memory_space<vmem>>[vector<16xi32>, vector<16xi32>], vector<16xf32>,
      %add3A_1209 = arith.constant 112 : i32
      %add3A_1210 = vector.broadcast %add3A_1209 : i32 to vector<16xi32>
      %add3A_1211 = arith.addi %iota3A, %add3A_1210 : vector<16xi32>
      %gather3A_1212 = tpu.vector_load_idx %arg15[%add3A_1152, %add3A_1211] : memref<336x128xf32, #tpu.memory_space<vmem>>[vector<16xi32>, vector<16xi32>], vector<16xf32>,
      %gather3A_1213 = tpu.vector_load_idx %arg10[%add3A_1145, %add3A_1211] : memref<64x128xf32, #tpu.memory_space<vmem>>[vector<16xi32>, vector<16xi32>], vector<16xf32>,
      %mul3A_1214 = arith.mulf %gather3A_1146, %gather3A_1213 : vector<16xf32>
      %add3A_1215 = arith.addf %gather3A_1212, %mul3A_1214 : vector<16xf32>
      %mul3A_1216 = arith.mulf %add3A_1215, %gather3A_1147 : vector<16xf32>
      tpu.vector_store_idx %arg15[%add3A_1152, %add3A_1211], %mul3A_1216 : memref<336x128xf32, #tpu.memory_space<vmem>>[vector<16xi32>, vector<16xi32>], vector<16xf32>,
    }
    %scan3A_236 = arith.constant 64 : i32
    %add3A_237 = arith.constant 64 : i32
    %add3A_238 = arith.addi %mul3A_2, %add3A_237 : i32
    %add3A_239 = arith.constant 0 : i32
    %add3A_240 = arith.addi %add3A_238, %add3A_239 : i32
    %add3A_241 = vector.broadcast %add3A_240 : i32 to vector<16xi32>
    %add3A_242 = arith.addi %add3A_241, %iota3A : vector<16xi32>
    %min3A_243 = arith.constant 9999 : i32
    %min3A_244 = vector.broadcast %min3A_243 : i32 to vector<16xi32>
    %min3A_245 = arith.minsi %add3A_242, %min3A_244 : vector<16xi32>
    %swap3A_246 = arith.constant 0 : index
    %swap3A_247 = tpu.vector_load %arg7[%swap3A_246] {strides = array<i32>} : memref<64xi32, #tpu.memory_space<vmem>>, vector<16xi32>,
    tpu.vector_store %arg7[%swap3A_246], %min3A_245 {strides = array<i32>} : memref<64xi32, #tpu.memory_space<vmem>>, vector<16xi32>,
    %add3A_248 = arith.constant 64 : i32
    %add3A_249 = arith.addi %mul3A_2, %add3A_248 : i32
    %add3A_250 = arith.constant 16 : i32
    %add3A_251 = arith.addi %add3A_249, %add3A_250 : i32
    %add3A_252 = vector.broadcast %add3A_251 : i32 to vector<16xi32>
    %add3A_253 = arith.addi %add3A_252, %iota3A : vector<16xi32>
    %min3A_254 = arith.constant 9999 : i32
    %min3A_255 = vector.broadcast %min3A_254 : i32 to vector<16xi32>
    %min3A_256 = arith.minsi %add3A_253, %min3A_255 : vector<16xi32>
    %swap3A_257 = arith.constant 16 : index
    %swap3A_258 = tpu.vector_load %arg7[%swap3A_257] {strides = array<i32>} : memref<64xi32, #tpu.memory_space<vmem>>, vector<16xi32>,
    tpu.vector_store %arg7[%swap3A_257], %min3A_256 {strides = array<i32>} : memref<64xi32, #tpu.memory_space<vmem>>, vector<16xi32>,
    %add3A_259 = arith.constant 64 : i32
    %add3A_260 = arith.addi %mul3A_2, %add3A_259 : i32
    %add3A_261 = arith.constant 32 : i32
    %add3A_262 = arith.addi %add3A_260, %add3A_261 : i32
    %add3A_263 = vector.broadcast %add3A_262 : i32 to vector<16xi32>
    %add3A_264 = arith.addi %add3A_263, %iota3A : vector<16xi32>
    %min3A_265 = arith.constant 9999 : i32
    %min3A_266 = vector.broadcast %min3A_265 : i32 to vector<16xi32>
    %min3A_267 = arith.minsi %add3A_264, %min3A_266 : vector<16xi32>
    %swap3A_268 = arith.constant 32 : index
    %swap3A_269 = tpu.vector_load %arg7[%swap3A_268] {strides = array<i32>} : memref<64xi32, #tpu.memory_space<vmem>>, vector<16xi32>,
    tpu.vector_store %arg7[%swap3A_268], %min3A_267 {strides = array<i32>} : memref<64xi32, #tpu.memory_space<vmem>>, vector<16xi32>,
    %add3A_270 = arith.constant 64 : i32
    %add3A_271 = arith.addi %mul3A_2, %add3A_270 : i32
    %add3A_272 = arith.constant 48 : i32
    %add3A_273 = arith.addi %add3A_271, %add3A_272 : i32
    %add3A_274 = vector.broadcast %add3A_273 : i32 to vector<16xi32>
    %add3A_275 = arith.addi %add3A_274, %iota3A : vector<16xi32>
    %min3A_276 = arith.constant 9999 : i32
    %min3A_277 = vector.broadcast %min3A_276 : i32 to vector<16xi32>
    %min3A_278 = arith.minsi %add3A_275, %min3A_277 : vector<16xi32>
    %swap3A_279 = arith.constant 48 : index
    %swap3A_280 = tpu.vector_load %arg7[%swap3A_279] {strides = array<i32>} : memref<64xi32, #tpu.memory_space<vmem>>, vector<16xi32>,
    tpu.vector_store %arg7[%swap3A_279], %min3A_278 {strides = array<i32>} : memref<64xi32, #tpu.memory_space<vmem>>, vector<16xi32>,
    %dma_start3A_281 = arith.constant 0 : i32
    %dma_start3A_282 = arith.constant 0 : i32
    %dma_start3A_283 = tpu.memref_slice %arg2[%dma_start3A_281, %dma_start3A_282] : memref<10000x128xf32, #tpu.memory_space<hbm>> -> memref<10000x128xf32, #tpu.memory_space<hbm>>
    tpu.enqueue_indirect_dma source(%dma_start3A_283 : memref<10000x128xf32, #tpu.memory_space<hbm>>) target(%arg10 : memref<64x128xf32, #tpu.memory_space<vmem>>) offsets(%arg7 : memref<64xi32, #tpu.memory_space<vmem>>) semaphore(%arg16 : memref<!tpu.dma_semaphore, #tpu.memory_space<semaphore_mem>>)
    %add3A_284 = arith.constant 64 : i32
    %add3A_285 = arith.addi %mul3A_2, %add3A_284 : i32
    %add3A_286 = arith.constant 0 : i32
    %add3A_287 = arith.addi %add3A_285, %add3A_286 : i32
    %add3A_288 = vector.broadcast %add3A_287 : i32 to vector<16xi32>
    %add3A_289 = arith.addi %add3A_288, %iota3A : vector<16xi32>
    %min3A_290 = arith.constant 9999 : i32
    %min3A_291 = vector.broadcast %min3A_290 : i32 to vector<16xi32>
    %min3A_292 = arith.minsi %add3A_289, %min3A_291 : vector<16xi32>
    %mul3A_293 = arith.constant 2 : i32
    %mul3A_294 = vector.broadcast %mul3A_293 : i32 to vector<16xi32>
    %mul3A_295 = arith.muli %min3A_292, %mul3A_294 : vector<16xi32>
    %gather3A_296 = tpu.vector_load_idx %arg12[%mul3A_295] : memref<20480xf32, #tpu.memory_space<vmem>>[vector<16xi32>], vector<16xf32>,
    %mul3A_297 = arith.constant 2 : i32
    %mul3A_298 = vector.broadcast %mul3A_297 : i32 to vector<16xi32>
    %mul3A_299 = arith.muli %min3A_292, %mul3A_298 : vector<16xi32>
    %add3A_300 = arith.constant 1 : i32
    %add3A_301 = vector.broadcast %add3A_300 : i32 to vector<16xi32>
    %add3A_302 = arith.addi %mul3A_299, %add3A_301 : vector<16xi32>
    %gather3A_303 = tpu.vector_load_idx %arg12[%add3A_302] : memref<20480xf32, #tpu.memory_space<vmem>>[vector<16xi32>], vector<16xf32>,
    %add3A_304 = arith.addf %gather3A_296, %gather3A_303 : vector<16xf32>
    %ge3A_305 = arith.constant 0.000000e+00 : f32
    %ge3A_306 = vector.broadcast %ge3A_305 : f32 to vector<16xf32>
    %ge3A_307 = arith.cmpf oge, %add3A_304, %ge3A_306 : vector<16xf32>
    %mul3A_308 = arith.constant 2.000000e-01 : f32
    %mul3A_309 = vector.broadcast %mul3A_308 : f32 to vector<16xf32>
    %mul3A_310 = arith.mulf %add3A_304, %mul3A_309 : vector<16xf32>
    %select_n3A_311 = arith.select %ge3A_307, %add3A_304, %mul3A_310 : vector<16xi1>, vector<16xf32>
    %exp3A_312 = math.exp %select_n3A_311 : vector<16xf32>
    %swap3A_313 = arith.constant 0 : index
    %swap3A_314 = tpu.vector_load %arg11[%swap3A_313] {strides = array<i32>} : memref<64xf32, #tpu.memory_space<vmem>>, vector<16xf32>,
    tpu.vector_store %arg11[%swap3A_313], %exp3A_312 {strides = array<i32>} : memref<64xf32, #tpu.memory_space<vmem>>, vector<16xf32>,
    %get3A_315 = arith.constant 64 : index
    %get3A_316 = tpu.vector_load %arg13[%get3A_315] {strides = array<i32>} : memref<336xf32, #tpu.memory_space<vmem>>, vector<16xf32>,
    %add3A_317 = arith.addf %get3A_316, %exp3A_312 : vector<16xf32>
    %add3A_318 = arith.constant 1.000000e-16 : f32
    %add3A_319 = vector.broadcast %add3A_318 : f32 to vector<16xf32>
    %add3A_320 = arith.addf %add3A_317, %add3A_319 : vector<16xf32>
    %div3A_321 = arith.constant 1.000000e+00 : f32
    %div3A_322 = vector.broadcast %div3A_321 : f32 to vector<16xf32>
    %div3A_323 = arith.divf %div3A_322, %add3A_320 : vector<16xf32>
    %swap3A_324 = arith.constant 0 : index
    %swap3A_325 = tpu.vector_load %arg14[%swap3A_324] {strides = array<i32>} : memref<64xf32, #tpu.memory_space<vmem>>, vector<16xf32>,
    tpu.vector_store %arg14[%swap3A_324], %div3A_323 {strides = array<i32>} : memref<64xf32, #tpu.memory_space<vmem>>, vector<16xf32>,
    %add3A_326 = arith.constant 64 : i32
    %add3A_327 = arith.addi %mul3A_2, %add3A_326 : i32
    %add3A_328 = arith.constant 16 : i32
    %add3A_329 = arith.addi %add3A_327, %add3A_328 : i32
    %add3A_330 = vector.broadcast %add3A_329 : i32 to vector<16xi32>
    %add3A_331 = arith.addi %add3A_330, %iota3A : vector<16xi32>
    %min3A_332 = arith.constant 9999 : i32
    %min3A_333 = vector.broadcast %min3A_332 : i32 to vector<16xi32>
    %min3A_334 = arith.minsi %add3A_331, %min3A_333 : vector<16xi32>
    %mul3A_335 = arith.constant 2 : i32
    %mul3A_336 = vector.broadcast %mul3A_335 : i32 to vector<16xi32>
    %mul3A_337 = arith.muli %min3A_334, %mul3A_336 : vector<16xi32>
    %gather3A_338 = tpu.vector_load_idx %arg12[%mul3A_337] : memref<20480xf32, #tpu.memory_space<vmem>>[vector<16xi32>], vector<16xf32>,
    %mul3A_339 = arith.constant 2 : i32
    %mul3A_340 = vector.broadcast %mul3A_339 : i32 to vector<16xi32>
    %mul3A_341 = arith.muli %min3A_334, %mul3A_340 : vector<16xi32>
    %add3A_342 = arith.constant 1 : i32
    %add3A_343 = vector.broadcast %add3A_342 : i32 to vector<16xi32>
    %add3A_344 = arith.addi %mul3A_341, %add3A_343 : vector<16xi32>
    %gather3A_345 = tpu.vector_load_idx %arg12[%add3A_344] : memref<20480xf32, #tpu.memory_space<vmem>>[vector<16xi32>], vector<16xf32>,
    %add3A_346 = arith.addf %gather3A_338, %gather3A_345 : vector<16xf32>
    %ge3A_347 = arith.constant 0.000000e+00 : f32
    %ge3A_348 = vector.broadcast %ge3A_347 : f32 to vector<16xf32>
    %ge3A_349 = arith.cmpf oge, %add3A_346, %ge3A_348 : vector<16xf32>
    %mul3A_350 = arith.constant 2.000000e-01 : f32
    %mul3A_351 = vector.broadcast %mul3A_350 : f32 to vector<16xf32>
    %mul3A_352 = arith.mulf %add3A_346, %mul3A_351 : vector<16xf32>
    %select_n3A_353 = arith.select %ge3A_349, %add3A_346, %mul3A_352 : vector<16xi1>, vector<16xf32>
    %exp3A_354 = math.exp %select_n3A_353 : vector<16xf32>
    %swap3A_355 = arith.constant 16 : index
    %swap3A_356 = tpu.vector_load %arg11[%swap3A_355] {strides = array<i32>} : memref<64xf32, #tpu.memory_space<vmem>>, vector<16xf32>,
    tpu.vector_store %arg11[%swap3A_355], %exp3A_354 {strides = array<i32>} : memref<64xf32, #tpu.memory_space<vmem>>, vector<16xf32>,
    %get3A_357 = arith.constant 80 : index
    %get3A_358 = tpu.vector_load %arg13[%get3A_357] {strides = array<i32>} : memref<336xf32, #tpu.memory_space<vmem>>, vector<16xf32>,
    %add3A_359 = arith.addf %get3A_358, %exp3A_354 : vector<16xf32>
    %add3A_360 = arith.constant 1.000000e-16 : f32
    %add3A_361 = vector.broadcast %add3A_360 : f32 to vector<16xf32>
    %add3A_362 = arith.addf %add3A_359, %add3A_361 : vector<16xf32>
    %div3A_363 = arith.constant 1.000000e+00 : f32
    %div3A_364 = vector.broadcast %div3A_363 : f32 to vector<16xf32>
    %div3A_365 = arith.divf %div3A_364, %add3A_362 : vector<16xf32>
    %swap3A_366 = arith.constant 16 : index
    %swap3A_367 = tpu.vector_load %arg14[%swap3A_366] {strides = array<i32>} : memref<64xf32, #tpu.memory_space<vmem>>, vector<16xf32>,
    tpu.vector_store %arg14[%swap3A_366], %div3A_365 {strides = array<i32>} : memref<64xf32, #tpu.memory_space<vmem>>, vector<16xf32>,
    %add3A_368 = arith.constant 64 : i32
    %add3A_369 = arith.addi %mul3A_2, %add3A_368 : i32
    %add3A_370 = arith.constant 32 : i32
    %add3A_371 = arith.addi %add3A_369, %add3A_370 : i32
    %add3A_372 = vector.broadcast %add3A_371 : i32 to vector<16xi32>
    %add3A_373 = arith.addi %add3A_372, %iota3A : vector<16xi32>
    %min3A_374 = arith.constant 9999 : i32
    %min3A_375 = vector.broadcast %min3A_374 : i32 to vector<16xi32>
    %min3A_376 = arith.minsi %add3A_373, %min3A_375 : vector<16xi32>
    %mul3A_377 = arith.constant 2 : i32
    %mul3A_378 = vector.broadcast %mul3A_377 : i32 to vector<16xi32>
    %mul3A_379 = arith.muli %min3A_376, %mul3A_378 : vector<16xi32>
    %gather3A_380 = tpu.vector_load_idx %arg12[%mul3A_379] : memref<20480xf32, #tpu.memory_space<vmem>>[vector<16xi32>], vector<16xf32>,
    %mul3A_381 = arith.constant 2 : i32
    %mul3A_382 = vector.broadcast %mul3A_381 : i32 to vector<16xi32>
    %mul3A_383 = arith.muli %min3A_376, %mul3A_382 : vector<16xi32>
    %add3A_384 = arith.constant 1 : i32
    %add3A_385 = vector.broadcast %add3A_384 : i32 to vector<16xi32>
    %add3A_386 = arith.addi %mul3A_383, %add3A_385 : vector<16xi32>
    %gather3A_387 = tpu.vector_load_idx %arg12[%add3A_386] : memref<20480xf32, #tpu.memory_space<vmem>>[vector<16xi32>], vector<16xf32>,
    %add3A_388 = arith.addf %gather3A_380, %gather3A_387 : vector<16xf32>
    %ge3A_389 = arith.constant 0.000000e+00 : f32
    %ge3A_390 = vector.broadcast %ge3A_389 : f32 to vector<16xf32>
    %ge3A_391 = arith.cmpf oge, %add3A_388, %ge3A_390 : vector<16xf32>
    %mul3A_392 = arith.constant 2.000000e-01 : f32
    %mul3A_393 = vector.broadcast %mul3A_392 : f32 to vector<16xf32>
    %mul3A_394 = arith.mulf %add3A_388, %mul3A_393 : vector<16xf32>
    %select_n3A_395 = arith.select %ge3A_391, %add3A_388, %mul3A_394 : vector<16xi1>, vector<16xf32>
    %exp3A_396 = math.exp %select_n3A_395 : vector<16xf32>
    %swap3A_397 = arith.constant 32 : index
    %swap3A_398 = tpu.vector_load %arg11[%swap3A_397] {strides = array<i32>} : memref<64xf32, #tpu.memory_space<vmem>>, vector<16xf32>,
    tpu.vector_store %arg11[%swap3A_397], %exp3A_396 {strides = array<i32>} : memref<64xf32, #tpu.memory_space<vmem>>, vector<16xf32>,
    %get3A_399 = arith.constant 96 : index
    %get3A_400 = tpu.vector_load %arg13[%get3A_399] {strides = array<i32>} : memref<336xf32, #tpu.memory_space<vmem>>, vector<16xf32>,
    %add3A_401 = arith.addf %get3A_400, %exp3A_396 : vector<16xf32>
    %add3A_402 = arith.constant 1.000000e-16 : f32
    %add3A_403 = vector.broadcast %add3A_402 : f32 to vector<16xf32>
    %add3A_404 = arith.addf %add3A_401, %add3A_403 : vector<16xf32>
    %div3A_405 = arith.constant 1.000000e+00 : f32
    %div3A_406 = vector.broadcast %div3A_405 : f32 to vector<16xf32>
    %div3A_407 = arith.divf %div3A_406, %add3A_404 : vector<16xf32>
    %swap3A_408 = arith.constant 32 : index
    %swap3A_409 = tpu.vector_load %arg14[%swap3A_408] {strides = array<i32>} : memref<64xf32, #tpu.memory_space<vmem>>, vector<16xf32>,
    tpu.vector_store %arg14[%swap3A_408], %div3A_407 {strides = array<i32>} : memref<64xf32, #tpu.memory_space<vmem>>, vector<16xf32>,
    %add3A_410 = arith.constant 64 : i32
    %add3A_411 = arith.addi %mul3A_2, %add3A_410 : i32
    %add3A_412 = arith.constant 48 : i32
    %add3A_413 = arith.addi %add3A_411, %add3A_412 : i32
    %add3A_414 = vector.broadcast %add3A_413 : i32 to vector<16xi32>
    %add3A_415 = arith.addi %add3A_414, %iota3A : vector<16xi32>
    %min3A_416 = arith.constant 9999 : i32
    %min3A_417 = vector.broadcast %min3A_416 : i32 to vector<16xi32>
    %min3A_418 = arith.minsi %add3A_415, %min3A_417 : vector<16xi32>
    %mul3A_419 = arith.constant 2 : i32
    %mul3A_420 = vector.broadcast %mul3A_419 : i32 to vector<16xi32>
    %mul3A_421 = arith.muli %min3A_418, %mul3A_420 : vector<16xi32>
    %gather3A_422 = tpu.vector_load_idx %arg12[%mul3A_421] : memref<20480xf32, #tpu.memory_space<vmem>>[vector<16xi32>], vector<16xf32>,
    %mul3A_423 = arith.constant 2 : i32
    %mul3A_424 = vector.broadcast %mul3A_423 : i32 to vector<16xi32>
    %mul3A_425 = arith.muli %min3A_418, %mul3A_424 : vector<16xi32>
    %add3A_426 = arith.constant 1 : i32
    %add3A_427 = vector.broadcast %add3A_426 : i32 to vector<16xi32>
    %add3A_428 = arith.addi %mul3A_425, %add3A_427 : vector<16xi32>
    %gather3A_429 = tpu.vector_load_idx %arg12[%add3A_428] : memref<20480xf32, #tpu.memory_space<vmem>>[vector<16xi32>], vector<16xf32>,
    %add3A_430 = arith.addf %gather3A_422, %gather3A_429 : vector<16xf32>
    %ge3A_431 = arith.constant 0.000000e+00 : f32
    %ge3A_432 = vector.broadcast %ge3A_431 : f32 to vector<16xf32>
    %ge3A_433 = arith.cmpf oge, %add3A_430, %ge3A_432 : vector<16xf32>
    %mul3A_434 = arith.constant 2.000000e-01 : f32
    %mul3A_435 = vector.broadcast %mul3A_434 : f32 to vector<16xf32>
    %mul3A_436 = arith.mulf %add3A_430, %mul3A_435 : vector<16xf32>
    %select_n3A_437 = arith.select %ge3A_433, %add3A_430, %mul3A_436 : vector<16xi1>, vector<16xf32>
    %exp3A_438 = math.exp %select_n3A_437 : vector<16xf32>
    %swap3A_439 = arith.constant 48 : index
    %swap3A_440 = tpu.vector_load %arg11[%swap3A_439] {strides = array<i32>} : memref<64xf32, #tpu.memory_space<vmem>>, vector<16xf32>,
    tpu.vector_store %arg11[%swap3A_439], %exp3A_438 {strides = array<i32>} : memref<64xf32, #tpu.memory_space<vmem>>, vector<16xf32>,
    %get3A_441 = arith.constant 112 : index
    %get3A_442 = tpu.vector_load %arg13[%get3A_441] {strides = array<i32>} : memref<336xf32, #tpu.memory_space<vmem>>, vector<16xf32>,
    %add3A_443 = arith.addf %get3A_442, %exp3A_438 : vector<16xf32>
    %add3A_444 = arith.constant 1.000000e-16 : f32
    %add3A_445 = vector.broadcast %add3A_444 : f32 to vector<16xf32>
    %add3A_446 = arith.addf %add3A_443, %add3A_445 : vector<16xf32>
    %div3A_447 = arith.constant 1.000000e+00 : f32
    %div3A_448 = vector.broadcast %div3A_447 : f32 to vector<16xf32>
    %div3A_449 = arith.divf %div3A_448, %add3A_446 : vector<16xf32>
    %swap3A_450 = arith.constant 48 : index
    %swap3A_451 = tpu.vector_load %arg14[%swap3A_450] {strides = array<i32>} : memref<64xf32, #tpu.memory_space<vmem>>, vector<16xf32>,
    tpu.vector_store %arg14[%swap3A_450], %div3A_449 {strides = array<i32>} : memref<64xf32, #tpu.memory_space<vmem>>, vector<16xf32>,
    %dma_wait3A_452 = arith.constant 0 : i32
    %dma_wait3A_453 = arith.constant 0 : i32
    %dma_wait3A_454 = tpu.memref_slice %arg2[%dma_wait3A_452, %dma_wait3A_453] : memref<10000x128xf32, #tpu.memory_space<hbm>> -> memref<10000x128xf32, #tpu.memory_space<hbm>>
    tpu.wait_indirect_dma semaphore(%arg16 : memref<!tpu.dma_semaphore, #tpu.memory_space<semaphore_mem>>) src(%dma_wait3A_454 : memref<10000x128xf32, #tpu.memory_space<hbm>>) dst(%arg10 : memref<64x128xf32, #tpu.memory_space<vmem>>)
    %scan3A_455 = arith.constant 0 : i32
    %scan3A_456 = arith.constant 0 : i32
    %scan3A_457 = arith.constant 64 : i32
    %scan3A_458 = arith.addi %scan3A_456, %scan3A_457 : i32
    %scan3A_459 = arith.constant 1 : i32
    scf.for %scan3A_1143 = %scan3A_456 to %scan3A_458 step %scan3A_459  : i32 {
      %add3A_1144 = vector.broadcast %scan3A_1143 : i32 to vector<16xi32>
      %add3A_1145 = arith.addi %broadcast_in_dim3A_5, %add3A_1144 : vector<16xi32>
      %gather3A_1146 = tpu.vector_load_idx %arg11[%add3A_1145] : memref<64xf32, #tpu.memory_space<vmem>>[vector<16xi32>], vector<16xf32>,
      %gather3A_1147 = tpu.vector_load_idx %arg14[%add3A_1145] : memref<64xf32, #tpu.memory_space<vmem>>[vector<16xi32>], vector<16xf32>,
      %add3A_1148 = arith.constant 64 : i32
      %add3A_1149 = vector.broadcast %add3A_1148 : i32 to vector<16xi32>
      %add3A_1150 = arith.addi %broadcast_in_dim3A_5, %add3A_1149 : vector<16xi32>
      %add3A_1151 = vector.broadcast %scan3A_1143 : i32 to vector<16xi32>
      %add3A_1152 = arith.addi %add3A_1150, %add3A_1151 : vector<16xi32>
      %add3A_1153 = arith.constant 0 : i32
      %add3A_1154 = vector.broadcast %add3A_1153 : i32 to vector<16xi32>
      %add3A_1155 = arith.addi %iota3A, %add3A_1154 : vector<16xi32>
      %gather3A_1156 = tpu.vector_load_idx %arg15[%add3A_1152, %add3A_1155] : memref<336x128xf32, #tpu.memory_space<vmem>>[vector<16xi32>, vector<16xi32>], vector<16xf32>,
      %gather3A_1157 = tpu.vector_load_idx %arg10[%add3A_1145, %add3A_1155] : memref<64x128xf32, #tpu.memory_space<vmem>>[vector<16xi32>, vector<16xi32>], vector<16xf32>,
      %mul3A_1158 = arith.mulf %gather3A_1146, %gather3A_1157 : vector<16xf32>
      %add3A_1159 = arith.addf %gather3A_1156, %mul3A_1158 : vector<16xf32>
      %mul3A_1160 = arith.mulf %add3A_1159, %gather3A_1147 : vector<16xf32>
      tpu.vector_store_idx %arg15[%add3A_1152, %add3A_1155], %mul3A_1160 : memref<336x128xf32, #tpu.memory_space<vmem>>[vector<16xi32>, vector<16xi32>], vector<16xf32>,
      %add3A_1161 = arith.constant 16 : i32
      %add3A_1162 = vector.broadcast %add3A_1161 : i32 to vector<16xi32>
      %add3A_1163 = arith.addi %iota3A, %add3A_1162 : vector<16xi32>
      %gather3A_1164 = tpu.vector_load_idx %arg15[%add3A_1152, %add3A_1163] : memref<336x128xf32, #tpu.memory_space<vmem>>[vector<16xi32>, vector<16xi32>], vector<16xf32>,
      %gather3A_1165 = tpu.vector_load_idx %arg10[%add3A_1145, %add3A_1163] : memref<64x128xf32, #tpu.memory_space<vmem>>[vector<16xi32>, vector<16xi32>], vector<16xf32>,
      %mul3A_1166 = arith.mulf %gather3A_1146, %gather3A_1165 : vector<16xf32>
      %add3A_1167 = arith.addf %gather3A_1164, %mul3A_1166 : vector<16xf32>
      %mul3A_1168 = arith.mulf %add3A_1167, %gather3A_1147 : vector<16xf32>
      tpu.vector_store_idx %arg15[%add3A_1152, %add3A_1163], %mul3A_1168 : memref<336x128xf32, #tpu.memory_space<vmem>>[vector<16xi32>, vector<16xi32>], vector<16xf32>,
      %add3A_1169 = arith.constant 32 : i32
      %add3A_1170 = vector.broadcast %add3A_1169 : i32 to vector<16xi32>
      %add3A_1171 = arith.addi %iota3A, %add3A_1170 : vector<16xi32>
      %gather3A_1172 = tpu.vector_load_idx %arg15[%add3A_1152, %add3A_1171] : memref<336x128xf32, #tpu.memory_space<vmem>>[vector<16xi32>, vector<16xi32>], vector<16xf32>,
      %gather3A_1173 = tpu.vector_load_idx %arg10[%add3A_1145, %add3A_1171] : memref<64x128xf32, #tpu.memory_space<vmem>>[vector<16xi32>, vector<16xi32>], vector<16xf32>,
      %mul3A_1174 = arith.mulf %gather3A_1146, %gather3A_1173 : vector<16xf32>
      %add3A_1175 = arith.addf %gather3A_1172, %mul3A_1174 : vector<16xf32>
      %mul3A_1176 = arith.mulf %add3A_1175, %gather3A_1147 : vector<16xf32>
      tpu.vector_store_idx %arg15[%add3A_1152, %add3A_1171], %mul3A_1176 : memref<336x128xf32, #tpu.memory_space<vmem>>[vector<16xi32>, vector<16xi32>], vector<16xf32>,
      %add3A_1177 = arith.constant 48 : i32
      %add3A_1178 = vector.broadcast %add3A_1177 : i32 to vector<16xi32>
      %add3A_1179 = arith.addi %iota3A, %add3A_1178 : vector<16xi32>
      %gather3A_1180 = tpu.vector_load_idx %arg15[%add3A_1152, %add3A_1179] : memref<336x128xf32, #tpu.memory_space<vmem>>[vector<16xi32>, vector<16xi32>], vector<16xf32>,
      %gather3A_1181 = tpu.vector_load_idx %arg10[%add3A_1145, %add3A_1179] : memref<64x128xf32, #tpu.memory_space<vmem>>[vector<16xi32>, vector<16xi32>], vector<16xf32>,
      %mul3A_1182 = arith.mulf %gather3A_1146, %gather3A_1181 : vector<16xf32>
      %add3A_1183 = arith.addf %gather3A_1180, %mul3A_1182 : vector<16xf32>
      %mul3A_1184 = arith.mulf %add3A_1183, %gather3A_1147 : vector<16xf32>
      tpu.vector_store_idx %arg15[%add3A_1152, %add3A_1179], %mul3A_1184 : memref<336x128xf32, #tpu.memory_space<vmem>>[vector<16xi32>, vector<16xi32>], vector<16xf32>,
      %add3A_1185 = arith.constant 64 : i32
      %add3A_1186 = vector.broadcast %add3A_1185 : i32 to vector<16xi32>
      %add3A_1187 = arith.addi %iota3A, %add3A_1186 : vector<16xi32>
      %gather3A_1188 = tpu.vector_load_idx %arg15[%add3A_1152, %add3A_1187] : memref<336x128xf32, #tpu.memory_space<vmem>>[vector<16xi32>, vector<16xi32>], vector<16xf32>,
      %gather3A_1189 = tpu.vector_load_idx %arg10[%add3A_1145, %add3A_1187] : memref<64x128xf32, #tpu.memory_space<vmem>>[vector<16xi32>, vector<16xi32>], vector<16xf32>,
      %mul3A_1190 = arith.mulf %gather3A_1146, %gather3A_1189 : vector<16xf32>
      %add3A_1191 = arith.addf %gather3A_1188, %mul3A_1190 : vector<16xf32>
      %mul3A_1192 = arith.mulf %add3A_1191, %gather3A_1147 : vector<16xf32>
      tpu.vector_store_idx %arg15[%add3A_1152, %add3A_1187], %mul3A_1192 : memref<336x128xf32, #tpu.memory_space<vmem>>[vector<16xi32>, vector<16xi32>], vector<16xf32>,
      %add3A_1193 = arith.constant 80 : i32
      %add3A_1194 = vector.broadcast %add3A_1193 : i32 to vector<16xi32>
      %add3A_1195 = arith.addi %iota3A, %add3A_1194 : vector<16xi32>
      %gather3A_1196 = tpu.vector_load_idx %arg15[%add3A_1152, %add3A_1195] : memref<336x128xf32, #tpu.memory_space<vmem>>[vector<16xi32>, vector<16xi32>], vector<16xf32>,
      %gather3A_1197 = tpu.vector_load_idx %arg10[%add3A_1145, %add3A_1195] : memref<64x128xf32, #tpu.memory_space<vmem>>[vector<16xi32>, vector<16xi32>], vector<16xf32>,
      %mul3A_1198 = arith.mulf %gather3A_1146, %gather3A_1197 : vector<16xf32>
      %add3A_1199 = arith.addf %gather3A_1196, %mul3A_1198 : vector<16xf32>
      %mul3A_1200 = arith.mulf %add3A_1199, %gather3A_1147 : vector<16xf32>
      tpu.vector_store_idx %arg15[%add3A_1152, %add3A_1195], %mul3A_1200 : memref<336x128xf32, #tpu.memory_space<vmem>>[vector<16xi32>, vector<16xi32>], vector<16xf32>,
      %add3A_1201 = arith.constant 96 : i32
      %add3A_1202 = vector.broadcast %add3A_1201 : i32 to vector<16xi32>
      %add3A_1203 = arith.addi %iota3A, %add3A_1202 : vector<16xi32>
      %gather3A_1204 = tpu.vector_load_idx %arg15[%add3A_1152, %add3A_1203] : memref<336x128xf32, #tpu.memory_space<vmem>>[vector<16xi32>, vector<16xi32>], vector<16xf32>,
      %gather3A_1205 = tpu.vector_load_idx %arg10[%add3A_1145, %add3A_1203] : memref<64x128xf32, #tpu.memory_space<vmem>>[vector<16xi32>, vector<16xi32>], vector<16xf32>,
      %mul3A_1206 = arith.mulf %gather3A_1146, %gather3A_1205 : vector<16xf32>
      %add3A_1207 = arith.addf %gather3A_1204, %mul3A_1206 : vector<16xf32>
      %mul3A_1208 = arith.mulf %add3A_1207, %gather3A_1147 : vector<16xf32>
      tpu.vector_store_idx %arg15[%add3A_1152, %add3A_1203], %mul3A_1208 : memref<336x128xf32, #tpu.memory_space<vmem>>[vector<16xi32>, vector<16xi32>], vector<16xf32>,
      %add3A_1209 = arith.constant 112 : i32
      %add3A_1210 = vector.broadcast %add3A_1209 : i32 to vector<16xi32>
      %add3A_1211 = arith.addi %iota3A, %add3A_1210 : vector<16xi32>
      %gather3A_1212 = tpu.vector_load_idx %arg15[%add3A_1152, %add3A_1211] : memref<336x128xf32, #tpu.memory_space<vmem>>[vector<16xi32>, vector<16xi32>], vector<16xf32>,
      %gather3A_1213 = tpu.vector_load_idx %arg10[%add3A_1145, %add3A_1211] : memref<64x128xf32, #tpu.memory_space<vmem>>[vector<16xi32>, vector<16xi32>], vector<16xf32>,
      %mul3A_1214 = arith.mulf %gather3A_1146, %gather3A_1213 : vector<16xf32>
      %add3A_1215 = arith.addf %gather3A_1212, %mul3A_1214 : vector<16xf32>
      %mul3A_1216 = arith.mulf %add3A_1215, %gather3A_1147 : vector<16xf32>
      tpu.vector_store_idx %arg15[%add3A_1152, %add3A_1211], %mul3A_1216 : memref<336x128xf32, #tpu.memory_space<vmem>>[vector<16xi32>, vector<16xi32>], vector<16xf32>,
    }
    %scan3A_460 = arith.constant 64 : i32
    %add3A_461 = arith.constant 128 : i32
    %add3A_462 = arith.addi %mul3A_2, %add3A_461 : i32
    %add3A_463 = arith.constant 0 : i32
    %add3A_464 = arith.addi %add3A_462, %add3A_463 : i32
    %add3A_465 = vector.broadcast %add3A_464 : i32 to vector<16xi32>
    %add3A_466 = arith.addi %add3A_465, %iota3A : vector<16xi32>
    %min3A_467 = arith.constant 9999 : i32
    %min3A_468 = vector.broadcast %min3A_467 : i32 to vector<16xi32>
    %min3A_469 = arith.minsi %add3A_466, %min3A_468 : vector<16xi32>
    %swap3A_470 = arith.constant 0 : index
    %swap3A_471 = tpu.vector_load %arg7[%swap3A_470] {strides = array<i32>} : memref<64xi32, #tpu.memory_space<vmem>>, vector<16xi32>,
    tpu.vector_store %arg7[%swap3A_470], %min3A_469 {strides = array<i32>} : memref<64xi32, #tpu.memory_space<vmem>>, vector<16xi32>,
    %add3A_472 = arith.constant 128 : i32
    %add3A_473 = arith.addi %mul3A_2, %add3A_472 : i32
    %add3A_474 = arith.constant 16 : i32
    %add3A_475 = arith.addi %add3A_473, %add3A_474 : i32
    %add3A_476 = vector.broadcast %add3A_475 : i32 to vector<16xi32>
    %add3A_477 = arith.addi %add3A_476, %iota3A : vector<16xi32>
    %min3A_478 = arith.constant 9999 : i32
    %min3A_479 = vector.broadcast %min3A_478 : i32 to vector<16xi32>
    %min3A_480 = arith.minsi %add3A_477, %min3A_479 : vector<16xi32>
    %swap3A_481 = arith.constant 16 : index
    %swap3A_482 = tpu.vector_load %arg7[%swap3A_481] {strides = array<i32>} : memref<64xi32, #tpu.memory_space<vmem>>, vector<16xi32>,
    tpu.vector_store %arg7[%swap3A_481], %min3A_480 {strides = array<i32>} : memref<64xi32, #tpu.memory_space<vmem>>, vector<16xi32>,
    %add3A_483 = arith.constant 128 : i32
    %add3A_484 = arith.addi %mul3A_2, %add3A_483 : i32
    %add3A_485 = arith.constant 32 : i32
    %add3A_486 = arith.addi %add3A_484, %add3A_485 : i32
    %add3A_487 = vector.broadcast %add3A_486 : i32 to vector<16xi32>
    %add3A_488 = arith.addi %add3A_487, %iota3A : vector<16xi32>
    %min3A_489 = arith.constant 9999 : i32
    %min3A_490 = vector.broadcast %min3A_489 : i32 to vector<16xi32>
    %min3A_491 = arith.minsi %add3A_488, %min3A_490 : vector<16xi32>
    %swap3A_492 = arith.constant 32 : index
    %swap3A_493 = tpu.vector_load %arg7[%swap3A_492] {strides = array<i32>} : memref<64xi32, #tpu.memory_space<vmem>>, vector<16xi32>,
    tpu.vector_store %arg7[%swap3A_492], %min3A_491 {strides = array<i32>} : memref<64xi32, #tpu.memory_space<vmem>>, vector<16xi32>,
    %add3A_494 = arith.constant 128 : i32
    %add3A_495 = arith.addi %mul3A_2, %add3A_494 : i32
    %add3A_496 = arith.constant 48 : i32
    %add3A_497 = arith.addi %add3A_495, %add3A_496 : i32
    %add3A_498 = vector.broadcast %add3A_497 : i32 to vector<16xi32>
    %add3A_499 = arith.addi %add3A_498, %iota3A : vector<16xi32>
    %min3A_500 = arith.constant 9999 : i32
    %min3A_501 = vector.broadcast %min3A_500 : i32 to vector<16xi32>
    %min3A_502 = arith.minsi %add3A_499, %min3A_501 : vector<16xi32>
    %swap3A_503 = arith.constant 48 : index
    %swap3A_504 = tpu.vector_load %arg7[%swap3A_503] {strides = array<i32>} : memref<64xi32, #tpu.memory_space<vmem>>, vector<16xi32>,
    tpu.vector_store %arg7[%swap3A_503], %min3A_502 {strides = array<i32>} : memref<64xi32, #tpu.memory_space<vmem>>, vector<16xi32>,
    %dma_start3A_505 = arith.constant 0 : i32
    %dma_start3A_506 = arith.constant 0 : i32
    %dma_start3A_507 = tpu.memref_slice %arg2[%dma_start3A_505, %dma_start3A_506] : memref<10000x128xf32, #tpu.memory_space<hbm>> -> memref<10000x128xf32, #tpu.memory_space<hbm>>
    tpu.enqueue_indirect_dma source(%dma_start3A_507 : memref<10000x128xf32, #tpu.memory_space<hbm>>) target(%arg10 : memref<64x128xf32, #tpu.memory_space<vmem>>) offsets(%arg7 : memref<64xi32, #tpu.memory_space<vmem>>) semaphore(%arg16 : memref<!tpu.dma_semaphore, #tpu.memory_space<semaphore_mem>>)
    %add3A_508 = arith.constant 128 : i32
    %add3A_509 = arith.addi %mul3A_2, %add3A_508 : i32
    %add3A_510 = arith.constant 0 : i32
    %add3A_511 = arith.addi %add3A_509, %add3A_510 : i32
    %add3A_512 = vector.broadcast %add3A_511 : i32 to vector<16xi32>
    %add3A_513 = arith.addi %add3A_512, %iota3A : vector<16xi32>
    %min3A_514 = arith.constant 9999 : i32
    %min3A_515 = vector.broadcast %min3A_514 : i32 to vector<16xi32>
    %min3A_516 = arith.minsi %add3A_513, %min3A_515 : vector<16xi32>
    %mul3A_517 = arith.constant 2 : i32
    %mul3A_518 = vector.broadcast %mul3A_517 : i32 to vector<16xi32>
    %mul3A_519 = arith.muli %min3A_516, %mul3A_518 : vector<16xi32>
    %gather3A_520 = tpu.vector_load_idx %arg12[%mul3A_519] : memref<20480xf32, #tpu.memory_space<vmem>>[vector<16xi32>], vector<16xf32>,
    %mul3A_521 = arith.constant 2 : i32
    %mul3A_522 = vector.broadcast %mul3A_521 : i32 to vector<16xi32>
    %mul3A_523 = arith.muli %min3A_516, %mul3A_522 : vector<16xi32>
    %add3A_524 = arith.constant 1 : i32
    %add3A_525 = vector.broadcast %add3A_524 : i32 to vector<16xi32>
    %add3A_526 = arith.addi %mul3A_523, %add3A_525 : vector<16xi32>
    %gather3A_527 = tpu.vector_load_idx %arg12[%add3A_526] : memref<20480xf32, #tpu.memory_space<vmem>>[vector<16xi32>], vector<16xf32>,
    %add3A_528 = arith.addf %gather3A_520, %gather3A_527 : vector<16xf32>
    %ge3A_529 = arith.constant 0.000000e+00 : f32
    %ge3A_530 = vector.broadcast %ge3A_529 : f32 to vector<16xf32>
    %ge3A_531 = arith.cmpf oge, %add3A_528, %ge3A_530 : vector<16xf32>
    %mul3A_532 = arith.constant 2.000000e-01 : f32
    %mul3A_533 = vector.broadcast %mul3A_532 : f32 to vector<16xf32>
    %mul3A_534 = arith.mulf %add3A_528, %mul3A_533 : vector<16xf32>
    %select_n3A_535 = arith.select %ge3A_531, %add3A_528, %mul3A_534 : vector<16xi1>, vector<16xf32>
    %exp3A_536 = math.exp %select_n3A_535 : vector<16xf32>
    %swap3A_537 = arith.constant 0 : index
    %swap3A_538 = tpu.vector_load %arg11[%swap3A_537] {strides = array<i32>} : memref<64xf32, #tpu.memory_space<vmem>>, vector<16xf32>,
    tpu.vector_store %arg11[%swap3A_537], %exp3A_536 {strides = array<i32>} : memref<64xf32, #tpu.memory_space<vmem>>, vector<16xf32>,
    %get3A_539 = arith.constant 128 : index
    %get3A_540 = tpu.vector_load %arg13[%get3A_539] {strides = array<i32>} : memref<336xf32, #tpu.memory_space<vmem>>, vector<16xf32>,
    %add3A_541 = arith.addf %get3A_540, %exp3A_536 : vector<16xf32>
    %add3A_542 = arith.constant 1.000000e-16 : f32
    %add3A_543 = vector.broadcast %add3A_542 : f32 to vector<16xf32>
    %add3A_544 = arith.addf %add3A_541, %add3A_543 : vector<16xf32>
    %div3A_545 = arith.constant 1.000000e+00 : f32
    %div3A_546 = vector.broadcast %div3A_545 : f32 to vector<16xf32>
    %div3A_547 = arith.divf %div3A_546, %add3A_544 : vector<16xf32>
    %swap3A_548 = arith.constant 0 : index
    %swap3A_549 = tpu.vector_load %arg14[%swap3A_548] {strides = array<i32>} : memref<64xf32, #tpu.memory_space<vmem>>, vector<16xf32>,
    tpu.vector_store %arg14[%swap3A_548], %div3A_547 {strides = array<i32>} : memref<64xf32, #tpu.memory_space<vmem>>, vector<16xf32>,
    %add3A_550 = arith.constant 128 : i32
    %add3A_551 = arith.addi %mul3A_2, %add3A_550 : i32
    %add3A_552 = arith.constant 16 : i32
    %add3A_553 = arith.addi %add3A_551, %add3A_552 : i32
    %add3A_554 = vector.broadcast %add3A_553 : i32 to vector<16xi32>
    %add3A_555 = arith.addi %add3A_554, %iota3A : vector<16xi32>
    %min3A_556 = arith.constant 9999 : i32
    %min3A_557 = vector.broadcast %min3A_556 : i32 to vector<16xi32>
    %min3A_558 = arith.minsi %add3A_555, %min3A_557 : vector<16xi32>
    %mul3A_559 = arith.constant 2 : i32
    %mul3A_560 = vector.broadcast %mul3A_559 : i32 to vector<16xi32>
    %mul3A_561 = arith.muli %min3A_558, %mul3A_560 : vector<16xi32>
    %gather3A_562 = tpu.vector_load_idx %arg12[%mul3A_561] : memref<20480xf32, #tpu.memory_space<vmem>>[vector<16xi32>], vector<16xf32>,
    %mul3A_563 = arith.constant 2 : i32
    %mul3A_564 = vector.broadcast %mul3A_563 : i32 to vector<16xi32>
    %mul3A_565 = arith.muli %min3A_558, %mul3A_564 : vector<16xi32>
    %add3A_566 = arith.constant 1 : i32
    %add3A_567 = vector.broadcast %add3A_566 : i32 to vector<16xi32>
    %add3A_568 = arith.addi %mul3A_565, %add3A_567 : vector<16xi32>
    %gather3A_569 = tpu.vector_load_idx %arg12[%add3A_568] : memref<20480xf32, #tpu.memory_space<vmem>>[vector<16xi32>], vector<16xf32>,
    %add3A_570 = arith.addf %gather3A_562, %gather3A_569 : vector<16xf32>
    %ge3A_571 = arith.constant 0.000000e+00 : f32
    %ge3A_572 = vector.broadcast %ge3A_571 : f32 to vector<16xf32>
    %ge3A_573 = arith.cmpf oge, %add3A_570, %ge3A_572 : vector<16xf32>
    %mul3A_574 = arith.constant 2.000000e-01 : f32
    %mul3A_575 = vector.broadcast %mul3A_574 : f32 to vector<16xf32>
    %mul3A_576 = arith.mulf %add3A_570, %mul3A_575 : vector<16xf32>
    %select_n3A_577 = arith.select %ge3A_573, %add3A_570, %mul3A_576 : vector<16xi1>, vector<16xf32>
    %exp3A_578 = math.exp %select_n3A_577 : vector<16xf32>
    %swap3A_579 = arith.constant 16 : index
    %swap3A_580 = tpu.vector_load %arg11[%swap3A_579] {strides = array<i32>} : memref<64xf32, #tpu.memory_space<vmem>>, vector<16xf32>,
    tpu.vector_store %arg11[%swap3A_579], %exp3A_578 {strides = array<i32>} : memref<64xf32, #tpu.memory_space<vmem>>, vector<16xf32>,
    %get3A_581 = arith.constant 144 : index
    %get3A_582 = tpu.vector_load %arg13[%get3A_581] {strides = array<i32>} : memref<336xf32, #tpu.memory_space<vmem>>, vector<16xf32>,
    %add3A_583 = arith.addf %get3A_582, %exp3A_578 : vector<16xf32>
    %add3A_584 = arith.constant 1.000000e-16 : f32
    %add3A_585 = vector.broadcast %add3A_584 : f32 to vector<16xf32>
    %add3A_586 = arith.addf %add3A_583, %add3A_585 : vector<16xf32>
    %div3A_587 = arith.constant 1.000000e+00 : f32
    %div3A_588 = vector.broadcast %div3A_587 : f32 to vector<16xf32>
    %div3A_589 = arith.divf %div3A_588, %add3A_586 : vector<16xf32>
    %swap3A_590 = arith.constant 16 : index
    %swap3A_591 = tpu.vector_load %arg14[%swap3A_590] {strides = array<i32>} : memref<64xf32, #tpu.memory_space<vmem>>, vector<16xf32>,
    tpu.vector_store %arg14[%swap3A_590], %div3A_589 {strides = array<i32>} : memref<64xf32, #tpu.memory_space<vmem>>, vector<16xf32>,
    %add3A_592 = arith.constant 128 : i32
    %add3A_593 = arith.addi %mul3A_2, %add3A_592 : i32
    %add3A_594 = arith.constant 32 : i32
    %add3A_595 = arith.addi %add3A_593, %add3A_594 : i32
    %add3A_596 = vector.broadcast %add3A_595 : i32 to vector<16xi32>
    %add3A_597 = arith.addi %add3A_596, %iota3A : vector<16xi32>
    %min3A_598 = arith.constant 9999 : i32
    %min3A_599 = vector.broadcast %min3A_598 : i32 to vector<16xi32>
    %min3A_600 = arith.minsi %add3A_597, %min3A_599 : vector<16xi32>
    %mul3A_601 = arith.constant 2 : i32
    %mul3A_602 = vector.broadcast %mul3A_601 : i32 to vector<16xi32>
    %mul3A_603 = arith.muli %min3A_600, %mul3A_602 : vector<16xi32>
    %gather3A_604 = tpu.vector_load_idx %arg12[%mul3A_603] : memref<20480xf32, #tpu.memory_space<vmem>>[vector<16xi32>], vector<16xf32>,
    %mul3A_605 = arith.constant 2 : i32
    %mul3A_606 = vector.broadcast %mul3A_605 : i32 to vector<16xi32>
    %mul3A_607 = arith.muli %min3A_600, %mul3A_606 : vector<16xi32>
    %add3A_608 = arith.constant 1 : i32
    %add3A_609 = vector.broadcast %add3A_608 : i32 to vector<16xi32>
    %add3A_610 = arith.addi %mul3A_607, %add3A_609 : vector<16xi32>
    %gather3A_611 = tpu.vector_load_idx %arg12[%add3A_610] : memref<20480xf32, #tpu.memory_space<vmem>>[vector<16xi32>], vector<16xf32>,
    %add3A_612 = arith.addf %gather3A_604, %gather3A_611 : vector<16xf32>
    %ge3A_613 = arith.constant 0.000000e+00 : f32
    %ge3A_614 = vector.broadcast %ge3A_613 : f32 to vector<16xf32>
    %ge3A_615 = arith.cmpf oge, %add3A_612, %ge3A_614 : vector<16xf32>
    %mul3A_616 = arith.constant 2.000000e-01 : f32
    %mul3A_617 = vector.broadcast %mul3A_616 : f32 to vector<16xf32>
    %mul3A_618 = arith.mulf %add3A_612, %mul3A_617 : vector<16xf32>
    %select_n3A_619 = arith.select %ge3A_615, %add3A_612, %mul3A_618 : vector<16xi1>, vector<16xf32>
    %exp3A_620 = math.exp %select_n3A_619 : vector<16xf32>
    %swap3A_621 = arith.constant 32 : index
    %swap3A_622 = tpu.vector_load %arg11[%swap3A_621] {strides = array<i32>} : memref<64xf32, #tpu.memory_space<vmem>>, vector<16xf32>,
    tpu.vector_store %arg11[%swap3A_621], %exp3A_620 {strides = array<i32>} : memref<64xf32, #tpu.memory_space<vmem>>, vector<16xf32>,
    %get3A_623 = arith.constant 160 : index
    %get3A_624 = tpu.vector_load %arg13[%get3A_623] {strides = array<i32>} : memref<336xf32, #tpu.memory_space<vmem>>, vector<16xf32>,
    %add3A_625 = arith.addf %get3A_624, %exp3A_620 : vector<16xf32>
    %add3A_626 = arith.constant 1.000000e-16 : f32
    %add3A_627 = vector.broadcast %add3A_626 : f32 to vector<16xf32>
    %add3A_628 = arith.addf %add3A_625, %add3A_627 : vector<16xf32>
    %div3A_629 = arith.constant 1.000000e+00 : f32
    %div3A_630 = vector.broadcast %div3A_629 : f32 to vector<16xf32>
    %div3A_631 = arith.divf %div3A_630, %add3A_628 : vector<16xf32>
    %swap3A_632 = arith.constant 32 : index
    %swap3A_633 = tpu.vector_load %arg14[%swap3A_632] {strides = array<i32>} : memref<64xf32, #tpu.memory_space<vmem>>, vector<16xf32>,
    tpu.vector_store %arg14[%swap3A_632], %div3A_631 {strides = array<i32>} : memref<64xf32, #tpu.memory_space<vmem>>, vector<16xf32>,
    %add3A_634 = arith.constant 128 : i32
    %add3A_635 = arith.addi %mul3A_2, %add3A_634 : i32
    %add3A_636 = arith.constant 48 : i32
    %add3A_637 = arith.addi %add3A_635, %add3A_636 : i32
    %add3A_638 = vector.broadcast %add3A_637 : i32 to vector<16xi32>
    %add3A_639 = arith.addi %add3A_638, %iota3A : vector<16xi32>
    %min3A_640 = arith.constant 9999 : i32
    %min3A_641 = vector.broadcast %min3A_640 : i32 to vector<16xi32>
    %min3A_642 = arith.minsi %add3A_639, %min3A_641 : vector<16xi32>
    %mul3A_643 = arith.constant 2 : i32
    %mul3A_644 = vector.broadcast %mul3A_643 : i32 to vector<16xi32>
    %mul3A_645 = arith.muli %min3A_642, %mul3A_644 : vector<16xi32>
    %gather3A_646 = tpu.vector_load_idx %arg12[%mul3A_645] : memref<20480xf32, #tpu.memory_space<vmem>>[vector<16xi32>], vector<16xf32>,
    %mul3A_647 = arith.constant 2 : i32
    %mul3A_648 = vector.broadcast %mul3A_647 : i32 to vector<16xi32>
    %mul3A_649 = arith.muli %min3A_642, %mul3A_648 : vector<16xi32>
    %add3A_650 = arith.constant 1 : i32
    %add3A_651 = vector.broadcast %add3A_650 : i32 to vector<16xi32>
    %add3A_652 = arith.addi %mul3A_649, %add3A_651 : vector<16xi32>
    %gather3A_653 = tpu.vector_load_idx %arg12[%add3A_652] : memref<20480xf32, #tpu.memory_space<vmem>>[vector<16xi32>], vector<16xf32>,
    %add3A_654 = arith.addf %gather3A_646, %gather3A_653 : vector<16xf32>
    %ge3A_655 = arith.constant 0.000000e+00 : f32
    %ge3A_656 = vector.broadcast %ge3A_655 : f32 to vector<16xf32>
    %ge3A_657 = arith.cmpf oge, %add3A_654, %ge3A_656 : vector<16xf32>
    %mul3A_658 = arith.constant 2.000000e-01 : f32
    %mul3A_659 = vector.broadcast %mul3A_658 : f32 to vector<16xf32>
    %mul3A_660 = arith.mulf %add3A_654, %mul3A_659 : vector<16xf32>
    %select_n3A_661 = arith.select %ge3A_657, %add3A_654, %mul3A_660 : vector<16xi1>, vector<16xf32>
    %exp3A_662 = math.exp %select_n3A_661 : vector<16xf32>
    %swap3A_663 = arith.constant 48 : index
    %swap3A_664 = tpu.vector_load %arg11[%swap3A_663] {strides = array<i32>} : memref<64xf32, #tpu.memory_space<vmem>>, vector<16xf32>,
    tpu.vector_store %arg11[%swap3A_663], %exp3A_662 {strides = array<i32>} : memref<64xf32, #tpu.memory_space<vmem>>, vector<16xf32>,
    %get3A_665 = arith.constant 176 : index
    %get3A_666 = tpu.vector_load %arg13[%get3A_665] {strides = array<i32>} : memref<336xf32, #tpu.memory_space<vmem>>, vector<16xf32>,
    %add3A_667 = arith.addf %get3A_666, %exp3A_662 : vector<16xf32>
    %add3A_668 = arith.constant 1.000000e-16 : f32
    %add3A_669 = vector.broadcast %add3A_668 : f32 to vector<16xf32>
    %add3A_670 = arith.addf %add3A_667, %add3A_669 : vector<16xf32>
    %div3A_671 = arith.constant 1.000000e+00 : f32
    %div3A_672 = vector.broadcast %div3A_671 : f32 to vector<16xf32>
    %div3A_673 = arith.divf %div3A_672, %add3A_670 : vector<16xf32>
    %swap3A_674 = arith.constant 48 : index
    %swap3A_675 = tpu.vector_load %arg14[%swap3A_674] {strides = array<i32>} : memref<64xf32, #tpu.memory_space<vmem>>, vector<16xf32>,
    tpu.vector_store %arg14[%swap3A_674], %div3A_673 {strides = array<i32>} : memref<64xf32, #tpu.memory_space<vmem>>, vector<16xf32>,
    %dma_wait3A_676 = arith.constant 0 : i32
    %dma_wait3A_677 = arith.constant 0 : i32
    %dma_wait3A_678 = tpu.memref_slice %arg2[%dma_wait3A_676, %dma_wait3A_677] : memref<10000x128xf32, #tpu.memory_space<hbm>> -> memref<10000x128xf32, #tpu.memory_space<hbm>>
    tpu.wait_indirect_dma semaphore(%arg16 : memref<!tpu.dma_semaphore, #tpu.memory_space<semaphore_mem>>) src(%dma_wait3A_678 : memref<10000x128xf32, #tpu.memory_space<hbm>>) dst(%arg10 : memref<64x128xf32, #tpu.memory_space<vmem>>)
    %scan3A_679 = arith.constant 0 : i32
    %scan3A_680 = arith.constant 0 : i32
    %scan3A_681 = arith.constant 64 : i32
    %scan3A_682 = arith.addi %scan3A_680, %scan3A_681 : i32
    %scan3A_683 = arith.constant 1 : i32
    scf.for %scan3A_1143 = %scan3A_680 to %scan3A_682 step %scan3A_683  : i32 {
      %add3A_1144 = vector.broadcast %scan3A_1143 : i32 to vector<16xi32>
      %add3A_1145 = arith.addi %broadcast_in_dim3A_5, %add3A_1144 : vector<16xi32>
      %gather3A_1146 = tpu.vector_load_idx %arg11[%add3A_1145] : memref<64xf32, #tpu.memory_space<vmem>>[vector<16xi32>], vector<16xf32>,
      %gather3A_1147 = tpu.vector_load_idx %arg14[%add3A_1145] : memref<64xf32, #tpu.memory_space<vmem>>[vector<16xi32>], vector<16xf32>,
      %add3A_1148 = arith.constant 128 : i32
      %add3A_1149 = vector.broadcast %add3A_1148 : i32 to vector<16xi32>
      %add3A_1150 = arith.addi %broadcast_in_dim3A_5, %add3A_1149 : vector<16xi32>
      %add3A_1151 = vector.broadcast %scan3A_1143 : i32 to vector<16xi32>
      %add3A_1152 = arith.addi %add3A_1150, %add3A_1151 : vector<16xi32>
      %add3A_1153 = arith.constant 0 : i32
      %add3A_1154 = vector.broadcast %add3A_1153 : i32 to vector<16xi32>
      %add3A_1155 = arith.addi %iota3A, %add3A_1154 : vector<16xi32>
      %gather3A_1156 = tpu.vector_load_idx %arg15[%add3A_1152, %add3A_1155] : memref<336x128xf32, #tpu.memory_space<vmem>>[vector<16xi32>, vector<16xi32>], vector<16xf32>,
      %gather3A_1157 = tpu.vector_load_idx %arg10[%add3A_1145, %add3A_1155] : memref<64x128xf32, #tpu.memory_space<vmem>>[vector<16xi32>, vector<16xi32>], vector<16xf32>,
      %mul3A_1158 = arith.mulf %gather3A_1146, %gather3A_1157 : vector<16xf32>
      %add3A_1159 = arith.addf %gather3A_1156, %mul3A_1158 : vector<16xf32>
      %mul3A_1160 = arith.mulf %add3A_1159, %gather3A_1147 : vector<16xf32>
      tpu.vector_store_idx %arg15[%add3A_1152, %add3A_1155], %mul3A_1160 : memref<336x128xf32, #tpu.memory_space<vmem>>[vector<16xi32>, vector<16xi32>], vector<16xf32>,
      %add3A_1161 = arith.constant 16 : i32
      %add3A_1162 = vector.broadcast %add3A_1161 : i32 to vector<16xi32>
      %add3A_1163 = arith.addi %iota3A, %add3A_1162 : vector<16xi32>
      %gather3A_1164 = tpu.vector_load_idx %arg15[%add3A_1152, %add3A_1163] : memref<336x128xf32, #tpu.memory_space<vmem>>[vector<16xi32>, vector<16xi32>], vector<16xf32>,
      %gather3A_1165 = tpu.vector_load_idx %arg10[%add3A_1145, %add3A_1163] : memref<64x128xf32, #tpu.memory_space<vmem>>[vector<16xi32>, vector<16xi32>], vector<16xf32>,
      %mul3A_1166 = arith.mulf %gather3A_1146, %gather3A_1165 : vector<16xf32>
      %add3A_1167 = arith.addf %gather3A_1164, %mul3A_1166 : vector<16xf32>
      %mul3A_1168 = arith.mulf %add3A_1167, %gather3A_1147 : vector<16xf32>
      tpu.vector_store_idx %arg15[%add3A_1152, %add3A_1163], %mul3A_1168 : memref<336x128xf32, #tpu.memory_space<vmem>>[vector<16xi32>, vector<16xi32>], vector<16xf32>,
      %add3A_1169 = arith.constant 32 : i32
      %add3A_1170 = vector.broadcast %add3A_1169 : i32 to vector<16xi32>
      %add3A_1171 = arith.addi %iota3A, %add3A_1170 : vector<16xi32>
      %gather3A_1172 = tpu.vector_load_idx %arg15[%add3A_1152, %add3A_1171] : memref<336x128xf32, #tpu.memory_space<vmem>>[vector<16xi32>, vector<16xi32>], vector<16xf32>,
      %gather3A_1173 = tpu.vector_load_idx %arg10[%add3A_1145, %add3A_1171] : memref<64x128xf32, #tpu.memory_space<vmem>>[vector<16xi32>, vector<16xi32>], vector<16xf32>,
      %mul3A_1174 = arith.mulf %gather3A_1146, %gather3A_1173 : vector<16xf32>
      %add3A_1175 = arith.addf %gather3A_1172, %mul3A_1174 : vector<16xf32>
      %mul3A_1176 = arith.mulf %add3A_1175, %gather3A_1147 : vector<16xf32>
      tpu.vector_store_idx %arg15[%add3A_1152, %add3A_1171], %mul3A_1176 : memref<336x128xf32, #tpu.memory_space<vmem>>[vector<16xi32>, vector<16xi32>], vector<16xf32>,
      %add3A_1177 = arith.constant 48 : i32
      %add3A_1178 = vector.broadcast %add3A_1177 : i32 to vector<16xi32>
      %add3A_1179 = arith.addi %iota3A, %add3A_1178 : vector<16xi32>
      %gather3A_1180 = tpu.vector_load_idx %arg15[%add3A_1152, %add3A_1179] : memref<336x128xf32, #tpu.memory_space<vmem>>[vector<16xi32>, vector<16xi32>], vector<16xf32>,
      %gather3A_1181 = tpu.vector_load_idx %arg10[%add3A_1145, %add3A_1179] : memref<64x128xf32, #tpu.memory_space<vmem>>[vector<16xi32>, vector<16xi32>], vector<16xf32>,
      %mul3A_1182 = arith.mulf %gather3A_1146, %gather3A_1181 : vector<16xf32>
      %add3A_1183 = arith.addf %gather3A_1180, %mul3A_1182 : vector<16xf32>
      %mul3A_1184 = arith.mulf %add3A_1183, %gather3A_1147 : vector<16xf32>
      tpu.vector_store_idx %arg15[%add3A_1152, %add3A_1179], %mul3A_1184 : memref<336x128xf32, #tpu.memory_space<vmem>>[vector<16xi32>, vector<16xi32>], vector<16xf32>,
      %add3A_1185 = arith.constant 64 : i32
      %add3A_1186 = vector.broadcast %add3A_1185 : i32 to vector<16xi32>
      %add3A_1187 = arith.addi %iota3A, %add3A_1186 : vector<16xi32>
      %gather3A_1188 = tpu.vector_load_idx %arg15[%add3A_1152, %add3A_1187] : memref<336x128xf32, #tpu.memory_space<vmem>>[vector<16xi32>, vector<16xi32>], vector<16xf32>,
      %gather3A_1189 = tpu.vector_load_idx %arg10[%add3A_1145, %add3A_1187] : memref<64x128xf32, #tpu.memory_space<vmem>>[vector<16xi32>, vector<16xi32>], vector<16xf32>,
      %mul3A_1190 = arith.mulf %gather3A_1146, %gather3A_1189 : vector<16xf32>
      %add3A_1191 = arith.addf %gather3A_1188, %mul3A_1190 : vector<16xf32>
      %mul3A_1192 = arith.mulf %add3A_1191, %gather3A_1147 : vector<16xf32>
      tpu.vector_store_idx %arg15[%add3A_1152, %add3A_1187], %mul3A_1192 : memref<336x128xf32, #tpu.memory_space<vmem>>[vector<16xi32>, vector<16xi32>], vector<16xf32>,
      %add3A_1193 = arith.constant 80 : i32
      %add3A_1194 = vector.broadcast %add3A_1193 : i32 to vector<16xi32>
      %add3A_1195 = arith.addi %iota3A, %add3A_1194 : vector<16xi32>
      %gather3A_1196 = tpu.vector_load_idx %arg15[%add3A_1152, %add3A_1195] : memref<336x128xf32, #tpu.memory_space<vmem>>[vector<16xi32>, vector<16xi32>], vector<16xf32>,
      %gather3A_1197 = tpu.vector_load_idx %arg10[%add3A_1145, %add3A_1195] : memref<64x128xf32, #tpu.memory_space<vmem>>[vector<16xi32>, vector<16xi32>], vector<16xf32>,
      %mul3A_1198 = arith.mulf %gather3A_1146, %gather3A_1197 : vector<16xf32>
      %add3A_1199 = arith.addf %gather3A_1196, %mul3A_1198 : vector<16xf32>
      %mul3A_1200 = arith.mulf %add3A_1199, %gather3A_1147 : vector<16xf32>
      tpu.vector_store_idx %arg15[%add3A_1152, %add3A_1195], %mul3A_1200 : memref<336x128xf32, #tpu.memory_space<vmem>>[vector<16xi32>, vector<16xi32>], vector<16xf32>,
      %add3A_1201 = arith.constant 96 : i32
      %add3A_1202 = vector.broadcast %add3A_1201 : i32 to vector<16xi32>
      %add3A_1203 = arith.addi %iota3A, %add3A_1202 : vector<16xi32>
      %gather3A_1204 = tpu.vector_load_idx %arg15[%add3A_1152, %add3A_1203] : memref<336x128xf32, #tpu.memory_space<vmem>>[vector<16xi32>, vector<16xi32>], vector<16xf32>,
      %gather3A_1205 = tpu.vector_load_idx %arg10[%add3A_1145, %add3A_1203] : memref<64x128xf32, #tpu.memory_space<vmem>>[vector<16xi32>, vector<16xi32>], vector<16xf32>,
      %mul3A_1206 = arith.mulf %gather3A_1146, %gather3A_1205 : vector<16xf32>
      %add3A_1207 = arith.addf %gather3A_1204, %mul3A_1206 : vector<16xf32>
      %mul3A_1208 = arith.mulf %add3A_1207, %gather3A_1147 : vector<16xf32>
      tpu.vector_store_idx %arg15[%add3A_1152, %add3A_1203], %mul3A_1208 : memref<336x128xf32, #tpu.memory_space<vmem>>[vector<16xi32>, vector<16xi32>], vector<16xf32>,
      %add3A_1209 = arith.constant 112 : i32
      %add3A_1210 = vector.broadcast %add3A_1209 : i32 to vector<16xi32>
      %add3A_1211 = arith.addi %iota3A, %add3A_1210 : vector<16xi32>
      %gather3A_1212 = tpu.vector_load_idx %arg15[%add3A_1152, %add3A_1211] : memref<336x128xf32, #tpu.memory_space<vmem>>[vector<16xi32>, vector<16xi32>], vector<16xf32>,
      %gather3A_1213 = tpu.vector_load_idx %arg10[%add3A_1145, %add3A_1211] : memref<64x128xf32, #tpu.memory_space<vmem>>[vector<16xi32>, vector<16xi32>], vector<16xf32>,
      %mul3A_1214 = arith.mulf %gather3A_1146, %gather3A_1213 : vector<16xf32>
      %add3A_1215 = arith.addf %gather3A_1212, %mul3A_1214 : vector<16xf32>
      %mul3A_1216 = arith.mulf %add3A_1215, %gather3A_1147 : vector<16xf32>
      tpu.vector_store_idx %arg15[%add3A_1152, %add3A_1211], %mul3A_1216 : memref<336x128xf32, #tpu.memory_space<vmem>>[vector<16xi32>, vector<16xi32>], vector<16xf32>,
    }
    %scan3A_684 = arith.constant 64 : i32
    %add3A_685 = arith.constant 192 : i32
    %add3A_686 = arith.addi %mul3A_2, %add3A_685 : i32
    %add3A_687 = arith.constant 0 : i32
    %add3A_688 = arith.addi %add3A_686, %add3A_687 : i32
    %add3A_689 = vector.broadcast %add3A_688 : i32 to vector<16xi32>
    %add3A_690 = arith.addi %add3A_689, %iota3A : vector<16xi32>
    %min3A_691 = arith.constant 9999 : i32
    %min3A_692 = vector.broadcast %min3A_691 : i32 to vector<16xi32>
    %min3A_693 = arith.minsi %add3A_690, %min3A_692 : vector<16xi32>
    %swap3A_694 = arith.constant 0 : index
    %swap3A_695 = tpu.vector_load %arg7[%swap3A_694] {strides = array<i32>} : memref<64xi32, #tpu.memory_space<vmem>>, vector<16xi32>,
    tpu.vector_store %arg7[%swap3A_694], %min3A_693 {strides = array<i32>} : memref<64xi32, #tpu.memory_space<vmem>>, vector<16xi32>,
    %add3A_696 = arith.constant 192 : i32
    %add3A_697 = arith.addi %mul3A_2, %add3A_696 : i32
    %add3A_698 = arith.constant 16 : i32
    %add3A_699 = arith.addi %add3A_697, %add3A_698 : i32
    %add3A_700 = vector.broadcast %add3A_699 : i32 to vector<16xi32>
    %add3A_701 = arith.addi %add3A_700, %iota3A : vector<16xi32>
    %min3A_702 = arith.constant 9999 : i32
    %min3A_703 = vector.broadcast %min3A_702 : i32 to vector<16xi32>
    %min3A_704 = arith.minsi %add3A_701, %min3A_703 : vector<16xi32>
    %swap3A_705 = arith.constant 16 : index
    %swap3A_706 = tpu.vector_load %arg7[%swap3A_705] {strides = array<i32>} : memref<64xi32, #tpu.memory_space<vmem>>, vector<16xi32>,
    tpu.vector_store %arg7[%swap3A_705], %min3A_704 {strides = array<i32>} : memref<64xi32, #tpu.memory_space<vmem>>, vector<16xi32>,
    %add3A_707 = arith.constant 192 : i32
    %add3A_708 = arith.addi %mul3A_2, %add3A_707 : i32
    %add3A_709 = arith.constant 32 : i32
    %add3A_710 = arith.addi %add3A_708, %add3A_709 : i32
    %add3A_711 = vector.broadcast %add3A_710 : i32 to vector<16xi32>
    %add3A_712 = arith.addi %add3A_711, %iota3A : vector<16xi32>
    %min3A_713 = arith.constant 9999 : i32
    %min3A_714 = vector.broadcast %min3A_713 : i32 to vector<16xi32>
    %min3A_715 = arith.minsi %add3A_712, %min3A_714 : vector<16xi32>
    %swap3A_716 = arith.constant 32 : index
    %swap3A_717 = tpu.vector_load %arg7[%swap3A_716] {strides = array<i32>} : memref<64xi32, #tpu.memory_space<vmem>>, vector<16xi32>,
    tpu.vector_store %arg7[%swap3A_716], %min3A_715 {strides = array<i32>} : memref<64xi32, #tpu.memory_space<vmem>>, vector<16xi32>,
    %add3A_718 = arith.constant 192 : i32
    %add3A_719 = arith.addi %mul3A_2, %add3A_718 : i32
    %add3A_720 = arith.constant 48 : i32
    %add3A_721 = arith.addi %add3A_719, %add3A_720 : i32
    %add3A_722 = vector.broadcast %add3A_721 : i32 to vector<16xi32>
    %add3A_723 = arith.addi %add3A_722, %iota3A : vector<16xi32>
    %min3A_724 = arith.constant 9999 : i32
    %min3A_725 = vector.broadcast %min3A_724 : i32 to vector<16xi32>
    %min3A_726 = arith.minsi %add3A_723, %min3A_725 : vector<16xi32>
    %swap3A_727 = arith.constant 48 : index
    %swap3A_728 = tpu.vector_load %arg7[%swap3A_727] {strides = array<i32>} : memref<64xi32, #tpu.memory_space<vmem>>, vector<16xi32>,
    tpu.vector_store %arg7[%swap3A_727], %min3A_726 {strides = array<i32>} : memref<64xi32, #tpu.memory_space<vmem>>, vector<16xi32>,
    %dma_start3A_729 = arith.constant 0 : i32
    %dma_start3A_730 = arith.constant 0 : i32
    %dma_start3A_731 = tpu.memref_slice %arg2[%dma_start3A_729, %dma_start3A_730] : memref<10000x128xf32, #tpu.memory_space<hbm>> -> memref<10000x128xf32, #tpu.memory_space<hbm>>
    tpu.enqueue_indirect_dma source(%dma_start3A_731 : memref<10000x128xf32, #tpu.memory_space<hbm>>) target(%arg10 : memref<64x128xf32, #tpu.memory_space<vmem>>) offsets(%arg7 : memref<64xi32, #tpu.memory_space<vmem>>) semaphore(%arg16 : memref<!tpu.dma_semaphore, #tpu.memory_space<semaphore_mem>>)
    %add3A_732 = arith.constant 192 : i32
    %add3A_733 = arith.addi %mul3A_2, %add3A_732 : i32
    %add3A_734 = arith.constant 0 : i32
    %add3A_735 = arith.addi %add3A_733, %add3A_734 : i32
    %add3A_736 = vector.broadcast %add3A_735 : i32 to vector<16xi32>
    %add3A_737 = arith.addi %add3A_736, %iota3A : vector<16xi32>
    %min3A_738 = arith.constant 9999 : i32
    %min3A_739 = vector.broadcast %min3A_738 : i32 to vector<16xi32>
    %min3A_740 = arith.minsi %add3A_737, %min3A_739 : vector<16xi32>
    %mul3A_741 = arith.constant 2 : i32
    %mul3A_742 = vector.broadcast %mul3A_741 : i32 to vector<16xi32>
    %mul3A_743 = arith.muli %min3A_740, %mul3A_742 : vector<16xi32>
    %gather3A_744 = tpu.vector_load_idx %arg12[%mul3A_743] : memref<20480xf32, #tpu.memory_space<vmem>>[vector<16xi32>], vector<16xf32>,
    %mul3A_745 = arith.constant 2 : i32
    %mul3A_746 = vector.broadcast %mul3A_745 : i32 to vector<16xi32>
    %mul3A_747 = arith.muli %min3A_740, %mul3A_746 : vector<16xi32>
    %add3A_748 = arith.constant 1 : i32
    %add3A_749 = vector.broadcast %add3A_748 : i32 to vector<16xi32>
    %add3A_750 = arith.addi %mul3A_747, %add3A_749 : vector<16xi32>
    %gather3A_751 = tpu.vector_load_idx %arg12[%add3A_750] : memref<20480xf32, #tpu.memory_space<vmem>>[vector<16xi32>], vector<16xf32>,
    %add3A_752 = arith.addf %gather3A_744, %gather3A_751 : vector<16xf32>
    %ge3A_753 = arith.constant 0.000000e+00 : f32
    %ge3A_754 = vector.broadcast %ge3A_753 : f32 to vector<16xf32>
    %ge3A_755 = arith.cmpf oge, %add3A_752, %ge3A_754 : vector<16xf32>
    %mul3A_756 = arith.constant 2.000000e-01 : f32
    %mul3A_757 = vector.broadcast %mul3A_756 : f32 to vector<16xf32>
    %mul3A_758 = arith.mulf %add3A_752, %mul3A_757 : vector<16xf32>
    %select_n3A_759 = arith.select %ge3A_755, %add3A_752, %mul3A_758 : vector<16xi1>, vector<16xf32>
    %exp3A_760 = math.exp %select_n3A_759 : vector<16xf32>
    %swap3A_761 = arith.constant 0 : index
    %swap3A_762 = tpu.vector_load %arg11[%swap3A_761] {strides = array<i32>} : memref<64xf32, #tpu.memory_space<vmem>>, vector<16xf32>,
    tpu.vector_store %arg11[%swap3A_761], %exp3A_760 {strides = array<i32>} : memref<64xf32, #tpu.memory_space<vmem>>, vector<16xf32>,
    %get3A_763 = arith.constant 192 : index
    %get3A_764 = tpu.vector_load %arg13[%get3A_763] {strides = array<i32>} : memref<336xf32, #tpu.memory_space<vmem>>, vector<16xf32>,
    %add3A_765 = arith.addf %get3A_764, %exp3A_760 : vector<16xf32>
    %add3A_766 = arith.constant 1.000000e-16 : f32
    %add3A_767 = vector.broadcast %add3A_766 : f32 to vector<16xf32>
    %add3A_768 = arith.addf %add3A_765, %add3A_767 : vector<16xf32>
    %div3A_769 = arith.constant 1.000000e+00 : f32
    %div3A_770 = vector.broadcast %div3A_769 : f32 to vector<16xf32>
    %div3A_771 = arith.divf %div3A_770, %add3A_768 : vector<16xf32>
    %swap3A_772 = arith.constant 0 : index
    %swap3A_773 = tpu.vector_load %arg14[%swap3A_772] {strides = array<i32>} : memref<64xf32, #tpu.memory_space<vmem>>, vector<16xf32>,
    tpu.vector_store %arg14[%swap3A_772], %div3A_771 {strides = array<i32>} : memref<64xf32, #tpu.memory_space<vmem>>, vector<16xf32>,
    %add3A_774 = arith.constant 192 : i32
    %add3A_775 = arith.addi %mul3A_2, %add3A_774 : i32
    %add3A_776 = arith.constant 16 : i32
    %add3A_777 = arith.addi %add3A_775, %add3A_776 : i32
    %add3A_778 = vector.broadcast %add3A_777 : i32 to vector<16xi32>
    %add3A_779 = arith.addi %add3A_778, %iota3A : vector<16xi32>
    %min3A_780 = arith.constant 9999 : i32
    %min3A_781 = vector.broadcast %min3A_780 : i32 to vector<16xi32>
    %min3A_782 = arith.minsi %add3A_779, %min3A_781 : vector<16xi32>
    %mul3A_783 = arith.constant 2 : i32
    %mul3A_784 = vector.broadcast %mul3A_783 : i32 to vector<16xi32>
    %mul3A_785 = arith.muli %min3A_782, %mul3A_784 : vector<16xi32>
    %gather3A_786 = tpu.vector_load_idx %arg12[%mul3A_785] : memref<20480xf32, #tpu.memory_space<vmem>>[vector<16xi32>], vector<16xf32>,
    %mul3A_787 = arith.constant 2 : i32
    %mul3A_788 = vector.broadcast %mul3A_787 : i32 to vector<16xi32>
    %mul3A_789 = arith.muli %min3A_782, %mul3A_788 : vector<16xi32>
    %add3A_790 = arith.constant 1 : i32
    %add3A_791 = vector.broadcast %add3A_790 : i32 to vector<16xi32>
    %add3A_792 = arith.addi %mul3A_789, %add3A_791 : vector<16xi32>
    %gather3A_793 = tpu.vector_load_idx %arg12[%add3A_792] : memref<20480xf32, #tpu.memory_space<vmem>>[vector<16xi32>], vector<16xf32>,
    %add3A_794 = arith.addf %gather3A_786, %gather3A_793 : vector<16xf32>
    %ge3A_795 = arith.constant 0.000000e+00 : f32
    %ge3A_796 = vector.broadcast %ge3A_795 : f32 to vector<16xf32>
    %ge3A_797 = arith.cmpf oge, %add3A_794, %ge3A_796 : vector<16xf32>
    %mul3A_798 = arith.constant 2.000000e-01 : f32
    %mul3A_799 = vector.broadcast %mul3A_798 : f32 to vector<16xf32>
    %mul3A_800 = arith.mulf %add3A_794, %mul3A_799 : vector<16xf32>
    %select_n3A_801 = arith.select %ge3A_797, %add3A_794, %mul3A_800 : vector<16xi1>, vector<16xf32>
    %exp3A_802 = math.exp %select_n3A_801 : vector<16xf32>
    %swap3A_803 = arith.constant 16 : index
    %swap3A_804 = tpu.vector_load %arg11[%swap3A_803] {strides = array<i32>} : memref<64xf32, #tpu.memory_space<vmem>>, vector<16xf32>,
    tpu.vector_store %arg11[%swap3A_803], %exp3A_802 {strides = array<i32>} : memref<64xf32, #tpu.memory_space<vmem>>, vector<16xf32>,
    %get3A_805 = arith.constant 208 : index
    %get3A_806 = tpu.vector_load %arg13[%get3A_805] {strides = array<i32>} : memref<336xf32, #tpu.memory_space<vmem>>, vector<16xf32>,
    %add3A_807 = arith.addf %get3A_806, %exp3A_802 : vector<16xf32>
    %add3A_808 = arith.constant 1.000000e-16 : f32
    %add3A_809 = vector.broadcast %add3A_808 : f32 to vector<16xf32>
    %add3A_810 = arith.addf %add3A_807, %add3A_809 : vector<16xf32>
    %div3A_811 = arith.constant 1.000000e+00 : f32
    %div3A_812 = vector.broadcast %div3A_811 : f32 to vector<16xf32>
    %div3A_813 = arith.divf %div3A_812, %add3A_810 : vector<16xf32>
    %swap3A_814 = arith.constant 16 : index
    %swap3A_815 = tpu.vector_load %arg14[%swap3A_814] {strides = array<i32>} : memref<64xf32, #tpu.memory_space<vmem>>, vector<16xf32>,
    tpu.vector_store %arg14[%swap3A_814], %div3A_813 {strides = array<i32>} : memref<64xf32, #tpu.memory_space<vmem>>, vector<16xf32>,
    %add3A_816 = arith.constant 192 : i32
    %add3A_817 = arith.addi %mul3A_2, %add3A_816 : i32
    %add3A_818 = arith.constant 32 : i32
    %add3A_819 = arith.addi %add3A_817, %add3A_818 : i32
    %add3A_820 = vector.broadcast %add3A_819 : i32 to vector<16xi32>
    %add3A_821 = arith.addi %add3A_820, %iota3A : vector<16xi32>
    %min3A_822 = arith.constant 9999 : i32
    %min3A_823 = vector.broadcast %min3A_822 : i32 to vector<16xi32>
    %min3A_824 = arith.minsi %add3A_821, %min3A_823 : vector<16xi32>
    %mul3A_825 = arith.constant 2 : i32
    %mul3A_826 = vector.broadcast %mul3A_825 : i32 to vector<16xi32>
    %mul3A_827 = arith.muli %min3A_824, %mul3A_826 : vector<16xi32>
    %gather3A_828 = tpu.vector_load_idx %arg12[%mul3A_827] : memref<20480xf32, #tpu.memory_space<vmem>>[vector<16xi32>], vector<16xf32>,
    %mul3A_829 = arith.constant 2 : i32
    %mul3A_830 = vector.broadcast %mul3A_829 : i32 to vector<16xi32>
    %mul3A_831 = arith.muli %min3A_824, %mul3A_830 : vector<16xi32>
    %add3A_832 = arith.constant 1 : i32
    %add3A_833 = vector.broadcast %add3A_832 : i32 to vector<16xi32>
    %add3A_834 = arith.addi %mul3A_831, %add3A_833 : vector<16xi32>
    %gather3A_835 = tpu.vector_load_idx %arg12[%add3A_834] : memref<20480xf32, #tpu.memory_space<vmem>>[vector<16xi32>], vector<16xf32>,
    %add3A_836 = arith.addf %gather3A_828, %gather3A_835 : vector<16xf32>
    %ge3A_837 = arith.constant 0.000000e+00 : f32
    %ge3A_838 = vector.broadcast %ge3A_837 : f32 to vector<16xf32>
    %ge3A_839 = arith.cmpf oge, %add3A_836, %ge3A_838 : vector<16xf32>
    %mul3A_840 = arith.constant 2.000000e-01 : f32
    %mul3A_841 = vector.broadcast %mul3A_840 : f32 to vector<16xf32>
    %mul3A_842 = arith.mulf %add3A_836, %mul3A_841 : vector<16xf32>
    %select_n3A_843 = arith.select %ge3A_839, %add3A_836, %mul3A_842 : vector<16xi1>, vector<16xf32>
    %exp3A_844 = math.exp %select_n3A_843 : vector<16xf32>
    %swap3A_845 = arith.constant 32 : index
    %swap3A_846 = tpu.vector_load %arg11[%swap3A_845] {strides = array<i32>} : memref<64xf32, #tpu.memory_space<vmem>>, vector<16xf32>,
    tpu.vector_store %arg11[%swap3A_845], %exp3A_844 {strides = array<i32>} : memref<64xf32, #tpu.memory_space<vmem>>, vector<16xf32>,
    %get3A_847 = arith.constant 224 : index
    %get3A_848 = tpu.vector_load %arg13[%get3A_847] {strides = array<i32>} : memref<336xf32, #tpu.memory_space<vmem>>, vector<16xf32>,
    %add3A_849 = arith.addf %get3A_848, %exp3A_844 : vector<16xf32>
    %add3A_850 = arith.constant 1.000000e-16 : f32
    %add3A_851 = vector.broadcast %add3A_850 : f32 to vector<16xf32>
    %add3A_852 = arith.addf %add3A_849, %add3A_851 : vector<16xf32>
    %div3A_853 = arith.constant 1.000000e+00 : f32
    %div3A_854 = vector.broadcast %div3A_853 : f32 to vector<16xf32>
    %div3A_855 = arith.divf %div3A_854, %add3A_852 : vector<16xf32>
    %swap3A_856 = arith.constant 32 : index
    %swap3A_857 = tpu.vector_load %arg14[%swap3A_856] {strides = array<i32>} : memref<64xf32, #tpu.memory_space<vmem>>, vector<16xf32>,
    tpu.vector_store %arg14[%swap3A_856], %div3A_855 {strides = array<i32>} : memref<64xf32, #tpu.memory_space<vmem>>, vector<16xf32>,
    %add3A_858 = arith.constant 192 : i32
    %add3A_859 = arith.addi %mul3A_2, %add3A_858 : i32
    %add3A_860 = arith.constant 48 : i32
    %add3A_861 = arith.addi %add3A_859, %add3A_860 : i32
    %add3A_862 = vector.broadcast %add3A_861 : i32 to vector<16xi32>
    %add3A_863 = arith.addi %add3A_862, %iota3A : vector<16xi32>
    %min3A_864 = arith.constant 9999 : i32
    %min3A_865 = vector.broadcast %min3A_864 : i32 to vector<16xi32>
    %min3A_866 = arith.minsi %add3A_863, %min3A_865 : vector<16xi32>
    %mul3A_867 = arith.constant 2 : i32
    %mul3A_868 = vector.broadcast %mul3A_867 : i32 to vector<16xi32>
    %mul3A_869 = arith.muli %min3A_866, %mul3A_868 : vector<16xi32>
    %gather3A_870 = tpu.vector_load_idx %arg12[%mul3A_869] : memref<20480xf32, #tpu.memory_space<vmem>>[vector<16xi32>], vector<16xf32>,
    %mul3A_871 = arith.constant 2 : i32
    %mul3A_872 = vector.broadcast %mul3A_871 : i32 to vector<16xi32>
    %mul3A_873 = arith.muli %min3A_866, %mul3A_872 : vector<16xi32>
    %add3A_874 = arith.constant 1 : i32
    %add3A_875 = vector.broadcast %add3A_874 : i32 to vector<16xi32>
    %add3A_876 = arith.addi %mul3A_873, %add3A_875 : vector<16xi32>
    %gather3A_877 = tpu.vector_load_idx %arg12[%add3A_876] : memref<20480xf32, #tpu.memory_space<vmem>>[vector<16xi32>], vector<16xf32>,
    %add3A_878 = arith.addf %gather3A_870, %gather3A_877 : vector<16xf32>
    %ge3A_879 = arith.constant 0.000000e+00 : f32
    %ge3A_880 = vector.broadcast %ge3A_879 : f32 to vector<16xf32>
    %ge3A_881 = arith.cmpf oge, %add3A_878, %ge3A_880 : vector<16xf32>
    %mul3A_882 = arith.constant 2.000000e-01 : f32
    %mul3A_883 = vector.broadcast %mul3A_882 : f32 to vector<16xf32>
    %mul3A_884 = arith.mulf %add3A_878, %mul3A_883 : vector<16xf32>
    %select_n3A_885 = arith.select %ge3A_881, %add3A_878, %mul3A_884 : vector<16xi1>, vector<16xf32>
    %exp3A_886 = math.exp %select_n3A_885 : vector<16xf32>
    %swap3A_887 = arith.constant 48 : index
    %swap3A_888 = tpu.vector_load %arg11[%swap3A_887] {strides = array<i32>} : memref<64xf32, #tpu.memory_space<vmem>>, vector<16xf32>,
    tpu.vector_store %arg11[%swap3A_887], %exp3A_886 {strides = array<i32>} : memref<64xf32, #tpu.memory_space<vmem>>, vector<16xf32>,
    %get3A_889 = arith.constant 240 : index
    %get3A_890 = tpu.vector_load %arg13[%get3A_889] {strides = array<i32>} : memref<336xf32, #tpu.memory_space<vmem>>, vector<16xf32>,
    %add3A_891 = arith.addf %get3A_890, %exp3A_886 : vector<16xf32>
    %add3A_892 = arith.constant 1.000000e-16 : f32
    %add3A_893 = vector.broadcast %add3A_892 : f32 to vector<16xf32>
    %add3A_894 = arith.addf %add3A_891, %add3A_893 : vector<16xf32>
    %div3A_895 = arith.constant 1.000000e+00 : f32
    %div3A_896 = vector.broadcast %div3A_895 : f32 to vector<16xf32>
    %div3A_897 = arith.divf %div3A_896, %add3A_894 : vector<16xf32>
    %swap3A_898 = arith.constant 48 : index
    %swap3A_899 = tpu.vector_load %arg14[%swap3A_898] {strides = array<i32>} : memref<64xf32, #tpu.memory_space<vmem>>, vector<16xf32>,
    tpu.vector_store %arg14[%swap3A_898], %div3A_897 {strides = array<i32>} : memref<64xf32, #tpu.memory_space<vmem>>, vector<16xf32>,
    %dma_wait3A_900 = arith.constant 0 : i32
    %dma_wait3A_901 = arith.constant 0 : i32
    %dma_wait3A_902 = tpu.memref_slice %arg2[%dma_wait3A_900, %dma_wait3A_901] : memref<10000x128xf32, #tpu.memory_space<hbm>> -> memref<10000x128xf32, #tpu.memory_space<hbm>>
    tpu.wait_indirect_dma semaphore(%arg16 : memref<!tpu.dma_semaphore, #tpu.memory_space<semaphore_mem>>) src(%dma_wait3A_902 : memref<10000x128xf32, #tpu.memory_space<hbm>>) dst(%arg10 : memref<64x128xf32, #tpu.memory_space<vmem>>)
    %scan3A_903 = arith.constant 0 : i32
    %scan3A_904 = arith.constant 0 : i32
    %scan3A_905 = arith.constant 64 : i32
    %scan3A_906 = arith.addi %scan3A_904, %scan3A_905 : i32
    %scan3A_907 = arith.constant 1 : i32
    scf.for %scan3A_1143 = %scan3A_904 to %scan3A_906 step %scan3A_907  : i32 {
      %add3A_1144 = vector.broadcast %scan3A_1143 : i32 to vector<16xi32>
      %add3A_1145 = arith.addi %broadcast_in_dim3A_5, %add3A_1144 : vector<16xi32>
      %gather3A_1146 = tpu.vector_load_idx %arg11[%add3A_1145] : memref<64xf32, #tpu.memory_space<vmem>>[vector<16xi32>], vector<16xf32>,
      %gather3A_1147 = tpu.vector_load_idx %arg14[%add3A_1145] : memref<64xf32, #tpu.memory_space<vmem>>[vector<16xi32>], vector<16xf32>,
      %add3A_1148 = arith.constant 192 : i32
      %add3A_1149 = vector.broadcast %add3A_1148 : i32 to vector<16xi32>
      %add3A_1150 = arith.addi %broadcast_in_dim3A_5, %add3A_1149 : vector<16xi32>
      %add3A_1151 = vector.broadcast %scan3A_1143 : i32 to vector<16xi32>
      %add3A_1152 = arith.addi %add3A_1150, %add3A_1151 : vector<16xi32>
      %add3A_1153 = arith.constant 0 : i32
      %add3A_1154 = vector.broadcast %add3A_1153 : i32 to vector<16xi32>
      %add3A_1155 = arith.addi %iota3A, %add3A_1154 : vector<16xi32>
      %gather3A_1156 = tpu.vector_load_idx %arg15[%add3A_1152, %add3A_1155] : memref<336x128xf32, #tpu.memory_space<vmem>>[vector<16xi32>, vector<16xi32>], vector<16xf32>,
      %gather3A_1157 = tpu.vector_load_idx %arg10[%add3A_1145, %add3A_1155] : memref<64x128xf32, #tpu.memory_space<vmem>>[vector<16xi32>, vector<16xi32>], vector<16xf32>,
      %mul3A_1158 = arith.mulf %gather3A_1146, %gather3A_1157 : vector<16xf32>
      %add3A_1159 = arith.addf %gather3A_1156, %mul3A_1158 : vector<16xf32>
      %mul3A_1160 = arith.mulf %add3A_1159, %gather3A_1147 : vector<16xf32>
      tpu.vector_store_idx %arg15[%add3A_1152, %add3A_1155], %mul3A_1160 : memref<336x128xf32, #tpu.memory_space<vmem>>[vector<16xi32>, vector<16xi32>], vector<16xf32>,
      %add3A_1161 = arith.constant 16 : i32
      %add3A_1162 = vector.broadcast %add3A_1161 : i32 to vector<16xi32>
      %add3A_1163 = arith.addi %iota3A, %add3A_1162 : vector<16xi32>
      %gather3A_1164 = tpu.vector_load_idx %arg15[%add3A_1152, %add3A_1163] : memref<336x128xf32, #tpu.memory_space<vmem>>[vector<16xi32>, vector<16xi32>], vector<16xf32>,
      %gather3A_1165 = tpu.vector_load_idx %arg10[%add3A_1145, %add3A_1163] : memref<64x128xf32, #tpu.memory_space<vmem>>[vector<16xi32>, vector<16xi32>], vector<16xf32>,
      %mul3A_1166 = arith.mulf %gather3A_1146, %gather3A_1165 : vector<16xf32>
      %add3A_1167 = arith.addf %gather3A_1164, %mul3A_1166 : vector<16xf32>
      %mul3A_1168 = arith.mulf %add3A_1167, %gather3A_1147 : vector<16xf32>
      tpu.vector_store_idx %arg15[%add3A_1152, %add3A_1163], %mul3A_1168 : memref<336x128xf32, #tpu.memory_space<vmem>>[vector<16xi32>, vector<16xi32>], vector<16xf32>,
      %add3A_1169 = arith.constant 32 : i32
      %add3A_1170 = vector.broadcast %add3A_1169 : i32 to vector<16xi32>
      %add3A_1171 = arith.addi %iota3A, %add3A_1170 : vector<16xi32>
      %gather3A_1172 = tpu.vector_load_idx %arg15[%add3A_1152, %add3A_1171] : memref<336x128xf32, #tpu.memory_space<vmem>>[vector<16xi32>, vector<16xi32>], vector<16xf32>,
      %gather3A_1173 = tpu.vector_load_idx %arg10[%add3A_1145, %add3A_1171] : memref<64x128xf32, #tpu.memory_space<vmem>>[vector<16xi32>, vector<16xi32>], vector<16xf32>,
      %mul3A_1174 = arith.mulf %gather3A_1146, %gather3A_1173 : vector<16xf32>
      %add3A_1175 = arith.addf %gather3A_1172, %mul3A_1174 : vector<16xf32>
      %mul3A_1176 = arith.mulf %add3A_1175, %gather3A_1147 : vector<16xf32>
      tpu.vector_store_idx %arg15[%add3A_1152, %add3A_1171], %mul3A_1176 : memref<336x128xf32, #tpu.memory_space<vmem>>[vector<16xi32>, vector<16xi32>], vector<16xf32>,
      %add3A_1177 = arith.constant 48 : i32
      %add3A_1178 = vector.broadcast %add3A_1177 : i32 to vector<16xi32>
      %add3A_1179 = arith.addi %iota3A, %add3A_1178 : vector<16xi32>
      %gather3A_1180 = tpu.vector_load_idx %arg15[%add3A_1152, %add3A_1179] : memref<336x128xf32, #tpu.memory_space<vmem>>[vector<16xi32>, vector<16xi32>], vector<16xf32>,
      %gather3A_1181 = tpu.vector_load_idx %arg10[%add3A_1145, %add3A_1179] : memref<64x128xf32, #tpu.memory_space<vmem>>[vector<16xi32>, vector<16xi32>], vector<16xf32>,
      %mul3A_1182 = arith.mulf %gather3A_1146, %gather3A_1181 : vector<16xf32>
      %add3A_1183 = arith.addf %gather3A_1180, %mul3A_1182 : vector<16xf32>
      %mul3A_1184 = arith.mulf %add3A_1183, %gather3A_1147 : vector<16xf32>
      tpu.vector_store_idx %arg15[%add3A_1152, %add3A_1179], %mul3A_1184 : memref<336x128xf32, #tpu.memory_space<vmem>>[vector<16xi32>, vector<16xi32>], vector<16xf32>,
      %add3A_1185 = arith.constant 64 : i32
      %add3A_1186 = vector.broadcast %add3A_1185 : i32 to vector<16xi32>
      %add3A_1187 = arith.addi %iota3A, %add3A_1186 : vector<16xi32>
      %gather3A_1188 = tpu.vector_load_idx %arg15[%add3A_1152, %add3A_1187] : memref<336x128xf32, #tpu.memory_space<vmem>>[vector<16xi32>, vector<16xi32>], vector<16xf32>,
      %gather3A_1189 = tpu.vector_load_idx %arg10[%add3A_1145, %add3A_1187] : memref<64x128xf32, #tpu.memory_space<vmem>>[vector<16xi32>, vector<16xi32>], vector<16xf32>,
      %mul3A_1190 = arith.mulf %gather3A_1146, %gather3A_1189 : vector<16xf32>
      %add3A_1191 = arith.addf %gather3A_1188, %mul3A_1190 : vector<16xf32>
      %mul3A_1192 = arith.mulf %add3A_1191, %gather3A_1147 : vector<16xf32>
      tpu.vector_store_idx %arg15[%add3A_1152, %add3A_1187], %mul3A_1192 : memref<336x128xf32, #tpu.memory_space<vmem>>[vector<16xi32>, vector<16xi32>], vector<16xf32>,
      %add3A_1193 = arith.constant 80 : i32
      %add3A_1194 = vector.broadcast %add3A_1193 : i32 to vector<16xi32>
      %add3A_1195 = arith.addi %iota3A, %add3A_1194 : vector<16xi32>
      %gather3A_1196 = tpu.vector_load_idx %arg15[%add3A_1152, %add3A_1195] : memref<336x128xf32, #tpu.memory_space<vmem>>[vector<16xi32>, vector<16xi32>], vector<16xf32>,
      %gather3A_1197 = tpu.vector_load_idx %arg10[%add3A_1145, %add3A_1195] : memref<64x128xf32, #tpu.memory_space<vmem>>[vector<16xi32>, vector<16xi32>], vector<16xf32>,
      %mul3A_1198 = arith.mulf %gather3A_1146, %gather3A_1197 : vector<16xf32>
      %add3A_1199 = arith.addf %gather3A_1196, %mul3A_1198 : vector<16xf32>
      %mul3A_1200 = arith.mulf %add3A_1199, %gather3A_1147 : vector<16xf32>
      tpu.vector_store_idx %arg15[%add3A_1152, %add3A_1195], %mul3A_1200 : memref<336x128xf32, #tpu.memory_space<vmem>>[vector<16xi32>, vector<16xi32>], vector<16xf32>,
      %add3A_1201 = arith.constant 96 : i32
      %add3A_1202 = vector.broadcast %add3A_1201 : i32 to vector<16xi32>
      %add3A_1203 = arith.addi %iota3A, %add3A_1202 : vector<16xi32>
      %gather3A_1204 = tpu.vector_load_idx %arg15[%add3A_1152, %add3A_1203] : memref<336x128xf32, #tpu.memory_space<vmem>>[vector<16xi32>, vector<16xi32>], vector<16xf32>,
      %gather3A_1205 = tpu.vector_load_idx %arg10[%add3A_1145, %add3A_1203] : memref<64x128xf32, #tpu.memory_space<vmem>>[vector<16xi32>, vector<16xi32>], vector<16xf32>,
      %mul3A_1206 = arith.mulf %gather3A_1146, %gather3A_1205 : vector<16xf32>
      %add3A_1207 = arith.addf %gather3A_1204, %mul3A_1206 : vector<16xf32>
      %mul3A_1208 = arith.mulf %add3A_1207, %gather3A_1147 : vector<16xf32>
      tpu.vector_store_idx %arg15[%add3A_1152, %add3A_1203], %mul3A_1208 : memref<336x128xf32, #tpu.memory_space<vmem>>[vector<16xi32>, vector<16xi32>], vector<16xf32>,
      %add3A_1209 = arith.constant 112 : i32
      %add3A_1210 = vector.broadcast %add3A_1209 : i32 to vector<16xi32>
      %add3A_1211 = arith.addi %iota3A, %add3A_1210 : vector<16xi32>
      %gather3A_1212 = tpu.vector_load_idx %arg15[%add3A_1152, %add3A_1211] : memref<336x128xf32, #tpu.memory_space<vmem>>[vector<16xi32>, vector<16xi32>], vector<16xf32>,
      %gather3A_1213 = tpu.vector_load_idx %arg10[%add3A_1145, %add3A_1211] : memref<64x128xf32, #tpu.memory_space<vmem>>[vector<16xi32>, vector<16xi32>], vector<16xf32>,
      %mul3A_1214 = arith.mulf %gather3A_1146, %gather3A_1213 : vector<16xf32>
      %add3A_1215 = arith.addf %gather3A_1212, %mul3A_1214 : vector<16xf32>
      %mul3A_1216 = arith.mulf %add3A_1215, %gather3A_1147 : vector<16xf32>
      tpu.vector_store_idx %arg15[%add3A_1152, %add3A_1211], %mul3A_1216 : memref<336x128xf32, #tpu.memory_space<vmem>>[vector<16xi32>, vector<16xi32>], vector<16xf32>,
    }
    %scan3A_908 = arith.constant 64 : i32
    %add3A_909 = arith.constant 256 : i32
    %add3A_910 = arith.addi %mul3A_2, %add3A_909 : i32
    %add3A_911 = arith.constant 0 : i32
    %add3A_912 = arith.addi %add3A_910, %add3A_911 : i32
    %add3A_913 = vector.broadcast %add3A_912 : i32 to vector<16xi32>
    %add3A_914 = arith.addi %add3A_913, %iota3A : vector<16xi32>
    %min3A_915 = arith.constant 9999 : i32
    %min3A_916 = vector.broadcast %min3A_915 : i32 to vector<16xi32>
    %min3A_917 = arith.minsi %add3A_914, %min3A_916 : vector<16xi32>
    %swap3A_918 = arith.constant 0 : index
    %swap3A_919 = tpu.vector_load %arg7[%swap3A_918] {strides = array<i32>} : memref<64xi32, #tpu.memory_space<vmem>>, vector<16xi32>,
    tpu.vector_store %arg7[%swap3A_918], %min3A_917 {strides = array<i32>} : memref<64xi32, #tpu.memory_space<vmem>>, vector<16xi32>,
    %add3A_920 = arith.constant 256 : i32
    %add3A_921 = arith.addi %mul3A_2, %add3A_920 : i32
    %add3A_922 = arith.constant 16 : i32
    %add3A_923 = arith.addi %add3A_921, %add3A_922 : i32
    %add3A_924 = vector.broadcast %add3A_923 : i32 to vector<16xi32>
    %add3A_925 = arith.addi %add3A_924, %iota3A : vector<16xi32>
    %min3A_926 = arith.constant 9999 : i32
    %min3A_927 = vector.broadcast %min3A_926 : i32 to vector<16xi32>
    %min3A_928 = arith.minsi %add3A_925, %min3A_927 : vector<16xi32>
    %swap3A_929 = arith.constant 16 : index
    %swap3A_930 = tpu.vector_load %arg7[%swap3A_929] {strides = array<i32>} : memref<64xi32, #tpu.memory_space<vmem>>, vector<16xi32>,
    tpu.vector_store %arg7[%swap3A_929], %min3A_928 {strides = array<i32>} : memref<64xi32, #tpu.memory_space<vmem>>, vector<16xi32>,
    %add3A_931 = arith.constant 256 : i32
    %add3A_932 = arith.addi %mul3A_2, %add3A_931 : i32
    %add3A_933 = arith.constant 32 : i32
    %add3A_934 = arith.addi %add3A_932, %add3A_933 : i32
    %add3A_935 = vector.broadcast %add3A_934 : i32 to vector<16xi32>
    %add3A_936 = arith.addi %add3A_935, %iota3A : vector<16xi32>
    %min3A_937 = arith.constant 9999 : i32
    %min3A_938 = vector.broadcast %min3A_937 : i32 to vector<16xi32>
    %min3A_939 = arith.minsi %add3A_936, %min3A_938 : vector<16xi32>
    %swap3A_940 = arith.constant 32 : index
    %swap3A_941 = tpu.vector_load %arg7[%swap3A_940] {strides = array<i32>} : memref<64xi32, #tpu.memory_space<vmem>>, vector<16xi32>,
    tpu.vector_store %arg7[%swap3A_940], %min3A_939 {strides = array<i32>} : memref<64xi32, #tpu.memory_space<vmem>>, vector<16xi32>,
    %add3A_942 = arith.constant 256 : i32
    %add3A_943 = arith.addi %mul3A_2, %add3A_942 : i32
    %add3A_944 = arith.constant 48 : i32
    %add3A_945 = arith.addi %add3A_943, %add3A_944 : i32
    %add3A_946 = vector.broadcast %add3A_945 : i32 to vector<16xi32>
    %add3A_947 = arith.addi %add3A_946, %iota3A : vector<16xi32>
    %min3A_948 = arith.constant 9999 : i32
    %min3A_949 = vector.broadcast %min3A_948 : i32 to vector<16xi32>
    %min3A_950 = arith.minsi %add3A_947, %min3A_949 : vector<16xi32>
    %swap3A_951 = arith.constant 48 : index
    %swap3A_952 = tpu.vector_load %arg7[%swap3A_951] {strides = array<i32>} : memref<64xi32, #tpu.memory_space<vmem>>, vector<16xi32>,
    tpu.vector_store %arg7[%swap3A_951], %min3A_950 {strides = array<i32>} : memref<64xi32, #tpu.memory_space<vmem>>, vector<16xi32>,
    %dma_start3A_953 = arith.constant 0 : i32
    %dma_start3A_954 = arith.constant 0 : i32
    %dma_start3A_955 = tpu.memref_slice %arg2[%dma_start3A_953, %dma_start3A_954] : memref<10000x128xf32, #tpu.memory_space<hbm>> -> memref<10000x128xf32, #tpu.memory_space<hbm>>
    tpu.enqueue_indirect_dma source(%dma_start3A_955 : memref<10000x128xf32, #tpu.memory_space<hbm>>) target(%arg10 : memref<64x128xf32, #tpu.memory_space<vmem>>) offsets(%arg7 : memref<64xi32, #tpu.memory_space<vmem>>) semaphore(%arg16 : memref<!tpu.dma_semaphore, #tpu.memory_space<semaphore_mem>>)
    %add3A_956 = arith.constant 256 : i32
    %add3A_957 = arith.addi %mul3A_2, %add3A_956 : i32
    %add3A_958 = arith.constant 0 : i32
    %add3A_959 = arith.addi %add3A_957, %add3A_958 : i32
    %add3A_960 = vector.broadcast %add3A_959 : i32 to vector<16xi32>
    %add3A_961 = arith.addi %add3A_960, %iota3A : vector<16xi32>
    %min3A_962 = arith.constant 9999 : i32
    %min3A_963 = vector.broadcast %min3A_962 : i32 to vector<16xi32>
    %min3A_964 = arith.minsi %add3A_961, %min3A_963 : vector<16xi32>
    %mul3A_965 = arith.constant 2 : i32
    %mul3A_966 = vector.broadcast %mul3A_965 : i32 to vector<16xi32>
    %mul3A_967 = arith.muli %min3A_964, %mul3A_966 : vector<16xi32>
    %gather3A_968 = tpu.vector_load_idx %arg12[%mul3A_967] : memref<20480xf32, #tpu.memory_space<vmem>>[vector<16xi32>], vector<16xf32>,
    %mul3A_969 = arith.constant 2 : i32
    %mul3A_970 = vector.broadcast %mul3A_969 : i32 to vector<16xi32>
    %mul3A_971 = arith.muli %min3A_964, %mul3A_970 : vector<16xi32>
    %add3A_972 = arith.constant 1 : i32
    %add3A_973 = vector.broadcast %add3A_972 : i32 to vector<16xi32>
    %add3A_974 = arith.addi %mul3A_971, %add3A_973 : vector<16xi32>
    %gather3A_975 = tpu.vector_load_idx %arg12[%add3A_974] : memref<20480xf32, #tpu.memory_space<vmem>>[vector<16xi32>], vector<16xf32>,
    %add3A_976 = arith.addf %gather3A_968, %gather3A_975 : vector<16xf32>
    %ge3A_977 = arith.constant 0.000000e+00 : f32
    %ge3A_978 = vector.broadcast %ge3A_977 : f32 to vector<16xf32>
    %ge3A_979 = arith.cmpf oge, %add3A_976, %ge3A_978 : vector<16xf32>
    %mul3A_980 = arith.constant 2.000000e-01 : f32
    %mul3A_981 = vector.broadcast %mul3A_980 : f32 to vector<16xf32>
    %mul3A_982 = arith.mulf %add3A_976, %mul3A_981 : vector<16xf32>
    %select_n3A_983 = arith.select %ge3A_979, %add3A_976, %mul3A_982 : vector<16xi1>, vector<16xf32>
    %exp3A_984 = math.exp %select_n3A_983 : vector<16xf32>
    %swap3A_985 = arith.constant 0 : index
    %swap3A_986 = tpu.vector_load %arg11[%swap3A_985] {strides = array<i32>} : memref<64xf32, #tpu.memory_space<vmem>>, vector<16xf32>,
    tpu.vector_store %arg11[%swap3A_985], %exp3A_984 {strides = array<i32>} : memref<64xf32, #tpu.memory_space<vmem>>, vector<16xf32>,
    %get3A_987 = arith.constant 256 : index
    %get3A_988 = tpu.vector_load %arg13[%get3A_987] {strides = array<i32>} : memref<336xf32, #tpu.memory_space<vmem>>, vector<16xf32>,
    %add3A_989 = arith.addf %get3A_988, %exp3A_984 : vector<16xf32>
    %add3A_990 = arith.constant 1.000000e-16 : f32
    %add3A_991 = vector.broadcast %add3A_990 : f32 to vector<16xf32>
    %add3A_992 = arith.addf %add3A_989, %add3A_991 : vector<16xf32>
    %div3A_993 = arith.constant 1.000000e+00 : f32
    %div3A_994 = vector.broadcast %div3A_993 : f32 to vector<16xf32>
    %div3A_995 = arith.divf %div3A_994, %add3A_992 : vector<16xf32>
    %swap3A_996 = arith.constant 0 : index
    %swap3A_997 = tpu.vector_load %arg14[%swap3A_996] {strides = array<i32>} : memref<64xf32, #tpu.memory_space<vmem>>, vector<16xf32>,
    tpu.vector_store %arg14[%swap3A_996], %div3A_995 {strides = array<i32>} : memref<64xf32, #tpu.memory_space<vmem>>, vector<16xf32>,
    %add3A_998 = arith.constant 256 : i32
    %add3A_999 = arith.addi %mul3A_2, %add3A_998 : i32
    %add3A_1000 = arith.constant 16 : i32
    %add3A_1001 = arith.addi %add3A_999, %add3A_1000 : i32
    %add3A_1002 = vector.broadcast %add3A_1001 : i32 to vector<16xi32>
    %add3A_1003 = arith.addi %add3A_1002, %iota3A : vector<16xi32>
    %min3A_1004 = arith.constant 9999 : i32
    %min3A_1005 = vector.broadcast %min3A_1004 : i32 to vector<16xi32>
    %min3A_1006 = arith.minsi %add3A_1003, %min3A_1005 : vector<16xi32>
    %mul3A_1007 = arith.constant 2 : i32
    %mul3A_1008 = vector.broadcast %mul3A_1007 : i32 to vector<16xi32>
    %mul3A_1009 = arith.muli %min3A_1006, %mul3A_1008 : vector<16xi32>
    %gather3A_1010 = tpu.vector_load_idx %arg12[%mul3A_1009] : memref<20480xf32, #tpu.memory_space<vmem>>[vector<16xi32>], vector<16xf32>,
    %mul3A_1011 = arith.constant 2 : i32
    %mul3A_1012 = vector.broadcast %mul3A_1011 : i32 to vector<16xi32>
    %mul3A_1013 = arith.muli %min3A_1006, %mul3A_1012 : vector<16xi32>
    %add3A_1014 = arith.constant 1 : i32
    %add3A_1015 = vector.broadcast %add3A_1014 : i32 to vector<16xi32>
    %add3A_1016 = arith.addi %mul3A_1013, %add3A_1015 : vector<16xi32>
    %gather3A_1017 = tpu.vector_load_idx %arg12[%add3A_1016] : memref<20480xf32, #tpu.memory_space<vmem>>[vector<16xi32>], vector<16xf32>,
    %add3A_1018 = arith.addf %gather3A_1010, %gather3A_1017 : vector<16xf32>
    %ge3A_1019 = arith.constant 0.000000e+00 : f32
    %ge3A_1020 = vector.broadcast %ge3A_1019 : f32 to vector<16xf32>
    %ge3A_1021 = arith.cmpf oge, %add3A_1018, %ge3A_1020 : vector<16xf32>
    %mul3A_1022 = arith.constant 2.000000e-01 : f32
    %mul3A_1023 = vector.broadcast %mul3A_1022 : f32 to vector<16xf32>
    %mul3A_1024 = arith.mulf %add3A_1018, %mul3A_1023 : vector<16xf32>
    %select_n3A_1025 = arith.select %ge3A_1021, %add3A_1018, %mul3A_1024 : vector<16xi1>, vector<16xf32>
    %exp3A_1026 = math.exp %select_n3A_1025 : vector<16xf32>
    %swap3A_1027 = arith.constant 16 : index
    %swap3A_1028 = tpu.vector_load %arg11[%swap3A_1027] {strides = array<i32>} : memref<64xf32, #tpu.memory_space<vmem>>, vector<16xf32>,
    tpu.vector_store %arg11[%swap3A_1027], %exp3A_1026 {strides = array<i32>} : memref<64xf32, #tpu.memory_space<vmem>>, vector<16xf32>,
    %get3A_1029 = arith.constant 272 : index
    %get3A_1030 = tpu.vector_load %arg13[%get3A_1029] {strides = array<i32>} : memref<336xf32, #tpu.memory_space<vmem>>, vector<16xf32>,
    %add3A_1031 = arith.addf %get3A_1030, %exp3A_1026 : vector<16xf32>
    %add3A_1032 = arith.constant 1.000000e-16 : f32
    %add3A_1033 = vector.broadcast %add3A_1032 : f32 to vector<16xf32>
    %add3A_1034 = arith.addf %add3A_1031, %add3A_1033 : vector<16xf32>
    %div3A_1035 = arith.constant 1.000000e+00 : f32
    %div3A_1036 = vector.broadcast %div3A_1035 : f32 to vector<16xf32>
    %div3A_1037 = arith.divf %div3A_1036, %add3A_1034 : vector<16xf32>
    %swap3A_1038 = arith.constant 16 : index
    %swap3A_1039 = tpu.vector_load %arg14[%swap3A_1038] {strides = array<i32>} : memref<64xf32, #tpu.memory_space<vmem>>, vector<16xf32>,
    tpu.vector_store %arg14[%swap3A_1038], %div3A_1037 {strides = array<i32>} : memref<64xf32, #tpu.memory_space<vmem>>, vector<16xf32>,
    %add3A_1040 = arith.constant 256 : i32
    %add3A_1041 = arith.addi %mul3A_2, %add3A_1040 : i32
    %add3A_1042 = arith.constant 32 : i32
    %add3A_1043 = arith.addi %add3A_1041, %add3A_1042 : i32
    %add3A_1044 = vector.broadcast %add3A_1043 : i32 to vector<16xi32>
    %add3A_1045 = arith.addi %add3A_1044, %iota3A : vector<16xi32>
    %min3A_1046 = arith.constant 9999 : i32
    %min3A_1047 = vector.broadcast %min3A_1046 : i32 to vector<16xi32>
    %min3A_1048 = arith.minsi %add3A_1045, %min3A_1047 : vector<16xi32>
    %mul3A_1049 = arith.constant 2 : i32
    %mul3A_1050 = vector.broadcast %mul3A_1049 : i32 to vector<16xi32>
    %mul3A_1051 = arith.muli %min3A_1048, %mul3A_1050 : vector<16xi32>
    %gather3A_1052 = tpu.vector_load_idx %arg12[%mul3A_1051] : memref<20480xf32, #tpu.memory_space<vmem>>[vector<16xi32>], vector<16xf32>,
    %mul3A_1053 = arith.constant 2 : i32
    %mul3A_1054 = vector.broadcast %mul3A_1053 : i32 to vector<16xi32>
    %mul3A_1055 = arith.muli %min3A_1048, %mul3A_1054 : vector<16xi32>
    %add3A_1056 = arith.constant 1 : i32
    %add3A_1057 = vector.broadcast %add3A_1056 : i32 to vector<16xi32>
    %add3A_1058 = arith.addi %mul3A_1055, %add3A_1057 : vector<16xi32>
    %gather3A_1059 = tpu.vector_load_idx %arg12[%add3A_1058] : memref<20480xf32, #tpu.memory_space<vmem>>[vector<16xi32>], vector<16xf32>,
    %add3A_1060 = arith.addf %gather3A_1052, %gather3A_1059 : vector<16xf32>
    %ge3A_1061 = arith.constant 0.000000e+00 : f32
    %ge3A_1062 = vector.broadcast %ge3A_1061 : f32 to vector<16xf32>
    %ge3A_1063 = arith.cmpf oge, %add3A_1060, %ge3A_1062 : vector<16xf32>
    %mul3A_1064 = arith.constant 2.000000e-01 : f32
    %mul3A_1065 = vector.broadcast %mul3A_1064 : f32 to vector<16xf32>
    %mul3A_1066 = arith.mulf %add3A_1060, %mul3A_1065 : vector<16xf32>
    %select_n3A_1067 = arith.select %ge3A_1063, %add3A_1060, %mul3A_1066 : vector<16xi1>, vector<16xf32>
    %exp3A_1068 = math.exp %select_n3A_1067 : vector<16xf32>
    %swap3A_1069 = arith.constant 32 : index
    %swap3A_1070 = tpu.vector_load %arg11[%swap3A_1069] {strides = array<i32>} : memref<64xf32, #tpu.memory_space<vmem>>, vector<16xf32>,
    tpu.vector_store %arg11[%swap3A_1069], %exp3A_1068 {strides = array<i32>} : memref<64xf32, #tpu.memory_space<vmem>>, vector<16xf32>,
    %get3A_1071 = arith.constant 288 : index
    %get3A_1072 = tpu.vector_load %arg13[%get3A_1071] {strides = array<i32>} : memref<336xf32, #tpu.memory_space<vmem>>, vector<16xf32>,
    %add3A_1073 = arith.addf %get3A_1072, %exp3A_1068 : vector<16xf32>
    %add3A_1074 = arith.constant 1.000000e-16 : f32
    %add3A_1075 = vector.broadcast %add3A_1074 : f32 to vector<16xf32>
    %add3A_1076 = arith.addf %add3A_1073, %add3A_1075 : vector<16xf32>
    %div3A_1077 = arith.constant 1.000000e+00 : f32
    %div3A_1078 = vector.broadcast %div3A_1077 : f32 to vector<16xf32>
    %div3A_1079 = arith.divf %div3A_1078, %add3A_1076 : vector<16xf32>
    %swap3A_1080 = arith.constant 32 : index
    %swap3A_1081 = tpu.vector_load %arg14[%swap3A_1080] {strides = array<i32>} : memref<64xf32, #tpu.memory_space<vmem>>, vector<16xf32>,
    tpu.vector_store %arg14[%swap3A_1080], %div3A_1079 {strides = array<i32>} : memref<64xf32, #tpu.memory_space<vmem>>, vector<16xf32>,
    %add3A_1082 = arith.constant 256 : i32
    %add3A_1083 = arith.addi %mul3A_2, %add3A_1082 : i32
    %add3A_1084 = arith.constant 48 : i32
    %add3A_1085 = arith.addi %add3A_1083, %add3A_1084 : i32
    %add3A_1086 = vector.broadcast %add3A_1085 : i32 to vector<16xi32>
    %add3A_1087 = arith.addi %add3A_1086, %iota3A : vector<16xi32>
    %min3A_1088 = arith.constant 9999 : i32
    %min3A_1089 = vector.broadcast %min3A_1088 : i32 to vector<16xi32>
    %min3A_1090 = arith.minsi %add3A_1087, %min3A_1089 : vector<16xi32>
    %mul3A_1091 = arith.constant 2 : i32
    %mul3A_1092 = vector.broadcast %mul3A_1091 : i32 to vector<16xi32>
    %mul3A_1093 = arith.muli %min3A_1090, %mul3A_1092 : vector<16xi32>
    %gather3A_1094 = tpu.vector_load_idx %arg12[%mul3A_1093] : memref<20480xf32, #tpu.memory_space<vmem>>[vector<16xi32>], vector<16xf32>,
    %mul3A_1095 = arith.constant 2 : i32
    %mul3A_1096 = vector.broadcast %mul3A_1095 : i32 to vector<16xi32>
    %mul3A_1097 = arith.muli %min3A_1090, %mul3A_1096 : vector<16xi32>
    %add3A_1098 = arith.constant 1 : i32
    %add3A_1099 = vector.broadcast %add3A_1098 : i32 to vector<16xi32>
    %add3A_1100 = arith.addi %mul3A_1097, %add3A_1099 : vector<16xi32>
    %gather3A_1101 = tpu.vector_load_idx %arg12[%add3A_1100] : memref<20480xf32, #tpu.memory_space<vmem>>[vector<16xi32>], vector<16xf32>,
    %add3A_1102 = arith.addf %gather3A_1094, %gather3A_1101 : vector<16xf32>
    %ge3A_1103 = arith.constant 0.000000e+00 : f32
    %ge3A_1104 = vector.broadcast %ge3A_1103 : f32 to vector<16xf32>
    %ge3A_1105 = arith.cmpf oge, %add3A_1102, %ge3A_1104 : vector<16xf32>
    %mul3A_1106 = arith.constant 2.000000e-01 : f32
    %mul3A_1107 = vector.broadcast %mul3A_1106 : f32 to vector<16xf32>
    %mul3A_1108 = arith.mulf %add3A_1102, %mul3A_1107 : vector<16xf32>
    %select_n3A_1109 = arith.select %ge3A_1105, %add3A_1102, %mul3A_1108 : vector<16xi1>, vector<16xf32>
    %exp3A_1110 = math.exp %select_n3A_1109 : vector<16xf32>
    %swap3A_1111 = arith.constant 48 : index
    %swap3A_1112 = tpu.vector_load %arg11[%swap3A_1111] {strides = array<i32>} : memref<64xf32, #tpu.memory_space<vmem>>, vector<16xf32>,
    tpu.vector_store %arg11[%swap3A_1111], %exp3A_1110 {strides = array<i32>} : memref<64xf32, #tpu.memory_space<vmem>>, vector<16xf32>,
    %get3A_1113 = arith.constant 304 : index
    %get3A_1114 = tpu.vector_load %arg13[%get3A_1113] {strides = array<i32>} : memref<336xf32, #tpu.memory_space<vmem>>, vector<16xf32>,
    %add3A_1115 = arith.addf %get3A_1114, %exp3A_1110 : vector<16xf32>
    %add3A_1116 = arith.constant 1.000000e-16 : f32
    %add3A_1117 = vector.broadcast %add3A_1116 : f32 to vector<16xf32>
    %add3A_1118 = arith.addf %add3A_1115, %add3A_1117 : vector<16xf32>
    %div3A_1119 = arith.constant 1.000000e+00 : f32
    %div3A_1120 = vector.broadcast %div3A_1119 : f32 to vector<16xf32>
    %div3A_1121 = arith.divf %div3A_1120, %add3A_1118 : vector<16xf32>
    %swap3A_1122 = arith.constant 48 : index
    %swap3A_1123 = tpu.vector_load %arg14[%swap3A_1122] {strides = array<i32>} : memref<64xf32, #tpu.memory_space<vmem>>, vector<16xf32>,
    tpu.vector_store %arg14[%swap3A_1122], %div3A_1121 {strides = array<i32>} : memref<64xf32, #tpu.memory_space<vmem>>, vector<16xf32>,
    %dma_wait3A_1124 = arith.constant 0 : i32
    %dma_wait3A_1125 = arith.constant 0 : i32
    %dma_wait3A_1126 = tpu.memref_slice %arg2[%dma_wait3A_1124, %dma_wait3A_1125] : memref<10000x128xf32, #tpu.memory_space<hbm>> -> memref<10000x128xf32, #tpu.memory_space<hbm>>
    tpu.wait_indirect_dma semaphore(%arg16 : memref<!tpu.dma_semaphore, #tpu.memory_space<semaphore_mem>>) src(%dma_wait3A_1126 : memref<10000x128xf32, #tpu.memory_space<hbm>>) dst(%arg10 : memref<64x128xf32, #tpu.memory_space<vmem>>)
    %scan3A_1127 = arith.constant 0 : i32
    %scan3A_1128 = arith.constant 0 : i32
    %scan3A_1129 = arith.constant 64 : i32
    %scan3A_1130 = arith.addi %scan3A_1128, %scan3A_1129 : i32
    %scan3A_1131 = arith.constant 1 : i32
    scf.for %scan3A_1143 = %scan3A_1128 to %scan3A_1130 step %scan3A_1131  : i32 {
      %add3A_1144 = vector.broadcast %scan3A_1143 : i32 to vector<16xi32>
      %add3A_1145 = arith.addi %broadcast_in_dim3A_5, %add3A_1144 : vector<16xi32>
      %gather3A_1146 = tpu.vector_load_idx %arg11[%add3A_1145] : memref<64xf32, #tpu.memory_space<vmem>>[vector<16xi32>], vector<16xf32>,
      %gather3A_1147 = tpu.vector_load_idx %arg14[%add3A_1145] : memref<64xf32, #tpu.memory_space<vmem>>[vector<16xi32>], vector<16xf32>,
      %add3A_1148 = arith.constant 256 : i32
      %add3A_1149 = vector.broadcast %add3A_1148 : i32 to vector<16xi32>
      %add3A_1150 = arith.addi %broadcast_in_dim3A_5, %add3A_1149 : vector<16xi32>
      %add3A_1151 = vector.broadcast %scan3A_1143 : i32 to vector<16xi32>
      %add3A_1152 = arith.addi %add3A_1150, %add3A_1151 : vector<16xi32>
      %add3A_1153 = arith.constant 0 : i32
      %add3A_1154 = vector.broadcast %add3A_1153 : i32 to vector<16xi32>
      %add3A_1155 = arith.addi %iota3A, %add3A_1154 : vector<16xi32>
      %gather3A_1156 = tpu.vector_load_idx %arg15[%add3A_1152, %add3A_1155] : memref<336x128xf32, #tpu.memory_space<vmem>>[vector<16xi32>, vector<16xi32>], vector<16xf32>,
      %gather3A_1157 = tpu.vector_load_idx %arg10[%add3A_1145, %add3A_1155] : memref<64x128xf32, #tpu.memory_space<vmem>>[vector<16xi32>, vector<16xi32>], vector<16xf32>,
      %mul3A_1158 = arith.mulf %gather3A_1146, %gather3A_1157 : vector<16xf32>
      %add3A_1159 = arith.addf %gather3A_1156, %mul3A_1158 : vector<16xf32>
      %mul3A_1160 = arith.mulf %add3A_1159, %gather3A_1147 : vector<16xf32>
      tpu.vector_store_idx %arg15[%add3A_1152, %add3A_1155], %mul3A_1160 : memref<336x128xf32, #tpu.memory_space<vmem>>[vector<16xi32>, vector<16xi32>], vector<16xf32>,
      %add3A_1161 = arith.constant 16 : i32
      %add3A_1162 = vector.broadcast %add3A_1161 : i32 to vector<16xi32>
      %add3A_1163 = arith.addi %iota3A, %add3A_1162 : vector<16xi32>
      %gather3A_1164 = tpu.vector_load_idx %arg15[%add3A_1152, %add3A_1163] : memref<336x128xf32, #tpu.memory_space<vmem>>[vector<16xi32>, vector<16xi32>], vector<16xf32>,
      %gather3A_1165 = tpu.vector_load_idx %arg10[%add3A_1145, %add3A_1163] : memref<64x128xf32, #tpu.memory_space<vmem>>[vector<16xi32>, vector<16xi32>], vector<16xf32>,
      %mul3A_1166 = arith.mulf %gather3A_1146, %gather3A_1165 : vector<16xf32>
      %add3A_1167 = arith.addf %gather3A_1164, %mul3A_1166 : vector<16xf32>
      %mul3A_1168 = arith.mulf %add3A_1167, %gather3A_1147 : vector<16xf32>
      tpu.vector_store_idx %arg15[%add3A_1152, %add3A_1163], %mul3A_1168 : memref<336x128xf32, #tpu.memory_space<vmem>>[vector<16xi32>, vector<16xi32>], vector<16xf32>,
      %add3A_1169 = arith.constant 32 : i32
      %add3A_1170 = vector.broadcast %add3A_1169 : i32 to vector<16xi32>
      %add3A_1171 = arith.addi %iota3A, %add3A_1170 : vector<16xi32>
      %gather3A_1172 = tpu.vector_load_idx %arg15[%add3A_1152, %add3A_1171] : memref<336x128xf32, #tpu.memory_space<vmem>>[vector<16xi32>, vector<16xi32>], vector<16xf32>,
      %gather3A_1173 = tpu.vector_load_idx %arg10[%add3A_1145, %add3A_1171] : memref<64x128xf32, #tpu.memory_space<vmem>>[vector<16xi32>, vector<16xi32>], vector<16xf32>,
      %mul3A_1174 = arith.mulf %gather3A_1146, %gather3A_1173 : vector<16xf32>
      %add3A_1175 = arith.addf %gather3A_1172, %mul3A_1174 : vector<16xf32>
      %mul3A_1176 = arith.mulf %add3A_1175, %gather3A_1147 : vector<16xf32>
      tpu.vector_store_idx %arg15[%add3A_1152, %add3A_1171], %mul3A_1176 : memref<336x128xf32, #tpu.memory_space<vmem>>[vector<16xi32>, vector<16xi32>], vector<16xf32>,
      %add3A_1177 = arith.constant 48 : i32
      %add3A_1178 = vector.broadcast %add3A_1177 : i32 to vector<16xi32>
      %add3A_1179 = arith.addi %iota3A, %add3A_1178 : vector<16xi32>
      %gather3A_1180 = tpu.vector_load_idx %arg15[%add3A_1152, %add3A_1179] : memref<336x128xf32, #tpu.memory_space<vmem>>[vector<16xi32>, vector<16xi32>], vector<16xf32>,
      %gather3A_1181 = tpu.vector_load_idx %arg10[%add3A_1145, %add3A_1179] : memref<64x128xf32, #tpu.memory_space<vmem>>[vector<16xi32>, vector<16xi32>], vector<16xf32>,
      %mul3A_1182 = arith.mulf %gather3A_1146, %gather3A_1181 : vector<16xf32>
      %add3A_1183 = arith.addf %gather3A_1180, %mul3A_1182 : vector<16xf32>
      %mul3A_1184 = arith.mulf %add3A_1183, %gather3A_1147 : vector<16xf32>
      tpu.vector_store_idx %arg15[%add3A_1152, %add3A_1179], %mul3A_1184 : memref<336x128xf32, #tpu.memory_space<vmem>>[vector<16xi32>, vector<16xi32>], vector<16xf32>,
      %add3A_1185 = arith.constant 64 : i32
      %add3A_1186 = vector.broadcast %add3A_1185 : i32 to vector<16xi32>
      %add3A_1187 = arith.addi %iota3A, %add3A_1186 : vector<16xi32>
      %gather3A_1188 = tpu.vector_load_idx %arg15[%add3A_1152, %add3A_1187] : memref<336x128xf32, #tpu.memory_space<vmem>>[vector<16xi32>, vector<16xi32>], vector<16xf32>,
      %gather3A_1189 = tpu.vector_load_idx %arg10[%add3A_1145, %add3A_1187] : memref<64x128xf32, #tpu.memory_space<vmem>>[vector<16xi32>, vector<16xi32>], vector<16xf32>,
      %mul3A_1190 = arith.mulf %gather3A_1146, %gather3A_1189 : vector<16xf32>
      %add3A_1191 = arith.addf %gather3A_1188, %mul3A_1190 : vector<16xf32>
      %mul3A_1192 = arith.mulf %add3A_1191, %gather3A_1147 : vector<16xf32>
      tpu.vector_store_idx %arg15[%add3A_1152, %add3A_1187], %mul3A_1192 : memref<336x128xf32, #tpu.memory_space<vmem>>[vector<16xi32>, vector<16xi32>], vector<16xf32>,
      %add3A_1193 = arith.constant 80 : i32
      %add3A_1194 = vector.broadcast %add3A_1193 : i32 to vector<16xi32>
      %add3A_1195 = arith.addi %iota3A, %add3A_1194 : vector<16xi32>
      %gather3A_1196 = tpu.vector_load_idx %arg15[%add3A_1152, %add3A_1195] : memref<336x128xf32, #tpu.memory_space<vmem>>[vector<16xi32>, vector<16xi32>], vector<16xf32>,
      %gather3A_1197 = tpu.vector_load_idx %arg10[%add3A_1145, %add3A_1195] : memref<64x128xf32, #tpu.memory_space<vmem>>[vector<16xi32>, vector<16xi32>], vector<16xf32>,
      %mul3A_1198 = arith.mulf %gather3A_1146, %gather3A_1197 : vector<16xf32>
      %add3A_1199 = arith.addf %gather3A_1196, %mul3A_1198 : vector<16xf32>
      %mul3A_1200 = arith.mulf %add3A_1199, %gather3A_1147 : vector<16xf32>
      tpu.vector_store_idx %arg15[%add3A_1152, %add3A_1195], %mul3A_1200 : memref<336x128xf32, #tpu.memory_space<vmem>>[vector<16xi32>, vector<16xi32>], vector<16xf32>,
      %add3A_1201 = arith.constant 96 : i32
      %add3A_1202 = vector.broadcast %add3A_1201 : i32 to vector<16xi32>
      %add3A_1203 = arith.addi %iota3A, %add3A_1202 : vector<16xi32>
      %gather3A_1204 = tpu.vector_load_idx %arg15[%add3A_1152, %add3A_1203] : memref<336x128xf32, #tpu.memory_space<vmem>>[vector<16xi32>, vector<16xi32>], vector<16xf32>,
      %gather3A_1205 = tpu.vector_load_idx %arg10[%add3A_1145, %add3A_1203] : memref<64x128xf32, #tpu.memory_space<vmem>>[vector<16xi32>, vector<16xi32>], vector<16xf32>,
      %mul3A_1206 = arith.mulf %gather3A_1146, %gather3A_1205 : vector<16xf32>
      %add3A_1207 = arith.addf %gather3A_1204, %mul3A_1206 : vector<16xf32>
      %mul3A_1208 = arith.mulf %add3A_1207, %gather3A_1147 : vector<16xf32>
      tpu.vector_store_idx %arg15[%add3A_1152, %add3A_1203], %mul3A_1208 : memref<336x128xf32, #tpu.memory_space<vmem>>[vector<16xi32>, vector<16xi32>], vector<16xf32>,
      %add3A_1209 = arith.constant 112 : i32
      %add3A_1210 = vector.broadcast %add3A_1209 : i32 to vector<16xi32>
      %add3A_1211 = arith.addi %iota3A, %add3A_1210 : vector<16xi32>
      %gather3A_1212 = tpu.vector_load_idx %arg15[%add3A_1152, %add3A_1211] : memref<336x128xf32, #tpu.memory_space<vmem>>[vector<16xi32>, vector<16xi32>], vector<16xf32>,
      %gather3A_1213 = tpu.vector_load_idx %arg10[%add3A_1145, %add3A_1211] : memref<64x128xf32, #tpu.memory_space<vmem>>[vector<16xi32>, vector<16xi32>], vector<16xf32>,
      %mul3A_1214 = arith.mulf %gather3A_1146, %gather3A_1213 : vector<16xf32>
      %add3A_1215 = arith.addf %gather3A_1212, %mul3A_1214 : vector<16xf32>
      %mul3A_1216 = arith.mulf %add3A_1215, %gather3A_1147 : vector<16xf32>
      tpu.vector_store_idx %arg15[%add3A_1152, %add3A_1211], %mul3A_1216 : memref<336x128xf32, #tpu.memory_space<vmem>>[vector<16xi32>, vector<16xi32>], vector<16xf32>,
    }
    %scan3A_1132 = arith.constant 64 : i32
    %add3A_1133 = arith.constant 0 : i32
    %add3A_1134 = arith.addi %mul3A_2, %add3A_1133 : i32
    "tpu.region"() ({
      %run_scoped3A = tpu.sem_alloc : memref<!tpu.dma_semaphore, #tpu.memory_space<semaphore_mem>>
      %dma_start3A_1143 = arith.constant 0 : i32
      %dma_start3A_1144 = arith.constant 0 : i32
      %dma_start3A_1145 = tpu.memref_slice %arg15[%dma_start3A_1143, %dma_start3A_1144] : memref<336x128xf32, #tpu.memory_space<vmem>> -> memref<64x128xf32, #tpu.memory_space<vmem>>
      %dma_start3A_1146 = arith.constant 0 : i32
      %dma_start3A_1147 = tpu.memref_slice %arg6[%add3A_1134, %dma_start3A_1146] : memref<10240x128xf32, #tpu.memory_space<hbm>> -> memref<64x128xf32, #tpu.memory_space<hbm>>
      %dma_start3A_1148 = arith.constant 0 : i32
      %dma_start3A_1149 = tpu.memref_slice %arg6[%add3A_1134, %dma_start3A_1148] : memref<10240x128xf32, #tpu.memory_space<hbm>> -> memref<64x128xf32, #tpu.memory_space<hbm>>
      %dma_start3A_1150 = arith.constant 0 : i32
      %dma_start3A_1151 = arith.constant 0 : i32
      %dma_start3A_1152 = tpu.memref_slice %arg15[%dma_start3A_1150, %dma_start3A_1151] : memref<336x128xf32, #tpu.memory_space<vmem>> -> memref<64x128xf32, #tpu.memory_space<vmem>>
      tpu.enqueue_dma source(%dma_start3A_1152 : memref<64x128xf32, #tpu.memory_space<vmem>>) target(%dma_start3A_1149 : memref<64x128xf32, #tpu.memory_space<hbm>>) target_semaphore(%run_scoped3A : memref<!tpu.dma_semaphore, #tpu.memory_space<semaphore_mem>>)
      %dma_wait3A_1153 = arith.constant 0 : i32
      %dma_wait3A_1154 = arith.constant 0 : i32
      %dma_wait3A_1155 = tpu.memref_slice %arg15[%dma_wait3A_1153, %dma_wait3A_1154] : memref<336x128xf32, #tpu.memory_space<vmem>> -> memref<64x128xf32, #tpu.memory_space<vmem>>
      %dma_wait3A_1156 = arith.constant 0 : i32
      %dma_wait3A_1157 = tpu.memref_slice %arg6[%add3A_1134, %dma_wait3A_1156] : memref<10240x128xf32, #tpu.memory_space<hbm>> -> memref<64x128xf32, #tpu.memory_space<hbm>>
      %dma_wait3A_1158 = arith.constant 0 : i32
      %dma_wait3A_1159 = tpu.memref_slice %arg6[%add3A_1134, %dma_wait3A_1158] : memref<10240x128xf32, #tpu.memory_space<hbm>> -> memref<64x128xf32, #tpu.memory_space<hbm>>
      %dma_wait3A_1160 = arith.constant 0 : i32
      %dma_wait3A_1161 = arith.constant 0 : i32
      %dma_wait3A_1162 = tpu.memref_slice %arg15[%dma_wait3A_1160, %dma_wait3A_1161] : memref<336x128xf32, #tpu.memory_space<vmem>> -> memref<64x128xf32, #tpu.memory_space<vmem>>
      tpu.wait_dma2 semaphore(%run_scoped3A : memref<!tpu.dma_semaphore, #tpu.memory_space<semaphore_mem>>) src(%dma_wait3A_1162 : memref<64x128xf32, #tpu.memory_space<vmem>>) dst(%dma_wait3A_1159 : memref<64x128xf32, #tpu.memory_space<hbm>>)
      tpu.yield
    }) : () -> ()
    %add3A_1135 = arith.constant 64 : i32
    %add3A_1136 = arith.addi %mul3A_2, %add3A_1135 : i32
    "tpu.region"() ({
      %run_scoped3A = tpu.sem_alloc : memref<!tpu.dma_semaphore, #tpu.memory_space<semaphore_mem>>
      %dma_start3A_1143 = arith.constant 64 : i32
      %dma_start3A_1144 = arith.constant 0 : i32
      %dma_start3A_1145 = tpu.memref_slice %arg15[%dma_start3A_1143, %dma_start3A_1144] : memref<336x128xf32, #tpu.memory_space<vmem>> -> memref<64x128xf32, #tpu.memory_space<vmem>>
      %dma_start3A_1146 = arith.constant 0 : i32
      %dma_start3A_1147 = tpu.memref_slice %arg6[%add3A_1136, %dma_start3A_1146] : memref<10240x128xf32, #tpu.memory_space<hbm>> -> memref<64x128xf32, #tpu.memory_space<hbm>>
      %dma_start3A_1148 = arith.constant 0 : i32
      %dma_start3A_1149 = tpu.memref_slice %arg6[%add3A_1136, %dma_start3A_1148] : memref<10240x128xf32, #tpu.memory_space<hbm>> -> memref<64x128xf32, #tpu.memory_space<hbm>>
      %dma_start3A_1150 = arith.constant 64 : i32
      %dma_start3A_1151 = arith.constant 0 : i32
      %dma_start3A_1152 = tpu.memref_slice %arg15[%dma_start3A_1150, %dma_start3A_1151] : memref<336x128xf32, #tpu.memory_space<vmem>> -> memref<64x128xf32, #tpu.memory_space<vmem>>
      tpu.enqueue_dma source(%dma_start3A_1152 : memref<64x128xf32, #tpu.memory_space<vmem>>) target(%dma_start3A_1149 : memref<64x128xf32, #tpu.memory_space<hbm>>) target_semaphore(%run_scoped3A : memref<!tpu.dma_semaphore, #tpu.memory_space<semaphore_mem>>)
      %dma_wait3A_1153 = arith.constant 64 : i32
      %dma_wait3A_1154 = arith.constant 0 : i32
      %dma_wait3A_1155 = tpu.memref_slice %arg15[%dma_wait3A_1153, %dma_wait3A_1154] : memref<336x128xf32, #tpu.memory_space<vmem>> -> memref<64x128xf32, #tpu.memory_space<vmem>>
      %dma_wait3A_1156 = arith.constant 0 : i32
      %dma_wait3A_1157 = tpu.memref_slice %arg6[%add3A_1136, %dma_wait3A_1156] : memref<10240x128xf32, #tpu.memory_space<hbm>> -> memref<64x128xf32, #tpu.memory_space<hbm>>
      %dma_wait3A_1158 = arith.constant 0 : i32
      %dma_wait3A_1159 = tpu.memref_slice %arg6[%add3A_1136, %dma_wait3A_1158] : memref<10240x128xf32, #tpu.memory_space<hbm>> -> memref<64x128xf32, #tpu.memory_space<hbm>>
      %dma_wait3A_1160 = arith.constant 64 : i32
      %dma_wait3A_1161 = arith.constant 0 : i32
      %dma_wait3A_1162 = tpu.memref_slice %arg15[%dma_wait3A_1160, %dma_wait3A_1161] : memref<336x128xf32, #tpu.memory_space<vmem>> -> memref<64x128xf32, #tpu.memory_space<vmem>>
      tpu.wait_dma2 semaphore(%run_scoped3A : memref<!tpu.dma_semaphore, #tpu.memory_space<semaphore_mem>>) src(%dma_wait3A_1162 : memref<64x128xf32, #tpu.memory_space<vmem>>) dst(%dma_wait3A_1159 : memref<64x128xf32, #tpu.memory_space<hbm>>)
      tpu.yield
    }) : () -> ()
    %add3A_1137 = arith.constant 128 : i32
    %add3A_1138 = arith.addi %mul3A_2, %add3A_1137 : i32
    "tpu.region"() ({
      %run_scoped3A = tpu.sem_alloc : memref<!tpu.dma_semaphore, #tpu.memory_space<semaphore_mem>>
      %dma_start3A_1143 = arith.constant 128 : i32
      %dma_start3A_1144 = arith.constant 0 : i32
      %dma_start3A_1145 = tpu.memref_slice %arg15[%dma_start3A_1143, %dma_start3A_1144] : memref<336x128xf32, #tpu.memory_space<vmem>> -> memref<64x128xf32, #tpu.memory_space<vmem>>
      %dma_start3A_1146 = arith.constant 0 : i32
      %dma_start3A_1147 = tpu.memref_slice %arg6[%add3A_1138, %dma_start3A_1146] : memref<10240x128xf32, #tpu.memory_space<hbm>> -> memref<64x128xf32, #tpu.memory_space<hbm>>
      %dma_start3A_1148 = arith.constant 0 : i32
      %dma_start3A_1149 = tpu.memref_slice %arg6[%add3A_1138, %dma_start3A_1148] : memref<10240x128xf32, #tpu.memory_space<hbm>> -> memref<64x128xf32, #tpu.memory_space<hbm>>
      %dma_start3A_1150 = arith.constant 128 : i32
      %dma_start3A_1151 = arith.constant 0 : i32
      %dma_start3A_1152 = tpu.memref_slice %arg15[%dma_start3A_1150, %dma_start3A_1151] : memref<336x128xf32, #tpu.memory_space<vmem>> -> memref<64x128xf32, #tpu.memory_space<vmem>>
      tpu.enqueue_dma source(%dma_start3A_1152 : memref<64x128xf32, #tpu.memory_space<vmem>>) target(%dma_start3A_1149 : memref<64x128xf32, #tpu.memory_space<hbm>>) target_semaphore(%run_scoped3A : memref<!tpu.dma_semaphore, #tpu.memory_space<semaphore_mem>>)
      %dma_wait3A_1153 = arith.constant 128 : i32
      %dma_wait3A_1154 = arith.constant 0 : i32
      %dma_wait3A_1155 = tpu.memref_slice %arg15[%dma_wait3A_1153, %dma_wait3A_1154] : memref<336x128xf32, #tpu.memory_space<vmem>> -> memref<64x128xf32, #tpu.memory_space<vmem>>
      %dma_wait3A_1156 = arith.constant 0 : i32
      %dma_wait3A_1157 = tpu.memref_slice %arg6[%add3A_1138, %dma_wait3A_1156] : memref<10240x128xf32, #tpu.memory_space<hbm>> -> memref<64x128xf32, #tpu.memory_space<hbm>>
      %dma_wait3A_1158 = arith.constant 0 : i32
      %dma_wait3A_1159 = tpu.memref_slice %arg6[%add3A_1138, %dma_wait3A_1158] : memref<10240x128xf32, #tpu.memory_space<hbm>> -> memref<64x128xf32, #tpu.memory_space<hbm>>
      %dma_wait3A_1160 = arith.constant 128 : i32
      %dma_wait3A_1161 = arith.constant 0 : i32
      %dma_wait3A_1162 = tpu.memref_slice %arg15[%dma_wait3A_1160, %dma_wait3A_1161] : memref<336x128xf32, #tpu.memory_space<vmem>> -> memref<64x128xf32, #tpu.memory_space<vmem>>
      tpu.wait_dma2 semaphore(%run_scoped3A : memref<!tpu.dma_semaphore, #tpu.memory_space<semaphore_mem>>) src(%dma_wait3A_1162 : memref<64x128xf32, #tpu.memory_space<vmem>>) dst(%dma_wait3A_1159 : memref<64x128xf32, #tpu.memory_space<hbm>>)
      tpu.yield
    }) : () -> ()
    %add3A_1139 = arith.constant 192 : i32
    %add3A_1140 = arith.addi %mul3A_2, %add3A_1139 : i32
    "tpu.region"() ({
      %run_scoped3A = tpu.sem_alloc : memref<!tpu.dma_semaphore, #tpu.memory_space<semaphore_mem>>
      %dma_start3A_1143 = arith.constant 192 : i32
      %dma_start3A_1144 = arith.constant 0 : i32
      %dma_start3A_1145 = tpu.memref_slice %arg15[%dma_start3A_1143, %dma_start3A_1144] : memref<336x128xf32, #tpu.memory_space<vmem>> -> memref<64x128xf32, #tpu.memory_space<vmem>>
      %dma_start3A_1146 = arith.constant 0 : i32
      %dma_start3A_1147 = tpu.memref_slice %arg6[%add3A_1140, %dma_start3A_1146] : memref<10240x128xf32, #tpu.memory_space<hbm>> -> memref<64x128xf32, #tpu.memory_space<hbm>>
      %dma_start3A_1148 = arith.constant 0 : i32
      %dma_start3A_1149 = tpu.memref_slice %arg6[%add3A_1140, %dma_start3A_1148] : memref<10240x128xf32, #tpu.memory_space<hbm>> -> memref<64x128xf32, #tpu.memory_space<hbm>>
      %dma_start3A_1150 = arith.constant 192 : i32
      %dma_start3A_1151 = arith.constant 0 : i32
      %dma_start3A_1152 = tpu.memref_slice %arg15[%dma_start3A_1150, %dma_start3A_1151] : memref<336x128xf32, #tpu.memory_space<vmem>> -> memref<64x128xf32, #tpu.memory_space<vmem>>
      tpu.enqueue_dma source(%dma_start3A_1152 : memref<64x128xf32, #tpu.memory_space<vmem>>) target(%dma_start3A_1149 : memref<64x128xf32, #tpu.memory_space<hbm>>) target_semaphore(%run_scoped3A : memref<!tpu.dma_semaphore, #tpu.memory_space<semaphore_mem>>)
      %dma_wait3A_1153 = arith.constant 192 : i32
      %dma_wait3A_1154 = arith.constant 0 : i32
      %dma_wait3A_1155 = tpu.memref_slice %arg15[%dma_wait3A_1153, %dma_wait3A_1154] : memref<336x128xf32, #tpu.memory_space<vmem>> -> memref<64x128xf32, #tpu.memory_space<vmem>>
      %dma_wait3A_1156 = arith.constant 0 : i32
      %dma_wait3A_1157 = tpu.memref_slice %arg6[%add3A_1140, %dma_wait3A_1156] : memref<10240x128xf32, #tpu.memory_space<hbm>> -> memref<64x128xf32, #tpu.memory_space<hbm>>
      %dma_wait3A_1158 = arith.constant 0 : i32
      %dma_wait3A_1159 = tpu.memref_slice %arg6[%add3A_1140, %dma_wait3A_1158] : memref<10240x128xf32, #tpu.memory_space<hbm>> -> memref<64x128xf32, #tpu.memory_space<hbm>>
      %dma_wait3A_1160 = arith.constant 192 : i32
      %dma_wait3A_1161 = arith.constant 0 : i32
      %dma_wait3A_1162 = tpu.memref_slice %arg15[%dma_wait3A_1160, %dma_wait3A_1161] : memref<336x128xf32, #tpu.memory_space<vmem>> -> memref<64x128xf32, #tpu.memory_space<vmem>>
      tpu.wait_dma2 semaphore(%run_scoped3A : memref<!tpu.dma_semaphore, #tpu.memory_space<semaphore_mem>>) src(%dma_wait3A_1162 : memref<64x128xf32, #tpu.memory_space<vmem>>) dst(%dma_wait3A_1159 : memref<64x128xf32, #tpu.memory_space<hbm>>)
      tpu.yield
    }) : () -> ()
    %add3A_1141 = arith.constant 256 : i32
    %add3A_1142 = arith.addi %mul3A_2, %add3A_1141 : i32
    "tpu.region"() ({
      %run_scoped3A = tpu.sem_alloc : memref<!tpu.dma_semaphore, #tpu.memory_space<semaphore_mem>>
      %dma_start3A_1143 = arith.constant 256 : i32
      %dma_start3A_1144 = arith.constant 0 : i32
      %dma_start3A_1145 = tpu.memref_slice %arg15[%dma_start3A_1143, %dma_start3A_1144] : memref<336x128xf32, #tpu.memory_space<vmem>> -> memref<64x128xf32, #tpu.memory_space<vmem>>
      %dma_start3A_1146 = arith.constant 0 : i32
      %dma_start3A_1147 = tpu.memref_slice %arg6[%add3A_1142, %dma_start3A_1146] : memref<10240x128xf32, #tpu.memory_space<hbm>> -> memref<64x128xf32, #tpu.memory_space<hbm>>
      %dma_start3A_1148 = arith.constant 0 : i32
      %dma_start3A_1149 = tpu.memref_slice %arg6[%add3A_1142, %dma_start3A_1148] : memref<10240x128xf32, #tpu.memory_space<hbm>> -> memref<64x128xf32, #tpu.memory_space<hbm>>
      %dma_start3A_1150 = arith.constant 256 : i32
      %dma_start3A_1151 = arith.constant 0 : i32
      %dma_start3A_1152 = tpu.memref_slice %arg15[%dma_start3A_1150, %dma_start3A_1151] : memref<336x128xf32, #tpu.memory_space<vmem>> -> memref<64x128xf32, #tpu.memory_space<vmem>>
      tpu.enqueue_dma source(%dma_start3A_1152 : memref<64x128xf32, #tpu.memory_space<vmem>>) target(%dma_start3A_1149 : memref<64x128xf32, #tpu.memory_space<hbm>>) target_semaphore(%run_scoped3A : memref<!tpu.dma_semaphore, #tpu.memory_space<semaphore_mem>>)
      %dma_wait3A_1153 = arith.constant 256 : i32
      %dma_wait3A_1154 = arith.constant 0 : i32
      %dma_wait3A_1155 = tpu.memref_slice %arg15[%dma_wait3A_1153, %dma_wait3A_1154] : memref<336x128xf32, #tpu.memory_space<vmem>> -> memref<64x128xf32, #tpu.memory_space<vmem>>
      %dma_wait3A_1156 = arith.constant 0 : i32
      %dma_wait3A_1157 = tpu.memref_slice %arg6[%add3A_1142, %dma_wait3A_1156] : memref<10240x128xf32, #tpu.memory_space<hbm>> -> memref<64x128xf32, #tpu.memory_space<hbm>>
      %dma_wait3A_1158 = arith.constant 0 : i32
      %dma_wait3A_1159 = tpu.memref_slice %arg6[%add3A_1142, %dma_wait3A_1158] : memref<10240x128xf32, #tpu.memory_space<hbm>> -> memref<64x128xf32, #tpu.memory_space<hbm>>
      %dma_wait3A_1160 = arith.constant 256 : i32
      %dma_wait3A_1161 = arith.constant 0 : i32
      %dma_wait3A_1162 = tpu.memref_slice %arg15[%dma_wait3A_1160, %dma_wait3A_1161] : memref<336x128xf32, #tpu.memory_space<vmem>> -> memref<64x128xf32, #tpu.memory_space<vmem>>
      tpu.wait_dma2 semaphore(%run_scoped3A : memref<!tpu.dma_semaphore, #tpu.memory_space<semaphore_mem>>) src(%dma_wait3A_1162 : memref<64x128xf32, #tpu.memory_space<vmem>>) dst(%dma_wait3A_1159 : memref<64x128xf32, #tpu.memory_space<hbm>>)
      tpu.yield
    }) : () -> ()
    return
  }
}

module attributes {stable_mosaic.version = 14 : i64} {
  func.func @_pre_body(%arg0: i32, %arg1: memref<1000x128xf32, #tpu.memory_space<vmem>>, %arg2: memref<128x128xf32, #tpu.memory_space<vmem>>, %arg3: memref<128x2xf32, #tpu.memory_space<vmem>>, %arg4: memref<1000x128xf32, #tpu.memory_space<vmem>>, %arg5: memref<1000x128xf32, #tpu.memory_space<vmem>>) attributes {dimension_semantics = [#tpu.dimension_semantics<arbitrary>], iteration_bounds = array<i64: 10>, scalar_prefetch = 0 : i64, scratch_operands = 0 : i64, tpu.core_type = #tpu.core_type<tc>, window_params = [{transform_indices = @transform_0, window_bounds = array<i64: 1000, 128>}, {pipeline_mode = #tpu.pipeline_mode<synchronous>, transform_indices = @transform_1, window_bounds = array<i64: 128, 128>}, {pipeline_mode = #tpu.pipeline_mode<synchronous>, transform_indices = @transform_2, window_bounds = array<i64: 128, 2>}, {transform_indices = @transform_3, window_bounds = array<i64: 1000, 128>}, {transform_indices = @transform_4, window_bounds = array<i64: 1000, 128>}]} {
    %get3A = arith.constant 0 : index
    %get3A_0 = arith.constant 0 : index
    %get3A_1 = vector.load %arg1[%get3A, %get3A_0] : memref<1000x128xf32, #tpu.memory_space<vmem>>, vector<1000x128xf32>
    %get3A_2 = arith.constant 0 : index
    %get3A_3 = arith.constant 0 : index
    %get3A_4 = vector.load %arg2[%get3A_2, %get3A_3] : memref<128x128xf32, #tpu.memory_space<vmem>>, vector<128x128xf32>
    %dot_general3A = arith.constant dense<0.000000e+00> : vector<1000x128xf32>
    %dot_general3A_5 = tpu.matmul %get3A_1, %get3A_4, %dot_general3A {dimension_numbers = #tpu.dot_dimension_numbers<[1], [0], [0], [1], [0, 0, 1, 1], [], []>, transpose_lhs_hint = false} : vector<1000x128xf32>, vector<128x128xf32>, vector<1000x128xf32> -> vector<1000x128xf32>
    %swap3A = arith.constant 0 : index
    %swap3A_6 = arith.constant 0 : index
    %swap3A_7 = vector.load %arg4[%swap3A, %swap3A_6] : memref<1000x128xf32, #tpu.memory_space<vmem>>, vector<1000x128xf32>
    tpu.vector_store %arg4[%swap3A, %swap3A_6], %dot_general3A_5 {strides = array<i32>} : memref<1000x128xf32, #tpu.memory_space<vmem>>, vector<1000x128xf32>,
    %get3A_8 = arith.constant 0 : index
    %get3A_9 = arith.constant 0 : index
    %get3A_10 = vector.load %arg3[%get3A_8, %get3A_9] : memref<128x2xf32, #tpu.memory_space<vmem>>, vector<128x2xf32>
    %dot_general3A_11 = arith.constant dense<0.000000e+00> : vector<1000x2xf32>
    %dot_general3A_12 = tpu.matmul %dot_general3A_5, %get3A_10, %dot_general3A_11 {dimension_numbers = #tpu.dot_dimension_numbers<[1], [0], [0], [1], [0, 0, 1, 1], [], []>, transpose_lhs_hint = false} : vector<1000x128xf32>, vector<128x2xf32>, vector<1000x2xf32> -> vector<1000x2xf32>
    %broadcast_in_dim3A = arith.constant 0.000000e+00 : f32
    %broadcast_in_dim3A_13 = vector.broadcast %broadcast_in_dim3A : f32 to vector<1000x126xf32>
    %concatenate3A = tpu.concatenate %dot_general3A_12, %broadcast_in_dim3A_13 in 1 : vector<1000x2xf32>, vector<1000x126xf32> -> vector<1000x128xf32>
    %swap3A_14 = arith.constant 0 : index
    %swap3A_15 = arith.constant 0 : index
    %swap3A_16 = vector.load %arg5[%swap3A_14, %swap3A_15] : memref<1000x128xf32, #tpu.memory_space<vmem>>, vector<1000x128xf32>
    tpu.vector_store %arg5[%swap3A_14, %swap3A_15], %concatenate3A {strides = array<i32>} : memref<1000x128xf32, #tpu.memory_space<vmem>>, vector<1000x128xf32>,
    return
  }
  func.func @transform_0(%arg0: i32) -> (i32, i32) {
    %c0_i32 = arith.constant 0 : i32
    %c0_i32_0 = arith.constant 0 : i32
    return %arg0, %c0_i32 : i32, i32
  }
  func.func @transform_1(%arg0: i32) -> (i32, i32) {
    %c0_i32 = arith.constant 0 : i32
    %c0_i32_0 = arith.constant 0 : i32
    %c0_i32_1 = arith.constant 0 : i32
    return %c0_i32, %c0_i32_0 : i32, i32
  }
  func.func @transform_2(%arg0: i32) -> (i32, i32) {
    %c0_i32 = arith.constant 0 : i32
    %c0_i32_0 = arith.constant 0 : i32
    %c0_i32_1 = arith.constant 0 : i32
    return %c0_i32, %c0_i32_0 : i32, i32
  }
  func.func @transform_3(%arg0: i32) -> (i32, i32) {
    %c0_i32 = arith.constant 0 : i32
    %c0_i32_0 = arith.constant 0 : i32
    return %arg0, %c0_i32 : i32, i32
  }
  func.func @transform_4(%arg0: i32) -> (i32, i32) {
    %c0_i32 = arith.constant 0 : i32
    %c0_i32_0 = arith.constant 0 : i32
    return %arg0, %c0_i32 : i32, i32
  }
}

module attributes {stable_mosaic.version = 14 : i64} {
  func.func @_mid_body(%arg0: i32, %arg1: memref<1000x128xf32, #tpu.memory_space<vmem>>, %arg2: memref<1000x128xf32, #tpu.memory_space<vmem>>, %arg3: memref<128x128xf32, #tpu.memory_space<vmem>>, %arg4: memref<1x128xf32, #tpu.memory_space<vmem>>, %arg5: memref<1x128xf32, #tpu.memory_space<vmem>>, %arg6: memref<128x128xf32, #tpu.memory_space<vmem>>, %arg7: memref<128x2xf32, #tpu.memory_space<vmem>>, %arg8: memref<1000x128xf32, #tpu.memory_space<vmem>>, %arg9: memref<1000x128xf32, #tpu.memory_space<vmem>>, %arg10: memref<1000x128xf32, #tpu.memory_space<vmem>>, %arg11: memref<1000x128xf32, #tpu.memory_space<vmem>>) attributes {dimension_semantics = [#tpu.dimension_semantics<arbitrary>], iteration_bounds = array<i64: 10>, scalar_prefetch = 0 : i64, scratch_operands = 0 : i64, tpu.core_type = #tpu.core_type<tc>, window_params = [{transform_indices = @transform_0, window_bounds = array<i64: 1000, 128>}, {transform_indices = @transform_1, window_bounds = array<i64: 1000, 128>}, {pipeline_mode = #tpu.pipeline_mode<synchronous>, transform_indices = @transform_2, window_bounds = array<i64: 128, 128>}, {pipeline_mode = #tpu.pipeline_mode<synchronous>, transform_indices = @transform_3, window_bounds = array<i64: 1, 128>}, {pipeline_mode = #tpu.pipeline_mode<synchronous>, transform_indices = @transform_4, window_bounds = array<i64: 1, 128>}, {pipeline_mode = #tpu.pipeline_mode<synchronous>, transform_indices = @transform_5, window_bounds = array<i64: 128, 128>}, {pipeline_mode = #tpu.pipeline_mode<synchronous>, transform_indices = @transform_6, window_bounds = array<i64: 128, 2>}, {transform_indices = @transform_7, window_bounds = array<i64: 1000, 128>}, {transform_indices = @transform_8, window_bounds = array<i64: 1000, 128>}, {transform_indices = @transform_9, window_bounds = array<i64: 1000, 128>}, {transform_indices = @transform_10, window_bounds = array<i64: 1000, 128>}]} {
    %get3A = arith.constant 0 : index
    %get3A_0 = arith.constant 0 : index
    %get3A_1 = vector.load %arg2[%get3A, %get3A_0] : memref<1000x128xf32, #tpu.memory_space<vmem>>, vector<1000x128xf32>
    %get3A_2 = arith.constant 0 : index
    %get3A_3 = arith.constant 0 : index
    %get3A_4 = vector.load %arg3[%get3A_2, %get3A_3] : memref<128x128xf32, #tpu.memory_space<vmem>>, vector<128x128xf32>
    %dot_general3A = arith.constant dense<0.000000e+00> : vector<1000x128xf32>
    %dot_general3A_5 = tpu.matmul %get3A_1, %get3A_4, %dot_general3A {dimension_numbers = #tpu.dot_dimension_numbers<[1], [0], [0], [1], [0, 0, 1, 1], [], []>, transpose_lhs_hint = false} : vector<1000x128xf32>, vector<128x128xf32>, vector<1000x128xf32> -> vector<1000x128xf32>
    %get3A_6 = arith.constant 0 : index
    %get3A_7 = arith.constant 0 : index
    %get3A_8 = vector.load %arg1[%get3A_6, %get3A_7] : memref<1000x128xf32, #tpu.memory_space<vmem>>, vector<1000x128xf32>
    %get3A_9 = arith.constant 0 : index
    %get3A_10 = arith.constant 0 : index
    %get3A_11 = vector.load %arg5[%get3A_9, %get3A_10] : memref<1x128xf32, #tpu.memory_space<vmem>>, vector<1x128xf32>
    %add3A = vector.broadcast %get3A_11 : vector<1x128xf32> to vector<1000x128xf32>
    %add3A_12 = arith.addf %get3A_8, %add3A : vector<1000x128xf32>
    %add3A_13 = arith.addf %add3A_12, %dot_general3A_5 : vector<1000x128xf32>
    %get3A_14 = arith.constant 0 : index
    %get3A_15 = arith.constant 0 : index
    %get3A_16 = vector.load %arg4[%get3A_14, %get3A_15] : memref<1x128xf32, #tpu.memory_space<vmem>>, vector<1x128xf32>
    %add3A_17 = vector.broadcast %get3A_16 : vector<1x128xf32> to vector<1000x128xf32>
    %add3A_18 = arith.addf %add3A_13, %add3A_17 : vector<1000x128xf32>
    %swap3A = arith.constant 0 : index
    %swap3A_19 = arith.constant 0 : index
    %swap3A_20 = vector.load %arg11[%swap3A, %swap3A_19] : memref<1000x128xf32, #tpu.memory_space<vmem>>, vector<1000x128xf32>
    tpu.vector_store %arg11[%swap3A, %swap3A_19], %add3A_18 {strides = array<i32>} : memref<1000x128xf32, #tpu.memory_space<vmem>>, vector<1000x128xf32>,
    %gt3A = arith.constant 0.000000e+00 : f32
    %gt3A_21 = vector.broadcast %gt3A : f32 to vector<1000x128xf32>
    %gt3A_22 = arith.cmpf ogt, %add3A_18, %gt3A_21 : vector<1000x128xf32>
    %exp3A = math.exp %add3A_18 : vector<1000x128xf32>
    %sub3A = arith.constant 1.000000e+00 : f32
    %sub3A_23 = vector.broadcast %sub3A : f32 to vector<1000x128xf32>
    %sub3A_24 = arith.subf %exp3A, %sub3A_23 : vector<1000x128xf32>
    %select_n3A = arith.select %gt3A_22, %add3A_18, %sub3A_24 : vector<1000x128xi1>, vector<1000x128xf32>
    %swap3A_25 = arith.constant 0 : index
    %swap3A_26 = arith.constant 0 : index
    %swap3A_27 = vector.load %arg10[%swap3A_25, %swap3A_26] : memref<1000x128xf32, #tpu.memory_space<vmem>>, vector<1000x128xf32>
    tpu.vector_store %arg10[%swap3A_25, %swap3A_26], %select_n3A {strides = array<i32>} : memref<1000x128xf32, #tpu.memory_space<vmem>>, vector<1000x128xf32>,
    %get3A_28 = arith.constant 0 : index
    %get3A_29 = arith.constant 0 : index
    %get3A_30 = vector.load %arg6[%get3A_28, %get3A_29] : memref<128x128xf32, #tpu.memory_space<vmem>>, vector<128x128xf32>
    %dot_general3A_31 = arith.constant dense<0.000000e+00> : vector<1000x128xf32>
    %dot_general3A_32 = tpu.matmul %select_n3A, %get3A_30, %dot_general3A_31 {dimension_numbers = #tpu.dot_dimension_numbers<[1], [0], [0], [1], [0, 0, 1, 1], [], []>, transpose_lhs_hint = false} : vector<1000x128xf32>, vector<128x128xf32>, vector<1000x128xf32> -> vector<1000x128xf32>
    %swap3A_33 = arith.constant 0 : index
    %swap3A_34 = arith.constant 0 : index
    %swap3A_35 = vector.load %arg8[%swap3A_33, %swap3A_34] : memref<1000x128xf32, #tpu.memory_space<vmem>>, vector<1000x128xf32>
    tpu.vector_store %arg8[%swap3A_33, %swap3A_34], %dot_general3A_32 {strides = array<i32>} : memref<1000x128xf32, #tpu.memory_space<vmem>>, vector<1000x128xf32>,
    %get3A_36 = arith.constant 0 : index
    %get3A_37 = arith.constant 0 : index
    %get3A_38 = vector.load %arg7[%get3A_36, %get3A_37] : memref<128x2xf32, #tpu.memory_space<vmem>>, vector<128x2xf32>
    %dot_general3A_39 = arith.constant dense<0.000000e+00> : vector<1000x2xf32>
    %dot_general3A_40 = tpu.matmul %dot_general3A_32, %get3A_38, %dot_general3A_39 {dimension_numbers = #tpu.dot_dimension_numbers<[1], [0], [0], [1], [0, 0, 1, 1], [], []>, transpose_lhs_hint = false} : vector<1000x128xf32>, vector<128x2xf32>, vector<1000x2xf32> -> vector<1000x2xf32>
    %broadcast_in_dim3A = arith.constant 0.000000e+00 : f32
    %broadcast_in_dim3A_41 = vector.broadcast %broadcast_in_dim3A : f32 to vector<1000x126xf32>
    %concatenate3A = tpu.concatenate %dot_general3A_40, %broadcast_in_dim3A_41 in 1 : vector<1000x2xf32>, vector<1000x126xf32> -> vector<1000x128xf32>
    %swap3A_42 = arith.constant 0 : index
    %swap3A_43 = arith.constant 0 : index
    %swap3A_44 = vector.load %arg9[%swap3A_42, %swap3A_43] : memref<1000x128xf32, #tpu.memory_space<vmem>>, vector<1000x128xf32>
    tpu.vector_store %arg9[%swap3A_42, %swap3A_43], %concatenate3A {strides = array<i32>} : memref<1000x128xf32, #tpu.memory_space<vmem>>, vector<1000x128xf32>,
    return
  }
  func.func @transform_0(%arg0: i32) -> (i32, i32) {
    %c0_i32 = arith.constant 0 : i32
    %c0_i32_0 = arith.constant 0 : i32
    return %arg0, %c0_i32 : i32, i32
  }
  func.func @transform_1(%arg0: i32) -> (i32, i32) {
    %c0_i32 = arith.constant 0 : i32
    %c0_i32_0 = arith.constant 0 : i32
    return %arg0, %c0_i32 : i32, i32
  }
  func.func @transform_2(%arg0: i32) -> (i32, i32) {
    %c0_i32 = arith.constant 0 : i32
    %c0_i32_0 = arith.constant 0 : i32
    %c0_i32_1 = arith.constant 0 : i32
    return %c0_i32, %c0_i32_0 : i32, i32
  }
  func.func @transform_3(%arg0: i32) -> (i32, i32) {
    %c0_i32 = arith.constant 0 : i32
    %c0_i32_0 = arith.constant 0 : i32
    %c0_i32_1 = arith.constant 0 : i32
    return %c0_i32, %c0_i32_0 : i32, i32
  }
  func.func @transform_4(%arg0: i32) -> (i32, i32) {
    %c0_i32 = arith.constant 0 : i32
    %c0_i32_0 = arith.constant 0 : i32
    %c0_i32_1 = arith.constant 0 : i32
    return %c0_i32, %c0_i32_0 : i32, i32
  }
  func.func @transform_5(%arg0: i32) -> (i32, i32) {
    %c0_i32 = arith.constant 0 : i32
    %c0_i32_0 = arith.constant 0 : i32
    %c0_i32_1 = arith.constant 0 : i32
    return %c0_i32, %c0_i32_0 : i32, i32
  }
  func.func @transform_6(%arg0: i32) -> (i32, i32) {
    %c0_i32 = arith.constant 0 : i32
    %c0_i32_0 = arith.constant 0 : i32
    %c0_i32_1 = arith.constant 0 : i32
    return %c0_i32, %c0_i32_0 : i32, i32
  }
  func.func @transform_7(%arg0: i32) -> (i32, i32) {
    %c0_i32 = arith.constant 0 : i32
    %c0_i32_0 = arith.constant 0 : i32
    return %arg0, %c0_i32 : i32, i32
  }
  func.func @transform_8(%arg0: i32) -> (i32, i32) {
    %c0_i32 = arith.constant 0 : i32
    %c0_i32_0 = arith.constant 0 : i32
    return %arg0, %c0_i32 : i32, i32
  }
  func.func @transform_9(%arg0: i32) -> (i32, i32) {
    %c0_i32 = arith.constant 0 : i32
    %c0_i32_0 = arith.constant 0 : i32
    return %arg0, %c0_i32 : i32, i32
  }
  func.func @transform_10(%arg0: i32) -> (i32, i32) {
    %c0_i32 = arith.constant 0 : i32
    %c0_i32_0 = arith.constant 0 : i32
    return %arg0, %c0_i32 : i32, i32
  }
}

</mosaic_0001>

<sc_bundles>
// kernel: closed_call.21.cloned.1.call-start
scs
__scs_entry_jumppad:
0x0: {  	(pc) =	sbr.rel $0x88, $3  }
0x1: {  	(tag) =	ssettag $0x0;
	lr =	simm.s32 $0x1  }
0x2: {  	[smem:$0x3F8D] =	sst lr;
	_ =	strace $0xD0000000  }
0x3: {  	_ = 	snop  }
0x4: {  	_ = 	snop  }
0x5: {  	_ = 	snop  }
0x6: {  	_ = 	snop  }
0x7: {  	_ = 	snop  }
__scs_overlays_trampoline_lowered:
0x8: {  	[smem:$0x3F9C] =	sst s0  }
0x9: {  	[smem:$0x3F9D] =	sst s1  }
0xa: {  	[smem:$0x3F9E] =	sst s2  }
0xb: {  	[smem:$0x3F9F] =	sst s3  }
0xc: {  	[smem:$0x3FA0] =	sst s4  }
0xd: {  	[smem:$0x3FA1] =	sst s5  }
0xe: {  	[smem:$0x3FA2] =	sst s6  }
0xf: {  	[smem:$0x3FA3] =	sst s7  }
0x10: {  	[smem:$0x3FA4] =	sst s8  }
0x11: {  	[smem:$0x3FA5] =	sst s9;
	s0 =	simm.s32 @!p0 $0x0  }
0x12: {  	s1 =	sld [smem:$0x3F8B];
	s0 =	simm.s32 @p0 $0x1  }
0x13: {  	[smem:$0x3FA6] =	sst s0;
	s0 =	simm.s32 @!p1 $0x0  }
0x14: {  	s2 =	sld [smem:$0x3F8A];
	s0 =	simm.s32 @p1 $0x1  }
0x15: {  	[smem:$0x3FA7] =	sst s0;
	s0 =	simm.s32 @!p2 $0x0  }
0x16: {  	s3 =	sld [smem:$0x3FDB];
	s0 =	simm.s32 @p2 $0x1  }
0x17: {  	s4 =	simm.s32 $0x1BF5;
	[smem:$0x3FA9] =	sst s0  }
0x18: {  	s0 =	sld [smem:$0x3F8C];
	_ =	swait.ge [sflag:s4], $0x0  }
0x19: {  	s7 =	sld [smem:$0x3F8D]  }
0x1a: {  	s8 =	sadd.s32 $0xFFFFE003, lr  }
0x1b: {  	s9 =	sadd.s32 $0xFFFFFEF7, lr;
	s5 =	simm.s32 $0xFFFFFFFF;
	p2 =	slt.u32 s8, $0xFFFFF086  }
0x1c: {  	p1 =	slt.u32 s9, $0xF7A;
	s5 =	simm.s32 @!p2 $0x0  }
0x1d: {  	s5 =	simm.s32 @p1 $0x1;
	p0 =	seq.s32 s7, s2  }
0x1e: {  	s7 =	smul.u32 @!p0 $0xF7A, s2;
	p2 =	seq.s32 @!p0 s5, $0x0  }
0x1f: {  	s9 =	smul.u32 $0xF7A, s1;
	s8 =	simm.s32 @!p0 $0x1BF5;
	p2 =	por !p2, p0  }
0x20: {  	[sflag:s8] =	ssyncset.s32 @!p0 $0xFFFFF086;
	s6 =	sadd.s32 @!p0 s3, s7;
	s7 =	simm.s32 @!p0 $0x108  }
0x21: {  	s3 =	sadd.s32 s3, s9;
	s6 =	sadd.s32 @!p0 $0x88, s6;
	s7 =	simm.s32 @p2 $0x1082  }
0x22: {  	[simem:s7], [sflag:s8] =	dma.local @!p0 [hbm:s6], $0xF7A  }
0x23: {  	s9 =	sor.u32 $0xD0000000, s2;
	s6 =	simm.s32 $0x108;
	_ =	swait.ge @!p0 [sflag:s8], $0x0  }
0x24: {  	s3 =	sadd.s32 $0x88, s3;
	s6 =	simm.s32 @!p1 $0x1082;
	[sflag:s4] =	ssyncset.s32 $0xFFFFF086  }
0x25: {  	[simem:s6], [sflag:s4] =	dma.local [hbm:s3], $0xF7A  }
0x26: {  	[smem:$0x3F8D] =	sst s1;
	(tag) =	ssettag s2;
	_ =	strace s9  }
0x27: {  	s1 =	sld [smem:$0x3F9D]  }
0x28: {  	s2 =	sld [smem:$0x3F9E]  }
0x29: {  	s4 =	sld [smem:$0x3FA0]  }
0x2a: {  	p0 =	seq.s32 s5, $0x0;
	s5 =	sld [smem:$0x3FA1]  }
0x2b: {  	s6 =	sld [smem:$0x3FA2]  }
0x2c: {  	s7 =	sld [smem:$0x3FA3]  }
0x2d: {  	s3 =	simm.s32 $0x108;
	s8 =	sld [smem:$0x3FA4]  }
0x2e: {  	s3 =	simm.s32 @!p0 $0x1082;
	s9 =	sld [smem:$0x3FA5]  }
0x2f: {  	lr =	sadd.s32 s0, s3;
	s0 =	sld [smem:$0x3F9C]  }
0x30: {  	s3 =	sld [smem:$0x3F9F]  }
0x31: {  	[smem:$0x3FA8] =	sst s10  }
0x32: {  	s10 =	sld [smem:$0x3FA6];
	_ =	sdelay $0x3  }
0x33: {  	p0 =	seq.s32 s10, $0x1;
	s10 =	sld [smem:$0x3FA8];
	_ =	sdelay $0x3  }
0x34: {  	[smem:$0x3FA8] =	sst s10  }
0x35: {  	s10 =	sld [smem:$0x3FA7];
	_ =	sdelay $0x3  }
0x36: {  	p1 =	seq.s32 s10, $0x1;
	s10 =	sld [smem:$0x3FA8];
	_ =	sdelay $0x3  }
0x37: {  	[smem:$0x3FA8] =	sst s10  }
0x38: {  	s10 =	sld [smem:$0x3FA9]  }
0x39: {  	_ = 	snop;
	(pc) =	sbr.ind lr, $3  }
0x3a: {  	_ = 	snop  }
0x3b: {  	_ = 	snop  }
0x3c: {  	p2 =	seq.s32 s10, $0x1;
	s10 =	sld [smem:$0x3FA8]  }
0x3d: {  	_ =	shalt  }
0x3e: {  	_ =	shalt  }
0x3f: {  	_ =	shalt  }
0x40: {  	_ =	shalt  }
0x41: {  	_ =	shalt  }
0x42: {  	_ =	shalt  }
0x43: {  	_ =	shalt  }
0x44: {  	_ =	shalt  }
0x45: {  	_ =	shalt  }
0x46: {  	_ =	shalt  }
0x47: {  	_ =	shalt  }
0x48: {  	_ =	shalt  }
0x49: {  	_ =	shalt  }
0x4a: {  	_ =	shalt  }
0x4b: {  	_ =	shalt  }
0x4c: {  	_ =	shalt  }
0x4d: {  	_ =	shalt  }
0x4e: {  	_ =	shalt  }
0x4f: {  	_ =	shalt  }
0x50: {  	_ =	shalt  }
0x51: {  	_ =	shalt  }
0x52: {  	_ =	shalt  }
0x53: {  	_ =	shalt  }
0x54: {  	_ =	shalt  }
0x55: {  	_ =	shalt  }
0x56: {  	_ =	shalt  }
0x57: {  	_ =	shalt  }
0x58: {  	_ =	shalt  }
0x59: {  	_ =	shalt  }
0x5a: {  	_ =	shalt  }
0x5b: {  	_ =	shalt  }
0x5c: {  	_ =	shalt  }
0x5d: {  	_ =	shalt  }
0x5e: {  	_ =	shalt  }
0x5f: {  	_ =	shalt  }
0x60: {  	_ =	shalt  }
0x61: {  	_ =	shalt  }
0x62: {  	_ =	shalt  }
0x63: {  	_ =	shalt  }
0x64: {  	_ =	shalt  }
0x65: {  	_ =	shalt  }
0x66: {  	_ =	shalt  }
0x67: {  	_ =	shalt  }
0x68: {  	_ =	shalt  }
0x69: {  	_ =	shalt  }
0x6a: {  	_ =	shalt  }
0x6b: {  	_ =	shalt  }
0x6c: {  	_ =	shalt  }
0x6d: {  	_ =	shalt  }
0x6e: {  	_ =	shalt  }
0x6f: {  	_ =	shalt  }
0x70: {  	_ =	shalt  }
0x71: {  	_ =	shalt  }
0x72: {  	_ =	shalt  }
0x73: {  	_ =	shalt  }
0x74: {  	_ =	shalt  }
0x75: {  	_ =	shalt  }
0x76: {  	_ =	shalt  }
0x77: {  	_ =	shalt  }
0x78: {  	_ =	shalt  }
0x79: {  	_ =	shalt  }
0x7a: {  	_ =	shalt  }
0x7b: {  	_ =	shalt  }
0x7c: {  	_ =	shalt  }
0x7d: {  	_ =	shalt  }
0x7e: {  	_ =	shalt  }
0x7f: {  	_ =	shalt  }
0x80: {  	_ =	shalt  }
0x81: {  	_ =	shalt  }
0x82: {  	_ =	shalt  }
0x83: {  	_ =	shalt  }
0x84: {  	_ =	shalt  }
0x85: {  	_ =	shalt  }
0x86: {  	_ =	shalt  }
0x87: {  	_ =	shalt  }
.Lfunc_end0:
.L_simem_size_0:
called_computation_lowered:
.L_overlay_start_0:
0x88: {  	s2 =	sld [smem:$0x3FD9]  }
0x89: {  	s3 =	sld [smem:$0x3FFE];
	_ =	sdelay $0x1  }
0x8a: {  	s1 =	srdreg.scid  }
0x8b: {  	s0 =	sand.u32 $0x1, s1  }
0x8c: {  	s16 =	sshll.u32 s0, $0xA;
	s2 =	sadd.s32 s3, s2  }
0x8d: {  	s2 =	sadd.s32 s2, s16  }
0x8e: {  	[smem:$0x3FB4] =	sst s2  }
0x8f: {  	_ = 	snop  }
0x90: {  	(tm) =	ssettm $0x1  }
0x91: {  	s17 =	sld [smem:$0x3FFB];
	_ =	sdelay $0x3  }
0x92: {  	_ =	strace s17  }
0x93: {  	s2 =	sld [smem:$0x3FFC];
	_ =	sdelay $0x3  }
0x94: {  	_ =	strace s2  }
0x95: {  	s2 =	sld [smem:$0x3FFD];
	_ =	sdelay $0x3  }
0x96: {  	_ =	strace s2  }
0x97: {  	_ =	strace $0x8FFFFFFF  }
0x98: {  	s18 =	sld [smem:$0x3FDB];
	_ =	sdelay $0x1  }
0x99: {  	s19 =	simm.s32 $_scs_section_size  }
0x9a: {  	s4 =	simm.s32 $_size__tile_overlayer_lowered;
	s5 =	simm.s32 $_tile_overlayer_lowered  }
0x9b: {  	s22 =	simm.s32 $0x1BFF;
	s21 =	sshll.u32 s5, $0x1;
	s2 =	sadd.s32 s19, s18  }
0x9c: {  	s6 =	simm.s32 $0x0;
	s20 =	sshll.u32 s4, $0x1;
	s4 =	sadd.s32 s21, s2  }
0x9d: {  	[timem:s6], [sflag:s22] =	dma.local [hbm:s4], s20  }
0x9e: {  	_ =	swait.ge [sflag:s22], s20  }
0x9f: {  	s3 =	ssub.s32 $0x0, s20;
	[sflag:s22] =	ssyncset.done $0x0  }
0xa0: {  	[sflag:s22] =	ssyncadd.s32 s3;
	_ =	sdelay $0x1  }
0xa1: {  	s23 =	simm.s32 $0x1B8B  }
0xa2: {  	_ =	swait.ge [sflag:s23], $0x1  }
0xa3: {  	[sflag:s23] =	ssyncset.done $0x0  }
0xa4: {  	s25 =	simm.s32 $0x1B8E;
	s24 =	sld [smem:$0x3FFE];
	[sflag:s23] =	ssyncadd.s32 $0xFFFFFFFF  }
0xa5: {  	s26 =	simm.s32 $execute0_lowered;
	[smem:$0x3FD2] =	sst s25  }
0xa6: {  	s4 =	sshll.u32 s26, $0x1;
	_ =	strace $0x80000049;
	[dreg:$0x1] =	wrdreg $0xFFFFFFFF  }
0xa7: {  	s28 =	simm.s32 $_size_execute0_lowered;
	s2 =	sadd.s32 s2, s4;
	[dreg:$0x0] =	wrdreg $0x0  }
0xa8: {  	s4 =	sshll.u32 s28, $0x1;
	[dreg:$0x2] =	wrdreg s2  }
0xa9: {  	[dreg:$0x3] =	wrdreg s4  }
0xaa: {  	[dreg:$0x4] =	wrdreg $0xC0  }
0xab: {  	_ =	task [dreg:s6], $0x5FFFF  }
0xac: {  	[dreg:$0x1] =	wrdreg $0xFFFFFFFF  }
0xad: {  	[dreg:$0x0] =	wrdreg $0x60  }
0xae: {  	[dreg:$0x2] =	wrdreg s24  }
0xaf: {  	[dreg:$0x3] =	wrdreg $0x9  }
0xb0: {  	_ =	task.clear_ibuf [dreg:s6], $0x4FFFF;
	_ =	strace $0x90000049  }
0xb1: {  	s29 =	simm.s32 $0x9;
	_ =	strace $0x8000004B  }
0xb2: {  	_ =	swait.ge [sflag:s29], $0x1  }
0xb3: {  	[sflag:s29] =	ssyncadd.s32 $0xFFFFFFFF  }
0xb4: {  	_ =	strace $0x9000004B  }
0xb5: {  	_ =	sfence  }
0xb6: {  	s30 =	sld [smem:$0x0];
	_ =	sdelay $0x2  }
0xb7: {  	s31 =	sshll.u32 s1, $0xD;
	s1 =	sshrl.u32 s1, $0x2  }
0xb8: {  	s3 =	sand.u32 $0x4000, s31;
	s1 =	sadd.s32 s1, s30  }
0xb9: {  	s0 =	sor.u32 s3, s0;
	s1 =	sshll.u32 s1, $0x11  }
0xba: {  	s0 =	sor.u32 s1, s0  }
0xbb: {  	s0 =	sadd.s32 $0x8F2B, s0  }
0xbc: {  	[sflag:s0] =	ssyncadd.remote.s32 $0x1  }
0xbd: {  	_ =	sfence.sel $0xFFFF  }
0xbe: {  	[dreg:$0x0] =	wrdreg $0xFFFFFFFF;
	(pc) =	sbr.abs _section_cstart, $3  }
0xbf: {  	[dreg:$0x1] =	wrdreg $0xFFFFFFFF  }
0xc0: {  	_ =	task.clear_ibuf [dreg:s6], $0x2FFFF;
	_ =	strace $0x9FFFFFFF  }
0xc1: {  	(tm) =	ssettm $0x7FFFFFFF  }
tec
execute0_lowered:
.L_overlay_start_1:
0x0: {  	(tag) =	ssettag $0x1  }
0x1: {  	v0 =	vimm.s32 $0x81800100;
	v1 =	vimm.s32 $0x781  }
0x2: {  	vm14 =	vcmask $0x300;
	vm13 =	vcmask $0x704;
	vm12 =	vcmask $0xB08  }
0x3: {  	vm0 =	vcmask $0xF00;
	vm11 =	vcmask $0xF0C;
	vm10 =	vcmask $0x1310  }
0x4: {  	vm9 =	vcmask $0x1714;
	vm8 =	vcmask $0x1B18;
	vm7 =	vcmask $0x1F1C  }
0x5: {  	vm6 =	vcmask $0x2320;
	vm5 =	vcmask $0x2724;
	vm4 =	vcmask $0x2B28  }
0x6: {  	vm3 =	vcmask $0x2F2C;
	vm2 =	vcmask $0x3330;
	vm1 =	vcmask $0x3734  }
0x7: {  	vm15 =	vcmask $0x3B38;
	v2 =	vimm.s32 $0xB81;
	v3 =	vimm.s32 $0xF81  }
0x8: {  	v4 =	vimm.s32 $0x1381;
	v0 =	vunpack.c.0.s8.s32 v0;
	v1 =	vsel vm14, $0x400, v1  }
0x9: {  	v2 =	vsel vm14, $0x800, v2;
	v3 =	vsel vm14, $0xC00, v3;
	v4 =	vsel vm14, $0x1000, v4  }
0xa: {  	v1 =	vsel vm13, $0x401, v1;
	v2 =	vsel vm13, $0x801, v2;
	v3 =	vsel vm13, $0xC01, v3  }
0xb: {  	v4 =	vsel vm13, $0x1001, v4;
	v0 =	vand.u32 $0xFF, v0;
	v1 =	vsel vm12, $0x480, v1  }
0xc: {  	v2 =	vsel vm12, $0x880, v2;
	v3 =	vsel vm12, $0xC80, v3;
	v4 =	vsel vm12, $0x1080, v4  }
0xd: {  	v0 =	vnsel vm0, $0x381, v0;
	v1 =	vsel vm11, $0x481, v1;
	v2 =	vsel vm11, $0x881, v2  }
0xe: {  	v3 =	vsel vm11, $0xC81, v3;
	v4 =	vsel vm11, $0x1081, v4;
	v0 =	vsel vm10, $0x100, v0  }
0xf: {  	v1 =	vsel vm10, $0x500, v1;
	v2 =	vsel vm10, $0x900, v2;
	v3 =	vsel vm10, $0xD00, v3  }
0x10: {  	v4 =	vsel vm10, $0x1100, v4;
	v0 =	vsel vm9, $0x101, v0;
	v1 =	vsel vm9, $0x501, v1  }
0x11: {  	v2 =	vsel vm9, $0x901, v2;
	v3 =	vsel vm9, $0xD01, v3;
	v4 =	vsel vm9, $0x1101, v4  }
0x12: {  	v0 =	vsel vm8, $0x180, v0;
	v1 =	vsel vm8, $0x580, v1;
	v2 =	vsel vm8, $0x980, v2  }
0x13: {  	v3 =	vsel vm8, $0xD80, v3;
	v4 =	vsel vm8, $0x1180, v4;
	v0 =	vsel vm7, $0x181, v0  }
0x14: {  	v1 =	vsel vm7, $0x581, v1;
	v2 =	vsel vm7, $0x981, v2;
	v3 =	vsel vm7, $0xD81, v3  }
0x15: {  	s0 =	srdreg.scid;
	v4 =	vsel vm7, $0x1181, v4;
	v0 =	vsel vm6, $0x200, v0;
	v1 =	vsel vm6, $0x600, v1  }
0x16: {  	s3 =	sand.u32 $0x1, s0;
	v2 =	vsel vm6, $0xA00, v2;
	v3 =	vsel vm6, $0xE00, v3;
	v4 =	vsel vm6, $0x1200, v4  }
0x17: {  	s4 =	rddreg [dreg:$0x0];
	s0 =	stileid.u32;
	s5 =	sshll.u32 s3, $0x4;
	v0 =	vsel vm5, $0x201, v0;
	v1 =	vsel vm5, $0x601, v1;
	v2 =	vsel vm5, $0xA01, v2  }
0x18: {  	s1 =	rddreg [dreg:$0x1];
	s2 =	simm.s32 $0x0;
	s5 =	sor.u32 s0, s5;
	v3 =	vsel vm5, $0xE01, v3;
	v4 =	vsel vm5, $0x1201, v4;
	v0 =	vsel vm4, $0x280, v0  }
0x19: {  	s13 =	simm.s32 $0x1;
	s29 =	ssub.s32 $0x2, s3;
	s6 =	smul.u32 $0x50, s5;
	v1 =	vsel vm4, $0x680, v1;
	v2 =	vsel vm4, $0xA80, v2;
	v3 =	vsel vm4, $0xE80, v3  }
0x1a: {  	s14 =	simm.s32 $0x1400;
	s31 =	sshrl.u32 s29, $0x1;
	s7 =	smul.u32 $0xA000, s5;
	v4 =	vsel vm4, $0x1280, v4;
	v0 =	vsel vm3, $0x281, v0;
	v1 =	vsel vm3, $0x681, v1  }
0x1b: {  	[smem:$0x7FF] =	sst s2;
	s5 =	smul.u32 $0x1400, s5;
	s12 =	ssub.s32 s29, s31;
	v2 =	vsel vm3, $0xA81, v2;
	v3 =	vsel vm3, $0xE81, v3;
	v4 =	vsel vm3, $0x1281, v4  }
0x1c: {  	s8 =	sadd.s32 $0xA9000, s4;
	_ =	strace $0x8000004A;
	s12 =	smax.u32 s12, $0x1;
	v0 =	vsel vm2, $0x300, v0;
	v1 =	vsel vm2, $0x700, v1;
	v2 =	vsel vm2, $0xB00, v2  }
0x1d: {  	s11 =	sadd.s32 s6, s4;
	s30 =	sshrl.u32 s7, $0x3;
	s3 =	sadd.s32 s8, s5;
	v3 =	vsel vm2, $0xF00, v3;
	v4 =	vsel vm2, $0x1300, v4;
	v0 =	vsel vm1, $0x301, v0  }
0x1e: {  	s10 =	sadd.s32 s8, s30;
	s4 =	sadd.s32 $0x280, s3;
	s11 =	sadd.s32 $0x3E00, s11;
	v1 =	vsel vm1, $0x701, v1;
	v2 =	vsel vm1, $0xB01, v2;
	v3 =	vsel vm1, $0xF01, v3  }
0x1f: {  	s5 =	sadd.s32 $0x500, s10;
	s6 =	sadd.s32 $0x780, s10;
	s7 =	sadd.s32 $0xA00, s10;
	v4 =	vsel vm1, $0x1301, v4;
	v0 =	vsel vm15, $0x380, v0;
	v1 =	vsel vm15, $0x780, v1  }
0x20: {  	s8 =	sadd.s32 $0xC80, s10;
	s9 =	sadd.s32 $0xF00, s10;
	s10 =	sadd.s32 $0x1180, s10;
	v2 =	vsel vm15, $0xB80, v2;
	v3 =	vsel vm15, $0xF80, v3;
	v4 =	vsel vm15, $0x1380, v4  }
.LBB2_1:
0x21: {  	[tilespmem:s2], [sflag:$0x1] =	stream.linear.gather [hbm4b:s3+s2], $0x1400, $0x38;
	[tilespmem:$0x1680] =	vst v63  }
0x22: {  	_ =	swait.ge [sflag:s13], $0x1400  }
0x23: {  	[sflag:s13] =	ssyncset.done $0x0  }
0x24: {  	[sflag:s13] =	ssyncadd.s32 $0xFFFFEC00  }
0x25: {  	v5 =	vld.idx.msk [tilespmem:v0+s2+$0x0], $0xffff;
	_ =	sdelay $0x4  }
0x26: {  	[tilespmem:$0x1400] =	vst v5  }
0x27: {  	v5 =	vld.idx.msk [tilespmem:v1+s2+$0x0], $0xffff;
	_ =	sdelay $0x4  }
0x28: {  	[tilespmem:$0x1410] =	vst v5  }
0x29: {  	v5 =	vld.idx.msk [tilespmem:v2+s2+$0x0], $0xffff;
	_ =	sdelay $0x4  }
0x2a: {  	[tilespmem:$0x1420] =	vst v5  }
0x2b: {  	v5 =	vld.idx.msk [tilespmem:v3+s2+$0x0], $0xffff;
	_ =	sdelay $0x4  }
0x2c: {  	[tilespmem:$0x1430] =	vst v5  }
0x2d: {  	v5 =	vld.idx.msk [tilespmem:v4+s2+$0x0], $0xffff;
	_ =	sdelay $0x4  }
0x2e: {  	[tilespmem:$0x1440] =	vst v5  }
0x2f: {  	[tilespmem:s2], [sflag:$0x1] =	stream.linear.gather [hbm4b:s4+s2], $0x1400, $0x38;
	[tilespmem:$0x1680] =	vst v63  }
0x30: {  	_ =	swait.ge [sflag:s13], $0x1400  }
0x31: {  	[sflag:s13] =	ssyncset.done $0x0  }
0x32: {  	[sflag:s13] =	ssyncadd.s32 $0xFFFFEC00  }
0x33: {  	v5 =	vld.idx.msk [tilespmem:v0+s2+$0x0], $0xffff;
	_ =	sdelay $0x4  }
0x34: {  	[tilespmem:$0x1450] =	vst v5  }
0x35: {  	v5 =	vld.idx.msk [tilespmem:v1+s2+$0x0], $0xffff;
	_ =	sdelay $0x4  }
0x36: {  	[tilespmem:$0x1460] =	vst v5  }
0x37: {  	v5 =	vld.idx.msk [tilespmem:v2+s2+$0x0], $0xffff;
	_ =	sdelay $0x4  }
0x38: {  	[tilespmem:$0x1470] =	vst v5  }
0x39: {  	v5 =	vld.idx.msk [tilespmem:v3+s2+$0x0], $0xffff;
	_ =	sdelay $0x4  }
0x3a: {  	[tilespmem:$0x1480] =	vst v5  }
0x3b: {  	v5 =	vld.idx.msk [tilespmem:v4+s2+$0x0], $0xffff;
	_ =	sdelay $0x4  }
0x3c: {  	[tilespmem:$0x1490] =	vst v5  }
0x3d: {  	[tilespmem:s2], [sflag:$0x1] =	stream.linear.gather [hbm4b:s5+s2], $0x1400, $0x38;
	[tilespmem:$0x1680] =	vst v63  }
0x3e: {  	_ =	swait.ge [sflag:s13], $0x1400  }
0x3f: {  	[sflag:s13] =	ssyncset.done $0x0  }
0x40: {  	[sflag:s13] =	ssyncadd.s32 $0xFFFFEC00  }
0x41: {  	v5 =	vld.idx.msk [tilespmem:v0+s2+$0x0], $0xffff;
	_ =	sdelay $0x4  }
0x42: {  	[tilespmem:$0x14A0] =	vst v5  }
0x43: {  	v5 =	vld.idx.msk [tilespmem:v1+s2+$0x0], $0xffff;
	_ =	sdelay $0x4  }
0x44: {  	[tilespmem:$0x14B0] =	vst v5  }
0x45: {  	v5 =	vld.idx.msk [tilespmem:v2+s2+$0x0], $0xffff;
	_ =	sdelay $0x4  }
0x46: {  	[tilespmem:$0x14C0] =	vst v5  }
0x47: {  	v5 =	vld.idx.msk [tilespmem:v3+s2+$0x0], $0xffff;
	_ =	sdelay $0x4  }
0x48: {  	[tilespmem:$0x14D0] =	vst v5  }
0x49: {  	v5 =	vld.idx.msk [tilespmem:v4+s2+$0x0], $0xffff;
	_ =	sdelay $0x4  }
0x4a: {  	[tilespmem:$0x14E0] =	vst v5  }
0x4b: {  	[tilespmem:s2], [sflag:$0x1] =	stream.linear.gather [hbm4b:s6+s2], $0x1400, $0x38;
	[tilespmem:$0x1680] =	vst v63  }
0x4c: {  	_ =	swait.ge [sflag:s13], $0x1400  }
0x4d: {  	[sflag:s13] =	ssyncset.done $0x0  }
0x4e: {  	[sflag:s13] =	ssyncadd.s32 $0xFFFFEC00  }
0x4f: {  	v5 =	vld.idx.msk [tilespmem:v0+s2+$0x0], $0xffff;
	_ =	sdelay $0x4  }
0x50: {  	[tilespmem:$0x14F0] =	vst v5  }
0x51: {  	v5 =	vld.idx.msk [tilespmem:v1+s2+$0x0], $0xffff;
	_ =	sdelay $0x4  }
0x52: {  	[tilespmem:$0x1500] =	vst v5  }
0x53: {  	v5 =	vld.idx.msk [tilespmem:v2+s2+$0x0], $0xffff;
	_ =	sdelay $0x4  }
0x54: {  	[tilespmem:$0x1510] =	vst v5  }
0x55: {  	v5 =	vld.idx.msk [tilespmem:v3+s2+$0x0], $0xffff;
	_ =	sdelay $0x4  }
0x56: {  	[tilespmem:$0x1520] =	vst v5  }
0x57: {  	v5 =	vld.idx.msk [tilespmem:v4+s2+$0x0], $0xffff;
	_ =	sdelay $0x4  }
0x58: {  	[tilespmem:$0x1530] =	vst v5  }
0x59: {  	[tilespmem:s2], [sflag:$0x1] =	stream.linear.gather [hbm4b:s7+s2], $0x1400, $0x38;
	[tilespmem:$0x1680] =	vst v63  }
0x5a: {  	_ =	swait.ge [sflag:s13], $0x1400  }
0x5b: {  	[sflag:s13] =	ssyncset.done $0x0  }
0x5c: {  	[sflag:s13] =	ssyncadd.s32 $0xFFFFEC00  }
0x5d: {  	v5 =	vld.idx.msk [tilespmem:v0+s2+$0x0], $0xffff;
	_ =	sdelay $0x4  }
0x5e: {  	[tilespmem:$0x1540] =	vst v5  }
0x5f: {  	v5 =	vld.idx.msk [tilespmem:v1+s2+$0x0], $0xffff;
	_ =	sdelay $0x4  }
0x60: {  	[tilespmem:$0x1550] =	vst v5  }
0x61: {  	v5 =	vld.idx.msk [tilespmem:v2+s2+$0x0], $0xffff;
	_ =	sdelay $0x4  }
0x62: {  	[tilespmem:$0x1560] =	vst v5  }
0x63: {  	v5 =	vld.idx.msk [tilespmem:v3+s2+$0x0], $0xffff;
	_ =	sdelay $0x4  }
0x64: {  	[tilespmem:$0x1570] =	vst v5  }
0x65: {  	v5 =	vld.idx.msk [tilespmem:v4+s2+$0x0], $0xffff;
	_ =	sdelay $0x4  }
0x66: {  	[tilespmem:$0x1580] =	vst v5  }
0x67: {  	[tilespmem:s2], [sflag:$0x1] =	stream.linear.gather [hbm4b:s8+s2], $0x1400, $0x38;
	[tilespmem:$0x1680] =	vst v63  }
0x68: {  	_ =	swait.ge [sflag:s13], $0x1400  }
0x69: {  	[sflag:s13] =	ssyncset.done $0x0  }
0x6a: {  	[sflag:s13] =	ssyncadd.s32 $0xFFFFEC00  }
0x6b: {  	v5 =	vld.idx.msk [tilespmem:v0+s2+$0x0], $0xffff;
	_ =	sdelay $0x4  }
0x6c: {  	[tilespmem:$0x1590] =	vst v5  }
0x6d: {  	v5 =	vld.idx.msk [tilespmem:v1+s2+$0x0], $0xffff;
	_ =	sdelay $0x4  }
0x6e: {  	[tilespmem:$0x15A0] =	vst v5  }
0x6f: {  	v5 =	vld.idx.msk [tilespmem:v2+s2+$0x0], $0xffff;
	_ =	sdelay $0x4  }
0x70: {  	[tilespmem:$0x15B0] =	vst v5  }
0x71: {  	v5 =	vld.idx.msk [tilespmem:v3+s2+$0x0], $0xffff;
	_ =	sdelay $0x4  }
0x72: {  	[tilespmem:$0x15C0] =	vst v5  }
0x73: {  	v5 =	vld.idx.msk [tilespmem:v4+s2+$0x0], $0xffff;
	_ =	sdelay $0x4  }
0x74: {  	[tilespmem:$0x15D0] =	vst v5  }
0x75: {  	[tilespmem:s2], [sflag:$0x1] =	stream.linear.gather [hbm4b:s9+s2], $0x1400, $0x38;
	[tilespmem:$0x1680] =	vst v63  }
0x76: {  	_ =	swait.ge [sflag:s13], $0x1400  }
0x77: {  	[sflag:s13] =	ssyncset.done $0x0  }
0x78: {  	[sflag:s13] =	ssyncadd.s32 $0xFFFFEC00  }
0x79: {  	v5 =	vld.idx.msk [tilespmem:v0+s2+$0x0], $0xffff;
	_ =	sdelay $0x4  }
0x7a: {  	[tilespmem:$0x15E0] =	vst v5  }
0x7b: {  	v5 =	vld.idx.msk [tilespmem:v1+s2+$0x0], $0xffff;
	_ =	sdelay $0x4  }
0x7c: {  	[tilespmem:$0x15F0] =	vst v5  }
0x7d: {  	v5 =	vld.idx.msk [tilespmem:v2+s2+$0x0], $0xffff;
	_ =	sdelay $0x4  }
0x7e: {  	[tilespmem:$0x1600] =	vst v5  }
0x7f: {  	v5 =	vld.idx.msk [tilespmem:v3+s2+$0x0], $0xffff;
	_ =	sdelay $0x4  }
0x80: {  	[tilespmem:$0x1610] =	vst v5  }
0x81: {  	v5 =	vld.idx.msk [tilespmem:v4+s2+$0x0], $0xffff;
	_ =	sdelay $0x4  }
0x82: {  	[tilespmem:$0x1620] =	vst v5  }
0x83: {  	[tilespmem:s2], [sflag:$0x1] =	stream.linear.gather [hbm4b:s10+s2], $0x1400, $0x38;
	[tilespmem:$0x1680] =	vst v63  }
0x84: {  	_ =	swait.ge [sflag:s13], $0x1400  }
0x85: {  	[sflag:s13] =	ssyncset.done $0x0  }
0x86: {  	[sflag:s13] =	ssyncadd.s32 $0xFFFFEC00  }
0x87: {  	v5 =	vld.idx.msk [tilespmem:v0+s2+$0x0], $0xffff;
	_ =	sdelay $0x4  }
0x88: {  	[tilespmem:$0x1630] =	vst v5  }
0x89: {  	v5 =	vld.idx.msk [tilespmem:v1+s2+$0x0], $0xffff;
	_ =	sdelay $0x4  }
0x8a: {  	[tilespmem:$0x1640] =	vst v5  }
0x8b: {  	v5 =	vld.idx.msk [tilespmem:v2+s2+$0x0], $0xffff;
	_ =	sdelay $0x4  }
0x8c: {  	[tilespmem:$0x1650] =	vst v5  }
0x8d: {  	v5 =	vld.idx.msk [tilespmem:v3+s2+$0x0], $0xffff;
	_ =	sdelay $0x4  }
0x8e: {  	[tilespmem:$0x1660] =	vst v5  }
0x8f: {  	v5 =	vld.idx.msk [tilespmem:v4+s2+$0x0], $0xffff;
	_ =	sdelay $0x3  }
0x90: {  	p0 =	sne.s32 s12, $0x1  }
.Ltmp0:
0x91: {  	[tilespmem:$0x1670] =	vst v5;
	(pc) =	sbr.rel @p0 .LBB2_1-.Ltmp0, $4  }
0x92: {  	[hbm4b:s11+s2] =	stream.linear.scatter [tilespmem:s14], [sflag:$0x1], $0x280, $0x38;
	[tilespmem:$0x1680] =	vst v63  }
0x93: {  	_ =	swait.ge [sflag:s13], $0x280  }
0x94: {  	[sflag:s13] =	ssyncset.done $0x0  }
0x95: {  	s12 =	sadd.s32 $0xFFFFFFFF, s12;
	[sflag:s13] =	ssyncadd.s32 $0xFFFFFD80  }
0x96: {  	_ =	sfence.sel $0x180000  }
0x97: {  	[bflag:$0x0] =	sbarrier.arrive $0xFFFF  }
0x98: {  	p0 =	sne.s32 s0, $0x0;
	_ =	strace $0x9000004A  }
0x99: {  	s0 =	sadd.s32 @!p0 $0x100000, s1;
	[bflag:$0x2] =	sbarrier.arrive $0xFFFF  }
0x9a: {  	[sflag:s0] =	ssyncadd.tile.s32 @!p0 $0x1;
	_ =	shalt  }
.Lfunc_end2:
_tile_overlayer_lowered:
.L_overlay_start_2:
0x9b: {  	(tag) =	ssettag $0x2  }
0x9c: {  	s0 =	rddreg [dreg:$0x0];
	s2 =	stileid.u32  }
0x9d: {  	s1 =	rddreg [dreg:$0x1];
	p0 =	sne.s32 s2, $0x0  }
0x9e: {  	s3 =	rddreg [dreg:$0x2];
	[bflag:$0x3] =	sbarrier.arrive $0xFFFF;
	s2 =	simm.s32 @!p0 $0x1C01  }
0x9f: {  	[timem:s3], [sflag:s2] =	dma.local @!p0 [hbm:s0], s1  }
0xa0: {  	s0 =	simm.s32 @!p0 $0x1  }
0xa1: {  	_ =	swait.ge @!p0 [sflag:s0], s1  }
0xa2: {  	s1 =	ssub.s32 @!p0 $0x0, s1;
	[sflag:s0] =	ssyncset.done @!p0 $0x0  }
0xa3: {  	[sflag:s0] =	ssyncadd.s32 @!p0 s1  }
0xa4: {  	[bflag:$0x3] =	sbarrier.arrive $0xFFFF  }
0xa5: {  	_ =	shalt  }

// kernel: closed_call.24.cloned.1.call-start
scs
__scs_entry_jumppad:
0x0: {  	(pc) =	sbr.rel $0x88, $3  }
0x1: {  	(tag) =	ssettag $0x0;
	lr =	simm.s32 $0x1  }
0x2: {  	[smem:$0x3F8D] =	sst lr;
	_ =	strace $0xD0000000  }
0x3: {  	_ = 	snop  }
0x4: {  	_ = 	snop  }
0x5: {  	_ = 	snop  }
0x6: {  	_ = 	snop  }
0x7: {  	_ = 	snop  }
__scs_overlays_trampoline_lowered:
0x8: {  	[smem:$0x3F9C] =	sst s0  }
0x9: {  	[smem:$0x3F9D] =	sst s1  }
0xa: {  	[smem:$0x3F9E] =	sst s2  }
0xb: {  	[smem:$0x3F9F] =	sst s3  }
0xc: {  	[smem:$0x3FA0] =	sst s4  }
0xd: {  	[smem:$0x3FA1] =	sst s5  }
0xe: {  	[smem:$0x3FA2] =	sst s6  }
0xf: {  	[smem:$0x3FA3] =	sst s7  }
0x10: {  	[smem:$0x3FA4] =	sst s8  }
0x11: {  	[smem:$0x3FA5] =	sst s9;
	s0 =	simm.s32 @!p0 $0x0  }
0x12: {  	s1 =	sld [smem:$0x3F8B];
	s0 =	simm.s32 @p0 $0x1  }
0x13: {  	[smem:$0x3FA6] =	sst s0;
	s0 =	simm.s32 @!p1 $0x0  }
0x14: {  	s2 =	sld [smem:$0x3F8A];
	s0 =	simm.s32 @p1 $0x1  }
0x15: {  	[smem:$0x3FA7] =	sst s0;
	s0 =	simm.s32 @!p2 $0x0  }
0x16: {  	s3 =	sld [smem:$0x3FDB];
	s0 =	simm.s32 @p2 $0x1  }
0x17: {  	s4 =	simm.s32 $0x1BF5;
	[smem:$0x3FA9] =	sst s0  }
0x18: {  	s0 =	sld [smem:$0x3F8C];
	_ =	swait.ge [sflag:s4], $0x0  }
0x19: {  	s7 =	sld [smem:$0x3F8D]  }
0x1a: {  	s8 =	sadd.s32 $0xFFFFE003, lr  }
0x1b: {  	s9 =	sadd.s32 $0xFFFFFEF7, lr;
	s5 =	simm.s32 $0xFFFFFFFF;
	p2 =	slt.u32 s8, $0xFFFFF086  }
0x1c: {  	p1 =	slt.u32 s9, $0xF7A;
	s5 =	simm.s32 @!p2 $0x0  }
0x1d: {  	s5 =	simm.s32 @p1 $0x1;
	p0 =	seq.s32 s7, s2  }
0x1e: {  	s7 =	smul.u32 @!p0 $0xF7A, s2;
	p2 =	seq.s32 @!p0 s5, $0x0  }
0x1f: {  	s9 =	smul.u32 $0xF7A, s1;
	s8 =	simm.s32 @!p0 $0x1BF5;
	p2 =	por !p2, p0  }
0x20: {  	[sflag:s8] =	ssyncset.s32 @!p0 $0xFFFFF086;
	s6 =	sadd.s32 @!p0 s3, s7;
	s7 =	simm.s32 @!p0 $0x108  }
0x21: {  	s3 =	sadd.s32 s3, s9;
	s6 =	sadd.s32 @!p0 $0x88, s6;
	s7 =	simm.s32 @p2 $0x1082  }
0x22: {  	[simem:s7], [sflag:s8] =	dma.local @!p0 [hbm:s6], $0xF7A  }
0x23: {  	s9 =	sor.u32 $0xD0000000, s2;
	s6 =	simm.s32 $0x108;
	_ =	swait.ge @!p0 [sflag:s8], $0x0  }
0x24: {  	s3 =	sadd.s32 $0x88, s3;
	s6 =	simm.s32 @!p1 $0x1082;
	[sflag:s4] =	ssyncset.s32 $0xFFFFF086  }
0x25: {  	[simem:s6], [sflag:s4] =	dma.local [hbm:s3], $0xF7A  }
0x26: {  	[smem:$0x3F8D] =	sst s1;
	(tag) =	ssettag s2;
	_ =	strace s9  }
0x27: {  	s1 =	sld [smem:$0x3F9D]  }
0x28: {  	s2 =	sld [smem:$0x3F9E]  }
0x29: {  	s4 =	sld [smem:$0x3FA0]  }
0x2a: {  	p0 =	seq.s32 s5, $0x0;
	s5 =	sld [smem:$0x3FA1]  }
0x2b: {  	s6 =	sld [smem:$0x3FA2]  }
0x2c: {  	s7 =	sld [smem:$0x3FA3]  }
0x2d: {  	s3 =	simm.s32 $0x108;
	s8 =	sld [smem:$0x3FA4]  }
0x2e: {  	s3 =	simm.s32 @!p0 $0x1082;
	s9 =	sld [smem:$0x3FA5]  }
0x2f: {  	lr =	sadd.s32 s0, s3;
	s0 =	sld [smem:$0x3F9C]  }
0x30: {  	s3 =	sld [smem:$0x3F9F]  }
0x31: {  	[smem:$0x3FA8] =	sst s10  }
0x32: {  	s10 =	sld [smem:$0x3FA6];
	_ =	sdelay $0x3  }
0x33: {  	p0 =	seq.s32 s10, $0x1;
	s10 =	sld [smem:$0x3FA8];
	_ =	sdelay $0x3  }
0x34: {  	[smem:$0x3FA8] =	sst s10  }
0x35: {  	s10 =	sld [smem:$0x3FA7];
	_ =	sdelay $0x3  }
0x36: {  	p1 =	seq.s32 s10, $0x1;
	s10 =	sld [smem:$0x3FA8];
	_ =	sdelay $0x3  }
0x37: {  	[smem:$0x3FA8] =	sst s10  }
0x38: {  	s10 =	sld [smem:$0x3FA9]  }
0x39: {  	_ = 	snop;
	(pc) =	sbr.ind lr, $3  }
0x3a: {  	_ = 	snop  }
0x3b: {  	_ = 	snop  }
0x3c: {  	p2 =	seq.s32 s10, $0x1;
	s10 =	sld [smem:$0x3FA8]  }
0x3d: {  	_ =	shalt  }
0x3e: {  	_ =	shalt  }
0x3f: {  	_ =	shalt  }
0x40: {  	_ =	shalt  }
0x41: {  	_ =	shalt  }
0x42: {  	_ =	shalt  }
0x43: {  	_ =	shalt  }
0x44: {  	_ =	shalt  }
0x45: {  	_ =	shalt  }
0x46: {  	_ =	shalt  }
0x47: {  	_ =	shalt  }
0x48: {  	_ =	shalt  }
0x49: {  	_ =	shalt  }
0x4a: {  	_ =	shalt  }
0x4b: {  	_ =	shalt  }
0x4c: {  	_ =	shalt  }
0x4d: {  	_ =	shalt  }
0x4e: {  	_ =	shalt  }
0x4f: {  	_ =	shalt  }
0x50: {  	_ =	shalt  }
0x51: {  	_ =	shalt  }
0x52: {  	_ =	shalt  }
0x53: {  	_ =	shalt  }
0x54: {  	_ =	shalt  }
0x55: {  	_ =	shalt  }
0x56: {  	_ =	shalt  }
0x57: {  	_ =	shalt  }
0x58: {  	_ =	shalt  }
0x59: {  	_ =	shalt  }
0x5a: {  	_ =	shalt  }
0x5b: {  	_ =	shalt  }
0x5c: {  	_ =	shalt  }
0x5d: {  	_ =	shalt  }
0x5e: {  	_ =	shalt  }
0x5f: {  	_ =	shalt  }
0x60: {  	_ =	shalt  }
0x61: {  	_ =	shalt  }
0x62: {  	_ =	shalt  }
0x63: {  	_ =	shalt  }
0x64: {  	_ =	shalt  }
0x65: {  	_ =	shalt  }
0x66: {  	_ =	shalt  }
0x67: {  	_ =	shalt  }
0x68: {  	_ =	shalt  }
0x69: {  	_ =	shalt  }
0x6a: {  	_ =	shalt  }
0x6b: {  	_ =	shalt  }
0x6c: {  	_ =	shalt  }
0x6d: {  	_ =	shalt  }
0x6e: {  	_ =	shalt  }
0x6f: {  	_ =	shalt  }
0x70: {  	_ =	shalt  }
0x71: {  	_ =	shalt  }
0x72: {  	_ =	shalt  }
0x73: {  	_ =	shalt  }
0x74: {  	_ =	shalt  }
0x75: {  	_ =	shalt  }
0x76: {  	_ =	shalt  }
0x77: {  	_ =	shalt  }
0x78: {  	_ =	shalt  }
0x79: {  	_ =	shalt  }
0x7a: {  	_ =	shalt  }
0x7b: {  	_ =	shalt  }
0x7c: {  	_ =	shalt  }
0x7d: {  	_ =	shalt  }
0x7e: {  	_ =	shalt  }
0x7f: {  	_ =	shalt  }
0x80: {  	_ =	shalt  }
0x81: {  	_ =	shalt  }
0x82: {  	_ =	shalt  }
0x83: {  	_ =	shalt  }
0x84: {  	_ =	shalt  }
0x85: {  	_ =	shalt  }
0x86: {  	_ =	shalt  }
0x87: {  	_ =	shalt  }
.Lfunc_end0:
.L_simem_size_0:
called_computation.1_lowered:
.L_overlay_start_0:
0x88: {  	s2 =	sld [smem:$0x3FD9]  }
0x89: {  	s3 =	sld [smem:$0x3FFE];
	_ =	sdelay $0x1  }
0x8a: {  	s1 =	srdreg.scid  }
0x8b: {  	s0 =	sand.u32 $0x1, s1  }
0x8c: {  	s17 =	sshll.u32 s0, $0xA;
	s2 =	sadd.s32 s3, s2  }
0x8d: {  	s2 =	sadd.s32 s2, s17  }
0x8e: {  	[smem:$0x3FB4] =	sst s2  }
0x8f: {  	_ = 	snop  }
0x90: {  	s2 =	sld [smem:$0x3FD0];
	(tm) =	ssettm $0x1  }
0x91: {  	s18 =	sld [smem:$0x3FFB];
	_ =	sdelay $0x3  }
0x92: {  	_ =	strace s18  }
0x93: {  	s3 =	sld [smem:$0x3FFC];
	_ =	sdelay $0x3  }
0x94: {  	_ =	strace s3  }
0x95: {  	s3 =	sld [smem:$0x3FFD];
	_ =	sdelay $0x3  }
0x96: {  	_ =	strace s3  }
0x97: {  	_ =	strace $0x8FFFFFFF  }
0x98: {  	s19 =	sld [smem:$0x3FDB];
	_ =	sdelay $0x1  }
0x99: {  	s4 =	simm.s32 $_scs_section_size  }
0x9a: {  	s5 =	simm.s32 $_size__tile_overlayer_lowered;
	s6 =	simm.s32 $_tile_overlayer_lowered  }
0x9b: {  	s22 =	simm.s32 $0x1BFF;
	s21 =	sshll.u32 s6, $0x1;
	s3 =	sadd.s32 s4, s19  }
0x9c: {  	s7 =	simm.s32 $0x0;
	s20 =	sshll.u32 s5, $0x1;
	s5 =	sadd.s32 s21, s3  }
0x9d: {  	[timem:s7], [sflag:s22] =	dma.local [hbm:s5], s20  }
0x9e: {  	_ =	swait.ge [sflag:s22], s20  }
0x9f: {  	s4 =	ssub.s32 $0x0, s20;
	[sflag:s22] =	ssyncset.done $0x0  }
0xa0: {  	[sflag:s22] =	ssyncadd.s32 s4;
	_ =	sdelay $0x1  }
0xa1: {  	s23 =	simm.s32 $0x1B8B  }
0xa2: {  	_ =	swait.ge [sflag:s23], $0x1  }
0xa3: {  	[sflag:s23] =	ssyncset.done $0x0  }
0xa4: {  	s25 =	simm.s32 $0x1B8E;
	s24 =	sld [smem:$0x3FFE];
	[sflag:s23] =	ssyncadd.s32 $0xFFFFFFFF  }
0xa5: {  	s26 =	simm.s32 $execute0_lowered;
	[smem:$0x3FD2] =	sst s25  }
0xa6: {  	s5 =	sshll.u32 s26, $0x1;
	_ =	strace $0x8000004C;
	[dreg:$0x1] =	wrdreg $0xFFFFFFFF  }
0xa7: {  	s28 =	simm.s32 $_size_execute0_lowered;
	s3 =	sadd.s32 s3, s5;
	[dreg:$0x0] =	wrdreg $0x0  }
0xa8: {  	s5 =	sshll.u32 s28, $0x1;
	[dreg:$0x2] =	wrdreg s3  }
0xa9: {  	[dreg:$0x3] =	wrdreg s5  }
0xaa: {  	[dreg:$0x4] =	wrdreg $0xC0  }
0xab: {  	_ =	task [dreg:s7], $0x5FFFF  }
0xac: {  	[dreg:$0x1] =	wrdreg $0xFFFFFFFF  }
0xad: {  	[dreg:$0x0] =	wrdreg $0x60  }
0xae: {  	[dreg:$0x2] =	wrdreg s2  }
0xaf: {  	[dreg:$0x3] =	wrdreg s24  }
0xb0: {  	[dreg:$0x4] =	wrdreg $0x9  }
0xb1: {  	_ =	task.clear_ibuf [dreg:s7], $0x5FFFF;
	_ =	strace $0x9000004C  }
0xb2: {  	s29 =	simm.s32 $0x9;
	_ =	strace $0x8000004E  }
0xb3: {  	_ =	swait.ge [sflag:s29], $0x1  }
0xb4: {  	[sflag:s29] =	ssyncadd.s32 $0xFFFFFFFF  }
0xb5: {  	_ =	strace $0x9000004E  }
0xb6: {  	_ =	sfence  }
0xb7: {  	s30 =	sld [smem:$0x0];
	_ =	sdelay $0x2  }
0xb8: {  	s31 =	sshll.u32 s1, $0xD;
	s1 =	sshrl.u32 s1, $0x2  }
0xb9: {  	s3 =	sand.u32 $0x4000, s31;
	s1 =	sadd.s32 s1, s30  }
0xba: {  	s0 =	sor.u32 s3, s0;
	s1 =	sshll.u32 s1, $0x11  }
0xbb: {  	s0 =	sor.u32 s1, s0  }
0xbc: {  	s0 =	sadd.s32 $0x8F2B, s0  }
0xbd: {  	[sflag:s0] =	ssyncadd.remote.s32 $0x1  }
0xbe: {  	_ =	sfence.sel $0xFFFF  }
0xbf: {  	[dreg:$0x0] =	wrdreg $0xFFFFFFFF;
	(pc) =	sbr.abs _section_cstart, $3  }
0xc0: {  	[dreg:$0x1] =	wrdreg $0xFFFFFFFF  }
0xc1: {  	_ =	task.clear_ibuf [dreg:s7], $0x2FFFF;
	_ =	strace $0x9FFFFFFF  }
0xc2: {  	(tm) =	ssettm $0x7FFFFFFF  }
0xc3: {  	_ =	shalt  }
tec
execute0_lowered:
.L_overlay_start_1:
0x0: {  	(tag) =	ssettag $0x1  }
0x1: {  	s0 =	srdreg.scid  }
0x2: {  	s7 =	sand.u32 $0x1, s0  }
0x3: {  	s11 =	stileid.u32;
	s1 =	sshll.u32 s7, $0x4  }
0x4: {  	s2 =	sor.u32 s11, s1  }
0x5: {  	s5 =	smul.u32 $0x140, s2;
	_ =	sdelay $0x1  }
0x6: {  	v0 =	vlaneseq.u32;
	s12 =	sor.u32 $0x10, s5  }
0x7: {  	s13 =	sor.u32 $0x20, s5;
	v1 =	vor.u32 s12, v0  }
0x8: {  	v2 =	vor.u32 s5, v0;
	s14 =	sor.u32 $0x30, s5;
	v3 =	vor.u32 s13, v0;
	vm0 =	vlt.s32 v1, $0x270F  }
0x9: {  	v5 =	vnsel vm0, $0x270F, v1;
	vm0 =	vlt.s32 v3, $0x270F;
	v1 =	vor.u32 s14, v0  }
0xa: {  	v2 =	vmin.u32 v2, $0x270F;
	v3 =	vnsel vm0, $0x270F, v3;
	vm0 =	vlt.s32 v1, $0x270F  }
0xb: {  	[tilespmem:$0x1FE90] =	vst v2;
	v6 =	vnsel vm0, $0x270F, v1;
	v1 =	vshll.u32 v2, $0x1  }
0xc: {  	[tilespmem:$0x1FEA0] =	vst v1;
	v1 =	vor.u32 $0x1, v1  }
0xd: {  	[tilespmem:$0x1FEB0] =	vst v1;
	v1 =	vshll.u32 v5, $0x1  }
0xe: {  	v2 =	vshll.u32 v3, $0x1;
	[tilespmem:$0x1FEE0] =	vst v1;
	v1 =	vor.u32 $0x1, v1  }
0xf: {  	s8 =	sadd.s32 $0x40, s5;
	[tilespmem:$0x1FEF0] =	vst v1;
	v1 =	vor.u32 $0x1, v2  }
0x10: {  	s15 =	sadd.s32 $0x50, s5;
	[tilespmem:$0x1FF10] =	vst v1;
	v1 =	vor.u32 s8, v0  }
0x11: {  	s16 =	sadd.s32 $0x60, s5;
	[tilespmem:$0x1FF00] =	vst v2;
	v2 =	vor.u32 s15, v0;
	vm0 =	vlt.s32 v1, $0x270F  }
0x12: {  	v13 =	vnsel vm0, $0x270F, v1;
	vm0 =	vlt.s32 v2, $0x270F;
	v1 =	vor.u32 s16, v0  }
0x13: {  	s17 =	sadd.s32 $0x70, s5;
	[tilespmem:$0x1FED0] =	vst v3;
	v3 =	vshll.u32 v6, $0x1;
	v14 =	vnsel vm0, $0x270F, v2;
	vm0 =	vlt.s32 v1, $0x270F  }
0x14: {  	[tilespmem:$0x1FEC0] =	vst v5;
	v2 =	vor.u32 s17, v0;
	v18 =	vshll.u32 v13, $0x1;
	v16 =	vnsel vm0, $0x270F, v1  }
0x15: {  	[tilespmem:$0x1FF30] =	vst v3;
	vm0 =	vlt.s32 v2, $0x270F;
	v19 =	vshll.u32 v14, $0x1;
	v1 =	vor.u32 $0x1, v18  }
0x16: {  	v17 =	vnsel vm0, $0x270F, v2;
	[tilespmem:$0x1FF50] =	vst v1;
	v1 =	vor.u32 $0x1, v19;
	v22 =	vshll.u32 v16, $0x1  }
0x17: {  	s10 =	sadd.s32 $0x80, s5;
	[tilespmem:$0x1FF60] =	vst v1;
	v1 =	vor.u32 $0x1, v22;
	v24 =	vshll.u32 v17, $0x1  }
0x18: {  	s18 =	sadd.s32 $0x90, s5;
	v3 =	vor.u32 $0x1, v3;
	[tilespmem:$0x1FF70] =	vst v1;
	v1 =	vor.u32 s10, v0;
	v2 =	vor.u32 $0x1, v24  }
0x19: {  	v5 =	vimm.s32 $0x87654321;
	[tilespmem:$0x1FF80] =	vst v2;
	vm0 =	vlt.s32 v1, $0x270F;
	v2 =	vor.u32 s18, v0  }
0x1a: {  	s19 =	sadd.s32 $0xA0, s5;
	[tilespmem:$0x1FF40] =	vst v3;
	v3 =	vimm.s32 $0xFFEDCBA9;
	v26 =	vnsel vm0, $0x270F, v1;
	vm0 =	vlt.s32 v2, $0x270F  }
0x1b: {  	s20 =	sadd.s32 $0xB0, s5;
	v5 =	vunpack.c.l.s4.s8 v5;
	v1 =	vor.u32 s19, v0;
	v27 =	vnsel vm0, $0x270F, v2  }
0x1c: {  	vm0 =	vlt.s32 v1, $0x270F;
	v2 =	vor.u32 s20, v0;
	v29 =	vshll.u32 v26, $0x1  }
0x1d: {  	v28 =	vnsel vm0, $0x270F, v1;
	v1 =	vor.u32 $0x1, v29;
	v32 =	vshll.u32 v27, $0x1  }
0x1e: {  	s11 =	sadd.s32 $0xC0, s5;
	vm0 =	vlt.s32 v2, $0x270F;
	[tilespmem:$0x1FF90] =	vst v1;
	v1 =	vor.u32 $0x1, v32;
	v34 =	vshll.u32 v28, $0x1  }
0x1f: {  	s21 =	sadd.s32 $0xD0, s5;
	v30 =	vnsel vm0, $0x270F, v2;
	[tilespmem:$0x1FFA0] =	vst v1;
	v1 =	vor.u32 s11, v0;
	v2 =	vor.u32 $0x1, v34  }
0x20: {  	s22 =	sadd.s32 $0xE0, s5;
	v3 =	vunpack.c.l.s4.s8 v3;
	[tilespmem:$0x1FFB0] =	vst v2;
	vm0 =	vlt.s32 v1, $0x270F;
	v2 =	vor.u32 s21, v0  }
0x21: {  	v36 =	vnsel vm0, $0x270F, v1;
	vm0 =	vlt.s32 v2, $0x270F;
	v1 =	vor.u32 s22, v0  }
0x22: {  	v38 =	vshll.u32 v30, $0x1;
	v37 =	vnsel vm0, $0x270F, v2;
	vm0 =	vlt.s32 v1, $0x270F  }
0x23: {  	v42 =	vshll.u32 v36, $0x1;
	v39 =	vnsel vm0, $0x270F, v1;
	v1 =	vor.u32 $0x1, v38  }
0x24: {  	s9 =	rddreg [dreg:$0x1];
	s3 =	simm.s32 $0x0;
	v5 =	vunpack.c.0.s8.s32 v5;
	v44 =	vshll.u32 v37, $0x1;
	[tilespmem:$0x1FFC0] =	vst v1;
	v1 =	vor.u32 $0x1, v42  }
0x25: {  	s28 =	simm.s32 $0xF290;
	s29 =	simm.s32 $0x0;
	s23 =	sadd.s32 $0xF0, s5;
	v3 =	vunpack.c.0.s8.s32 v3;
	v45 =	vshll.u32 v39, $0x1;
	[tilespmem:$0x1FFD0] =	vst v1;
	v1 =	vor.u32 $0x1, v44  }
0x26: {  	[smem:$0x7FF] =	sst s3;
	s24 =	sadd.s32 $0xD1000, s9;
	v4 =	vmov s5;
	s12 =	sadd.s32 $0x100, s5;
	v2 =	vor.u32 s23, v0;
	[tilespmem:$0x1FFE0] =	vst v1;
	v1 =	vor.u32 $0x1, v45  }
0x27: {  	s7 =	ssub.s32 $0x2, s7;
	s1 =	rddreg [dreg:$0x0];
	s4 =	sadd.s32 $0x110, s5;
	v3 =	vcombine.low v5, v3;
	vm0 =	vlt.s32 v2, $0x270F;
	[tilespmem:$0x1FFF0] =	vst v1;
	v1 =	vor.u32 s12, v0  }
0x28: {  	s25 =	sshrl.u32 s7, $0x1;
	s6 =	sadd.s32 $0x120, s5;
	s13 =	sadd.s32 $0x130, s5;
	v41 =	vnsel vm0, $0x270F, v2;
	v2 =	vor.u32 s4, v0;
	vm0 =	vlt.s32 v1, $0x270F  }
0x29: {  	s5 =	sadd.s32 $0x4800, s9;
	s26 =	sshll.u32 s8, $0x4;
	s14 =	smul.u32 $0x1400, s2;
	v49 =	vnsel vm0, $0x270F, v1;
	vm0 =	vlt.s32 v2, $0x270F;
	v1 =	vor.u32 s6, v0  }
0x2a: {  	s30 =	sshll.u32 s10, $0x4;
	s31 =	sshll.u32 s11, $0x4;
	s15 =	ssub.s32 s7, s25;
	v50 =	vnsel vm0, $0x270F, v2;
	vm0 =	vlt.s32 v1, $0x270F;
	v2 =	vor.u32 s13, v0  }
0x2b: {  	v7 =	vimm.f32 $0.0e+00;
	s7 =	smul.u32 $0x1C0, s2;
	s25 =	simm.s32 $0xB290;
	s8 =	sadd.s32 s24, s14;
	v52 =	vnsel vm0, $0x270F, v1;
	vm0 =	vlt.s32 v2, $0x270F  }
0x2c: {  	s14 =	simm.s32 $0x2100;
	s16 =	simm.s32 $0x7290;
	s17 =	simm.s32 $0x40;
	v63 =	vand.u32 $0xF, v3;
	v53 =	vnsel vm0, $0x270F, v2;
	v2 =	vimm.s32 $0xEDCBA987  }
0x2d: {  	s10 =	sadd.s32 s24, s30;
	s18 =	simm.s32 $0xC0;
	s19 =	simm.s32 $0x7100;
	v48 =	vshll.u32 v41, $0x1;
	v1 =	vimm.s32 $0x65432100;
	v2 =	vunpack.c.l.s4.s8 v2  }
0x2e: {  	s20 =	simm.s32 $0x1;
	s11 =	sadd.s32 s24, s31;
	s21 =	simm.s32 $0x20C0;
	v51 =	vor.u32 $0x1, v48;
	v54 =	vshll.u32 v49, $0x1;
	v1 =	vunpack.c.l.s4.s8 v1  }
0x2f: {  	[tilespmem:$0x1FF20] =	vst v6;
	s22 =	simm.s32 $0x80;
	s23 =	simm.s32 $0x7250;
	s12 =	sshll.u32 s12, $0x4;
	v55 =	vor.u32 $0x1, v54;
	v56 =	vshll.u32 v50, $0x1;
	v2 =	vunpack.c.0.s8.s32 v2  }
0x30: {  	s4 =	sadd.s32 $0x3E00, s9;
	_ =	strace $0x8000004D;
	s12 =	sadd.s32 s24, s12;
	v57 =	vor.u32 $0x1, v56;
	v58 =	vshll.u32 v52, $0x1;
	v1 =	vunpack.c.0.s8.s32 v1  }
0x31: {  	s6 =	sadd.s32 $0x12800, s9;
	s9 =	sadd.s32 s24, s26;
	s24 =	simm.s32 $0x9290;
	vm0 =	vcmask $0x3F3C;
	v59 =	vshll.u32 v53, $0x1;
	v2 =	vand.u32 $0xF, v2  }
0x32: {  	s26 =	simm.s32 $0xD290;
	s13 =	smax.u32 s15, $0x1;
	s15 =	simm.s32 $0x2;
	v60 =	vor.u32 $0x1, v58;
	v62 =	vor.u32 $0x1, v59;
	v61 =	vcombine.low v1, v2  }
.LBB2_1:
0x33: {  	[tilespmem:s14], [sflag:$0x2] =	stream.linear.gather [hbm4b:s4+s3], $0x5000, $0x38;
	[tilespmem:$0x11A90] =	vst v63  }
0x34: {  	s2 =	simm.s32 $0x0  }
0x35: {  	s30 =	sand.u32 $0x70, s3;
	s2 =	sand.u32 $0xFFFFFF80, s2  }
0x36: {  	s30 =	sor.u32 s30, s2  }
0x37: {  	_ =	swait.ge [sflag:s15], $0x5000;
	v1 =	vor.u32 s30, v0  }
0x38: {  	[sflag:s15] =	ssyncset.done $0x0  }
0x39: {  	s2 =	simm.s32 $0x1;
	[sflag:s15] =	ssyncadd.s32 $0xFFFFB000;
	s30 =	simm.s32 $0x10  }
.LBB2_2:
0x3a: {  	s31 =	sshll.u32 s2, $0x4;
	p0 =	sne.s32 s2, $0xA7F;
	s2 =	sadd.s32 $0x1, s2  }
.Ltmp0:
0x3b: {  	s0 =	sand.u32 $0x70, s30;
	s31 =	sand.u32 $0xFFFFFF80, s31;
	(pc) =	sbr.rel @p0 .LBB2_2-.Ltmp0, $3  }
0x3c: {  	s0 =	sor.u32 s0, s31;
	[tilespmem:v1+s16+$0x0] =	vst.idx.msk $0xffff, v7  }
0x3d: {  	v1 =	vor.u32 s0, v0;
	_ =	sdelay $0x1  }
0x3e: {  	s30 =	sadd.s32 $0x10, s30  }
0x3f: {  	_ =	sdelay $0x3  }
0x40: {  	[tilespmem:v1+s16+$0x0] =	vst.idx.msk $0xffff, v7  }
0x41: {  	[tilespmem:$0x7100] =	vst v7  }
0x42: {  	[tilespmem:$0x7110] =	vst v7  }
0x43: {  	[tilespmem:$0x7120] =	vst v7  }
0x44: {  	[tilespmem:$0x7130] =	vst v7  }
0x45: {  	[tilespmem:$0x7140] =	vst v7  }
0x46: {  	[tilespmem:$0x7150] =	vst v7  }
0x47: {  	[tilespmem:$0x7160] =	vst v7  }
0x48: {  	[tilespmem:$0x7170] =	vst v7  }
0x49: {  	[tilespmem:$0x7180] =	vst v7  }
0x4a: {  	[tilespmem:$0x7190] =	vst v7  }
0x4b: {  	[tilespmem:$0x71A0] =	vst v7  }
0x4c: {  	[tilespmem:$0x71B0] =	vst v7  }
0x4d: {  	[tilespmem:$0x71C0] =	vst v7  }
0x4e: {  	[tilespmem:$0x71D0] =	vst v7  }
0x4f: {  	[tilespmem:$0x71E0] =	vst v7  }
0x50: {  	[tilespmem:$0x71F0] =	vst v7  }
0x51: {  	[tilespmem:$0x7200] =	vst v7  }
0x52: {  	[tilespmem:$0x7210] =	vst v7  }
0x53: {  	[tilespmem:$0x7220] =	vst v7  }
0x54: {  	[tilespmem:$0x7230] =	vst v7  }
0x55: {  	s30 =	simm.s32 $0x0;
	s31 =	simm.s32 $0x0;
	[tilespmem:$0x7240] =	vst v7  }
.LBB2_4:
0x56: {  	s0 =	smul.u32 $0x25, s31;
	_ =	sdelay $0x1  }
0x57: {  	s0 =	sshrl.u32 s0, $0x8  }
0x58: {  	s2 =	ssub.s32 s31, s0  }
0x59: {  	s2 =	sand.u32 $0xFE, s2  }
0x5a: {  	s2 =	sshrl.u32 s2, $0x1  }
0x5b: {  	s0 =	sadd.s32 s0, s2  }
0x5c: {  	s0 =	sand.u32 $0xFC, s0  }
0x5d: {  	s0 =	sshrl.u32 s0, $0x2  }
0x5e: {  	s2 =	smul.u32 $0x7, s0;
	_ =	sdelay $0x1  }
0x5f: {  	s2 =	ssub.s32 s31, s2  }
0x60: {  	s2 =	sand.u32 $0xFF, s2  }
0x61: {  	s0 =	smul.u32 $0x3800, s0;
	s2 =	sshll.u32 s2, $0x6  }
0x62: {  	s2 =	sadd.s32 s7, s2  }
0x63: {  	s0 =	sadd.s32 s0, s2  }
0x64: {  	s0 =	sshrl.u32 s0, $0x3  }
0x65: {  	s2 =	sadd.s32 s5, s0  }
0x66: {  	[tilespmem:s30], [sflag:$0x2] =	stream.linear.gather [hbm4b:s2+s30], $0x40, $0x38;
	[tilespmem:$0x11A90] =	vst v63  }
0x67: {  	_ =	swait.ge [sflag:s15], $0x40  }
0x68: {  	[sflag:s15] =	ssyncset.done $0x0  }
0x69: {  	s0 =	sadd.s32 s6, s0;
	[sflag:s15] =	ssyncadd.s32 $0xFFFFFFC0  }
0x6a: {  	[tilespmem:s17], [sflag:$0x2] =	stream.linear.gather [hbm4b:s0+s30], $0x40, $0x38;
	[tilespmem:$0x11A90] =	vst v63  }
0x6b: {  	_ =	swait.ge [sflag:s15], $0x40  }
0x6c: {  	[sflag:s15] =	ssyncset.done $0x0  }
0x6d: {  	[sflag:s15] =	ssyncadd.s32 $0xFFFFFFC0  }
0x6e: {  	[tilespmem:s18], [sflag:$0x1] =	stream.indirect.gather [hbm4b:s1+s17], $0x80, s30, s17, $0xb8;
	[tilespmem:$0x11A90] =	vst v63  }
0x6f: {  	v1 =	vld [tilespmem:$0x40];
	_ =	sdelay $0x2  }
0x70: {  	v2 =	vld [tilespmem:$0x0];
	_ =	sdelay $0x1  }
0x71: {  	vm1 =	vgt.s32 v1, $0x0  }
0x72: {  	v3 =	vnsel vm1, $0x0, v1  }
0x73: {  	v3 =	vmin.u32 v3, $0x27FF  }
0x74: {  	v2 =	vshll.u32 v2, $0x1;
	v1 =	vsub.s32 v1, v4;
	v3 =	vshll.u32 v3, $0x1  }
0x75: {  	vm1 =	vgt.s32 v1, $0x0;
	v3 =	vor.u32 $0x1, v3  }
0x76: {  	v1 =	vnsel vm1, $0x0, v1  }
0x77: {  	v1 =	vmin.u32 v1, $0x140  }
0x78: {  	[tilespmem:$0x80] =	vst v1  }
0x79: {  	v2 =	vld.idx.msk [tilespmem:v2+s14+$0x0], $0xffff  }
0x7a: {  	v3 =	vld.idx.msk [tilespmem:v3+s14+$0x0], $0xffff;
	_ =	sdelay $0x3  }
0x7b: {  	v1 =	vor.u32 $0x80000000, v1  }
0x7c: {  	(xrf1) =	vsort.ascd.msk.u32 $0xffff, v1, v0;
	v2 =	vadd.f32 v3, v2;
	_ =	sdelay $0x1  }
0x7d: {  	v1 =	vmul.f32 $2.000000030e-01, v2  }
0x7e: {  	vm1 =	vge.f32 v2, $0.0e+00  }
0x7f: {  	v1 =	vsel vm1, v2, v1  }
0x80: {  	v1 =	vmul.f32 $1.442695020e+00, v1;
	_ =	sdelay $0x1  }
0x81: {  	(erf) = vpow2.f32 v1;
	_ =	sdelay $0x6  }
0x82: {  	v1, v2, _ =	vpop (xrf1)  }
0x83: {  	v3 =	vxor.u32 $0x80000000, v1  }
0x84: {  	v1 =	vperm.xlane v3, v61;
	v5 =	vpop (erf)  }
0x85: {  	v2 =	vperm.xlane v5, v2  }
0x86: {  	vm1 =	veq.s32 v3, v1;
	v1 =	vor.u32 $0x80000000, v0  }
0x87: {  	(xrf2) =	vadd.scan.msk.f32 $0xffff, v2;
	v2 =	vsel vm1, $0x80000000, v1  }
0x88: {  	(xrf0) =	vmax.scan.msk.u32 $0xffff, v2;
	_ =	sdelay $0x5  }
0x89: {  	v2, _, _ =	vpop (xrf0)  }
0x8a: {  	v6 =	vperm.xlane v3, v63;
	v8 =	vadd.s32 $0x7FFFFFFF, v2;
	_ =	sdelay $0x1  }
0x8b: {  	vm1 =	vne.s32 v3, v6;
	vm2 =	vgt.s32 v8, $0x0  }
0x8c: {  	vm1 =	vmor vm1, vm0;
	v6 =	vnsel vm2, $0x0, v8;
	v8, _, _ =	vpop (xrf2)  }
0x8d: {  	v6 =	vperm.xlane v8, v6  }
0x8e: {  	vm2 =	veq.s32 v2, $0x80000000  }
0x8f: {  	v2 =	vsel vm2, $0x0, v6  }
0x90: {  	v2 =	vsub.f32 v8, v2  }
0x91: {  	[tilespmem:$0x20C0] =	vst v5  }
0x92: {  	[tilespmem:v3+s19+$0x0] =	vst.idx.add.f32.msk vm1, v2  }
0x93: {  	v2 =	vld [tilespmem:$0x50];
	_ =	sdelay $0x2  }
0x94: {  	v3 =	vld [tilespmem:$0x10];
	_ =	sdelay $0x1  }
0x95: {  	vm1 =	vgt.s32 v2, $0x0  }
0x96: {  	v5 =	vnsel vm1, $0x0, v2  }
0x97: {  	v5 =	vmin.u32 v5, $0x27FF  }
0x98: {  	v3 =	vshll.u32 v3, $0x1;
	v2 =	vsub.s32 v2, v4;
	v5 =	vshll.u32 v5, $0x1  }
0x99: {  	vm1 =	vgt.s32 v2, $0x0;
	v5 =	vor.u32 $0x1, v5  }
0x9a: {  	v2 =	vnsel vm1, $0x0, v2  }
0x9b: {  	v2 =	vmin.u32 v2, $0x140  }
0x9c: {  	[tilespmem:$0x90] =	vst v2  }
0x9d: {  	v3 =	vld.idx.msk [tilespmem:v3+s14+$0x0], $0xffff  }
0x9e: {  	v5 =	vld.idx.msk [tilespmem:v5+s14+$0x0], $0xffff;
	_ =	sdelay $0x3  }
0x9f: {  	v2 =	vor.u32 $0x80000000, v2  }
0xa0: {  	(xrf1) =	vsort.ascd.msk.u32 $0xffff, v2, v0;
	v3 =	vadd.f32 v5, v3;
	_ =	sdelay $0x1  }
0xa1: {  	v2 =	vmul.f32 $2.000000030e-01, v3  }
0xa2: {  	vm1 =	vge.f32 v3, $0.0e+00  }
0xa3: {  	v2 =	vsel vm1, v3, v2  }
0xa4: {  	v2 =	vmul.f32 $1.442695020e+00, v2;
	_ =	sdelay $0x1  }
0xa5: {  	(erf) = vpow2.f32 v2;
	_ =	sdelay $0x6  }
0xa6: {  	v2, v3, _ =	vpop (xrf1)  }
0xa7: {  	v2 =	vxor.u32 $0x80000000, v2  }
0xa8: {  	v6 =	vperm.xlane v2, v61;
	v5 =	vpop (erf)  }
0xa9: {  	v3 =	vperm.xlane v5, v3  }
0xaa: {  	vm1 =	veq.s32 v2, v6  }
0xab: {  	(xrf2) =	vadd.scan.msk.f32 $0xffff, v3;
	v3 =	vsel vm1, $0x80000000, v1  }
0xac: {  	(xrf0) =	vmax.scan.msk.u32 $0xffff, v3;
	_ =	sdelay $0x5  }
0xad: {  	v3, _, _ =	vpop (xrf0)  }
0xae: {  	v6 =	vperm.xlane v2, v63;
	v8 =	vadd.s32 $0x7FFFFFFF, v3;
	_ =	sdelay $0x1  }
0xaf: {  	vm1 =	vne.s32 v2, v6;
	vm2 =	vgt.s32 v8, $0x0  }
0xb0: {  	vm1 =	vmor vm1, vm0;
	v6 =	vnsel vm2, $0x0, v8;
	v8, _, _ =	vpop (xrf2)  }
0xb1: {  	v6 =	vperm.xlane v8, v6  }
0xb2: {  	vm2 =	veq.s32 v3, $0x80000000  }
0xb3: {  	v3 =	vsel vm2, $0x0, v6  }
0xb4: {  	v3 =	vsub.f32 v8, v3  }
0xb5: {  	[tilespmem:$0x20D0] =	vst v5  }
0xb6: {  	[tilespmem:v2+s19+$0x0] =	vst.idx.add.f32.msk vm1, v3  }
0xb7: {  	v2 =	vld [tilespmem:$0x60];
	_ =	sdelay $0x2  }
0xb8: {  	v3 =	vld [tilespmem:$0x20];
	_ =	sdelay $0x1  }
0xb9: {  	vm1 =	vgt.s32 v2, $0x0  }
0xba: {  	v5 =	vnsel vm1, $0x0, v2  }
0xbb: {  	v5 =	vmin.u32 v5, $0x27FF  }
0xbc: {  	v3 =	vshll.u32 v3, $0x1;
	v2 =	vsub.s32 v2, v4;
	v5 =	vshll.u32 v5, $0x1  }
0xbd: {  	vm1 =	vgt.s32 v2, $0x0;
	v5 =	vor.u32 $0x1, v5  }
0xbe: {  	v2 =	vnsel vm1, $0x0, v2  }
0xbf: {  	v2 =	vmin.u32 v2, $0x140  }
0xc0: {  	[tilespmem:$0xA0] =	vst v2  }
0xc1: {  	v3 =	vld.idx.msk [tilespmem:v3+s14+$0x0], $0xffff  }
0xc2: {  	v5 =	vld.idx.msk [tilespmem:v5+s14+$0x0], $0xffff;
	_ =	sdelay $0x3  }
0xc3: {  	v2 =	vor.u32 $0x80000000, v2  }
0xc4: {  	(xrf1) =	vsort.ascd.msk.u32 $0xffff, v2, v0;
	v3 =	vadd.f32 v5, v3;
	_ =	sdelay $0x1  }
0xc5: {  	v2 =	vmul.f32 $2.000000030e-01, v3  }
0xc6: {  	vm1 =	vge.f32 v3, $0.0e+00  }
0xc7: {  	v2 =	vsel vm1, v3, v2  }
0xc8: {  	v2 =	vmul.f32 $1.442695020e+00, v2;
	_ =	sdelay $0x1  }
0xc9: {  	(erf) = vpow2.f32 v2;
	_ =	sdelay $0x6  }
0xca: {  	v2, v3, _ =	vpop (xrf1)  }
0xcb: {  	v2 =	vxor.u32 $0x80000000, v2  }
0xcc: {  	v6 =	vperm.xlane v2, v61;
	v5 =	vpop (erf)  }
0xcd: {  	v3 =	vperm.xlane v5, v3  }
0xce: {  	vm1 =	veq.s32 v2, v6  }
0xcf: {  	(xrf2) =	vadd.scan.msk.f32 $0xffff, v3;
	v3 =	vsel vm1, $0x80000000, v1  }
0xd0: {  	(xrf0) =	vmax.scan.msk.u32 $0xffff, v3;
	_ =	sdelay $0x5  }
0xd1: {  	v3, _, _ =	vpop (xrf0)  }
0xd2: {  	v6 =	vperm.xlane v2, v63;
	v8 =	vadd.s32 $0x7FFFFFFF, v3;
	_ =	sdelay $0x1  }
0xd3: {  	vm1 =	vne.s32 v2, v6;
	vm2 =	vgt.s32 v8, $0x0  }
0xd4: {  	vm1 =	vmor vm1, vm0;
	v6 =	vnsel vm2, $0x0, v8;
	v8, _, _ =	vpop (xrf2)  }
0xd5: {  	v6 =	vperm.xlane v8, v6  }
0xd6: {  	vm2 =	veq.s32 v3, $0x80000000  }
0xd7: {  	v3 =	vsel vm2, $0x0, v6  }
0xd8: {  	v3 =	vsub.f32 v8, v3  }
0xd9: {  	[tilespmem:$0x20E0] =	vst v5  }
0xda: {  	[tilespmem:v2+s19+$0x0] =	vst.idx.add.f32.msk vm1, v3  }
0xdb: {  	v2 =	vld [tilespmem:$0x70];
	_ =	sdelay $0x2  }
0xdc: {  	v3 =	vld [tilespmem:$0x30];
	_ =	sdelay $0x1  }
0xdd: {  	vm1 =	vgt.s32 v2, $0x0  }
0xde: {  	v5 =	vnsel vm1, $0x0, v2  }
0xdf: {  	v5 =	vmin.u32 v5, $0x27FF  }
0xe0: {  	v3 =	vshll.u32 v3, $0x1;
	v2 =	vsub.s32 v2, v4;
	v5 =	vshll.u32 v5, $0x1  }
0xe1: {  	vm1 =	vgt.s32 v2, $0x0;
	v5 =	vor.u32 $0x1, v5  }
0xe2: {  	v2 =	vnsel vm1, $0x0, v2  }
0xe3: {  	v2 =	vmin.u32 v2, $0x140  }
0xe4: {  	[tilespmem:$0xB0] =	vst v2  }
0xe5: {  	v3 =	vld.idx.msk [tilespmem:v3+s14+$0x0], $0xffff  }
0xe6: {  	v5 =	vld.idx.msk [tilespmem:v5+s14+$0x0], $0xffff;
	_ =	sdelay $0x3  }
0xe7: {  	v2 =	vor.u32 $0x80000000, v2  }
0xe8: {  	(xrf1) =	vsort.ascd.msk.u32 $0xffff, v2, v0;
	v3 =	vadd.f32 v5, v3;
	_ =	sdelay $0x1  }
0xe9: {  	v2 =	vmul.f32 $2.000000030e-01, v3  }
0xea: {  	vm1 =	vge.f32 v3, $0.0e+00  }
0xeb: {  	v2 =	vsel vm1, v3, v2  }
0xec: {  	v2 =	vmul.f32 $1.442695020e+00, v2;
	_ =	sdelay $0x1  }
0xed: {  	(erf) = vpow2.f32 v2;
	_ =	sdelay $0x6  }
0xee: {  	v2, v3, _ =	vpop (xrf1)  }
0xef: {  	v2 =	vxor.u32 $0x80000000, v2  }
0xf0: {  	v6 =	vperm.xlane v2, v61;
	v5 =	vpop (erf)  }
0xf1: {  	v3 =	vperm.xlane v5, v3  }
0xf2: {  	vm1 =	veq.s32 v2, v6  }
0xf3: {  	v1 =	vsel vm1, $0x80000000, v1;
	(xrf2) =	vadd.scan.msk.f32 $0xffff, v3  }
0xf4: {  	(xrf0) =	vmax.scan.msk.u32 $0xffff, v1;
	_ =	sdelay $0x4  }
0xf5: {  	v3 =	vperm.xlane v2, v63  }
0xf6: {  	v1, _, _ =	vpop (xrf0)  }
0xf7: {  	v6 =	vadd.s32 $0x7FFFFFFF, v1  }
0xf8: {  	vm1 =	vne.s32 v2, v3;
	vm2 =	vgt.s32 v6, $0x0  }
0xf9: {  	vm1 =	vmor vm1, vm0;
	v6 =	vnsel vm2, $0x0, v6;
	v3, _, _ =	vpop (xrf2)  }
0xfa: {  	v6 =	vperm.xlane v3, v6  }
0xfb: {  	vm2 =	veq.s32 v1, $0x80000000  }
0xfc: {  	v1 =	vsel vm2, $0x0, v6  }
0xfd: {  	v1 =	vsub.f32 v3, v1  }
0xfe: {  	[tilespmem:$0x20F0] =	vst v5  }
0xff: {  	[tilespmem:v2+s19+$0x0] =	vst.idx.add.f32.msk vm1, v1  }
0x100: {  	_ =	swait.ge [sflag:s20], $0x2000  }
0x101: {  	[sflag:s20] =	ssyncset.done $0x0  }
0x102: {  	s2 =	simm.s32 $0x0;
	[sflag:s20] =	ssyncadd.s32 $0xFFFFE000  }
.LBB2_5:
0x103: {  	v1 =	vmov s2;
	_ =	sdelay $0x2  }
0x104: {  	v2 =	vshll.u32 v1, $0x7  }
0x105: {  	v3 =	vor.u32 v0, v2  }
0x106: {  	v5 =	vld.idx.msk [tilespmem:v1+s22+$0x0], $0xffff;
	_ =	sdelay $0x2  }
0x107: {  	v1 =	vld.idx.msk [tilespmem:v1+s21+$0x0], $0xffff  }
0x108: {  	v3 =	vld.idx.msk [tilespmem:v3+s18+$0x0], $0xffff  }
0x109: {  	v5 =	vshll.u32 v5, $0x7  }
0x10a: {  	v25 =	vor.u32 $0x10, v0;
	v6 =	vor.u32 v0, v5  }
0x10b: {  	v8 =	vor.u32 v25, v2;
	_ =	sdelay $0x1  }
0x10c: {  	v3 =	vmul.f32 v3, v1;
	_ =	sdelay $0x1  }
0x10d: {  	[tilespmem:v6+s16+$0x0] =	vst.idx.add.f32.msk $0xffff, v3  }
0x10e: {  	v3 =	vld.idx.msk [tilespmem:v8+s18+$0x0], $0xffff;
	_ =	sdelay $0x1  }
0x10f: {  	v23 =	vor.u32 $0x20, v0;
	v6 =	vor.u32 v25, v5  }
0x110: {  	v8 =	vor.u32 v23, v2;
	_ =	sdelay $0x1  }
0x111: {  	v3 =	vmul.f32 v3, v1;
	_ =	sdelay $0x1  }
0x112: {  	[tilespmem:v6+s16+$0x0] =	vst.idx.add.f32.msk $0xffff, v3  }
0x113: {  	v3 =	vld.idx.msk [tilespmem:v8+s18+$0x0], $0xffff;
	_ =	sdelay $0x1  }
0x114: {  	v21 =	vor.u32 $0x30, v0;
	v6 =	vor.u32 v23, v5  }
0x115: {  	v8 =	vor.u32 v21, v2;
	_ =	sdelay $0x1  }
0x116: {  	v3 =	vmul.f32 v3, v1;
	_ =	sdelay $0x1  }
0x117: {  	[tilespmem:v6+s16+$0x0] =	vst.idx.add.f32.msk $0xffff, v3  }
0x118: {  	v3 =	vld.idx.msk [tilespmem:v8+s18+$0x0], $0xffff;
	_ =	sdelay $0x1  }
0x119: {  	v20 =	vor.u32 $0x40, v0;
	v6 =	vor.u32 v21, v5  }
0x11a: {  	v8 =	vor.u32 v20, v2;
	_ =	sdelay $0x1  }
0x11b: {  	v3 =	vmul.f32 v3, v1;
	_ =	sdelay $0x1  }
0x11c: {  	[tilespmem:v6+s16+$0x0] =	vst.idx.add.f32.msk $0xffff, v3  }
0x11d: {  	v3 =	vld.idx.msk [tilespmem:v8+s18+$0x0], $0xffff;
	_ =	sdelay $0x1  }
0x11e: {  	v15 =	vor.u32 $0x50, v0;
	v6 =	vor.u32 v20, v5  }
0x11f: {  	v8 =	vor.u32 v15, v2;
	_ =	sdelay $0x1  }
0x120: {  	v3 =	vmul.f32 v3, v1;
	_ =	sdelay $0x1  }
0x121: {  	[tilespmem:v6+s16+$0x0] =	vst.idx.add.f32.msk $0xffff, v3  }
0x122: {  	v3 =	vld.idx.msk [tilespmem:v8+s18+$0x0], $0xffff;
	_ =	sdelay $0x1  }
0x123: {  	v11 =	vor.u32 $0x60, v0;
	v6 =	vor.u32 v15, v5  }
0x124: {  	v8 =	vor.u32 v11, v2;
	_ =	sdelay $0x1  }
0x125: {  	v3 =	vmul.f32 v3, v1;
	_ =	sdelay $0x1  }
0x126: {  	[tilespmem:v6+s16+$0x0] =	vst.idx.add.f32.msk $0xffff, v3  }
0x127: {  	v3 =	vld.idx.msk [tilespmem:v8+s18+$0x0], $0xffff;
	_ =	sdelay $0x1  }
0x128: {  	v10 =	vor.u32 $0x70, v0;
	v6 =	vor.u32 v11, v5  }
0x129: {  	v2 =	vor.u32 v10, v2;
	_ =	sdelay $0x1  }
0x12a: {  	v3 =	vmul.f32 v3, v1;
	_ =	sdelay $0x1  }
0x12b: {  	[tilespmem:v6+s16+$0x0] =	vst.idx.add.f32.msk $0xffff, v3  }
0x12c: {  	v2 =	vld.idx.msk [tilespmem:v2+s18+$0x0], $0xffff;
	_ =	sdelay $0x1  }
0x12d: {  	s0 =	sadd.s32 $0x1, s2;
	v3 =	vor.u32 v10, v5  }
0x12e: {  	v5 =	vmov s0;
	_ =	sdelay $0x1  }
0x12f: {  	v1 =	vmul.f32 v2, v1  }
0x130: {  	v2 =	vshll.u32 v5, $0x7  }
0x131: {  	[tilespmem:v3+s16+$0x0] =	vst.idx.add.f32.msk $0xffff, v1;
	v1 =	vor.u32 v0, v2  }
0x132: {  	v3 =	vld.idx.msk [tilespmem:v5+s22+$0x0], $0xffff;
	_ =	sdelay $0x2  }
0x133: {  	v5 =	vld.idx.msk [tilespmem:v5+s21+$0x0], $0xffff  }
0x134: {  	v1 =	vld.idx.msk [tilespmem:v1+s18+$0x0], $0xffff  }
0x135: {  	v3 =	vshll.u32 v3, $0x7  }
0x136: {  	v6 =	vor.u32 v0, v3  }
0x137: {  	v8 =	vor.u32 v25, v2;
	_ =	sdelay $0x1  }
0x138: {  	v1 =	vmul.f32 v1, v5;
	_ =	sdelay $0x1  }
0x139: {  	[tilespmem:v6+s16+$0x0] =	vst.idx.add.f32.msk $0xffff, v1  }
0x13a: {  	v1 =	vld.idx.msk [tilespmem:v8+s18+$0x0], $0xffff;
	_ =	sdelay $0x1  }
0x13b: {  	v6 =	vor.u32 v25, v3  }
0x13c: {  	v8 =	vor.u32 v23, v2;
	_ =	sdelay $0x1  }
0x13d: {  	v1 =	vmul.f32 v1, v5;
	_ =	sdelay $0x1  }
0x13e: {  	[tilespmem:v6+s16+$0x0] =	vst.idx.add.f32.msk $0xffff, v1  }
0x13f: {  	v1 =	vld.idx.msk [tilespmem:v8+s18+$0x0], $0xffff;
	_ =	sdelay $0x1  }
0x140: {  	v6 =	vor.u32 v23, v3  }
0x141: {  	v8 =	vor.u32 v21, v2;
	_ =	sdelay $0x1  }
0x142: {  	v1 =	vmul.f32 v1, v5;
	_ =	sdelay $0x1  }
0x143: {  	[tilespmem:v6+s16+$0x0] =	vst.idx.add.f32.msk $0xffff, v1  }
0x144: {  	v1 =	vld.idx.msk [tilespmem:v8+s18+$0x0], $0xffff;
	_ =	sdelay $0x1  }
0x145: {  	v6 =	vor.u32 v21, v3  }
0x146: {  	v8 =	vor.u32 v20, v2;
	_ =	sdelay $0x1  }
0x147: {  	v1 =	vmul.f32 v1, v5;
	_ =	sdelay $0x1  }
0x148: {  	[tilespmem:v6+s16+$0x0] =	vst.idx.add.f32.msk $0xffff, v1  }
0x149: {  	v1 =	vld.idx.msk [tilespmem:v8+s18+$0x0], $0xffff;
	_ =	sdelay $0x1  }
0x14a: {  	v6 =	vor.u32 v20, v3  }
0x14b: {  	v8 =	vor.u32 v15, v2;
	_ =	sdelay $0x1  }
0x14c: {  	v1 =	vmul.f32 v1, v5;
	_ =	sdelay $0x1  }
0x14d: {  	[tilespmem:v6+s16+$0x0] =	vst.idx.add.f32.msk $0xffff, v1  }
0x14e: {  	v1 =	vld.idx.msk [tilespmem:v8+s18+$0x0], $0xffff;
	_ =	sdelay $0x1  }
0x14f: {  	v6 =	vor.u32 v15, v3  }
0x150: {  	v8 =	vor.u32 v11, v2;
	_ =	sdelay $0x1  }
0x151: {  	v1 =	vmul.f32 v1, v5;
	_ =	sdelay $0x1  }
0x152: {  	[tilespmem:v6+s16+$0x0] =	vst.idx.add.f32.msk $0xffff, v1  }
0x153: {  	v1 =	vld.idx.msk [tilespmem:v8+s18+$0x0], $0xffff;
	_ =	sdelay $0x1  }
0x154: {  	v6 =	vor.u32 v11, v3  }
0x155: {  	v2 =	vor.u32 v10, v2;
	_ =	sdelay $0x1  }
0x156: {  	v1 =	vmul.f32 v1, v5;
	_ =	sdelay $0x1  }
0x157: {  	[tilespmem:v6+s16+$0x0] =	vst.idx.add.f32.msk $0xffff, v1  }
0x158: {  	v1 =	vld.idx.msk [tilespmem:v2+s18+$0x0], $0xffff;
	_ =	sdelay $0x1  }
0x159: {  	s0 =	sadd.s32 $0x2, s2;
	v2 =	vor.u32 v10, v3  }
0x15a: {  	v3 =	vmov s0;
	_ =	sdelay $0x1  }
0x15b: {  	v1 =	vmul.f32 v1, v5  }
0x15c: {  	v5 =	vshll.u32 v3, $0x7  }
0x15d: {  	[tilespmem:v2+s16+$0x0] =	vst.idx.add.f32.msk $0xffff, v1;
	v1 =	vor.u32 v0, v5  }
0x15e: {  	v2 =	vld.idx.msk [tilespmem:v3+s22+$0x0], $0xffff;
	_ =	sdelay $0x2  }
0x15f: {  	v3 =	vld.idx.msk [tilespmem:v3+s21+$0x0], $0xffff  }
0x160: {  	v1 =	vld.idx.msk [tilespmem:v1+s18+$0x0], $0xffff  }
0x161: {  	v2 =	vshll.u32 v2, $0x7  }
0x162: {  	v6 =	vor.u32 v0, v2  }
0x163: {  	v8 =	vor.u32 v25, v5;
	_ =	sdelay $0x1  }
0x164: {  	v1 =	vmul.f32 v1, v3;
	_ =	sdelay $0x1  }
0x165: {  	[tilespmem:v6+s16+$0x0] =	vst.idx.add.f32.msk $0xffff, v1  }
0x166: {  	v1 =	vld.idx.msk [tilespmem:v8+s18+$0x0], $0xffff;
	_ =	sdelay $0x1  }
0x167: {  	v6 =	vor.u32 v25, v2  }
0x168: {  	v8 =	vor.u32 v23, v5;
	_ =	sdelay $0x1  }
0x169: {  	v1 =	vmul.f32 v1, v3;
	_ =	sdelay $0x1  }
0x16a: {  	[tilespmem:v6+s16+$0x0] =	vst.idx.add.f32.msk $0xffff, v1  }
0x16b: {  	v1 =	vld.idx.msk [tilespmem:v8+s18+$0x0], $0xffff;
	_ =	sdelay $0x1  }
0x16c: {  	v6 =	vor.u32 v23, v2  }
0x16d: {  	v8 =	vor.u32 v21, v5;
	_ =	sdelay $0x1  }
0x16e: {  	v1 =	vmul.f32 v1, v3;
	_ =	sdelay $0x1  }
0x16f: {  	[tilespmem:v6+s16+$0x0] =	vst.idx.add.f32.msk $0xffff, v1  }
0x170: {  	v1 =	vld.idx.msk [tilespmem:v8+s18+$0x0], $0xffff;
	_ =	sdelay $0x1  }
0x171: {  	v6 =	vor.u32 v21, v2  }
0x172: {  	v8 =	vor.u32 v20, v5;
	_ =	sdelay $0x1  }
0x173: {  	v1 =	vmul.f32 v1, v3;
	_ =	sdelay $0x1  }
0x174: {  	[tilespmem:v6+s16+$0x0] =	vst.idx.add.f32.msk $0xffff, v1  }
0x175: {  	v1 =	vld.idx.msk [tilespmem:v8+s18+$0x0], $0xffff;
	_ =	sdelay $0x1  }
0x176: {  	v6 =	vor.u32 v20, v2  }
0x177: {  	v8 =	vor.u32 v15, v5;
	_ =	sdelay $0x1  }
0x178: {  	v1 =	vmul.f32 v1, v3;
	_ =	sdelay $0x1  }
0x179: {  	[tilespmem:v6+s16+$0x0] =	vst.idx.add.f32.msk $0xffff, v1  }
0x17a: {  	v1 =	vld.idx.msk [tilespmem:v8+s18+$0x0], $0xffff;
	_ =	sdelay $0x1  }
0x17b: {  	v6 =	vor.u32 v15, v2  }
0x17c: {  	v8 =	vor.u32 v11, v5;
	_ =	sdelay $0x1  }
0x17d: {  	v1 =	vmul.f32 v1, v3;
	_ =	sdelay $0x1  }
0x17e: {  	[tilespmem:v6+s16+$0x0] =	vst.idx.add.f32.msk $0xffff, v1  }
0x17f: {  	v1 =	vld.idx.msk [tilespmem:v8+s18+$0x0], $0xffff;
	_ =	sdelay $0x1  }
0x180: {  	v6 =	vor.u32 v11, v2  }
0x181: {  	v5 =	vor.u32 v10, v5;
	_ =	sdelay $0x1  }
0x182: {  	v1 =	vmul.f32 v1, v3;
	_ =	sdelay $0x1  }
0x183: {  	[tilespmem:v6+s16+$0x0] =	vst.idx.add.f32.msk $0xffff, v1  }
0x184: {  	v1 =	vld.idx.msk [tilespmem:v5+s18+$0x0], $0xffff;
	_ =	sdelay $0x1  }
0x185: {  	s0 =	sadd.s32 $0x3, s2;
	v2 =	vor.u32 v10, v2  }
0x186: {  	v5 =	vmov s0;
	_ =	sdelay $0x1  }
0x187: {  	v1 =	vmul.f32 v1, v3  }
0x188: {  	v3 =	vshll.u32 v5, $0x7  }
0x189: {  	[tilespmem:v2+s16+$0x0] =	vst.idx.add.f32.msk $0xffff, v1;
	v1 =	vor.u32 v0, v3  }
0x18a: {  	v2 =	vld.idx.msk [tilespmem:v5+s22+$0x0], $0xffff;
	_ =	sdelay $0x2  }
0x18b: {  	v5 =	vld.idx.msk [tilespmem:v5+s21+$0x0], $0xffff  }
0x18c: {  	v1 =	vld.idx.msk [tilespmem:v1+s18+$0x0], $0xffff  }
0x18d: {  	v2 =	vshll.u32 v2, $0x7  }
0x18e: {  	v6 =	vor.u32 v0, v2  }
0x18f: {  	v8 =	vor.u32 v25, v3;
	_ =	sdelay $0x1  }
0x190: {  	v1 =	vmul.f32 v1, v5;
	_ =	sdelay $0x1  }
0x191: {  	[tilespmem:v6+s16+$0x0] =	vst.idx.add.f32.msk $0xffff, v1  }
0x192: {  	v1 =	vld.idx.msk [tilespmem:v8+s18+$0x0], $0xffff;
	_ =	sdelay $0x1  }
0x193: {  	v6 =	vor.u32 v25, v2  }
0x194: {  	v8 =	vor.u32 v23, v3;
	_ =	sdelay $0x1  }
0x195: {  	v1 =	vmul.f32 v1, v5;
	_ =	sdelay $0x1  }
0x196: {  	[tilespmem:v6+s16+$0x0] =	vst.idx.add.f32.msk $0xffff, v1  }
0x197: {  	v1 =	vld.idx.msk [tilespmem:v8+s18+$0x0], $0xffff;
	_ =	sdelay $0x1  }
0x198: {  	v6 =	vor.u32 v23, v2  }
0x199: {  	v8 =	vor.u32 v21, v3;
	_ =	sdelay $0x1  }
0x19a: {  	v1 =	vmul.f32 v1, v5;
	_ =	sdelay $0x1  }
0x19b: {  	[tilespmem:v6+s16+$0x0] =	vst.idx.add.f32.msk $0xffff, v1  }
0x19c: {  	v1 =	vld.idx.msk [tilespmem:v8+s18+$0x0], $0xffff;
	_ =	sdelay $0x1  }
0x19d: {  	v6 =	vor.u32 v21, v2  }
0x19e: {  	v8 =	vor.u32 v20, v3;
	_ =	sdelay $0x1  }
0x19f: {  	v1 =	vmul.f32 v1, v5;
	_ =	sdelay $0x1  }
0x1a0: {  	[tilespmem:v6+s16+$0x0] =	vst.idx.add.f32.msk $0xffff, v1  }
0x1a1: {  	v1 =	vld.idx.msk [tilespmem:v8+s18+$0x0], $0xffff;
	_ =	sdelay $0x1  }
0x1a2: {  	v6 =	vor.u32 v20, v2  }
0x1a3: {  	v8 =	vor.u32 v15, v3;
	_ =	sdelay $0x1  }
0x1a4: {  	v1 =	vmul.f32 v1, v5;
	_ =	sdelay $0x1  }
0x1a5: {  	[tilespmem:v6+s16+$0x0] =	vst.idx.add.f32.msk $0xffff, v1  }
0x1a6: {  	v1 =	vld.idx.msk [tilespmem:v8+s18+$0x0], $0xffff;
	_ =	sdelay $0x1  }
0x1a7: {  	v6 =	vor.u32 v15, v2  }
0x1a8: {  	v8 =	vor.u32 v11, v3;
	_ =	sdelay $0x1  }
0x1a9: {  	v1 =	vmul.f32 v1, v5;
	_ =	sdelay $0x1  }
0x1aa: {  	[tilespmem:v6+s16+$0x0] =	vst.idx.add.f32.msk $0xffff, v1  }
0x1ab: {  	v1 =	vld.idx.msk [tilespmem:v8+s18+$0x0], $0xffff;
	_ =	sdelay $0x1  }
0x1ac: {  	v6 =	vor.u32 v11, v2  }
0x1ad: {  	v3 =	vor.u32 v10, v3;
	_ =	sdelay $0x1  }
0x1ae: {  	v1 =	vmul.f32 v1, v5;
	_ =	sdelay $0x1  }
0x1af: {  	[tilespmem:v6+s16+$0x0] =	vst.idx.add.f32.msk $0xffff, v1  }
0x1b0: {  	v1 =	vld.idx.msk [tilespmem:v3+s18+$0x0], $0xffff;
	_ =	sdelay $0x1  }
0x1b1: {  	s0 =	sadd.s32 $0x4, s2;
	v2 =	vor.u32 v10, v2  }
0x1b2: {  	v3 =	vmov s0;
	_ =	sdelay $0x1  }
0x1b3: {  	v1 =	vmul.f32 v1, v5  }
0x1b4: {  	v5 =	vshll.u32 v3, $0x7  }
0x1b5: {  	[tilespmem:v2+s16+$0x0] =	vst.idx.add.f32.msk $0xffff, v1;
	v1 =	vor.u32 v0, v5  }
0x1b6: {  	v2 =	vld.idx.msk [tilespmem:v3+s22+$0x0], $0xffff;
	_ =	sdelay $0x2  }
0x1b7: {  	v3 =	vld.idx.msk [tilespmem:v3+s21+$0x0], $0xffff  }
0x1b8: {  	v1 =	vld.idx.msk [tilespmem:v1+s18+$0x0], $0xffff  }
0x1b9: {  	v2 =	vshll.u32 v2, $0x7  }
0x1ba: {  	v6 =	vor.u32 v0, v2  }
0x1bb: {  	v8 =	vor.u32 v25, v5;
	_ =	sdelay $0x1  }
0x1bc: {  	v1 =	vmul.f32 v1, v3;
	_ =	sdelay $0x1  }
0x1bd: {  	[tilespmem:v6+s16+$0x0] =	vst.idx.add.f32.msk $0xffff, v1  }
0x1be: {  	v1 =	vld.idx.msk [tilespmem:v8+s18+$0x0], $0xffff;
	_ =	sdelay $0x1  }
0x1bf: {  	v6 =	vor.u32 v25, v2  }
0x1c0: {  	v8 =	vor.u32 v23, v5;
	_ =	sdelay $0x1  }
0x1c1: {  	v1 =	vmul.f32 v1, v3;
	_ =	sdelay $0x1  }
0x1c2: {  	[tilespmem:v6+s16+$0x0] =	vst.idx.add.f32.msk $0xffff, v1  }
0x1c3: {  	v1 =	vld.idx.msk [tilespmem:v8+s18+$0x0], $0xffff;
	_ =	sdelay $0x1  }
0x1c4: {  	v6 =	vor.u32 v23, v2  }
0x1c5: {  	v8 =	vor.u32 v21, v5;
	_ =	sdelay $0x1  }
0x1c6: {  	v1 =	vmul.f32 v1, v3;
	_ =	sdelay $0x1  }
0x1c7: {  	[tilespmem:v6+s16+$0x0] =	vst.idx.add.f32.msk $0xffff, v1  }
0x1c8: {  	v1 =	vld.idx.msk [tilespmem:v8+s18+$0x0], $0xffff;
	_ =	sdelay $0x1  }
0x1c9: {  	v6 =	vor.u32 v21, v2  }
0x1ca: {  	v8 =	vor.u32 v20, v5;
	_ =	sdelay $0x1  }
0x1cb: {  	v1 =	vmul.f32 v1, v3;
	_ =	sdelay $0x1  }
0x1cc: {  	[tilespmem:v6+s16+$0x0] =	vst.idx.add.f32.msk $0xffff, v1  }
0x1cd: {  	v1 =	vld.idx.msk [tilespmem:v8+s18+$0x0], $0xffff;
	_ =	sdelay $0x1  }
0x1ce: {  	v6 =	vor.u32 v20, v2  }
0x1cf: {  	v8 =	vor.u32 v15, v5;
	_ =	sdelay $0x1  }
0x1d0: {  	v1 =	vmul.f32 v1, v3;
	_ =	sdelay $0x1  }
0x1d1: {  	[tilespmem:v6+s16+$0x0] =	vst.idx.add.f32.msk $0xffff, v1  }
0x1d2: {  	v1 =	vld.idx.msk [tilespmem:v8+s18+$0x0], $0xffff;
	_ =	sdelay $0x1  }
0x1d3: {  	v6 =	vor.u32 v15, v2  }
0x1d4: {  	v8 =	vor.u32 v11, v5;
	_ =	sdelay $0x1  }
0x1d5: {  	v1 =	vmul.f32 v1, v3;
	_ =	sdelay $0x1  }
0x1d6: {  	[tilespmem:v6+s16+$0x0] =	vst.idx.add.f32.msk $0xffff, v1  }
0x1d7: {  	v1 =	vld.idx.msk [tilespmem:v8+s18+$0x0], $0xffff;
	_ =	sdelay $0x1  }
0x1d8: {  	v6 =	vor.u32 v11, v2  }
0x1d9: {  	v5 =	vor.u32 v10, v5;
	_ =	sdelay $0x1  }
0x1da: {  	v1 =	vmul.f32 v1, v3;
	_ =	sdelay $0x1  }
0x1db: {  	[tilespmem:v6+s16+$0x0] =	vst.idx.add.f32.msk $0xffff, v1  }
0x1dc: {  	v1 =	vld.idx.msk [tilespmem:v5+s18+$0x0], $0xffff;
	_ =	sdelay $0x1  }
0x1dd: {  	s0 =	sadd.s32 $0x5, s2;
	v2 =	vor.u32 v10, v2  }
0x1de: {  	v5 =	vmov s0;
	_ =	sdelay $0x1  }
0x1df: {  	v1 =	vmul.f32 v1, v3  }
0x1e0: {  	v3 =	vshll.u32 v5, $0x7  }
0x1e1: {  	[tilespmem:v2+s16+$0x0] =	vst.idx.add.f32.msk $0xffff, v1;
	v1 =	vor.u32 v0, v3  }
0x1e2: {  	v2 =	vld.idx.msk [tilespmem:v5+s22+$0x0], $0xffff;
	_ =	sdelay $0x2  }
0x1e3: {  	v5 =	vld.idx.msk [tilespmem:v5+s21+$0x0], $0xffff  }
0x1e4: {  	v1 =	vld.idx.msk [tilespmem:v1+s18+$0x0], $0xffff  }
0x1e5: {  	v2 =	vshll.u32 v2, $0x7  }
0x1e6: {  	v6 =	vor.u32 v0, v2  }
0x1e7: {  	v8 =	vor.u32 v25, v3;
	_ =	sdelay $0x1  }
0x1e8: {  	v1 =	vmul.f32 v1, v5;
	_ =	sdelay $0x1  }
0x1e9: {  	[tilespmem:v6+s16+$0x0] =	vst.idx.add.f32.msk $0xffff, v1  }
0x1ea: {  	v1 =	vld.idx.msk [tilespmem:v8+s18+$0x0], $0xffff;
	_ =	sdelay $0x1  }
0x1eb: {  	v6 =	vor.u32 v25, v2  }
0x1ec: {  	v8 =	vor.u32 v23, v3;
	_ =	sdelay $0x1  }
0x1ed: {  	v1 =	vmul.f32 v1, v5;
	_ =	sdelay $0x1  }
0x1ee: {  	[tilespmem:v6+s16+$0x0] =	vst.idx.add.f32.msk $0xffff, v1  }
0x1ef: {  	v1 =	vld.idx.msk [tilespmem:v8+s18+$0x0], $0xffff;
	_ =	sdelay $0x1  }
0x1f0: {  	v6 =	vor.u32 v23, v2  }
0x1f1: {  	v8 =	vor.u32 v21, v3;
	_ =	sdelay $0x1  }
0x1f2: {  	v1 =	vmul.f32 v1, v5;
	_ =	sdelay $0x1  }
0x1f3: {  	[tilespmem:v6+s16+$0x0] =	vst.idx.add.f32.msk $0xffff, v1  }
0x1f4: {  	v1 =	vld.idx.msk [tilespmem:v8+s18+$0x0], $0xffff;
	_ =	sdelay $0x1  }
0x1f5: {  	v6 =	vor.u32 v21, v2  }
0x1f6: {  	v8 =	vor.u32 v20, v3;
	_ =	sdelay $0x1  }
0x1f7: {  	v1 =	vmul.f32 v1, v5;
	_ =	sdelay $0x1  }
0x1f8: {  	[tilespmem:v6+s16+$0x0] =	vst.idx.add.f32.msk $0xffff, v1  }
0x1f9: {  	v1 =	vld.idx.msk [tilespmem:v8+s18+$0x0], $0xffff;
	_ =	sdelay $0x1  }
0x1fa: {  	v6 =	vor.u32 v20, v2  }
0x1fb: {  	v8 =	vor.u32 v15, v3;
	_ =	sdelay $0x1  }
0x1fc: {  	v1 =	vmul.f32 v1, v5;
	_ =	sdelay $0x1  }
0x1fd: {  	[tilespmem:v6+s16+$0x0] =	vst.idx.add.f32.msk $0xffff, v1  }
0x1fe: {  	v1 =	vld.idx.msk [tilespmem:v8+s18+$0x0], $0xffff;
	_ =	sdelay $0x1  }
0x1ff: {  	v6 =	vor.u32 v15, v2  }
0x200: {  	v8 =	vor.u32 v11, v3;
	_ =	sdelay $0x1  }
0x201: {  	v1 =	vmul.f32 v1, v5;
	_ =	sdelay $0x1  }
0x202: {  	[tilespmem:v6+s16+$0x0] =	vst.idx.add.f32.msk $0xffff, v1  }
0x203: {  	v1 =	vld.idx.msk [tilespmem:v8+s18+$0x0], $0xffff;
	_ =	sdelay $0x1  }
0x204: {  	v6 =	vor.u32 v11, v2  }
0x205: {  	v3 =	vor.u32 v10, v3;
	_ =	sdelay $0x1  }
0x206: {  	v1 =	vmul.f32 v1, v5;
	_ =	sdelay $0x1  }
0x207: {  	[tilespmem:v6+s16+$0x0] =	vst.idx.add.f32.msk $0xffff, v1  }
0x208: {  	v1 =	vld.idx.msk [tilespmem:v3+s18+$0x0], $0xffff;
	_ =	sdelay $0x1  }
0x209: {  	s0 =	sadd.s32 $0x6, s2;
	v2 =	vor.u32 v10, v2  }
0x20a: {  	v3 =	vmov s0;
	_ =	sdelay $0x1  }
0x20b: {  	v1 =	vmul.f32 v1, v5  }
0x20c: {  	v5 =	vshll.u32 v3, $0x7  }
0x20d: {  	[tilespmem:v2+s16+$0x0] =	vst.idx.add.f32.msk $0xffff, v1;
	v1 =	vor.u32 v0, v5  }
0x20e: {  	v2 =	vld.idx.msk [tilespmem:v3+s22+$0x0], $0xffff;
	_ =	sdelay $0x2  }
0x20f: {  	v3 =	vld.idx.msk [tilespmem:v3+s21+$0x0], $0xffff  }
0x210: {  	v1 =	vld.idx.msk [tilespmem:v1+s18+$0x0], $0xffff  }
0x211: {  	v2 =	vshll.u32 v2, $0x7  }
0x212: {  	v6 =	vor.u32 v0, v2  }
0x213: {  	v8 =	vor.u32 v25, v5;
	_ =	sdelay $0x1  }
0x214: {  	v1 =	vmul.f32 v1, v3;
	_ =	sdelay $0x1  }
0x215: {  	[tilespmem:v6+s16+$0x0] =	vst.idx.add.f32.msk $0xffff, v1  }
0x216: {  	v1 =	vld.idx.msk [tilespmem:v8+s18+$0x0], $0xffff;
	_ =	sdelay $0x1  }
0x217: {  	v6 =	vor.u32 v25, v2  }
0x218: {  	v8 =	vor.u32 v23, v5;
	_ =	sdelay $0x1  }
0x219: {  	v1 =	vmul.f32 v1, v3;
	_ =	sdelay $0x1  }
0x21a: {  	[tilespmem:v6+s16+$0x0] =	vst.idx.add.f32.msk $0xffff, v1  }
0x21b: {  	v1 =	vld.idx.msk [tilespmem:v8+s18+$0x0], $0xffff;
	_ =	sdelay $0x1  }
0x21c: {  	v6 =	vor.u32 v23, v2  }
0x21d: {  	v8 =	vor.u32 v21, v5;
	_ =	sdelay $0x1  }
0x21e: {  	v1 =	vmul.f32 v1, v3;
	_ =	sdelay $0x1  }
0x21f: {  	[tilespmem:v6+s16+$0x0] =	vst.idx.add.f32.msk $0xffff, v1  }
0x220: {  	v1 =	vld.idx.msk [tilespmem:v8+s18+$0x0], $0xffff;
	_ =	sdelay $0x1  }
0x221: {  	v6 =	vor.u32 v21, v2  }
0x222: {  	v8 =	vor.u32 v20, v5;
	_ =	sdelay $0x1  }
0x223: {  	v1 =	vmul.f32 v1, v3;
	_ =	sdelay $0x1  }
0x224: {  	[tilespmem:v6+s16+$0x0] =	vst.idx.add.f32.msk $0xffff, v1  }
0x225: {  	v1 =	vld.idx.msk [tilespmem:v8+s18+$0x0], $0xffff;
	_ =	sdelay $0x1  }
0x226: {  	v6 =	vor.u32 v20, v2  }
0x227: {  	v8 =	vor.u32 v15, v5;
	_ =	sdelay $0x1  }
0x228: {  	v1 =	vmul.f32 v1, v3;
	_ =	sdelay $0x1  }
0x229: {  	[tilespmem:v6+s16+$0x0] =	vst.idx.add.f32.msk $0xffff, v1  }
0x22a: {  	v1 =	vld.idx.msk [tilespmem:v8+s18+$0x0], $0xffff;
	_ =	sdelay $0x1  }
0x22b: {  	v6 =	vor.u32 v15, v2  }
0x22c: {  	v8 =	vor.u32 v11, v5;
	_ =	sdelay $0x1  }
0x22d: {  	v1 =	vmul.f32 v1, v3;
	_ =	sdelay $0x1  }
0x22e: {  	[tilespmem:v6+s16+$0x0] =	vst.idx.add.f32.msk $0xffff, v1  }
0x22f: {  	v1 =	vld.idx.msk [tilespmem:v8+s18+$0x0], $0xffff;
	_ =	sdelay $0x1  }
0x230: {  	v6 =	vor.u32 v11, v2  }
0x231: {  	v5 =	vor.u32 v10, v5;
	_ =	sdelay $0x1  }
0x232: {  	v1 =	vmul.f32 v1, v3;
	_ =	sdelay $0x1  }
0x233: {  	[tilespmem:v6+s16+$0x0] =	vst.idx.add.f32.msk $0xffff, v1  }
0x234: {  	v1 =	vld.idx.msk [tilespmem:v5+s18+$0x0], $0xffff;
	_ =	sdelay $0x1  }
0x235: {  	s0 =	sadd.s32 $0x7, s2;
	v2 =	vor.u32 v10, v2  }
0x236: {  	v5 =	vmov s0;
	_ =	sdelay $0x1  }
0x237: {  	v1 =	vmul.f32 v1, v3  }
0x238: {  	v3 =	vshll.u32 v5, $0x7  }
0x239: {  	[tilespmem:v2+s16+$0x0] =	vst.idx.add.f32.msk $0xffff, v1;
	v1 =	vor.u32 v0, v3  }
0x23a: {  	v2 =	vld.idx.msk [tilespmem:v5+s22+$0x0], $0xffff;
	_ =	sdelay $0x2  }
0x23b: {  	v5 =	vld.idx.msk [tilespmem:v5+s21+$0x0], $0xffff  }
0x23c: {  	v1 =	vld.idx.msk [tilespmem:v1+s18+$0x0], $0xffff  }
0x23d: {  	v2 =	vshll.u32 v2, $0x7  }
0x23e: {  	v6 =	vor.u32 v0, v2  }
0x23f: {  	v8 =	vor.u32 v25, v3;
	_ =	sdelay $0x1  }
0x240: {  	v1 =	vmul.f32 v1, v5;
	_ =	sdelay $0x1  }
0x241: {  	[tilespmem:v6+s16+$0x0] =	vst.idx.add.f32.msk $0xffff, v1  }
0x242: {  	v1 =	vld.idx.msk [tilespmem:v8+s18+$0x0], $0xffff;
	_ =	sdelay $0x1  }
0x243: {  	v6 =	vor.u32 v25, v2  }
0x244: {  	v8 =	vor.u32 v23, v3;
	_ =	sdelay $0x1  }
0x245: {  	v1 =	vmul.f32 v1, v5;
	_ =	sdelay $0x1  }
0x246: {  	[tilespmem:v6+s16+$0x0] =	vst.idx.add.f32.msk $0xffff, v1  }
0x247: {  	v1 =	vld.idx.msk [tilespmem:v8+s18+$0x0], $0xffff;
	_ =	sdelay $0x1  }
0x248: {  	v6 =	vor.u32 v23, v2  }
0x249: {  	v8 =	vor.u32 v21, v3;
	_ =	sdelay $0x1  }
0x24a: {  	v1 =	vmul.f32 v1, v5;
	_ =	sdelay $0x1  }
0x24b: {  	[tilespmem:v6+s16+$0x0] =	vst.idx.add.f32.msk $0xffff, v1  }
0x24c: {  	v1 =	vld.idx.msk [tilespmem:v8+s18+$0x0], $0xffff;
	_ =	sdelay $0x1  }
0x24d: {  	v6 =	vor.u32 v21, v2  }
0x24e: {  	v8 =	vor.u32 v20, v3;
	_ =	sdelay $0x1  }
0x24f: {  	v1 =	vmul.f32 v1, v5;
	_ =	sdelay $0x1  }
0x250: {  	[tilespmem:v6+s16+$0x0] =	vst.idx.add.f32.msk $0xffff, v1  }
0x251: {  	v1 =	vld.idx.msk [tilespmem:v8+s18+$0x0], $0xffff;
	_ =	sdelay $0x1  }
0x252: {  	v6 =	vor.u32 v20, v2  }
0x253: {  	v8 =	vor.u32 v15, v3;
	_ =	sdelay $0x1  }
0x254: {  	v1 =	vmul.f32 v1, v5;
	_ =	sdelay $0x1  }
0x255: {  	[tilespmem:v6+s16+$0x0] =	vst.idx.add.f32.msk $0xffff, v1  }
0x256: {  	v1 =	vld.idx.msk [tilespmem:v8+s18+$0x0], $0xffff;
	_ =	sdelay $0x1  }
0x257: {  	v6 =	vor.u32 v15, v2  }
0x258: {  	v8 =	vor.u32 v11, v3;
	_ =	sdelay $0x1  }
0x259: {  	v1 =	vmul.f32 v1, v5;
	_ =	sdelay $0x1  }
0x25a: {  	[tilespmem:v6+s16+$0x0] =	vst.idx.add.f32.msk $0xffff, v1  }
0x25b: {  	v1 =	vld.idx.msk [tilespmem:v8+s18+$0x0], $0xffff;
	_ =	sdelay $0x1  }
0x25c: {  	v6 =	vor.u32 v11, v2  }
0x25d: {  	v3 =	vor.u32 v10, v3;
	_ =	sdelay $0x1  }
0x25e: {  	v1 =	vmul.f32 v1, v5;
	_ =	sdelay $0x1  }
0x25f: {  	[tilespmem:v6+s16+$0x0] =	vst.idx.add.f32.msk $0xffff, v1  }
0x260: {  	v1 =	vld.idx.msk [tilespmem:v3+s18+$0x0], $0xffff;
	_ =	sdelay $0x1  }
0x261: {  	p0 =	slt.u32 s2, $0x38;
	v2 =	vor.u32 v10, v2  }
.Ltmp1:
0x262: {  	_ = 	snop;
	(pc) =	sbr.rel @p0 .LBB2_5-.Ltmp1, $3  }
0x263: {  	_ = 	snop  }
0x264: {  	v1 =	vmul.f32 v1, v5;
	_ =	sdelay $0x1  }
0x265: {  	s2 =	sadd.s32 $0x8, s2;
	[tilespmem:v2+s16+$0x0] =	vst.idx.add.f32.msk $0xffff, v1  }
0x266: {  	s31 =	sadd.s32 $0x1, s31  }
0x267: {  	p0 =	sne.s32 s31, $0xE0  }
.Ltmp2:
0x268: {  	_ = 	snop;
	(pc) =	sbr.rel @p0 .LBB2_4-.Ltmp2, $1  }
0x269: {  	_ =	sdelay $0x3  }
0x26a: {  	v1 =	vld [tilespmem:$0x1FE90];
	_ =	sdelay $0x4  }
0x26b: {  	[tilespmem:$0x0] =	vst v1;
	v1 =	vld [tilespmem:$0x1FEC0];
	_ =	sdelay $0x4  }
0x26c: {  	[tilespmem:$0x10] =	vst v1;
	v1 =	vld [tilespmem:$0x1FED0];
	_ =	sdelay $0x4  }
0x26d: {  	[tilespmem:$0x20] =	vst v1;
	v1 =	vld [tilespmem:$0x1FF20];
	_ =	sdelay $0x3  }
0x26e: {  	v2 =	vld [tilespmem:$0x1FEB0]  }
0x26f: {  	[tilespmem:$0x30] =	vst v1;
	v1 =	vld [tilespmem:$0x1FEA0];
	_ =	sdelay $0x4  }
0x270: {  	s2 =	simm.s32 $0x0  }
0x271: {  	[tilespmem:s18], [sflag:$0x1] =	stream.indirect.gather [hbm4b:s1+s17], $0x80, s2, s17, $0xb8;
	[tilespmem:$0x11A90] =	vst v63  }
0x272: {  	v2 =	vld.idx.msk [tilespmem:v2+s14+$0x0], $0xffff  }
0x273: {  	v1 =	vld.idx.msk [tilespmem:v1+s14+$0x0], $0xffff;
	_ =	sdelay $0x4  }
0x274: {  	v1 =	vadd.f32 v2, v1;
	_ =	sdelay $0x1  }
0x275: {  	v2 =	vmul.f32 $2.000000030e-01, v1  }
0x276: {  	vm1 =	vge.f32 v1, $0.0e+00  }
0x277: {  	v1 =	vsel vm1, v1, v2  }
0x278: {  	v1 =	vmul.f32 $1.442695020e+00, v1;
	_ =	sdelay $0x1  }
0x279: {  	(erf) = vpow2.f32 v1;
	_ =	sdelay $0x4  }
0x27a: {  	v1 =	vld [tilespmem:$0x7100];
	_ =	sdelay $0x3  }
0x27b: {  	v2 =	vpop (erf)  }
0x27c: {  	v1 =	vadd.f32 v2, v1;
	_ =	sdelay $0x1  }
0x27d: {  	v1 =	vadd.f32 $1.000000020e-16, v1;
	_ =	sdelay $0x1  }
0x27e: {  	(erf) = vrcp.f32 v1;
	_ =	sdelay $0x8  }
0x27f: {  	[tilespmem:$0x20C0] =	vst v2;
	v2 =	vld [tilespmem:$0x1FEF0];
	v1 =	vpop (erf)  }
0x280: {  	[tilespmem:$0x7250] =	vst v1;
	v1 =	vld [tilespmem:$0x1FEE0];
	_ =	sdelay $0x6  }
0x281: {  	v2 =	vld.idx.msk [tilespmem:v2+s14+$0x0], $0xffff  }
0x282: {  	v1 =	vld.idx.msk [tilespmem:v1+s14+$0x0], $0xffff;
	_ =	sdelay $0x4  }
0x283: {  	v1 =	vadd.f32 v2, v1;
	_ =	sdelay $0x1  }
0x284: {  	v2 =	vmul.f32 $2.000000030e-01, v1  }
0x285: {  	vm1 =	vge.f32 v1, $0.0e+00  }
0x286: {  	v1 =	vsel vm1, v1, v2  }
0x287: {  	v1 =	vmul.f32 $1.442695020e+00, v1;
	_ =	sdelay $0x1  }
0x288: {  	(erf) = vpow2.f32 v1;
	_ =	sdelay $0x4  }
0x289: {  	v1 =	vld [tilespmem:$0x7110];
	_ =	sdelay $0x3  }
0x28a: {  	v2 =	vpop (erf)  }
0x28b: {  	v1 =	vadd.f32 v2, v1;
	_ =	sdelay $0x1  }
0x28c: {  	v1 =	vadd.f32 $1.000000020e-16, v1;
	_ =	sdelay $0x1  }
0x28d: {  	(erf) = vrcp.f32 v1;
	_ =	sdelay $0x8  }
0x28e: {  	[tilespmem:$0x20D0] =	vst v2;
	v2 =	vld [tilespmem:$0x1FF10];
	v1 =	vpop (erf)  }
0x28f: {  	[tilespmem:$0x7260] =	vst v1;
	v1 =	vld [tilespmem:$0x1FF00];
	_ =	sdelay $0x6  }
0x290: {  	v2 =	vld.idx.msk [tilespmem:v2+s14+$0x0], $0xffff  }
0x291: {  	v1 =	vld.idx.msk [tilespmem:v1+s14+$0x0], $0xffff;
	_ =	sdelay $0x4  }
0x292: {  	v1 =	vadd.f32 v2, v1;
	_ =	sdelay $0x1  }
0x293: {  	v2 =	vmul.f32 $2.000000030e-01, v1  }
0x294: {  	vm1 =	vge.f32 v1, $0.0e+00  }
0x295: {  	v1 =	vsel vm1, v1, v2  }
0x296: {  	v1 =	vmul.f32 $1.442695020e+00, v1;
	_ =	sdelay $0x1  }
0x297: {  	(erf) = vpow2.f32 v1;
	_ =	sdelay $0x4  }
0x298: {  	v1 =	vld [tilespmem:$0x7120];
	_ =	sdelay $0x3  }
0x299: {  	v2 =	vpop (erf)  }
0x29a: {  	v1 =	vadd.f32 v2, v1;
	_ =	sdelay $0x1  }
0x29b: {  	v1 =	vadd.f32 $1.000000020e-16, v1;
	_ =	sdelay $0x1  }
0x29c: {  	(erf) = vrcp.f32 v1;
	_ =	sdelay $0x8  }
0x29d: {  	[tilespmem:$0x20E0] =	vst v2;
	v2 =	vld [tilespmem:$0x1FF40];
	v1 =	vpop (erf)  }
0x29e: {  	[tilespmem:$0x7270] =	vst v1;
	v1 =	vld [tilespmem:$0x1FF30];
	_ =	sdelay $0x6  }
0x29f: {  	v2 =	vld.idx.msk [tilespmem:v2+s14+$0x0], $0xffff  }
0x2a0: {  	v1 =	vld.idx.msk [tilespmem:v1+s14+$0x0], $0xffff;
	_ =	sdelay $0x4  }
0x2a1: {  	v1 =	vadd.f32 v2, v1;
	_ =	sdelay $0x1  }
0x2a2: {  	v2 =	vmul.f32 $2.000000030e-01, v1  }
0x2a3: {  	vm1 =	vge.f32 v1, $0.0e+00  }
0x2a4: {  	v1 =	vsel vm1, v1, v2  }
0x2a5: {  	v1 =	vmul.f32 $1.442695020e+00, v1;
	_ =	sdelay $0x1  }
0x2a6: {  	(erf) = vpow2.f32 v1;
	_ =	sdelay $0x4  }
0x2a7: {  	v1 =	vld [tilespmem:$0x7130];
	_ =	sdelay $0x3  }
0x2a8: {  	v2 =	vpop (erf)  }
0x2a9: {  	v1 =	vadd.f32 v2, v1;
	_ =	sdelay $0x1  }
0x2aa: {  	v1 =	vadd.f32 $1.000000020e-16, v1;
	_ =	sdelay $0x1  }
0x2ab: {  	(erf) = vrcp.f32 v1;
	_ =	sdelay $0x7  }
0x2ac: {  	v1 =	vmov s2  }
0x2ad: {  	[tilespmem:$0x20F0] =	vst v2;
	v3 =	vshll.u32 v1, $0x7;
	v2 =	vpop (erf)  }
0x2ae: {  	[tilespmem:$0x7280] =	vst v2;
	v2 =	vor.u32 v0, v3  }
0x2af: {  	_ =	swait.ge [sflag:s20], $0x2000  }
0x2b0: {  	[sflag:s20] =	ssyncset.done $0x0  }
0x2b1: {  	[sflag:s20] =	ssyncadd.s32 $0xFFFFE000  }
0x2b2: {  	v6 =	vld.idx.msk [tilespmem:v1+s21+$0x0], $0xffff  }
0x2b3: {  	v5 =	vld.idx.msk [tilespmem:v2+s18+$0x0], $0xffff;
	_ =	sdelay $0x1  }
0x2b4: {  	v8 =	vld.idx.msk [tilespmem:v2+s16+$0x0], $0xffff;
	_ =	sdelay $0x1  }
0x2b5: {  	v9 =	vld.idx.msk [tilespmem:v1+s23+$0x0], $0xffff  }
0x2b6: {  	v1 =	vmul.f32 v5, v6;
	_ =	sdelay $0x1  }
0x2b7: {  	v5 =	vor.u32 v25, v3;
	v1 =	vadd.f32 v1, v8;
	_ =	sdelay $0x1  }
0x2b8: {  	v1 =	vmul.f32 v1, v9;
	_ =	sdelay $0x1  }
0x2b9: {  	[tilespmem:v2+s16+$0x0] =	vst.idx.msk $0xffff, v1  }
0x2ba: {  	v1 =	vld.idx.msk [tilespmem:v5+s18+$0x0], $0xffff;
	_ =	sdelay $0x1  }
0x2bb: {  	v2 =	vld.idx.msk [tilespmem:v5+s16+$0x0], $0xffff;
	_ =	sdelay $0x2  }
0x2bc: {  	v1 =	vmul.f32 v1, v6;
	_ =	sdelay $0x1  }
0x2bd: {  	v1 =	vadd.f32 v1, v2;
	v2 =	vor.u32 v23, v3;
	_ =	sdelay $0x1  }
0x2be: {  	v1 =	vmul.f32 v1, v9;
	_ =	sdelay $0x1  }
0x2bf: {  	[tilespmem:v5+s16+$0x0] =	vst.idx.msk $0xffff, v1  }
0x2c0: {  	v1 =	vld.idx.msk [tilespmem:v2+s18+$0x0], $0xffff;
	_ =	sdelay $0x1  }
0x2c1: {  	v5 =	vld.idx.msk [tilespmem:v2+s16+$0x0], $0xffff;
	_ =	sdelay $0x2  }
0x2c2: {  	v1 =	vmul.f32 v1, v6;
	_ =	sdelay $0x1  }
0x2c3: {  	v1 =	vadd.f32 v1, v5;
	v5 =	vor.u32 v21, v3;
	_ =	sdelay $0x1  }
0x2c4: {  	v1 =	vmul.f32 v1, v9;
	_ =	sdelay $0x1  }
0x2c5: {  	[tilespmem:v2+s16+$0x0] =	vst.idx.msk $0xffff, v1  }
0x2c6: {  	v1 =	vld.idx.msk [tilespmem:v5+s18+$0x0], $0xffff;
	_ =	sdelay $0x1  }
0x2c7: {  	v2 =	vld.idx.msk [tilespmem:v5+s16+$0x0], $0xffff;
	_ =	sdelay $0x2  }
0x2c8: {  	v1 =	vmul.f32 v1, v6;
	_ =	sdelay $0x1  }
0x2c9: {  	v1 =	vadd.f32 v1, v2;
	v2 =	vor.u32 v20, v3;
	_ =	sdelay $0x1  }
0x2ca: {  	v1 =	vmul.f32 v1, v9;
	_ =	sdelay $0x1  }
0x2cb: {  	[tilespmem:v5+s16+$0x0] =	vst.idx.msk $0xffff, v1  }
0x2cc: {  	v1 =	vld.idx.msk [tilespmem:v2+s18+$0x0], $0xffff;
	_ =	sdelay $0x1  }
0x2cd: {  	v5 =	vld.idx.msk [tilespmem:v2+s16+$0x0], $0xffff;
	_ =	sdelay $0x2  }
0x2ce: {  	v1 =	vmul.f32 v1, v6;
	_ =	sdelay $0x1  }
0x2cf: {  	v1 =	vadd.f32 v1, v5;
	v5 =	vor.u32 v15, v3;
	_ =	sdelay $0x1  }
0x2d0: {  	v1 =	vmul.f32 v1, v9;
	_ =	sdelay $0x1  }
0x2d1: {  	[tilespmem:v2+s16+$0x0] =	vst.idx.msk $0xffff, v1  }
0x2d2: {  	v1 =	vld.idx.msk [tilespmem:v5+s18+$0x0], $0xffff;
	_ =	sdelay $0x1  }
0x2d3: {  	v2 =	vld.idx.msk [tilespmem:v5+s16+$0x0], $0xffff;
	_ =	sdelay $0x2  }
0x2d4: {  	v1 =	vmul.f32 v1, v6;
	_ =	sdelay $0x1  }
0x2d5: {  	v1 =	vadd.f32 v1, v2;
	v2 =	vor.u32 v11, v3;
	_ =	sdelay $0x1  }
0x2d6: {  	v1 =	vmul.f32 v1, v9;
	_ =	sdelay $0x1  }
0x2d7: {  	[tilespmem:v5+s16+$0x0] =	vst.idx.msk $0xffff, v1  }
0x2d8: {  	v1 =	vld.idx.msk [tilespmem:v2+s18+$0x0], $0xffff;
	_ =	sdelay $0x1  }
0x2d9: {  	v5 =	vld.idx.msk [tilespmem:v2+s16+$0x0], $0xffff;
	_ =	sdelay $0x2  }
0x2da: {  	v1 =	vmul.f32 v1, v6;
	_ =	sdelay $0x1  }
0x2db: {  	v1 =	vadd.f32 v1, v5;
	v5 =	vor.u32 v10, v3;
	_ =	sdelay $0x1  }
0x2dc: {  	v1 =	vmul.f32 v1, v9;
	_ =	sdelay $0x1  }
0x2dd: {  	[tilespmem:v2+s16+$0x0] =	vst.idx.msk $0xffff, v1  }
0x2de: {  	v1 =	vld.idx.msk [tilespmem:v5+s18+$0x0], $0xffff;
	_ =	sdelay $0x1  }
0x2df: {  	v2 =	vld.idx.msk [tilespmem:v5+s16+$0x0], $0xffff;
	_ =	sdelay $0x2  }
0x2e0: {  	s0 =	simm.s32 $0x1;
	v1 =	vmul.f32 v1, v6  }
0x2e1: {  	v8 =	vmov s0  }
0x2e2: {  	v2 =	vadd.f32 v1, v2;
	v1 =	vshll.u32 v8, $0x7  }
0x2e3: {  	v6 =	vor.u32 v0, v1  }
0x2e4: {  	s2 =	simm.s32 $0x2;
	v2 =	vmul.f32 v2, v9  }
.LBB2_8:
0x2e5: {  	_ = 	snop  }
0x2e6: {  	p0 =	sne.s32 s2, $0x3F;
	s30 =	smov.u32 s2;
	s2 =	sadd.s32 $0x1, s2;
	[tilespmem:v5+s16+$0x0] =	vst.idx.msk $0xffff, v2  }
0x2e7: {  	v3 =	vld.idx.msk [tilespmem:v8+s21+$0x0], $0xffff  }
0x2e8: {  	v5 =	vld.idx.msk [tilespmem:v6+s18+$0x0], $0xffff;
	_ =	sdelay $0x1  }
0x2e9: {  	v9 =	vld.idx.msk [tilespmem:v6+s16+$0x0], $0xffff;
	_ =	sdelay $0x1  }
0x2ea: {  	v2 =	vld.idx.msk [tilespmem:v8+s23+$0x0], $0xffff;
	_ =	sdelay $0x1  }
0x2eb: {  	v5 =	vmul.f32 v5, v3;
	_ =	sdelay $0x1  }
0x2ec: {  	v8 =	vor.u32 v25, v1;
	v5 =	vadd.f32 v5, v9;
	_ =	sdelay $0x1  }
0x2ed: {  	v5 =	vmul.f32 v5, v2;
	_ =	sdelay $0x1  }
0x2ee: {  	[tilespmem:v6+s16+$0x0] =	vst.idx.msk $0xffff, v5  }
0x2ef: {  	v5 =	vld.idx.msk [tilespmem:v8+s18+$0x0], $0xffff;
	_ =	sdelay $0x1  }
0x2f0: {  	v6 =	vld.idx.msk [tilespmem:v8+s16+$0x0], $0xffff;
	_ =	sdelay $0x3  }
0x2f1: {  	v5 =	vmul.f32 v5, v3;
	_ =	sdelay $0x1  }
0x2f2: {  	v5 =	vadd.f32 v5, v6;
	v6 =	vor.u32 v23, v1;
	_ =	sdelay $0x1  }
0x2f3: {  	v5 =	vmul.f32 v5, v2;
	_ =	sdelay $0x1  }
0x2f4: {  	[tilespmem:v8+s16+$0x0] =	vst.idx.msk $0xffff, v5  }
0x2f5: {  	v5 =	vld.idx.msk [tilespmem:v6+s18+$0x0], $0xffff;
	_ =	sdelay $0x1  }
0x2f6: {  	v8 =	vld.idx.msk [tilespmem:v6+s16+$0x0], $0xffff;
	_ =	sdelay $0x3  }
0x2f7: {  	v5 =	vmul.f32 v5, v3;
	_ =	sdelay $0x1  }
0x2f8: {  	v5 =	vadd.f32 v5, v8;
	v8 =	vor.u32 v21, v1;
	_ =	sdelay $0x1  }
0x2f9: {  	v5 =	vmul.f32 v5, v2;
	_ =	sdelay $0x1  }
0x2fa: {  	[tilespmem:v6+s16+$0x0] =	vst.idx.msk $0xffff, v5  }
0x2fb: {  	v5 =	vld.idx.msk [tilespmem:v8+s18+$0x0], $0xffff;
	_ =	sdelay $0x1  }
0x2fc: {  	v6 =	vld.idx.msk [tilespmem:v8+s16+$0x0], $0xffff;
	_ =	sdelay $0x3  }
0x2fd: {  	v5 =	vmul.f32 v5, v3;
	_ =	sdelay $0x1  }
0x2fe: {  	v5 =	vadd.f32 v5, v6;
	v6 =	vor.u32 v20, v1;
	_ =	sdelay $0x1  }
0x2ff: {  	v5 =	vmul.f32 v5, v2;
	_ =	sdelay $0x1  }
0x300: {  	[tilespmem:v8+s16+$0x0] =	vst.idx.msk $0xffff, v5  }
0x301: {  	v5 =	vld.idx.msk [tilespmem:v6+s18+$0x0], $0xffff;
	_ =	sdelay $0x1  }
0x302: {  	v8 =	vld.idx.msk [tilespmem:v6+s16+$0x0], $0xffff;
	_ =	sdelay $0x3  }
0x303: {  	v5 =	vmul.f32 v5, v3;
	_ =	sdelay $0x1  }
0x304: {  	v5 =	vadd.f32 v5, v8;
	v8 =	vor.u32 v15, v1;
	_ =	sdelay $0x1  }
0x305: {  	v5 =	vmul.f32 v5, v2;
	_ =	sdelay $0x1  }
0x306: {  	[tilespmem:v6+s16+$0x0] =	vst.idx.msk $0xffff, v5  }
0x307: {  	v5 =	vld.idx.msk [tilespmem:v8+s18+$0x0], $0xffff  }
0x308: {  	v6 =	vld.idx.msk [tilespmem:v8+s16+$0x0], $0xffff;
	_ =	sdelay $0x4  }
0x309: {  	v5 =	vmul.f32 v5, v3;
	_ =	sdelay $0x1  }
0x30a: {  	v5 =	vadd.f32 v5, v6;
	v6 =	vor.u32 v11, v1;
	_ =	sdelay $0x1  }
0x30b: {  	v5 =	vmul.f32 v5, v2;
	_ =	sdelay $0x1  }
0x30c: {  	[tilespmem:v8+s16+$0x0] =	vst.idx.msk $0xffff, v5  }
0x30d: {  	v5 =	vld.idx.msk [tilespmem:v6+s18+$0x0], $0xffff  }
0x30e: {  	v8 =	vld.idx.msk [tilespmem:v6+s16+$0x0], $0xffff;
	_ =	sdelay $0x4  }
0x30f: {  	v5 =	vmul.f32 v5, v3;
	_ =	sdelay $0x1  }
0x310: {  	v8 =	vadd.f32 v5, v8;
	v5 =	vor.u32 v10, v1;
	_ =	sdelay $0x1  }
0x311: {  	v1 =	vmul.f32 v8, v2;
	_ =	sdelay $0x1  }
0x312: {  	[tilespmem:v6+s16+$0x0] =	vst.idx.msk $0xffff, v1  }
0x313: {  	v1 =	vld.idx.msk [tilespmem:v5+s18+$0x0], $0xffff  }
0x314: {  	v6 =	vld.idx.msk [tilespmem:v5+s16+$0x0], $0xffff;
	_ =	sdelay $0x4  }
.Ltmp3:
0x315: {  	v3 =	vmul.f32 v1, v3;
	(pc) =	sbr.rel @p0 .LBB2_8-.Ltmp3, $4  }
0x316: {  	v8 =	vmov s30  }
0x317: {  	v1 =	vshll.u32 v8, $0x7;
	v3 =	vadd.f32 v3, v6  }
0x318: {  	v6 =	vor.u32 v0, v1  }
0x319: {  	v2 =	vmul.f32 v3, v2  }
0x31a: {  	_ =	sdelay $0x3  }
0x31b: {  	[tilespmem:v5+s16+$0x0] =	vst.idx.msk $0xffff, v2  }
0x31c: {  	v2 =	vld.idx.msk [tilespmem:v8+s21+$0x0], $0xffff  }
0x31d: {  	v3 =	vld.idx.msk [tilespmem:v6+s18+$0x0], $0xffff;
	_ =	sdelay $0x1  }
0x31e: {  	v5 =	vld.idx.msk [tilespmem:v6+s16+$0x0], $0xffff;
	_ =	sdelay $0x1  }
0x31f: {  	v8 =	vld.idx.msk [tilespmem:v8+s23+$0x0], $0xffff  }
0x320: {  	v3 =	vmul.f32 v3, v2;
	_ =	sdelay $0x1  }
0x321: {  	v3 =	vadd.f32 v3, v5;
	v5 =	vor.u32 v25, v1;
	_ =	sdelay $0x1  }
0x322: {  	v3 =	vmul.f32 v3, v8;
	_ =	sdelay $0x1  }
0x323: {  	[tilespmem:v6+s16+$0x0] =	vst.idx.msk $0xffff, v3  }
0x324: {  	v3 =	vld.idx.msk [tilespmem:v5+s18+$0x0], $0xffff;
	_ =	sdelay $0x1  }
0x325: {  	v6 =	vld.idx.msk [tilespmem:v5+s16+$0x0], $0xffff;
	_ =	sdelay $0x2  }
0x326: {  	v3 =	vmul.f32 v3, v2;
	_ =	sdelay $0x1  }
0x327: {  	v3 =	vadd.f32 v3, v6;
	v6 =	vor.u32 v23, v1;
	_ =	sdelay $0x1  }
0x328: {  	v3 =	vmul.f32 v3, v8;
	_ =	sdelay $0x1  }
0x329: {  	[tilespmem:v5+s16+$0x0] =	vst.idx.msk $0xffff, v3  }
0x32a: {  	v3 =	vld.idx.msk [tilespmem:v6+s18+$0x0], $0xffff;
	_ =	sdelay $0x1  }
0x32b: {  	v5 =	vld.idx.msk [tilespmem:v6+s16+$0x0], $0xffff;
	_ =	sdelay $0x2  }
0x32c: {  	v3 =	vmul.f32 v3, v2;
	_ =	sdelay $0x1  }
0x32d: {  	v3 =	vadd.f32 v3, v5;
	v5 =	vor.u32 v21, v1;
	_ =	sdelay $0x1  }
0x32e: {  	v3 =	vmul.f32 v3, v8;
	_ =	sdelay $0x1  }
0x32f: {  	[tilespmem:v6+s16+$0x0] =	vst.idx.msk $0xffff, v3  }
0x330: {  	v3 =	vld.idx.msk [tilespmem:v5+s18+$0x0], $0xffff;
	_ =	sdelay $0x1  }
0x331: {  	v6 =	vld.idx.msk [tilespmem:v5+s16+$0x0], $0xffff;
	_ =	sdelay $0x2  }
0x332: {  	v3 =	vmul.f32 v3, v2;
	_ =	sdelay $0x1  }
0x333: {  	v3 =	vadd.f32 v3, v6;
	v6 =	vor.u32 v20, v1;
	_ =	sdelay $0x1  }
0x334: {  	v3 =	vmul.f32 v3, v8;
	_ =	sdelay $0x1  }
0x335: {  	[tilespmem:v5+s16+$0x0] =	vst.idx.msk $0xffff, v3  }
0x336: {  	v3 =	vld.idx.msk [tilespmem:v6+s18+$0x0], $0xffff;
	_ =	sdelay $0x1  }
0x337: {  	v5 =	vld.idx.msk [tilespmem:v6+s16+$0x0], $0xffff;
	_ =	sdelay $0x2  }
0x338: {  	v3 =	vmul.f32 v3, v2;
	_ =	sdelay $0x1  }
0x339: {  	v3 =	vadd.f32 v3, v5;
	v5 =	vor.u32 v15, v1;
	_ =	sdelay $0x1  }
0x33a: {  	v3 =	vmul.f32 v3, v8;
	_ =	sdelay $0x1  }
0x33b: {  	[tilespmem:v6+s16+$0x0] =	vst.idx.msk $0xffff, v3  }
0x33c: {  	v3 =	vld.idx.msk [tilespmem:v5+s18+$0x0], $0xffff;
	_ =	sdelay $0x1  }
0x33d: {  	v6 =	vld.idx.msk [tilespmem:v5+s16+$0x0], $0xffff;
	_ =	sdelay $0x2  }
0x33e: {  	v3 =	vmul.f32 v3, v2;
	_ =	sdelay $0x1  }
0x33f: {  	v3 =	vadd.f32 v3, v6;
	v6 =	vor.u32 v11, v1;
	_ =	sdelay $0x1  }
0x340: {  	v3 =	vmul.f32 v3, v8;
	_ =	sdelay $0x1  }
0x341: {  	[tilespmem:v5+s16+$0x0] =	vst.idx.msk $0xffff, v3  }
0x342: {  	v3 =	vld.idx.msk [tilespmem:v6+s18+$0x0], $0xffff;
	_ =	sdelay $0x1  }
0x343: {  	v5 =	vld.idx.msk [tilespmem:v6+s16+$0x0], $0xffff;
	_ =	sdelay $0x2  }
0x344: {  	v3 =	vmul.f32 v3, v2;
	_ =	sdelay $0x1  }
0x345: {  	v1 =	vor.u32 v10, v1;
	v3 =	vadd.f32 v3, v5;
	_ =	sdelay $0x1  }
0x346: {  	v3 =	vmul.f32 v3, v8;
	_ =	sdelay $0x1  }
0x347: {  	[tilespmem:v6+s16+$0x0] =	vst.idx.msk $0xffff, v3  }
0x348: {  	v3 =	vld.idx.msk [tilespmem:v1+s18+$0x0], $0xffff;
	_ =	sdelay $0x1  }
0x349: {  	v5 =	vld.idx.msk [tilespmem:v1+s16+$0x0], $0xffff;
	_ =	sdelay $0x2  }
0x34a: {  	v2 =	vmul.f32 v3, v2;
	_ =	sdelay $0x1  }
0x34b: {  	v2 =	vadd.f32 v2, v5;
	_ =	sdelay $0x1  }
0x34c: {  	v2 =	vmul.f32 v2, v8;
	_ =	sdelay $0x1  }
0x34d: {  	[tilespmem:v1+s16+$0x0] =	vst.idx.msk $0xffff, v2;
	v2 =	vld [tilespmem:$0x1FF50];
	_ =	sdelay $0x1  }
0x34e: {  	[tilespmem:$0x0] =	vst v13  }
0x34f: {  	[tilespmem:$0x10] =	vst v14  }
0x350: {  	[tilespmem:$0x20] =	vst v16  }
0x351: {  	s2 =	simm.s32 $0x0;
	[tilespmem:$0x30] =	vst v17  }
0x352: {  	[tilespmem:s18], [sflag:$0x1] =	stream.indirect.gather [hbm4b:s1+s17], $0x80, s2, s17, $0xb8;
	[tilespmem:$0x11A90] =	vst v63  }
0x353: {  	v1 =	vld.idx.msk [tilespmem:v18+s14+$0x0], $0xffff  }
0x354: {  	v2 =	vld.idx.msk [tilespmem:v2+s14+$0x0], $0xffff;
	_ =	sdelay $0x4  }
0x355: {  	v1 =	vadd.f32 v2, v1;
	_ =	sdelay $0x1  }
0x356: {  	v2 =	vmul.f32 $2.000000030e-01, v1  }
0x357: {  	vm1 =	vge.f32 v1, $0.0e+00  }
0x358: {  	v1 =	vsel vm1, v1, v2  }
0x359: {  	v1 =	vmul.f32 $1.442695020e+00, v1;
	_ =	sdelay $0x1  }
0x35a: {  	(erf) = vpow2.f32 v1;
	_ =	sdelay $0x4  }
0x35b: {  	v1 =	vld [tilespmem:$0x7140];
	_ =	sdelay $0x3  }
0x35c: {  	v2 =	vpop (erf)  }
0x35d: {  	v1 =	vadd.f32 v2, v1;
	_ =	sdelay $0x1  }
0x35e: {  	v1 =	vadd.f32 $1.000000020e-16, v1;
	_ =	sdelay $0x1  }
0x35f: {  	(erf) = vrcp.f32 v1;
	_ =	sdelay $0x3  }
0x360: {  	[tilespmem:$0x20C0] =	vst v2;
	v2 =	vld [tilespmem:$0x1FF60];
	_ =	sdelay $0x4  }
0x361: {  	v1 =	vpop (erf)  }
0x362: {  	[tilespmem:$0x7250] =	vst v1  }
0x363: {  	v1 =	vld.idx.msk [tilespmem:v19+s14+$0x0], $0xffff  }
0x364: {  	v2 =	vld.idx.msk [tilespmem:v2+s14+$0x0], $0xffff;
	_ =	sdelay $0x4  }
0x365: {  	v1 =	vadd.f32 v2, v1;
	_ =	sdelay $0x1  }
0x366: {  	v2 =	vmul.f32 $2.000000030e-01, v1  }
0x367: {  	vm1 =	vge.f32 v1, $0.0e+00  }
0x368: {  	v1 =	vsel vm1, v1, v2  }
0x369: {  	v1 =	vmul.f32 $1.442695020e+00, v1;
	_ =	sdelay $0x1  }
0x36a: {  	(erf) = vpow2.f32 v1;
	_ =	sdelay $0x4  }
0x36b: {  	v1 =	vld [tilespmem:$0x7150];
	_ =	sdelay $0x3  }
0x36c: {  	v2 =	vpop (erf)  }
0x36d: {  	v1 =	vadd.f32 v2, v1;
	_ =	sdelay $0x1  }
0x36e: {  	v1 =	vadd.f32 $1.000000020e-16, v1;
	_ =	sdelay $0x1  }
0x36f: {  	(erf) = vrcp.f32 v1;
	_ =	sdelay $0x3  }
0x370: {  	[tilespmem:$0x20D0] =	vst v2;
	v2 =	vld [tilespmem:$0x1FF70];
	_ =	sdelay $0x4  }
0x371: {  	v1 =	vpop (erf)  }
0x372: {  	[tilespmem:$0x7260] =	vst v1  }
0x373: {  	v1 =	vld.idx.msk [tilespmem:v22+s14+$0x0], $0xffff  }
0x374: {  	v2 =	vld.idx.msk [tilespmem:v2+s14+$0x0], $0xffff;
	_ =	sdelay $0x4  }
0x375: {  	v1 =	vadd.f32 v2, v1;
	_ =	sdelay $0x1  }
0x376: {  	v2 =	vmul.f32 $2.000000030e-01, v1  }
0x377: {  	vm1 =	vge.f32 v1, $0.0e+00  }
0x378: {  	v1 =	vsel vm1, v1, v2  }
0x379: {  	v1 =	vmul.f32 $1.442695020e+00, v1;
	_ =	sdelay $0x1  }
0x37a: {  	(erf) = vpow2.f32 v1;
	_ =	sdelay $0x4  }
0x37b: {  	v1 =	vld [tilespmem:$0x7160];
	_ =	sdelay $0x3  }
0x37c: {  	v2 =	vpop (erf)  }
0x37d: {  	v1 =	vadd.f32 v2, v1;
	_ =	sdelay $0x1  }
0x37e: {  	v1 =	vadd.f32 $1.000000020e-16, v1;
	_ =	sdelay $0x1  }
0x37f: {  	(erf) = vrcp.f32 v1;
	_ =	sdelay $0x3  }
0x380: {  	[tilespmem:$0x20E0] =	vst v2;
	v2 =	vld [tilespmem:$0x1FF80];
	_ =	sdelay $0x4  }
0x381: {  	v1 =	vpop (erf)  }
0x382: {  	[tilespmem:$0x7270] =	vst v1  }
0x383: {  	v1 =	vld.idx.msk [tilespmem:v24+s14+$0x0], $0xffff  }
0x384: {  	v2 =	vld.idx.msk [tilespmem:v2+s14+$0x0], $0xffff;
	_ =	sdelay $0x4  }
0x385: {  	v1 =	vadd.f32 v2, v1;
	_ =	sdelay $0x1  }
0x386: {  	v2 =	vmul.f32 $2.000000030e-01, v1  }
0x387: {  	vm1 =	vge.f32 v1, $0.0e+00  }
0x388: {  	v1 =	vsel vm1, v1, v2  }
0x389: {  	v1 =	vmul.f32 $1.442695020e+00, v1;
	_ =	sdelay $0x1  }
0x38a: {  	(erf) = vpow2.f32 v1;
	_ =	sdelay $0x4  }
0x38b: {  	v1 =	vld [tilespmem:$0x7170];
	_ =	sdelay $0x3  }
0x38c: {  	v2 =	vpop (erf)  }
0x38d: {  	v1 =	vadd.f32 v2, v1;
	_ =	sdelay $0x1  }
0x38e: {  	v1 =	vadd.f32 $1.000000020e-16, v1;
	_ =	sdelay $0x1  }
0x38f: {  	(erf) = vrcp.f32 v1;
	_ =	sdelay $0x7  }
0x390: {  	v1 =	vmov s2  }
0x391: {  	[tilespmem:$0x20F0] =	vst v2;
	v5 =	vshll.u32 v1, $0x7;
	v2 =	vpop (erf)  }
0x392: {  	[tilespmem:$0x7280] =	vst v2;
	v2 =	vor.u32 v0, v5  }
0x393: {  	v31 =	vor.u32 $0x2000, v0;
	_ =	swait.ge [sflag:s20], $0x2000  }
0x394: {  	v3 =	vor.u32 v31, v5;
	[sflag:s20] =	ssyncset.done $0x0  }
0x395: {  	[sflag:s20] =	ssyncadd.s32 $0xFFFFE000  }
0x396: {  	v8 =	vld.idx.msk [tilespmem:v1+s21+$0x0], $0xffff  }
0x397: {  	v2 =	vld.idx.msk [tilespmem:v2+s18+$0x0], $0xffff;
	_ =	sdelay $0x1  }
0x398: {  	v6 =	vld.idx.msk [tilespmem:v3+s16+$0x0], $0xffff;
	_ =	sdelay $0x1  }
0x399: {  	v47 =	vld.idx.msk [tilespmem:v1+s23+$0x0], $0xffff  }
0x39a: {  	v1 =	vmul.f32 v2, v8;
	_ =	sdelay $0x1  }
0x39b: {  	v2 =	vor.u32 v25, v5;
	v1 =	vadd.f32 v1, v6  }
0x39c: {  	v33 =	vor.u32 $0x2010, v0  }
0x39d: {  	v6 =	vor.u32 v33, v5;
	v1 =	vmul.f32 v1, v47;
	_ =	sdelay $0x1  }
0x39e: {  	[tilespmem:v3+s16+$0x0] =	vst.idx.msk $0xffff, v1  }
0x39f: {  	v1 =	vld.idx.msk [tilespmem:v2+s18+$0x0], $0xffff;
	_ =	sdelay $0x1  }
0x3a0: {  	v2 =	vld.idx.msk [tilespmem:v6+s16+$0x0], $0xffff;
	_ =	sdelay $0x2  }
0x3a1: {  	v1 =	vmul.f32 v1, v8;
	_ =	sdelay $0x1  }
0x3a2: {  	v1 =	vadd.f32 v1, v2;
	v2 =	vor.u32 v23, v5  }
0x3a3: {  	v35 =	vor.u32 $0x2020, v0  }
0x3a4: {  	v3 =	vor.u32 v35, v5;
	v1 =	vmul.f32 v1, v47;
	_ =	sdelay $0x1  }
0x3a5: {  	[tilespmem:v6+s16+$0x0] =	vst.idx.msk $0xffff, v1  }
0x3a6: {  	v1 =	vld.idx.msk [tilespmem:v2+s18+$0x0], $0xffff;
	_ =	sdelay $0x1  }
0x3a7: {  	v2 =	vld.idx.msk [tilespmem:v3+s16+$0x0], $0xffff;
	_ =	sdelay $0x2  }
0x3a8: {  	v1 =	vmul.f32 v1, v8;
	_ =	sdelay $0x1  }
0x3a9: {  	v1 =	vadd.f32 v1, v2;
	v2 =	vor.u32 v21, v5  }
0x3aa: {  	v40 =	vor.u32 $0x2030, v0  }
0x3ab: {  	v6 =	vor.u32 v40, v5;
	v1 =	vmul.f32 v1, v47;
	_ =	sdelay $0x1  }
0x3ac: {  	[tilespmem:v3+s16+$0x0] =	vst.idx.msk $0xffff, v1  }
0x3ad: {  	v1 =	vld.idx.msk [tilespmem:v2+s18+$0x0], $0xffff;
	_ =	sdelay $0x1  }
0x3ae: {  	v2 =	vld.idx.msk [tilespmem:v6+s16+$0x0], $0xffff;
	_ =	sdelay $0x2  }
0x3af: {  	v1 =	vmul.f32 v1, v8;
	_ =	sdelay $0x1  }
0x3b0: {  	v1 =	vadd.f32 v1, v2;
	v2 =	vor.u32 v20, v5  }
0x3b1: {  	v43 =	vor.u32 $0x2040, v0  }
0x3b2: {  	v3 =	vor.u32 v43, v5;
	v1 =	vmul.f32 v1, v47;
	_ =	sdelay $0x1  }
0x3b3: {  	[tilespmem:v6+s16+$0x0] =	vst.idx.msk $0xffff, v1  }
0x3b4: {  	v1 =	vld.idx.msk [tilespmem:v2+s18+$0x0], $0xffff;
	_ =	sdelay $0x1  }
0x3b5: {  	v2 =	vld.idx.msk [tilespmem:v3+s16+$0x0], $0xffff;
	_ =	sdelay $0x2  }
0x3b6: {  	v1 =	vmul.f32 v1, v8;
	_ =	sdelay $0x1  }
0x3b7: {  	v6 =	vor.u32 v15, v5;
	v2 =	vadd.f32 v1, v2  }
0x3b8: {  	v1 =	vor.u32 $0x2050, v0  }
0x3b9: {  	v9 =	vor.u32 v1, v5;
	v2 =	vmul.f32 v2, v47;
	_ =	sdelay $0x1  }
0x3ba: {  	[tilespmem:v3+s16+$0x0] =	vst.idx.msk $0xffff, v2  }
0x3bb: {  	v2 =	vld.idx.msk [tilespmem:v6+s18+$0x0], $0xffff;
	_ =	sdelay $0x1  }
0x3bc: {  	v3 =	vld.idx.msk [tilespmem:v9+s16+$0x0], $0xffff;
	_ =	sdelay $0x2  }
0x3bd: {  	v2 =	vmul.f32 v2, v8;
	_ =	sdelay $0x1  }
0x3be: {  	v6 =	vor.u32 v11, v5;
	v3 =	vadd.f32 v2, v3  }
0x3bf: {  	v2 =	vor.u32 $0x2060, v0  }
0x3c0: {  	v12 =	vor.u32 v2, v5;
	v3 =	vmul.f32 v3, v47;
	_ =	sdelay $0x1  }
0x3c1: {  	[tilespmem:v9+s16+$0x0] =	vst.idx.msk $0xffff, v3  }
0x3c2: {  	v3 =	vld.idx.msk [tilespmem:v6+s18+$0x0], $0xffff;
	_ =	sdelay $0x1  }
0x3c3: {  	v6 =	vld.idx.msk [tilespmem:v12+s16+$0x0], $0xffff;
	_ =	sdelay $0x2  }
0x3c4: {  	v3 =	vmul.f32 v3, v8;
	_ =	sdelay $0x1  }
0x3c5: {  	v46 =	vor.u32 v10, v5;
	v9 =	vadd.f32 v3, v6  }
0x3c6: {  	v3 =	vor.u32 $0x2070, v0  }
0x3c7: {  	v6 =	vor.u32 v3, v5;
	v5 =	vmul.f32 v9, v47;
	_ =	sdelay $0x1  }
0x3c8: {  	[tilespmem:v12+s16+$0x0] =	vst.idx.msk $0xffff, v5  }
0x3c9: {  	v5 =	vld.idx.msk [tilespmem:v46+s18+$0x0], $0xffff;
	_ =	sdelay $0x1  }
0x3ca: {  	v12 =	vld.idx.msk [tilespmem:v6+s16+$0x0], $0xffff;
	_ =	sdelay $0x2  }
0x3cb: {  	s0 =	simm.s32 $0x1;
	v5 =	vmul.f32 v5, v8  }
0x3cc: {  	v9 =	vmov s0  }
0x3cd: {  	v46 =	vshll.u32 v9, $0x7;
	v5 =	vadd.f32 v5, v12  }
0x3ce: {  	v12 =	vor.u32 v0, v46  }
0x3cf: {  	v5 =	vmul.f32 v5, v47  }
0x3d0: {  	s2 =	simm.s32 $0x2;
	v8 =	vor.u32 v31, v46  }
.LBB2_10:
0x3d1: {  	p0 =	sne.s32 s2, $0x3F;
	[tilespmem:v6+s16+$0x0] =	vst.idx.msk $0xffff, v5;
	s30 =	smov.u32 s2;
	s2 =	sadd.s32 $0x1, s2  }
0x3d2: {  	v5 =	vld.idx.msk [tilespmem:v9+s21+$0x0], $0xffff  }
0x3d3: {  	v6 =	vld.idx.msk [tilespmem:v12+s18+$0x0], $0xffff;
	_ =	sdelay $0x1  }
0x3d4: {  	v12 =	vld.idx.msk [tilespmem:v8+s16+$0x0], $0xffff;
	_ =	sdelay $0x1  }
0x3d5: {  	v47 =	vld.idx.msk [tilespmem:v9+s23+$0x0], $0xffff;
	_ =	sdelay $0x1  }
0x3d6: {  	v6 =	vmul.f32 v6, v5;
	_ =	sdelay $0x1  }
0x3d7: {  	v9 =	vor.u32 v25, v46;
	v6 =	vadd.f32 v6, v12;
	_ =	sdelay $0x1  }
0x3d8: {  	v12 =	vor.u32 v33, v46;
	v6 =	vmul.f32 v6, v47;
	_ =	sdelay $0x1  }
0x3d9: {  	[tilespmem:v8+s16+$0x0] =	vst.idx.msk $0xffff, v6  }
0x3da: {  	v6 =	vld.idx.msk [tilespmem:v9+s18+$0x0], $0xffff;
	_ =	sdelay $0x1  }
0x3db: {  	v8 =	vld.idx.msk [tilespmem:v12+s16+$0x0], $0xffff;
	_ =	sdelay $0x3  }
0x3dc: {  	v6 =	vmul.f32 v6, v5;
	_ =	sdelay $0x1  }
0x3dd: {  	v6 =	vadd.f32 v6, v8;
	v8 =	vor.u32 v23, v46;
	_ =	sdelay $0x1  }
0x3de: {  	v9 =	vor.u32 v35, v46;
	v6 =	vmul.f32 v6, v47;
	_ =	sdelay $0x1  }
0x3df: {  	[tilespmem:v12+s16+$0x0] =	vst.idx.msk $0xffff, v6  }
0x3e0: {  	v6 =	vld.idx.msk [tilespmem:v8+s18+$0x0], $0xffff;
	_ =	sdelay $0x1  }
0x3e1: {  	v8 =	vld.idx.msk [tilespmem:v9+s16+$0x0], $0xffff;
	_ =	sdelay $0x3  }
0x3e2: {  	v6 =	vmul.f32 v6, v5;
	_ =	sdelay $0x1  }
0x3e3: {  	v6 =	vadd.f32 v6, v8;
	v8 =	vor.u32 v21, v46;
	_ =	sdelay $0x1  }
0x3e4: {  	v12 =	vor.u32 v40, v46;
	v6 =	vmul.f32 v6, v47;
	_ =	sdelay $0x1  }
0x3e5: {  	[tilespmem:v9+s16+$0x0] =	vst.idx.msk $0xffff, v6  }
0x3e6: {  	v6 =	vld.idx.msk [tilespmem:v8+s18+$0x0], $0xffff;
	_ =	sdelay $0x1  }
0x3e7: {  	v8 =	vld.idx.msk [tilespmem:v12+s16+$0x0], $0xffff;
	_ =	sdelay $0x3  }
0x3e8: {  	v6 =	vmul.f32 v6, v5;
	_ =	sdelay $0x1  }
0x3e9: {  	v6 =	vadd.f32 v6, v8;
	v8 =	vor.u32 v20, v46;
	_ =	sdelay $0x1  }
0x3ea: {  	v9 =	vor.u32 v43, v46;
	v6 =	vmul.f32 v6, v47;
	_ =	sdelay $0x1  }
0x3eb: {  	[tilespmem:v12+s16+$0x0] =	vst.idx.msk $0xffff, v6  }
0x3ec: {  	v6 =	vld.idx.msk [tilespmem:v8+s18+$0x0], $0xffff;
	_ =	sdelay $0x1  }
0x3ed: {  	v8 =	vld.idx.msk [tilespmem:v9+s16+$0x0], $0xffff;
	_ =	sdelay $0x3  }
0x3ee: {  	v6 =	vmul.f32 v6, v5;
	_ =	sdelay $0x1  }
0x3ef: {  	v6 =	vadd.f32 v6, v8;
	v8 =	vor.u32 v15, v46  }
0x3f0: {  	v12 =	vor.u32 v1, v46  }
0x3f1: {  	v6 =	vmul.f32 v6, v47;
	_ =	sdelay $0x1  }
0x3f2: {  	[tilespmem:v9+s16+$0x0] =	vst.idx.msk $0xffff, v6  }
0x3f3: {  	v6 =	vld.idx.msk [tilespmem:v8+s18+$0x0], $0xffff  }
0x3f4: {  	v8 =	vld.idx.msk [tilespmem:v12+s16+$0x0], $0xffff;
	_ =	sdelay $0x4  }
0x3f5: {  	v6 =	vmul.f32 v6, v5;
	_ =	sdelay $0x1  }
0x3f6: {  	v6 =	vadd.f32 v6, v8;
	v8 =	vor.u32 v11, v46  }
0x3f7: {  	v9 =	vor.u32 v2, v46  }
0x3f8: {  	v6 =	vmul.f32 v6, v47;
	_ =	sdelay $0x1  }
0x3f9: {  	[tilespmem:v12+s16+$0x0] =	vst.idx.msk $0xffff, v6  }
0x3fa: {  	v6 =	vld.idx.msk [tilespmem:v8+s18+$0x0], $0xffff  }
0x3fb: {  	v8 =	vld.idx.msk [tilespmem:v9+s16+$0x0], $0xffff;
	_ =	sdelay $0x4  }
0x3fc: {  	v6 =	vmul.f32 v6, v5;
	_ =	sdelay $0x1  }
0x3fd: {  	v12 =	vor.u32 v10, v46;
	v8 =	vadd.f32 v6, v8  }
0x3fe: {  	v6 =	vor.u32 v3, v46  }
0x3ff: {  	v8 =	vmul.f32 v8, v47;
	_ =	sdelay $0x1  }
0x400: {  	[tilespmem:v9+s16+$0x0] =	vst.idx.msk $0xffff, v8  }
0x401: {  	v8 =	vld.idx.msk [tilespmem:v12+s18+$0x0], $0xffff  }
0x402: {  	v12 =	vld.idx.msk [tilespmem:v6+s16+$0x0], $0xffff;
	_ =	sdelay $0x4  }
0x403: {  	v5 =	vmul.f32 v8, v5  }
.Ltmp4:
0x404: {  	v9 =	vmov s30;
	(pc) =	sbr.rel @p0 .LBB2_10-.Ltmp4, $4  }
0x405: {  	v46 =	vshll.u32 v9, $0x7;
	v5 =	vadd.f32 v5, v12  }
0x406: {  	v12 =	vor.u32 v0, v46  }
0x407: {  	v5 =	vmul.f32 v5, v47  }
0x408: {  	v8 =	vor.u32 v31, v46  }
0x409: {  	_ =	sdelay $0x3  }
0x40a: {  	[tilespmem:v6+s16+$0x0] =	vst.idx.msk $0xffff, v5  }
0x40b: {  	v5 =	vld.idx.msk [tilespmem:v9+s21+$0x0], $0xffff  }
0x40c: {  	v6 =	vld.idx.msk [tilespmem:v12+s18+$0x0], $0xffff;
	_ =	sdelay $0x1  }
0x40d: {  	v12 =	vld.idx.msk [tilespmem:v8+s16+$0x0], $0xffff;
	_ =	sdelay $0x1  }
0x40e: {  	v9 =	vld.idx.msk [tilespmem:v9+s23+$0x0], $0xffff  }
0x40f: {  	v6 =	vmul.f32 v6, v5;
	_ =	sdelay $0x1  }
0x410: {  	v6 =	vadd.f32 v6, v12;
	v12 =	vor.u32 v25, v46;
	_ =	sdelay $0x1  }
0x411: {  	v31 =	vor.u32 v33, v46;
	v6 =	vmul.f32 v6, v9;
	_ =	sdelay $0x1  }
0x412: {  	[tilespmem:v8+s16+$0x0] =	vst.idx.msk $0xffff, v6  }
0x413: {  	v6 =	vld.idx.msk [tilespmem:v12+s18+$0x0], $0xffff;
	_ =	sdelay $0x1  }
0x414: {  	v8 =	vld.idx.msk [tilespmem:v31+s16+$0x0], $0xffff;
	_ =	sdelay $0x2  }
0x415: {  	v6 =	vmul.f32 v6, v5;
	_ =	sdelay $0x1  }
0x416: {  	v6 =	vadd.f32 v6, v8;
	v8 =	vor.u32 v23, v46;
	_ =	sdelay $0x1  }
0x417: {  	v12 =	vor.u32 v35, v46;
	v6 =	vmul.f32 v6, v9;
	_ =	sdelay $0x1  }
0x418: {  	[tilespmem:v31+s16+$0x0] =	vst.idx.msk $0xffff, v6  }
0x419: {  	v6 =	vld.idx.msk [tilespmem:v8+s18+$0x0], $0xffff;
	_ =	sdelay $0x1  }
0x41a: {  	v8 =	vld.idx.msk [tilespmem:v12+s16+$0x0], $0xffff;
	_ =	sdelay $0x2  }
0x41b: {  	v6 =	vmul.f32 v6, v5;
	_ =	sdelay $0x1  }
0x41c: {  	v6 =	vadd.f32 v6, v8;
	v8 =	vor.u32 v21, v46;
	_ =	sdelay $0x1  }
0x41d: {  	v31 =	vor.u32 v40, v46;
	v6 =	vmul.f32 v6, v9;
	_ =	sdelay $0x1  }
0x41e: {  	[tilespmem:v12+s16+$0x0] =	vst.idx.msk $0xffff, v6  }
0x41f: {  	v6 =	vld.idx.msk [tilespmem:v8+s18+$0x0], $0xffff;
	_ =	sdelay $0x1  }
0x420: {  	v8 =	vld.idx.msk [tilespmem:v31+s16+$0x0], $0xffff;
	_ =	sdelay $0x2  }
0x421: {  	v6 =	vmul.f32 v6, v5;
	_ =	sdelay $0x1  }
0x422: {  	v6 =	vadd.f32 v6, v8;
	v8 =	vor.u32 v20, v46;
	_ =	sdelay $0x1  }
0x423: {  	v12 =	vor.u32 v43, v46;
	v6 =	vmul.f32 v6, v9;
	_ =	sdelay $0x1  }
0x424: {  	[tilespmem:v31+s16+$0x0] =	vst.idx.msk $0xffff, v6  }
0x425: {  	v6 =	vld.idx.msk [tilespmem:v8+s18+$0x0], $0xffff;
	_ =	sdelay $0x1  }
0x426: {  	v8 =	vld.idx.msk [tilespmem:v12+s16+$0x0], $0xffff;
	_ =	sdelay $0x2  }
0x427: {  	v6 =	vmul.f32 v6, v5;
	_ =	sdelay $0x1  }
0x428: {  	v6 =	vadd.f32 v6, v8;
	v8 =	vor.u32 v15, v46;
	_ =	sdelay $0x1  }
0x429: {  	v1 =	vor.u32 v1, v46;
	v6 =	vmul.f32 v6, v9;
	_ =	sdelay $0x1  }
0x42a: {  	[tilespmem:v12+s16+$0x0] =	vst.idx.msk $0xffff, v6  }
0x42b: {  	v6 =	vld.idx.msk [tilespmem:v8+s18+$0x0], $0xffff;
	_ =	sdelay $0x1  }
0x42c: {  	v8 =	vld.idx.msk [tilespmem:v1+s16+$0x0], $0xffff;
	_ =	sdelay $0x2  }
0x42d: {  	v6 =	vmul.f32 v6, v5;
	_ =	sdelay $0x1  }
0x42e: {  	v6 =	vadd.f32 v6, v8;
	v8 =	vor.u32 v11, v46;
	_ =	sdelay $0x1  }
0x42f: {  	v2 =	vor.u32 v2, v46;
	v6 =	vmul.f32 v6, v9;
	_ =	sdelay $0x1  }
0x430: {  	[tilespmem:v1+s16+$0x0] =	vst.idx.msk $0xffff, v6  }
0x431: {  	v1 =	vld.idx.msk [tilespmem:v8+s18+$0x0], $0xffff;
	_ =	sdelay $0x1  }
0x432: {  	v6 =	vld.idx.msk [tilespmem:v2+s16+$0x0], $0xffff;
	_ =	sdelay $0x2  }
0x433: {  	v1 =	vmul.f32 v1, v5;
	_ =	sdelay $0x1  }
0x434: {  	v1 =	vadd.f32 v1, v6;
	v6 =	vor.u32 v10, v46;
	_ =	sdelay $0x1  }
0x435: {  	v3 =	vor.u32 v3, v46;
	v1 =	vmul.f32 v1, v9;
	_ =	sdelay $0x1  }
0x436: {  	[tilespmem:v2+s16+$0x0] =	vst.idx.msk $0xffff, v1  }
0x437: {  	v1 =	vld.idx.msk [tilespmem:v6+s18+$0x0], $0xffff;
	_ =	sdelay $0x1  }
0x438: {  	v2 =	vld.idx.msk [tilespmem:v3+s16+$0x0], $0xffff;
	_ =	sdelay $0x2  }
0x439: {  	v1 =	vmul.f32 v1, v5;
	_ =	sdelay $0x1  }
0x43a: {  	v1 =	vadd.f32 v1, v2;
	_ =	sdelay $0x1  }
0x43b: {  	v1 =	vmul.f32 v1, v9  }
0x43c: {  	v2 =	vld [tilespmem:$0x1FF90]  }
0x43d: {  	[tilespmem:v3+s16+$0x0] =	vst.idx.msk $0xffff, v1  }
0x43e: {  	[tilespmem:$0x0] =	vst v26  }
0x43f: {  	[tilespmem:$0x10] =	vst v27  }
0x440: {  	[tilespmem:$0x20] =	vst v28  }
0x441: {  	s2 =	simm.s32 $0x0;
	[tilespmem:$0x30] =	vst v30  }
0x442: {  	[tilespmem:s18], [sflag:$0x1] =	stream.indirect.gather [hbm4b:s1+s17], $0x80, s2, s17, $0xb8;
	[tilespmem:$0x11A90] =	vst v63  }
0x443: {  	v1 =	vld.idx.msk [tilespmem:v29+s14+$0x0], $0xffff  }
0x444: {  	v2 =	vld.idx.msk [tilespmem:v2+s14+$0x0], $0xffff;
	_ =	sdelay $0x4  }
0x445: {  	v1 =	vadd.f32 v2, v1;
	_ =	sdelay $0x1  }
0x446: {  	v2 =	vmul.f32 $2.000000030e-01, v1  }
0x447: {  	vm1 =	vge.f32 v1, $0.0e+00  }
0x448: {  	v1 =	vsel vm1, v1, v2  }
0x449: {  	v1 =	vmul.f32 $1.442695020e+00, v1;
	_ =	sdelay $0x1  }
0x44a: {  	(erf) = vpow2.f32 v1;
	_ =	sdelay $0x4  }
0x44b: {  	v1 =	vld [tilespmem:$0x7180];
	_ =	sdelay $0x3  }
0x44c: {  	v2 =	vpop (erf)  }
0x44d: {  	v1 =	vadd.f32 v2, v1;
	_ =	sdelay $0x1  }
0x44e: {  	v1 =	vadd.f32 $1.000000020e-16, v1;
	_ =	sdelay $0x1  }
0x44f: {  	(erf) = vrcp.f32 v1;
	_ =	sdelay $0x3  }
0x450: {  	[tilespmem:$0x20C0] =	vst v2;
	v2 =	vld [tilespmem:$0x1FFA0];
	_ =	sdelay $0x4  }
0x451: {  	v1 =	vpop (erf)  }
0x452: {  	[tilespmem:$0x7250] =	vst v1  }
0x453: {  	v1 =	vld.idx.msk [tilespmem:v32+s14+$0x0], $0xffff  }
0x454: {  	v2 =	vld.idx.msk [tilespmem:v2+s14+$0x0], $0xffff;
	_ =	sdelay $0x4  }
0x455: {  	v1 =	vadd.f32 v2, v1;
	_ =	sdelay $0x1  }
0x456: {  	v2 =	vmul.f32 $2.000000030e-01, v1  }
0x457: {  	vm1 =	vge.f32 v1, $0.0e+00  }
0x458: {  	v1 =	vsel vm1, v1, v2  }
0x459: {  	v1 =	vmul.f32 $1.442695020e+00, v1;
	_ =	sdelay $0x1  }
0x45a: {  	(erf) = vpow2.f32 v1;
	_ =	sdelay $0x4  }
0x45b: {  	v1 =	vld [tilespmem:$0x7190];
	_ =	sdelay $0x3  }
0x45c: {  	v2 =	vpop (erf)  }
0x45d: {  	v1 =	vadd.f32 v2, v1;
	_ =	sdelay $0x1  }
0x45e: {  	v1 =	vadd.f32 $1.000000020e-16, v1;
	_ =	sdelay $0x1  }
0x45f: {  	(erf) = vrcp.f32 v1;
	_ =	sdelay $0x3  }
0x460: {  	[tilespmem:$0x20D0] =	vst v2;
	v2 =	vld [tilespmem:$0x1FFB0];
	_ =	sdelay $0x4  }
0x461: {  	v1 =	vpop (erf)  }
0x462: {  	[tilespmem:$0x7260] =	vst v1  }
0x463: {  	v1 =	vld.idx.msk [tilespmem:v34+s14+$0x0], $0xffff  }
0x464: {  	v2 =	vld.idx.msk [tilespmem:v2+s14+$0x0], $0xffff;
	_ =	sdelay $0x4  }
0x465: {  	v1 =	vadd.f32 v2, v1;
	_ =	sdelay $0x1  }
0x466: {  	v2 =	vmul.f32 $2.000000030e-01, v1  }
0x467: {  	vm1 =	vge.f32 v1, $0.0e+00  }
0x468: {  	v1 =	vsel vm1, v1, v2  }
0x469: {  	v1 =	vmul.f32 $1.442695020e+00, v1;
	_ =	sdelay $0x1  }
0x46a: {  	(erf) = vpow2.f32 v1;
	_ =	sdelay $0x4  }
0x46b: {  	v1 =	vld [tilespmem:$0x71A0];
	_ =	sdelay $0x3  }
0x46c: {  	v2 =	vpop (erf)  }
0x46d: {  	v1 =	vadd.f32 v2, v1;
	_ =	sdelay $0x1  }
0x46e: {  	v1 =	vadd.f32 $1.000000020e-16, v1;
	_ =	sdelay $0x1  }
0x46f: {  	(erf) = vrcp.f32 v1;
	_ =	sdelay $0x3  }
0x470: {  	[tilespmem:$0x20E0] =	vst v2;
	v2 =	vld [tilespmem:$0x1FFC0];
	_ =	sdelay $0x4  }
0x471: {  	v1 =	vpop (erf)  }
0x472: {  	[tilespmem:$0x7270] =	vst v1  }
0x473: {  	v1 =	vld.idx.msk [tilespmem:v38+s14+$0x0], $0xffff  }
0x474: {  	v2 =	vld.idx.msk [tilespmem:v2+s14+$0x0], $0xffff;
	_ =	sdelay $0x4  }
0x475: {  	v1 =	vadd.f32 v2, v1;
	_ =	sdelay $0x1  }
0x476: {  	v2 =	vmul.f32 $2.000000030e-01, v1  }
0x477: {  	vm1 =	vge.f32 v1, $0.0e+00  }
0x478: {  	v1 =	vsel vm1, v1, v2  }
0x479: {  	v1 =	vmul.f32 $1.442695020e+00, v1;
	_ =	sdelay $0x1  }
0x47a: {  	(erf) = vpow2.f32 v1;
	_ =	sdelay $0x4  }
0x47b: {  	v1 =	vld [tilespmem:$0x71B0];
	_ =	sdelay $0x3  }
0x47c: {  	v2 =	vpop (erf)  }
0x47d: {  	v1 =	vadd.f32 v2, v1;
	_ =	sdelay $0x1  }
0x47e: {  	v1 =	vadd.f32 $1.000000020e-16, v1;
	_ =	sdelay $0x1  }
0x47f: {  	(erf) = vrcp.f32 v1;
	_ =	sdelay $0x7  }
0x480: {  	v1 =	vmov s2  }
0x481: {  	[tilespmem:$0x20F0] =	vst v2;
	v5 =	vshll.u32 v1, $0x7;
	v2 =	vpop (erf)  }
0x482: {  	[tilespmem:$0x7280] =	vst v2;
	v2 =	vor.u32 v0, v5  }
0x483: {  	v31 =	vor.u32 $0x4000, v0;
	_ =	swait.ge [sflag:s20], $0x2000  }
0x484: {  	v3 =	vor.u32 v31, v5;
	[sflag:s20] =	ssyncset.done $0x0  }
0x485: {  	[sflag:s20] =	ssyncadd.s32 $0xFFFFE000  }
0x486: {  	v8 =	vld.idx.msk [tilespmem:v1+s21+$0x0], $0xffff  }
0x487: {  	v2 =	vld.idx.msk [tilespmem:v2+s18+$0x0], $0xffff;
	_ =	sdelay $0x1  }
0x488: {  	v6 =	vld.idx.msk [tilespmem:v3+s16+$0x0], $0xffff;
	_ =	sdelay $0x1  }
0x489: {  	v47 =	vld.idx.msk [tilespmem:v1+s23+$0x0], $0xffff  }
0x48a: {  	v1 =	vmul.f32 v2, v8;
	_ =	sdelay $0x1  }
0x48b: {  	v2 =	vor.u32 v25, v5;
	v1 =	vadd.f32 v1, v6  }
0x48c: {  	v33 =	vor.u32 $0x4010, v0  }
0x48d: {  	v6 =	vor.u32 v33, v5;
	v1 =	vmul.f32 v1, v47;
	_ =	sdelay $0x1  }
0x48e: {  	[tilespmem:v3+s16+$0x0] =	vst.idx.msk $0xffff, v1  }
0x48f: {  	v1 =	vld.idx.msk [tilespmem:v2+s18+$0x0], $0xffff;
	_ =	sdelay $0x1  }
0x490: {  	v2 =	vld.idx.msk [tilespmem:v6+s16+$0x0], $0xffff;
	_ =	sdelay $0x2  }
0x491: {  	v1 =	vmul.f32 v1, v8;
	_ =	sdelay $0x1  }
0x492: {  	v1 =	vadd.f32 v1, v2;
	v2 =	vor.u32 v23, v5  }
0x493: {  	v35 =	vor.u32 $0x4020, v0  }
0x494: {  	v3 =	vor.u32 v35, v5;
	v1 =	vmul.f32 v1, v47;
	_ =	sdelay $0x1  }
0x495: {  	[tilespmem:v6+s16+$0x0] =	vst.idx.msk $0xffff, v1  }
0x496: {  	v1 =	vld.idx.msk [tilespmem:v2+s18+$0x0], $0xffff;
	_ =	sdelay $0x1  }
0x497: {  	v2 =	vld.idx.msk [tilespmem:v3+s16+$0x0], $0xffff;
	_ =	sdelay $0x2  }
0x498: {  	v1 =	vmul.f32 v1, v8;
	_ =	sdelay $0x1  }
0x499: {  	v1 =	vadd.f32 v1, v2;
	v2 =	vor.u32 v21, v5  }
0x49a: {  	v40 =	vor.u32 $0x4030, v0  }
0x49b: {  	v6 =	vor.u32 v40, v5;
	v1 =	vmul.f32 v1, v47;
	_ =	sdelay $0x1  }
0x49c: {  	[tilespmem:v3+s16+$0x0] =	vst.idx.msk $0xffff, v1  }
0x49d: {  	v1 =	vld.idx.msk [tilespmem:v2+s18+$0x0], $0xffff;
	_ =	sdelay $0x1  }
0x49e: {  	v2 =	vld.idx.msk [tilespmem:v6+s16+$0x0], $0xffff;
	_ =	sdelay $0x2  }
0x49f: {  	v1 =	vmul.f32 v1, v8;
	_ =	sdelay $0x1  }
0x4a0: {  	v1 =	vadd.f32 v1, v2;
	v2 =	vor.u32 v20, v5  }
0x4a1: {  	v43 =	vor.u32 $0x4040, v0  }
0x4a2: {  	v3 =	vor.u32 v43, v5;
	v1 =	vmul.f32 v1, v47;
	_ =	sdelay $0x1  }
0x4a3: {  	[tilespmem:v6+s16+$0x0] =	vst.idx.msk $0xffff, v1  }
0x4a4: {  	v1 =	vld.idx.msk [tilespmem:v2+s18+$0x0], $0xffff;
	_ =	sdelay $0x1  }
0x4a5: {  	v2 =	vld.idx.msk [tilespmem:v3+s16+$0x0], $0xffff;
	_ =	sdelay $0x2  }
0x4a6: {  	v1 =	vmul.f32 v1, v8;
	_ =	sdelay $0x1  }
0x4a7: {  	v6 =	vor.u32 v15, v5;
	v2 =	vadd.f32 v1, v2  }
0x4a8: {  	v1 =	vor.u32 $0x4050, v0  }
0x4a9: {  	v9 =	vor.u32 v1, v5;
	v2 =	vmul.f32 v2, v47;
	_ =	sdelay $0x1  }
0x4aa: {  	[tilespmem:v3+s16+$0x0] =	vst.idx.msk $0xffff, v2  }
0x4ab: {  	v2 =	vld.idx.msk [tilespmem:v6+s18+$0x0], $0xffff;
	_ =	sdelay $0x1  }
0x4ac: {  	v3 =	vld.idx.msk [tilespmem:v9+s16+$0x0], $0xffff;
	_ =	sdelay $0x2  }
0x4ad: {  	v2 =	vmul.f32 v2, v8;
	_ =	sdelay $0x1  }
0x4ae: {  	v6 =	vor.u32 v11, v5;
	v3 =	vadd.f32 v2, v3  }
0x4af: {  	v2 =	vor.u32 $0x4060, v0  }
0x4b0: {  	v12 =	vor.u32 v2, v5;
	v3 =	vmul.f32 v3, v47;
	_ =	sdelay $0x1  }
0x4b1: {  	[tilespmem:v9+s16+$0x0] =	vst.idx.msk $0xffff, v3  }
0x4b2: {  	v3 =	vld.idx.msk [tilespmem:v6+s18+$0x0], $0xffff;
	_ =	sdelay $0x1  }
0x4b3: {  	v6 =	vld.idx.msk [tilespmem:v12+s16+$0x0], $0xffff;
	_ =	sdelay $0x2  }
0x4b4: {  	v3 =	vmul.f32 v3, v8;
	_ =	sdelay $0x1  }
0x4b5: {  	v46 =	vor.u32 v10, v5;
	v9 =	vadd.f32 v3, v6  }
0x4b6: {  	v3 =	vor.u32 $0x4070, v0  }
0x4b7: {  	v6 =	vor.u32 v3, v5;
	v5 =	vmul.f32 v9, v47;
	_ =	sdelay $0x1  }
0x4b8: {  	[tilespmem:v12+s16+$0x0] =	vst.idx.msk $0xffff, v5  }
0x4b9: {  	v5 =	vld.idx.msk [tilespmem:v46+s18+$0x0], $0xffff;
	_ =	sdelay $0x1  }
0x4ba: {  	v12 =	vld.idx.msk [tilespmem:v6+s16+$0x0], $0xffff;
	_ =	sdelay $0x2  }
0x4bb: {  	s0 =	simm.s32 $0x1;
	v5 =	vmul.f32 v5, v8  }
0x4bc: {  	v9 =	vmov s0  }
0x4bd: {  	v46 =	vshll.u32 v9, $0x7;
	v5 =	vadd.f32 v5, v12  }
0x4be: {  	v12 =	vor.u32 v0, v46  }
0x4bf: {  	v5 =	vmul.f32 v5, v47  }
0x4c0: {  	s2 =	simm.s32 $0x2;
	v8 =	vor.u32 v31, v46  }
.LBB2_12:
0x4c1: {  	p0 =	sne.s32 s2, $0x3F;
	[tilespmem:v6+s16+$0x0] =	vst.idx.msk $0xffff, v5;
	s30 =	smov.u32 s2;
	s2 =	sadd.s32 $0x1, s2  }
0x4c2: {  	v5 =	vld.idx.msk [tilespmem:v9+s21+$0x0], $0xffff  }
0x4c3: {  	v6 =	vld.idx.msk [tilespmem:v12+s18+$0x0], $0xffff;
	_ =	sdelay $0x1  }
0x4c4: {  	v12 =	vld.idx.msk [tilespmem:v8+s16+$0x0], $0xffff;
	_ =	sdelay $0x1  }
0x4c5: {  	v47 =	vld.idx.msk [tilespmem:v9+s23+$0x0], $0xffff;
	_ =	sdelay $0x1  }
0x4c6: {  	v6 =	vmul.f32 v6, v5;
	_ =	sdelay $0x1  }
0x4c7: {  	v9 =	vor.u32 v25, v46;
	v6 =	vadd.f32 v6, v12;
	_ =	sdelay $0x1  }
0x4c8: {  	v12 =	vor.u32 v33, v46;
	v6 =	vmul.f32 v6, v47;
	_ =	sdelay $0x1  }
0x4c9: {  	[tilespmem:v8+s16+$0x0] =	vst.idx.msk $0xffff, v6  }
0x4ca: {  	v6 =	vld.idx.msk [tilespmem:v9+s18+$0x0], $0xffff;
	_ =	sdelay $0x1  }
0x4cb: {  	v8 =	vld.idx.msk [tilespmem:v12+s16+$0x0], $0xffff;
	_ =	sdelay $0x3  }
0x4cc: {  	v6 =	vmul.f32 v6, v5;
	_ =	sdelay $0x1  }
0x4cd: {  	v6 =	vadd.f32 v6, v8;
	v8 =	vor.u32 v23, v46;
	_ =	sdelay $0x1  }
0x4ce: {  	v9 =	vor.u32 v35, v46;
	v6 =	vmul.f32 v6, v47;
	_ =	sdelay $0x1  }
0x4cf: {  	[tilespmem:v12+s16+$0x0] =	vst.idx.msk $0xffff, v6  }
0x4d0: {  	v6 =	vld.idx.msk [tilespmem:v8+s18+$0x0], $0xffff;
	_ =	sdelay $0x1  }
0x4d1: {  	v8 =	vld.idx.msk [tilespmem:v9+s16+$0x0], $0xffff;
	_ =	sdelay $0x3  }
0x4d2: {  	v6 =	vmul.f32 v6, v5;
	_ =	sdelay $0x1  }
0x4d3: {  	v6 =	vadd.f32 v6, v8;
	v8 =	vor.u32 v21, v46;
	_ =	sdelay $0x1  }
0x4d4: {  	v12 =	vor.u32 v40, v46;
	v6 =	vmul.f32 v6, v47;
	_ =	sdelay $0x1  }
0x4d5: {  	[tilespmem:v9+s16+$0x0] =	vst.idx.msk $0xffff, v6  }
0x4d6: {  	v6 =	vld.idx.msk [tilespmem:v8+s18+$0x0], $0xffff;
	_ =	sdelay $0x1  }
0x4d7: {  	v8 =	vld.idx.msk [tilespmem:v12+s16+$0x0], $0xffff;
	_ =	sdelay $0x3  }
0x4d8: {  	v6 =	vmul.f32 v6, v5;
	_ =	sdelay $0x1  }
0x4d9: {  	v6 =	vadd.f32 v6, v8;
	v8 =	vor.u32 v20, v46;
	_ =	sdelay $0x1  }
0x4da: {  	v9 =	vor.u32 v43, v46;
	v6 =	vmul.f32 v6, v47;
	_ =	sdelay $0x1  }
0x4db: {  	[tilespmem:v12+s16+$0x0] =	vst.idx.msk $0xffff, v6  }
0x4dc: {  	v6 =	vld.idx.msk [tilespmem:v8+s18+$0x0], $0xffff;
	_ =	sdelay $0x1  }
0x4dd: {  	v8 =	vld.idx.msk [tilespmem:v9+s16+$0x0], $0xffff;
	_ =	sdelay $0x3  }
0x4de: {  	v6 =	vmul.f32 v6, v5;
	_ =	sdelay $0x1  }
0x4df: {  	v6 =	vadd.f32 v6, v8;
	v8 =	vor.u32 v15, v46  }
0x4e0: {  	v12 =	vor.u32 v1, v46  }
0x4e1: {  	v6 =	vmul.f32 v6, v47;
	_ =	sdelay $0x1  }
0x4e2: {  	[tilespmem:v9+s16+$0x0] =	vst.idx.msk $0xffff, v6  }
0x4e3: {  	v6 =	vld.idx.msk [tilespmem:v8+s18+$0x0], $0xffff  }
0x4e4: {  	v8 =	vld.idx.msk [tilespmem:v12+s16+$0x0], $0xffff;
	_ =	sdelay $0x4  }
0x4e5: {  	v6 =	vmul.f32 v6, v5;
	_ =	sdelay $0x1  }
0x4e6: {  	v6 =	vadd.f32 v6, v8;
	v8 =	vor.u32 v11, v46  }
0x4e7: {  	v9 =	vor.u32 v2, v46  }
0x4e8: {  	v6 =	vmul.f32 v6, v47;
	_ =	sdelay $0x1  }
0x4e9: {  	[tilespmem:v12+s16+$0x0] =	vst.idx.msk $0xffff, v6  }
0x4ea: {  	v6 =	vld.idx.msk [tilespmem:v8+s18+$0x0], $0xffff  }
0x4eb: {  	v8 =	vld.idx.msk [tilespmem:v9+s16+$0x0], $0xffff;
	_ =	sdelay $0x4  }
0x4ec: {  	v6 =	vmul.f32 v6, v5;
	_ =	sdelay $0x1  }
0x4ed: {  	v12 =	vor.u32 v10, v46;
	v8 =	vadd.f32 v6, v8  }
0x4ee: {  	v6 =	vor.u32 v3, v46  }
0x4ef: {  	v8 =	vmul.f32 v8, v47;
	_ =	sdelay $0x1  }
0x4f0: {  	[tilespmem:v9+s16+$0x0] =	vst.idx.msk $0xffff, v8  }
0x4f1: {  	v8 =	vld.idx.msk [tilespmem:v12+s18+$0x0], $0xffff  }
0x4f2: {  	v12 =	vld.idx.msk [tilespmem:v6+s16+$0x0], $0xffff;
	_ =	sdelay $0x4  }
0x4f3: {  	v5 =	vmul.f32 v8, v5  }
.Ltmp5:
0x4f4: {  	v9 =	vmov s30;
	(pc) =	sbr.rel @p0 .LBB2_12-.Ltmp5, $4  }
0x4f5: {  	v46 =	vshll.u32 v9, $0x7;
	v5 =	vadd.f32 v5, v12  }
0x4f6: {  	v12 =	vor.u32 v0, v46  }
0x4f7: {  	v5 =	vmul.f32 v5, v47  }
0x4f8: {  	v8 =	vor.u32 v31, v46  }
0x4f9: {  	_ =	sdelay $0x3  }
0x4fa: {  	[tilespmem:v6+s16+$0x0] =	vst.idx.msk $0xffff, v5  }
0x4fb: {  	v5 =	vld.idx.msk [tilespmem:v9+s21+$0x0], $0xffff  }
0x4fc: {  	v6 =	vld.idx.msk [tilespmem:v12+s18+$0x0], $0xffff;
	_ =	sdelay $0x1  }
0x4fd: {  	v12 =	vld.idx.msk [tilespmem:v8+s16+$0x0], $0xffff;
	_ =	sdelay $0x1  }
0x4fe: {  	v9 =	vld.idx.msk [tilespmem:v9+s23+$0x0], $0xffff  }
0x4ff: {  	v6 =	vmul.f32 v6, v5;
	_ =	sdelay $0x1  }
0x500: {  	v6 =	vadd.f32 v6, v12;
	v12 =	vor.u32 v25, v46;
	_ =	sdelay $0x1  }
0x501: {  	v31 =	vor.u32 v33, v46;
	v6 =	vmul.f32 v6, v9;
	_ =	sdelay $0x1  }
0x502: {  	[tilespmem:v8+s16+$0x0] =	vst.idx.msk $0xffff, v6  }
0x503: {  	v6 =	vld.idx.msk [tilespmem:v12+s18+$0x0], $0xffff;
	_ =	sdelay $0x1  }
0x504: {  	v8 =	vld.idx.msk [tilespmem:v31+s16+$0x0], $0xffff;
	_ =	sdelay $0x2  }
0x505: {  	v6 =	vmul.f32 v6, v5;
	_ =	sdelay $0x1  }
0x506: {  	v6 =	vadd.f32 v6, v8;
	v8 =	vor.u32 v23, v46;
	_ =	sdelay $0x1  }
0x507: {  	v12 =	vor.u32 v35, v46;
	v6 =	vmul.f32 v6, v9;
	_ =	sdelay $0x1  }
0x508: {  	[tilespmem:v31+s16+$0x0] =	vst.idx.msk $0xffff, v6  }
0x509: {  	v6 =	vld.idx.msk [tilespmem:v8+s18+$0x0], $0xffff;
	_ =	sdelay $0x1  }
0x50a: {  	v8 =	vld.idx.msk [tilespmem:v12+s16+$0x0], $0xffff;
	_ =	sdelay $0x2  }
0x50b: {  	v6 =	vmul.f32 v6, v5;
	_ =	sdelay $0x1  }
0x50c: {  	v6 =	vadd.f32 v6, v8;
	v8 =	vor.u32 v21, v46;
	_ =	sdelay $0x1  }
0x50d: {  	v31 =	vor.u32 v40, v46;
	v6 =	vmul.f32 v6, v9;
	_ =	sdelay $0x1  }
0x50e: {  	[tilespmem:v12+s16+$0x0] =	vst.idx.msk $0xffff, v6  }
0x50f: {  	v6 =	vld.idx.msk [tilespmem:v8+s18+$0x0], $0xffff;
	_ =	sdelay $0x1  }
0x510: {  	v8 =	vld.idx.msk [tilespmem:v31+s16+$0x0], $0xffff;
	_ =	sdelay $0x2  }
0x511: {  	v6 =	vmul.f32 v6, v5;
	_ =	sdelay $0x1  }
0x512: {  	v6 =	vadd.f32 v6, v8;
	v8 =	vor.u32 v20, v46;
	_ =	sdelay $0x1  }
0x513: {  	v12 =	vor.u32 v43, v46;
	v6 =	vmul.f32 v6, v9;
	_ =	sdelay $0x1  }
0x514: {  	[tilespmem:v31+s16+$0x0] =	vst.idx.msk $0xffff, v6  }
0x515: {  	v6 =	vld.idx.msk [tilespmem:v8+s18+$0x0], $0xffff;
	_ =	sdelay $0x1  }
0x516: {  	v8 =	vld.idx.msk [tilespmem:v12+s16+$0x0], $0xffff;
	_ =	sdelay $0x2  }
0x517: {  	v6 =	vmul.f32 v6, v5;
	_ =	sdelay $0x1  }
0x518: {  	v6 =	vadd.f32 v6, v8;
	v8 =	vor.u32 v15, v46;
	_ =	sdelay $0x1  }
0x519: {  	v1 =	vor.u32 v1, v46;
	v6 =	vmul.f32 v6, v9;
	_ =	sdelay $0x1  }
0x51a: {  	[tilespmem:v12+s16+$0x0] =	vst.idx.msk $0xffff, v6  }
0x51b: {  	v6 =	vld.idx.msk [tilespmem:v8+s18+$0x0], $0xffff;
	_ =	sdelay $0x1  }
0x51c: {  	v8 =	vld.idx.msk [tilespmem:v1+s16+$0x0], $0xffff;
	_ =	sdelay $0x2  }
0x51d: {  	v6 =	vmul.f32 v6, v5;
	_ =	sdelay $0x1  }
0x51e: {  	v6 =	vadd.f32 v6, v8;
	v8 =	vor.u32 v11, v46;
	_ =	sdelay $0x1  }
0x51f: {  	v2 =	vor.u32 v2, v46;
	v6 =	vmul.f32 v6, v9;
	_ =	sdelay $0x1  }
0x520: {  	[tilespmem:v1+s16+$0x0] =	vst.idx.msk $0xffff, v6  }
0x521: {  	v1 =	vld.idx.msk [tilespmem:v8+s18+$0x0], $0xffff;
	_ =	sdelay $0x1  }
0x522: {  	v6 =	vld.idx.msk [tilespmem:v2+s16+$0x0], $0xffff;
	_ =	sdelay $0x2  }
0x523: {  	v1 =	vmul.f32 v1, v5;
	_ =	sdelay $0x1  }
0x524: {  	v1 =	vadd.f32 v1, v6;
	v6 =	vor.u32 v10, v46;
	_ =	sdelay $0x1  }
0x525: {  	v3 =	vor.u32 v3, v46;
	v1 =	vmul.f32 v1, v9;
	_ =	sdelay $0x1  }
0x526: {  	[tilespmem:v2+s16+$0x0] =	vst.idx.msk $0xffff, v1  }
0x527: {  	v1 =	vld.idx.msk [tilespmem:v6+s18+$0x0], $0xffff;
	_ =	sdelay $0x1  }
0x528: {  	v2 =	vld.idx.msk [tilespmem:v3+s16+$0x0], $0xffff;
	_ =	sdelay $0x2  }
0x529: {  	v1 =	vmul.f32 v1, v5;
	_ =	sdelay $0x1  }
0x52a: {  	v1 =	vadd.f32 v1, v2;
	_ =	sdelay $0x1  }
0x52b: {  	v1 =	vmul.f32 v1, v9  }
0x52c: {  	v2 =	vld [tilespmem:$0x1FFD0]  }
0x52d: {  	[tilespmem:v3+s16+$0x0] =	vst.idx.msk $0xffff, v1  }
0x52e: {  	[tilespmem:$0x0] =	vst v36  }
0x52f: {  	[tilespmem:$0x10] =	vst v37  }
0x530: {  	[tilespmem:$0x20] =	vst v39  }
0x531: {  	s2 =	simm.s32 $0x0;
	[tilespmem:$0x30] =	vst v41  }
0x532: {  	[tilespmem:s18], [sflag:$0x1] =	stream.indirect.gather [hbm4b:s1+s17], $0x80, s2, s17, $0xb8;
	[tilespmem:$0x11A90] =	vst v63  }
0x533: {  	v1 =	vld.idx.msk [tilespmem:v42+s14+$0x0], $0xffff  }
0x534: {  	v2 =	vld.idx.msk [tilespmem:v2+s14+$0x0], $0xffff;
	_ =	sdelay $0x4  }
0x535: {  	v1 =	vadd.f32 v2, v1;
	_ =	sdelay $0x1  }
0x536: {  	v2 =	vmul.f32 $2.000000030e-01, v1  }
0x537: {  	vm1 =	vge.f32 v1, $0.0e+00  }
0x538: {  	v1 =	vsel vm1, v1, v2  }
0x539: {  	v1 =	vmul.f32 $1.442695020e+00, v1;
	_ =	sdelay $0x1  }
0x53a: {  	(erf) = vpow2.f32 v1;
	_ =	sdelay $0x4  }
0x53b: {  	v1 =	vld [tilespmem:$0x71C0];
	_ =	sdelay $0x3  }
0x53c: {  	v2 =	vpop (erf)  }
0x53d: {  	v1 =	vadd.f32 v2, v1;
	_ =	sdelay $0x1  }
0x53e: {  	v1 =	vadd.f32 $1.000000020e-16, v1;
	_ =	sdelay $0x1  }
0x53f: {  	(erf) = vrcp.f32 v1;
	_ =	sdelay $0x3  }
0x540: {  	[tilespmem:$0x20C0] =	vst v2;
	v2 =	vld [tilespmem:$0x1FFE0];
	_ =	sdelay $0x4  }
0x541: {  	v1 =	vpop (erf)  }
0x542: {  	[tilespmem:$0x7250] =	vst v1  }
0x543: {  	v1 =	vld.idx.msk [tilespmem:v44+s14+$0x0], $0xffff  }
0x544: {  	v2 =	vld.idx.msk [tilespmem:v2+s14+$0x0], $0xffff;
	_ =	sdelay $0x4  }
0x545: {  	v1 =	vadd.f32 v2, v1;
	_ =	sdelay $0x1  }
0x546: {  	v2 =	vmul.f32 $2.000000030e-01, v1  }
0x547: {  	vm1 =	vge.f32 v1, $0.0e+00  }
0x548: {  	v1 =	vsel vm1, v1, v2  }
0x549: {  	v1 =	vmul.f32 $1.442695020e+00, v1;
	_ =	sdelay $0x1  }
0x54a: {  	(erf) = vpow2.f32 v1;
	_ =	sdelay $0x4  }
0x54b: {  	v1 =	vld [tilespmem:$0x71D0];
	_ =	sdelay $0x3  }
0x54c: {  	v2 =	vpop (erf)  }
0x54d: {  	v1 =	vadd.f32 v2, v1;
	_ =	sdelay $0x1  }
0x54e: {  	v1 =	vadd.f32 $1.000000020e-16, v1;
	_ =	sdelay $0x1  }
0x54f: {  	(erf) = vrcp.f32 v1;
	_ =	sdelay $0x3  }
0x550: {  	[tilespmem:$0x20D0] =	vst v2;
	v2 =	vld [tilespmem:$0x1FFF0];
	_ =	sdelay $0x4  }
0x551: {  	v1 =	vpop (erf)  }
0x552: {  	[tilespmem:$0x7260] =	vst v1  }
0x553: {  	v1 =	vld.idx.msk [tilespmem:v45+s14+$0x0], $0xffff  }
0x554: {  	v2 =	vld.idx.msk [tilespmem:v2+s14+$0x0], $0xffff;
	_ =	sdelay $0x4  }
0x555: {  	v1 =	vadd.f32 v2, v1;
	_ =	sdelay $0x1  }
0x556: {  	v2 =	vmul.f32 $2.000000030e-01, v1  }
0x557: {  	vm1 =	vge.f32 v1, $0.0e+00  }
0x558: {  	v1 =	vsel vm1, v1, v2  }
0x559: {  	v1 =	vmul.f32 $1.442695020e+00, v1;
	_ =	sdelay $0x1  }
0x55a: {  	(erf) = vpow2.f32 v1;
	_ =	sdelay $0x4  }
0x55b: {  	v1 =	vld [tilespmem:$0x71E0];
	_ =	sdelay $0x3  }
0x55c: {  	v2 =	vpop (erf)  }
0x55d: {  	v1 =	vadd.f32 v2, v1;
	_ =	sdelay $0x1  }
0x55e: {  	v1 =	vadd.f32 $1.000000020e-16, v1;
	_ =	sdelay $0x1  }
0x55f: {  	(erf) = vrcp.f32 v1;
	_ =	sdelay $0x8  }
0x560: {  	[tilespmem:$0x20E0] =	vst v2;
	v1 =	vpop (erf)  }
0x561: {  	[tilespmem:$0x7270] =	vst v1  }
0x562: {  	v1 =	vld.idx.msk [tilespmem:v48+s14+$0x0], $0xffff  }
0x563: {  	v2 =	vld.idx.msk [tilespmem:v51+s14+$0x0], $0xffff;
	_ =	sdelay $0x4  }
0x564: {  	v1 =	vadd.f32 v2, v1;
	_ =	sdelay $0x1  }
0x565: {  	v2 =	vmul.f32 $2.000000030e-01, v1  }
0x566: {  	vm1 =	vge.f32 v1, $0.0e+00  }
0x567: {  	v1 =	vsel vm1, v1, v2  }
0x568: {  	v1 =	vmul.f32 $1.442695020e+00, v1;
	_ =	sdelay $0x1  }
0x569: {  	(erf) = vpow2.f32 v1;
	_ =	sdelay $0x4  }
0x56a: {  	v1 =	vld [tilespmem:$0x71F0];
	_ =	sdelay $0x3  }
0x56b: {  	v2 =	vpop (erf)  }
0x56c: {  	v1 =	vadd.f32 v2, v1;
	_ =	sdelay $0x1  }
0x56d: {  	v1 =	vadd.f32 $1.000000020e-16, v1;
	_ =	sdelay $0x1  }
0x56e: {  	(erf) = vrcp.f32 v1;
	_ =	sdelay $0x7  }
0x56f: {  	v1 =	vmov s2  }
0x570: {  	[tilespmem:$0x20F0] =	vst v2;
	v5 =	vshll.u32 v1, $0x7;
	v2 =	vpop (erf)  }
0x571: {  	[tilespmem:$0x7280] =	vst v2;
	v2 =	vor.u32 v0, v5  }
0x572: {  	v31 =	vor.u32 $0x6000, v0;
	_ =	swait.ge [sflag:s20], $0x2000  }
0x573: {  	v3 =	vor.u32 v31, v5;
	[sflag:s20] =	ssyncset.done $0x0  }
0x574: {  	[sflag:s20] =	ssyncadd.s32 $0xFFFFE000  }
0x575: {  	v8 =	vld.idx.msk [tilespmem:v1+s21+$0x0], $0xffff  }
0x576: {  	v2 =	vld.idx.msk [tilespmem:v2+s18+$0x0], $0xffff;
	_ =	sdelay $0x1  }
0x577: {  	v6 =	vld.idx.msk [tilespmem:v3+s16+$0x0], $0xffff;
	_ =	sdelay $0x1  }
0x578: {  	v47 =	vld.idx.msk [tilespmem:v1+s23+$0x0], $0xffff  }
0x579: {  	v1 =	vmul.f32 v2, v8;
	_ =	sdelay $0x1  }
0x57a: {  	v2 =	vor.u32 v25, v5;
	v1 =	vadd.f32 v1, v6  }
0x57b: {  	v33 =	vor.u32 $0x6010, v0  }
0x57c: {  	v6 =	vor.u32 v33, v5;
	v1 =	vmul.f32 v1, v47;
	_ =	sdelay $0x1  }
0x57d: {  	[tilespmem:v3+s16+$0x0] =	vst.idx.msk $0xffff, v1  }
0x57e: {  	v1 =	vld.idx.msk [tilespmem:v2+s18+$0x0], $0xffff;
	_ =	sdelay $0x1  }
0x57f: {  	v2 =	vld.idx.msk [tilespmem:v6+s16+$0x0], $0xffff;
	_ =	sdelay $0x2  }
0x580: {  	v1 =	vmul.f32 v1, v8;
	_ =	sdelay $0x1  }
0x581: {  	v1 =	vadd.f32 v1, v2;
	v2 =	vor.u32 v23, v5  }
0x582: {  	v35 =	vor.u32 $0x6020, v0  }
0x583: {  	v3 =	vor.u32 v35, v5;
	v1 =	vmul.f32 v1, v47;
	_ =	sdelay $0x1  }
0x584: {  	[tilespmem:v6+s16+$0x0] =	vst.idx.msk $0xffff, v1  }
0x585: {  	v1 =	vld.idx.msk [tilespmem:v2+s18+$0x0], $0xffff;
	_ =	sdelay $0x1  }
0x586: {  	v2 =	vld.idx.msk [tilespmem:v3+s16+$0x0], $0xffff;
	_ =	sdelay $0x2  }
0x587: {  	v1 =	vmul.f32 v1, v8;
	_ =	sdelay $0x1  }
0x588: {  	v1 =	vadd.f32 v1, v2;
	v2 =	vor.u32 v21, v5  }
0x589: {  	v40 =	vor.u32 $0x6030, v0  }
0x58a: {  	v6 =	vor.u32 v40, v5;
	v1 =	vmul.f32 v1, v47;
	_ =	sdelay $0x1  }
0x58b: {  	[tilespmem:v3+s16+$0x0] =	vst.idx.msk $0xffff, v1  }
0x58c: {  	v1 =	vld.idx.msk [tilespmem:v2+s18+$0x0], $0xffff;
	_ =	sdelay $0x1  }
0x58d: {  	v2 =	vld.idx.msk [tilespmem:v6+s16+$0x0], $0xffff;
	_ =	sdelay $0x2  }
0x58e: {  	v1 =	vmul.f32 v1, v8;
	_ =	sdelay $0x1  }
0x58f: {  	v1 =	vadd.f32 v1, v2;
	v2 =	vor.u32 v20, v5  }
0x590: {  	v43 =	vor.u32 $0x6040, v0  }
0x591: {  	v3 =	vor.u32 v43, v5;
	v1 =	vmul.f32 v1, v47;
	_ =	sdelay $0x1  }
0x592: {  	[tilespmem:v6+s16+$0x0] =	vst.idx.msk $0xffff, v1  }
0x593: {  	v1 =	vld.idx.msk [tilespmem:v2+s18+$0x0], $0xffff;
	_ =	sdelay $0x1  }
0x594: {  	v2 =	vld.idx.msk [tilespmem:v3+s16+$0x0], $0xffff;
	_ =	sdelay $0x2  }
0x595: {  	v1 =	vmul.f32 v1, v8;
	_ =	sdelay $0x1  }
0x596: {  	v6 =	vor.u32 v15, v5;
	v2 =	vadd.f32 v1, v2  }
0x597: {  	v1 =	vor.u32 $0x6050, v0  }
0x598: {  	v9 =	vor.u32 v1, v5;
	v2 =	vmul.f32 v2, v47;
	_ =	sdelay $0x1  }
0x599: {  	[tilespmem:v3+s16+$0x0] =	vst.idx.msk $0xffff, v2  }
0x59a: {  	v2 =	vld.idx.msk [tilespmem:v6+s18+$0x0], $0xffff;
	_ =	sdelay $0x1  }
0x59b: {  	v3 =	vld.idx.msk [tilespmem:v9+s16+$0x0], $0xffff;
	_ =	sdelay $0x2  }
0x59c: {  	v2 =	vmul.f32 v2, v8;
	_ =	sdelay $0x1  }
0x59d: {  	v6 =	vor.u32 v11, v5;
	v3 =	vadd.f32 v2, v3  }
0x59e: {  	v2 =	vor.u32 $0x6060, v0  }
0x59f: {  	v12 =	vor.u32 v2, v5;
	v3 =	vmul.f32 v3, v47;
	_ =	sdelay $0x1  }
0x5a0: {  	[tilespmem:v9+s16+$0x0] =	vst.idx.msk $0xffff, v3  }
0x5a1: {  	v3 =	vld.idx.msk [tilespmem:v6+s18+$0x0], $0xffff;
	_ =	sdelay $0x1  }
0x5a2: {  	v6 =	vld.idx.msk [tilespmem:v12+s16+$0x0], $0xffff;
	_ =	sdelay $0x2  }
0x5a3: {  	v3 =	vmul.f32 v3, v8;
	_ =	sdelay $0x1  }
0x5a4: {  	v46 =	vor.u32 v10, v5;
	v9 =	vadd.f32 v3, v6  }
0x5a5: {  	v3 =	vor.u32 $0x6070, v0  }
0x5a6: {  	v6 =	vor.u32 v3, v5;
	v5 =	vmul.f32 v9, v47;
	_ =	sdelay $0x1  }
0x5a7: {  	[tilespmem:v12+s16+$0x0] =	vst.idx.msk $0xffff, v5  }
0x5a8: {  	v5 =	vld.idx.msk [tilespmem:v46+s18+$0x0], $0xffff;
	_ =	sdelay $0x1  }
0x5a9: {  	v12 =	vld.idx.msk [tilespmem:v6+s16+$0x0], $0xffff;
	_ =	sdelay $0x2  }
0x5aa: {  	s0 =	simm.s32 $0x1;
	v5 =	vmul.f32 v5, v8  }
0x5ab: {  	v9 =	vmov s0  }
0x5ac: {  	v46 =	vshll.u32 v9, $0x7;
	v5 =	vadd.f32 v5, v12  }
0x5ad: {  	v12 =	vor.u32 v0, v46  }
0x5ae: {  	v5 =	vmul.f32 v5, v47  }
0x5af: {  	s2 =	simm.s32 $0x2;
	v8 =	vor.u32 v31, v46  }
.LBB2_14:
0x5b0: {  	p0 =	sne.s32 s2, $0x3F;
	[tilespmem:v6+s16+$0x0] =	vst.idx.msk $0xffff, v5;
	s30 =	smov.u32 s2;
	s2 =	sadd.s32 $0x1, s2  }
0x5b1: {  	v5 =	vld.idx.msk [tilespmem:v9+s21+$0x0], $0xffff  }
0x5b2: {  	v6 =	vld.idx.msk [tilespmem:v12+s18+$0x0], $0xffff;
	_ =	sdelay $0x1  }
0x5b3: {  	v12 =	vld.idx.msk [tilespmem:v8+s16+$0x0], $0xffff;
	_ =	sdelay $0x1  }
0x5b4: {  	v47 =	vld.idx.msk [tilespmem:v9+s23+$0x0], $0xffff;
	_ =	sdelay $0x1  }
0x5b5: {  	v6 =	vmul.f32 v6, v5;
	_ =	sdelay $0x1  }
0x5b6: {  	v9 =	vor.u32 v25, v46;
	v6 =	vadd.f32 v6, v12;
	_ =	sdelay $0x1  }
0x5b7: {  	v12 =	vor.u32 v33, v46;
	v6 =	vmul.f32 v6, v47;
	_ =	sdelay $0x1  }
0x5b8: {  	[tilespmem:v8+s16+$0x0] =	vst.idx.msk $0xffff, v6  }
0x5b9: {  	v6 =	vld.idx.msk [tilespmem:v9+s18+$0x0], $0xffff;
	_ =	sdelay $0x1  }
0x5ba: {  	v8 =	vld.idx.msk [tilespmem:v12+s16+$0x0], $0xffff;
	_ =	sdelay $0x3  }
0x5bb: {  	v6 =	vmul.f32 v6, v5;
	_ =	sdelay $0x1  }
0x5bc: {  	v6 =	vadd.f32 v6, v8;
	v8 =	vor.u32 v23, v46;
	_ =	sdelay $0x1  }
0x5bd: {  	v9 =	vor.u32 v35, v46;
	v6 =	vmul.f32 v6, v47;
	_ =	sdelay $0x1  }
0x5be: {  	[tilespmem:v12+s16+$0x0] =	vst.idx.msk $0xffff, v6  }
0x5bf: {  	v6 =	vld.idx.msk [tilespmem:v8+s18+$0x0], $0xffff;
	_ =	sdelay $0x1  }
0x5c0: {  	v8 =	vld.idx.msk [tilespmem:v9+s16+$0x0], $0xffff;
	_ =	sdelay $0x3  }
0x5c1: {  	v6 =	vmul.f32 v6, v5;
	_ =	sdelay $0x1  }
0x5c2: {  	v6 =	vadd.f32 v6, v8;
	v8 =	vor.u32 v21, v46;
	_ =	sdelay $0x1  }
0x5c3: {  	v12 =	vor.u32 v40, v46;
	v6 =	vmul.f32 v6, v47;
	_ =	sdelay $0x1  }
0x5c4: {  	[tilespmem:v9+s16+$0x0] =	vst.idx.msk $0xffff, v6  }
0x5c5: {  	v6 =	vld.idx.msk [tilespmem:v8+s18+$0x0], $0xffff;
	_ =	sdelay $0x1  }
0x5c6: {  	v8 =	vld.idx.msk [tilespmem:v12+s16+$0x0], $0xffff;
	_ =	sdelay $0x3  }
0x5c7: {  	v6 =	vmul.f32 v6, v5;
	_ =	sdelay $0x1  }
0x5c8: {  	v6 =	vadd.f32 v6, v8;
	v8 =	vor.u32 v20, v46;
	_ =	sdelay $0x1  }
0x5c9: {  	v9 =	vor.u32 v43, v46;
	v6 =	vmul.f32 v6, v47;
	_ =	sdelay $0x1  }
0x5ca: {  	[tilespmem:v12+s16+$0x0] =	vst.idx.msk $0xffff, v6  }
0x5cb: {  	v6 =	vld.idx.msk [tilespmem:v8+s18+$0x0], $0xffff;
	_ =	sdelay $0x1  }
0x5cc: {  	v8 =	vld.idx.msk [tilespmem:v9+s16+$0x0], $0xffff;
	_ =	sdelay $0x3  }
0x5cd: {  	v6 =	vmul.f32 v6, v5;
	_ =	sdelay $0x1  }
0x5ce: {  	v6 =	vadd.f32 v6, v8;
	v8 =	vor.u32 v15, v46  }
0x5cf: {  	v12 =	vor.u32 v1, v46  }
0x5d0: {  	v6 =	vmul.f32 v6, v47;
	_ =	sdelay $0x1  }
0x5d1: {  	[tilespmem:v9+s16+$0x0] =	vst.idx.msk $0xffff, v6  }
0x5d2: {  	v6 =	vld.idx.msk [tilespmem:v8+s18+$0x0], $0xffff  }
0x5d3: {  	v8 =	vld.idx.msk [tilespmem:v12+s16+$0x0], $0xffff;
	_ =	sdelay $0x4  }
0x5d4: {  	v6 =	vmul.f32 v6, v5;
	_ =	sdelay $0x1  }
0x5d5: {  	v6 =	vadd.f32 v6, v8;
	v8 =	vor.u32 v11, v46  }
0x5d6: {  	v9 =	vor.u32 v2, v46  }
0x5d7: {  	v6 =	vmul.f32 v6, v47;
	_ =	sdelay $0x1  }
0x5d8: {  	[tilespmem:v12+s16+$0x0] =	vst.idx.msk $0xffff, v6  }
0x5d9: {  	v6 =	vld.idx.msk [tilespmem:v8+s18+$0x0], $0xffff  }
0x5da: {  	v8 =	vld.idx.msk [tilespmem:v9+s16+$0x0], $0xffff;
	_ =	sdelay $0x4  }
0x5db: {  	v6 =	vmul.f32 v6, v5;
	_ =	sdelay $0x1  }
0x5dc: {  	v12 =	vor.u32 v10, v46;
	v8 =	vadd.f32 v6, v8  }
0x5dd: {  	v6 =	vor.u32 v3, v46  }
0x5de: {  	v8 =	vmul.f32 v8, v47;
	_ =	sdelay $0x1  }
0x5df: {  	[tilespmem:v9+s16+$0x0] =	vst.idx.msk $0xffff, v8  }
0x5e0: {  	v8 =	vld.idx.msk [tilespmem:v12+s18+$0x0], $0xffff  }
0x5e1: {  	v12 =	vld.idx.msk [tilespmem:v6+s16+$0x0], $0xffff;
	_ =	sdelay $0x4  }
0x5e2: {  	v5 =	vmul.f32 v8, v5  }
.Ltmp6:
0x5e3: {  	v9 =	vmov s30;
	(pc) =	sbr.rel @p0 .LBB2_14-.Ltmp6, $4  }
0x5e4: {  	v46 =	vshll.u32 v9, $0x7;
	v5 =	vadd.f32 v5, v12  }
0x5e5: {  	v12 =	vor.u32 v0, v46  }
0x5e6: {  	v5 =	vmul.f32 v5, v47  }
0x5e7: {  	v8 =	vor.u32 v31, v46  }
0x5e8: {  	_ =	sdelay $0x3  }
0x5e9: {  	[tilespmem:v6+s16+$0x0] =	vst.idx.msk $0xffff, v5  }
0x5ea: {  	v5 =	vld.idx.msk [tilespmem:v9+s21+$0x0], $0xffff  }
0x5eb: {  	v6 =	vld.idx.msk [tilespmem:v12+s18+$0x0], $0xffff;
	_ =	sdelay $0x1  }
0x5ec: {  	v12 =	vld.idx.msk [tilespmem:v8+s16+$0x0], $0xffff;
	_ =	sdelay $0x1  }
0x5ed: {  	v9 =	vld.idx.msk [tilespmem:v9+s23+$0x0], $0xffff  }
0x5ee: {  	v6 =	vmul.f32 v6, v5;
	_ =	sdelay $0x1  }
0x5ef: {  	v6 =	vadd.f32 v6, v12;
	v12 =	vor.u32 v25, v46;
	_ =	sdelay $0x1  }
0x5f0: {  	v31 =	vor.u32 v33, v46;
	v6 =	vmul.f32 v6, v9;
	_ =	sdelay $0x1  }
0x5f1: {  	[tilespmem:v8+s16+$0x0] =	vst.idx.msk $0xffff, v6  }
0x5f2: {  	v6 =	vld.idx.msk [tilespmem:v12+s18+$0x0], $0xffff;
	_ =	sdelay $0x1  }
0x5f3: {  	v8 =	vld.idx.msk [tilespmem:v31+s16+$0x0], $0xffff;
	_ =	sdelay $0x2  }
0x5f4: {  	v6 =	vmul.f32 v6, v5;
	_ =	sdelay $0x1  }
0x5f5: {  	v6 =	vadd.f32 v6, v8;
	v8 =	vor.u32 v23, v46;
	_ =	sdelay $0x1  }
0x5f6: {  	v12 =	vor.u32 v35, v46;
	v6 =	vmul.f32 v6, v9;
	_ =	sdelay $0x1  }
0x5f7: {  	[tilespmem:v31+s16+$0x0] =	vst.idx.msk $0xffff, v6  }
0x5f8: {  	v6 =	vld.idx.msk [tilespmem:v8+s18+$0x0], $0xffff;
	_ =	sdelay $0x1  }
0x5f9: {  	v8 =	vld.idx.msk [tilespmem:v12+s16+$0x0], $0xffff;
	_ =	sdelay $0x2  }
0x5fa: {  	v6 =	vmul.f32 v6, v5;
	_ =	sdelay $0x1  }
0x5fb: {  	v6 =	vadd.f32 v6, v8;
	v8 =	vor.u32 v21, v46;
	_ =	sdelay $0x1  }
0x5fc: {  	v31 =	vor.u32 v40, v46;
	v6 =	vmul.f32 v6, v9;
	_ =	sdelay $0x1  }
0x5fd: {  	[tilespmem:v12+s16+$0x0] =	vst.idx.msk $0xffff, v6  }
0x5fe: {  	v6 =	vld.idx.msk [tilespmem:v8+s18+$0x0], $0xffff;
	_ =	sdelay $0x1  }
0x5ff: {  	v8 =	vld.idx.msk [tilespmem:v31+s16+$0x0], $0xffff;
	_ =	sdelay $0x2  }
0x600: {  	v6 =	vmul.f32 v6, v5;
	_ =	sdelay $0x1  }
0x601: {  	v6 =	vadd.f32 v6, v8;
	v8 =	vor.u32 v20, v46;
	_ =	sdelay $0x1  }
0x602: {  	v12 =	vor.u32 v43, v46;
	v6 =	vmul.f32 v6, v9;
	_ =	sdelay $0x1  }
0x603: {  	[tilespmem:v31+s16+$0x0] =	vst.idx.msk $0xffff, v6  }
0x604: {  	v6 =	vld.idx.msk [tilespmem:v8+s18+$0x0], $0xffff;
	_ =	sdelay $0x1  }
0x605: {  	v8 =	vld.idx.msk [tilespmem:v12+s16+$0x0], $0xffff;
	_ =	sdelay $0x2  }
0x606: {  	v6 =	vmul.f32 v6, v5;
	_ =	sdelay $0x1  }
0x607: {  	v6 =	vadd.f32 v6, v8;
	v8 =	vor.u32 v15, v46;
	_ =	sdelay $0x1  }
0x608: {  	v1 =	vor.u32 v1, v46;
	v6 =	vmul.f32 v6, v9;
	_ =	sdelay $0x1  }
0x609: {  	[tilespmem:v12+s16+$0x0] =	vst.idx.msk $0xffff, v6  }
0x60a: {  	v6 =	vld.idx.msk [tilespmem:v8+s18+$0x0], $0xffff;
	_ =	sdelay $0x1  }
0x60b: {  	v8 =	vld.idx.msk [tilespmem:v1+s16+$0x0], $0xffff;
	_ =	sdelay $0x2  }
0x60c: {  	v6 =	vmul.f32 v6, v5;
	_ =	sdelay $0x1  }
0x60d: {  	v6 =	vadd.f32 v6, v8;
	v8 =	vor.u32 v11, v46;
	_ =	sdelay $0x1  }
0x60e: {  	v2 =	vor.u32 v2, v46;
	v6 =	vmul.f32 v6, v9;
	_ =	sdelay $0x1  }
0x60f: {  	[tilespmem:v1+s16+$0x0] =	vst.idx.msk $0xffff, v6  }
0x610: {  	v1 =	vld.idx.msk [tilespmem:v8+s18+$0x0], $0xffff;
	_ =	sdelay $0x1  }
0x611: {  	v6 =	vld.idx.msk [tilespmem:v2+s16+$0x0], $0xffff;
	_ =	sdelay $0x2  }
0x612: {  	v1 =	vmul.f32 v1, v5;
	_ =	sdelay $0x1  }
0x613: {  	v1 =	vadd.f32 v1, v6;
	v6 =	vor.u32 v10, v46;
	_ =	sdelay $0x1  }
0x614: {  	v3 =	vor.u32 v3, v46;
	v1 =	vmul.f32 v1, v9;
	_ =	sdelay $0x1  }
0x615: {  	[tilespmem:v2+s16+$0x0] =	vst.idx.msk $0xffff, v1  }
0x616: {  	v1 =	vld.idx.msk [tilespmem:v6+s18+$0x0], $0xffff;
	_ =	sdelay $0x1  }
0x617: {  	v2 =	vld.idx.msk [tilespmem:v3+s16+$0x0], $0xffff;
	_ =	sdelay $0x2  }
0x618: {  	v1 =	vmul.f32 v1, v5;
	_ =	sdelay $0x1  }
0x619: {  	v1 =	vadd.f32 v1, v2;
	_ =	sdelay $0x1  }
0x61a: {  	v1 =	vmul.f32 v1, v9;
	_ =	sdelay $0x1  }
0x61b: {  	[tilespmem:v3+s16+$0x0] =	vst.idx.msk $0xffff, v1  }
0x61c: {  	[tilespmem:$0x0] =	vst v49  }
0x61d: {  	[tilespmem:$0x10] =	vst v50  }
0x61e: {  	[tilespmem:$0x20] =	vst v52  }
0x61f: {  	s2 =	simm.s32 $0x0;
	[tilespmem:$0x30] =	vst v53  }
0x620: {  	[tilespmem:s18], [sflag:$0x1] =	stream.indirect.gather [hbm4b:s1+s17], $0x80, s2, s17, $0xb8;
	[tilespmem:$0x11A90] =	vst v63  }
0x621: {  	v1 =	vld.idx.msk [tilespmem:v54+s14+$0x0], $0xffff  }
0x622: {  	v2 =	vld.idx.msk [tilespmem:v55+s14+$0x0], $0xffff;
	_ =	sdelay $0x4  }
0x623: {  	v1 =	vadd.f32 v2, v1;
	_ =	sdelay $0x1  }
0x624: {  	v2 =	vmul.f32 $2.000000030e-01, v1  }
0x625: {  	vm1 =	vge.f32 v1, $0.0e+00  }
0x626: {  	v1 =	vsel vm1, v1, v2  }
0x627: {  	v1 =	vmul.f32 $1.442695020e+00, v1;
	_ =	sdelay $0x1  }
0x628: {  	(erf) = vpow2.f32 v1;
	_ =	sdelay $0x4  }
0x629: {  	v1 =	vld [tilespmem:$0x7200];
	_ =	sdelay $0x3  }
0x62a: {  	v2 =	vpop (erf)  }
0x62b: {  	v1 =	vadd.f32 v2, v1;
	_ =	sdelay $0x1  }
0x62c: {  	v1 =	vadd.f32 $1.000000020e-16, v1;
	_ =	sdelay $0x1  }
0x62d: {  	(erf) = vrcp.f32 v1;
	_ =	sdelay $0x8  }
0x62e: {  	[tilespmem:$0x20C0] =	vst v2;
	v1 =	vpop (erf)  }
0x62f: {  	[tilespmem:$0x7250] =	vst v1  }
0x630: {  	v1 =	vld.idx.msk [tilespmem:v56+s14+$0x0], $0xffff  }
0x631: {  	v2 =	vld.idx.msk [tilespmem:v57+s14+$0x0], $0xffff;
	_ =	sdelay $0x4  }
0x632: {  	v1 =	vadd.f32 v2, v1;
	_ =	sdelay $0x1  }
0x633: {  	v2 =	vmul.f32 $2.000000030e-01, v1  }
0x634: {  	vm1 =	vge.f32 v1, $0.0e+00  }
0x635: {  	v1 =	vsel vm1, v1, v2  }
0x636: {  	v1 =	vmul.f32 $1.442695020e+00, v1;
	_ =	sdelay $0x1  }
0x637: {  	(erf) = vpow2.f32 v1;
	_ =	sdelay $0x4  }
0x638: {  	v1 =	vld [tilespmem:$0x7210];
	_ =	sdelay $0x3  }
0x639: {  	v2 =	vpop (erf)  }
0x63a: {  	v1 =	vadd.f32 v2, v1;
	_ =	sdelay $0x1  }
0x63b: {  	v1 =	vadd.f32 $1.000000020e-16, v1;
	_ =	sdelay $0x1  }
0x63c: {  	(erf) = vrcp.f32 v1;
	_ =	sdelay $0x8  }
0x63d: {  	[tilespmem:$0x20D0] =	vst v2;
	v1 =	vpop (erf)  }
0x63e: {  	[tilespmem:$0x7260] =	vst v1  }
0x63f: {  	v1 =	vld.idx.msk [tilespmem:v58+s14+$0x0], $0xffff  }
0x640: {  	v2 =	vld.idx.msk [tilespmem:v60+s14+$0x0], $0xffff;
	_ =	sdelay $0x4  }
0x641: {  	v1 =	vadd.f32 v2, v1;
	_ =	sdelay $0x1  }
0x642: {  	v2 =	vmul.f32 $2.000000030e-01, v1  }
0x643: {  	vm1 =	vge.f32 v1, $0.0e+00  }
0x644: {  	v1 =	vsel vm1, v1, v2  }
0x645: {  	v1 =	vmul.f32 $1.442695020e+00, v1;
	_ =	sdelay $0x1  }
0x646: {  	(erf) = vpow2.f32 v1;
	_ =	sdelay $0x4  }
0x647: {  	v1 =	vld [tilespmem:$0x7220];
	_ =	sdelay $0x3  }
0x648: {  	v2 =	vpop (erf)  }
0x649: {  	v1 =	vadd.f32 v2, v1;
	_ =	sdelay $0x1  }
0x64a: {  	v1 =	vadd.f32 $1.000000020e-16, v1;
	_ =	sdelay $0x1  }
0x64b: {  	(erf) = vrcp.f32 v1;
	_ =	sdelay $0x8  }
0x64c: {  	[tilespmem:$0x20E0] =	vst v2;
	v1 =	vpop (erf)  }
0x64d: {  	[tilespmem:$0x7270] =	vst v1  }
0x64e: {  	v1 =	vld.idx.msk [tilespmem:v59+s14+$0x0], $0xffff  }
0x64f: {  	v2 =	vld.idx.msk [tilespmem:v62+s14+$0x0], $0xffff;
	_ =	sdelay $0x4  }
0x650: {  	v1 =	vadd.f32 v2, v1;
	_ =	sdelay $0x1  }
0x651: {  	v2 =	vmul.f32 $2.000000030e-01, v1  }
0x652: {  	vm1 =	vge.f32 v1, $0.0e+00  }
0x653: {  	v1 =	vsel vm1, v1, v2  }
0x654: {  	v1 =	vmul.f32 $1.442695020e+00, v1;
	_ =	sdelay $0x1  }
0x655: {  	(erf) = vpow2.f32 v1;
	_ =	sdelay $0x4  }
0x656: {  	v1 =	vld [tilespmem:$0x7230];
	_ =	sdelay $0x3  }
0x657: {  	v2 =	vpop (erf)  }
0x658: {  	v1 =	vadd.f32 v2, v1;
	_ =	sdelay $0x1  }
0x659: {  	v1 =	vadd.f32 $1.000000020e-16, v1;
	_ =	sdelay $0x1  }
0x65a: {  	(erf) = vrcp.f32 v1;
	_ =	sdelay $0x7  }
0x65b: {  	v1 =	vmov s2  }
0x65c: {  	[tilespmem:$0x20F0] =	vst v2;
	v5 =	vshll.u32 v1, $0x7;
	v2 =	vpop (erf)  }
0x65d: {  	[tilespmem:$0x7280] =	vst v2;
	v2 =	vor.u32 v0, v5  }
0x65e: {  	v31 =	vor.u32 $0x8000, v0;
	_ =	swait.ge [sflag:s20], $0x2000  }
0x65f: {  	v3 =	vor.u32 v31, v5;
	[sflag:s20] =	ssyncset.done $0x0  }
0x660: {  	[sflag:s20] =	ssyncadd.s32 $0xFFFFE000  }
0x661: {  	v8 =	vld.idx.msk [tilespmem:v1+s21+$0x0], $0xffff  }
0x662: {  	v2 =	vld.idx.msk [tilespmem:v2+s18+$0x0], $0xffff;
	_ =	sdelay $0x1  }
0x663: {  	v6 =	vld.idx.msk [tilespmem:v3+s16+$0x0], $0xffff;
	_ =	sdelay $0x1  }
0x664: {  	v47 =	vld.idx.msk [tilespmem:v1+s23+$0x0], $0xffff  }
0x665: {  	v1 =	vmul.f32 v2, v8;
	_ =	sdelay $0x1  }
0x666: {  	v2 =	vor.u32 v25, v5;
	v1 =	vadd.f32 v1, v6  }
0x667: {  	v33 =	vor.u32 $0x8010, v0  }
0x668: {  	v6 =	vor.u32 v33, v5;
	v1 =	vmul.f32 v1, v47;
	_ =	sdelay $0x1  }
0x669: {  	[tilespmem:v3+s16+$0x0] =	vst.idx.msk $0xffff, v1  }
0x66a: {  	v1 =	vld.idx.msk [tilespmem:v2+s18+$0x0], $0xffff;
	_ =	sdelay $0x1  }
0x66b: {  	v2 =	vld.idx.msk [tilespmem:v6+s16+$0x0], $0xffff;
	_ =	sdelay $0x2  }
0x66c: {  	v1 =	vmul.f32 v1, v8;
	_ =	sdelay $0x1  }
0x66d: {  	v1 =	vadd.f32 v1, v2;
	v2 =	vor.u32 v23, v5  }
0x66e: {  	v35 =	vor.u32 $0x8020, v0  }
0x66f: {  	v3 =	vor.u32 v35, v5;
	v1 =	vmul.f32 v1, v47;
	_ =	sdelay $0x1  }
0x670: {  	[tilespmem:v6+s16+$0x0] =	vst.idx.msk $0xffff, v1  }
0x671: {  	v1 =	vld.idx.msk [tilespmem:v2+s18+$0x0], $0xffff;
	_ =	sdelay $0x1  }
0x672: {  	v2 =	vld.idx.msk [tilespmem:v3+s16+$0x0], $0xffff;
	_ =	sdelay $0x2  }
0x673: {  	v1 =	vmul.f32 v1, v8;
	_ =	sdelay $0x1  }
0x674: {  	v1 =	vadd.f32 v1, v2;
	v2 =	vor.u32 v21, v5  }
0x675: {  	v40 =	vor.u32 $0x8030, v0  }
0x676: {  	v6 =	vor.u32 v40, v5;
	v1 =	vmul.f32 v1, v47;
	_ =	sdelay $0x1  }
0x677: {  	[tilespmem:v3+s16+$0x0] =	vst.idx.msk $0xffff, v1  }
0x678: {  	v1 =	vld.idx.msk [tilespmem:v2+s18+$0x0], $0xffff;
	_ =	sdelay $0x1  }
0x679: {  	v2 =	vld.idx.msk [tilespmem:v6+s16+$0x0], $0xffff;
	_ =	sdelay $0x2  }
0x67a: {  	v1 =	vmul.f32 v1, v8;
	_ =	sdelay $0x1  }
0x67b: {  	v1 =	vadd.f32 v1, v2;
	v2 =	vor.u32 v20, v5  }
0x67c: {  	v43 =	vor.u32 $0x8040, v0  }
0x67d: {  	v3 =	vor.u32 v43, v5;
	v1 =	vmul.f32 v1, v47;
	_ =	sdelay $0x1  }
0x67e: {  	[tilespmem:v6+s16+$0x0] =	vst.idx.msk $0xffff, v1  }
0x67f: {  	v1 =	vld.idx.msk [tilespmem:v2+s18+$0x0], $0xffff;
	_ =	sdelay $0x1  }
0x680: {  	v2 =	vld.idx.msk [tilespmem:v3+s16+$0x0], $0xffff;
	_ =	sdelay $0x2  }
0x681: {  	v1 =	vmul.f32 v1, v8;
	_ =	sdelay $0x1  }
0x682: {  	v6 =	vor.u32 v15, v5;
	v2 =	vadd.f32 v1, v2  }
0x683: {  	v1 =	vor.u32 $0x8050, v0  }
0x684: {  	v9 =	vor.u32 v1, v5;
	v2 =	vmul.f32 v2, v47;
	_ =	sdelay $0x1  }
0x685: {  	[tilespmem:v3+s16+$0x0] =	vst.idx.msk $0xffff, v2  }
0x686: {  	v2 =	vld.idx.msk [tilespmem:v6+s18+$0x0], $0xffff;
	_ =	sdelay $0x1  }
0x687: {  	v3 =	vld.idx.msk [tilespmem:v9+s16+$0x0], $0xffff;
	_ =	sdelay $0x2  }
0x688: {  	v2 =	vmul.f32 v2, v8;
	_ =	sdelay $0x1  }
0x689: {  	v6 =	vor.u32 v11, v5;
	v3 =	vadd.f32 v2, v3  }
0x68a: {  	v2 =	vor.u32 $0x8060, v0  }
0x68b: {  	v12 =	vor.u32 v2, v5;
	v3 =	vmul.f32 v3, v47;
	_ =	sdelay $0x1  }
0x68c: {  	[tilespmem:v9+s16+$0x0] =	vst.idx.msk $0xffff, v3  }
0x68d: {  	v3 =	vld.idx.msk [tilespmem:v6+s18+$0x0], $0xffff;
	_ =	sdelay $0x1  }
0x68e: {  	v6 =	vld.idx.msk [tilespmem:v12+s16+$0x0], $0xffff;
	_ =	sdelay $0x2  }
0x68f: {  	v3 =	vmul.f32 v3, v8;
	_ =	sdelay $0x1  }
0x690: {  	v46 =	vor.u32 v10, v5;
	v9 =	vadd.f32 v3, v6  }
0x691: {  	v3 =	vor.u32 $0x8070, v0  }
0x692: {  	v6 =	vor.u32 v3, v5;
	v5 =	vmul.f32 v9, v47;
	_ =	sdelay $0x1  }
0x693: {  	[tilespmem:v12+s16+$0x0] =	vst.idx.msk $0xffff, v5  }
0x694: {  	v5 =	vld.idx.msk [tilespmem:v46+s18+$0x0], $0xffff;
	_ =	sdelay $0x1  }
0x695: {  	v12 =	vld.idx.msk [tilespmem:v6+s16+$0x0], $0xffff;
	_ =	sdelay $0x2  }
0x696: {  	s0 =	simm.s32 $0x1;
	v5 =	vmul.f32 v5, v8  }
0x697: {  	v9 =	vmov s0  }
0x698: {  	v46 =	vshll.u32 v9, $0x7;
	v5 =	vadd.f32 v5, v12  }
0x699: {  	v12 =	vor.u32 v0, v46  }
0x69a: {  	v5 =	vmul.f32 v5, v47  }
0x69b: {  	s2 =	simm.s32 $0x2;
	v8 =	vor.u32 v31, v46  }
.LBB2_16:
0x69c: {  	p0 =	sne.s32 s2, $0x3F;
	[tilespmem:v6+s16+$0x0] =	vst.idx.msk $0xffff, v5;
	s30 =	smov.u32 s2;
	s2 =	sadd.s32 $0x1, s2  }
0x69d: {  	v5 =	vld.idx.msk [tilespmem:v9+s21+$0x0], $0xffff  }
0x69e: {  	v6 =	vld.idx.msk [tilespmem:v12+s18+$0x0], $0xffff;
	_ =	sdelay $0x1  }
0x69f: {  	v12 =	vld.idx.msk [tilespmem:v8+s16+$0x0], $0xffff;
	_ =	sdelay $0x1  }
0x6a0: {  	v47 =	vld.idx.msk [tilespmem:v9+s23+$0x0], $0xffff;
	_ =	sdelay $0x1  }
0x6a1: {  	v6 =	vmul.f32 v6, v5;
	_ =	sdelay $0x1  }
0x6a2: {  	v9 =	vor.u32 v25, v46;
	v6 =	vadd.f32 v6, v12;
	_ =	sdelay $0x1  }
0x6a3: {  	v12 =	vor.u32 v33, v46;
	v6 =	vmul.f32 v6, v47;
	_ =	sdelay $0x1  }
0x6a4: {  	[tilespmem:v8+s16+$0x0] =	vst.idx.msk $0xffff, v6  }
0x6a5: {  	v6 =	vld.idx.msk [tilespmem:v9+s18+$0x0], $0xffff;
	_ =	sdelay $0x1  }
0x6a6: {  	v8 =	vld.idx.msk [tilespmem:v12+s16+$0x0], $0xffff;
	_ =	sdelay $0x3  }
0x6a7: {  	v6 =	vmul.f32 v6, v5;
	_ =	sdelay $0x1  }
0x6a8: {  	v6 =	vadd.f32 v6, v8;
	v8 =	vor.u32 v23, v46;
	_ =	sdelay $0x1  }
0x6a9: {  	v9 =	vor.u32 v35, v46;
	v6 =	vmul.f32 v6, v47;
	_ =	sdelay $0x1  }
0x6aa: {  	[tilespmem:v12+s16+$0x0] =	vst.idx.msk $0xffff, v6  }
0x6ab: {  	v6 =	vld.idx.msk [tilespmem:v8+s18+$0x0], $0xffff;
	_ =	sdelay $0x1  }
0x6ac: {  	v8 =	vld.idx.msk [tilespmem:v9+s16+$0x0], $0xffff;
	_ =	sdelay $0x3  }
0x6ad: {  	v6 =	vmul.f32 v6, v5;
	_ =	sdelay $0x1  }
0x6ae: {  	v6 =	vadd.f32 v6, v8;
	v8 =	vor.u32 v21, v46;
	_ =	sdelay $0x1  }
0x6af: {  	v12 =	vor.u32 v40, v46;
	v6 =	vmul.f32 v6, v47;
	_ =	sdelay $0x1  }
0x6b0: {  	[tilespmem:v9+s16+$0x0] =	vst.idx.msk $0xffff, v6  }
0x6b1: {  	v6 =	vld.idx.msk [tilespmem:v8+s18+$0x0], $0xffff;
	_ =	sdelay $0x1  }
0x6b2: {  	v8 =	vld.idx.msk [tilespmem:v12+s16+$0x0], $0xffff;
	_ =	sdelay $0x3  }
0x6b3: {  	v6 =	vmul.f32 v6, v5;
	_ =	sdelay $0x1  }
0x6b4: {  	v6 =	vadd.f32 v6, v8;
	v8 =	vor.u32 v20, v46;
	_ =	sdelay $0x1  }
0x6b5: {  	v9 =	vor.u32 v43, v46;
	v6 =	vmul.f32 v6, v47;
	_ =	sdelay $0x1  }
0x6b6: {  	[tilespmem:v12+s16+$0x0] =	vst.idx.msk $0xffff, v6  }
0x6b7: {  	v6 =	vld.idx.msk [tilespmem:v8+s18+$0x0], $0xffff;
	_ =	sdelay $0x1  }
0x6b8: {  	v8 =	vld.idx.msk [tilespmem:v9+s16+$0x0], $0xffff;
	_ =	sdelay $0x3  }
0x6b9: {  	v6 =	vmul.f32 v6, v5;
	_ =	sdelay $0x1  }
0x6ba: {  	v6 =	vadd.f32 v6, v8;
	v8 =	vor.u32 v15, v46  }
0x6bb: {  	v12 =	vor.u32 v1, v46  }
0x6bc: {  	v6 =	vmul.f32 v6, v47;
	_ =	sdelay $0x1  }
0x6bd: {  	[tilespmem:v9+s16+$0x0] =	vst.idx.msk $0xffff, v6  }
0x6be: {  	v6 =	vld.idx.msk [tilespmem:v8+s18+$0x0], $0xffff  }
0x6bf: {  	v8 =	vld.idx.msk [tilespmem:v12+s16+$0x0], $0xffff;
	_ =	sdelay $0x4  }
0x6c0: {  	v6 =	vmul.f32 v6, v5;
	_ =	sdelay $0x1  }
0x6c1: {  	v6 =	vadd.f32 v6, v8;
	v8 =	vor.u32 v11, v46  }
0x6c2: {  	v9 =	vor.u32 v2, v46  }
0x6c3: {  	v6 =	vmul.f32 v6, v47;
	_ =	sdelay $0x1  }
0x6c4: {  	[tilespmem:v12+s16+$0x0] =	vst.idx.msk $0xffff, v6  }
0x6c5: {  	v6 =	vld.idx.msk [tilespmem:v8+s18+$0x0], $0xffff  }
0x6c6: {  	v8 =	vld.idx.msk [tilespmem:v9+s16+$0x0], $0xffff;
	_ =	sdelay $0x4  }
0x6c7: {  	v6 =	vmul.f32 v6, v5;
	_ =	sdelay $0x1  }
0x6c8: {  	v12 =	vor.u32 v10, v46;
	v8 =	vadd.f32 v6, v8  }
0x6c9: {  	v6 =	vor.u32 v3, v46  }
0x6ca: {  	v8 =	vmul.f32 v8, v47;
	_ =	sdelay $0x1  }
0x6cb: {  	[tilespmem:v9+s16+$0x0] =	vst.idx.msk $0xffff, v8  }
0x6cc: {  	v8 =	vld.idx.msk [tilespmem:v12+s18+$0x0], $0xffff  }
0x6cd: {  	v12 =	vld.idx.msk [tilespmem:v6+s16+$0x0], $0xffff;
	_ =	sdelay $0x4  }
0x6ce: {  	v5 =	vmul.f32 v8, v5  }
.Ltmp7:
0x6cf: {  	v9 =	vmov s30;
	(pc) =	sbr.rel @p0 .LBB2_16-.Ltmp7, $4  }
0x6d0: {  	v46 =	vshll.u32 v9, $0x7;
	v5 =	vadd.f32 v5, v12  }
0x6d1: {  	v12 =	vor.u32 v0, v46  }
0x6d2: {  	v5 =	vmul.f32 v5, v47  }
0x6d3: {  	v8 =	vor.u32 v31, v46  }
0x6d4: {  	_ =	sdelay $0x3  }
0x6d5: {  	[tilespmem:v6+s16+$0x0] =	vst.idx.msk $0xffff, v5  }
0x6d6: {  	v5 =	vld.idx.msk [tilespmem:v9+s21+$0x0], $0xffff  }
0x6d7: {  	v6 =	vld.idx.msk [tilespmem:v12+s18+$0x0], $0xffff;
	_ =	sdelay $0x1  }
0x6d8: {  	v12 =	vld.idx.msk [tilespmem:v8+s16+$0x0], $0xffff;
	_ =	sdelay $0x1  }
0x6d9: {  	v47 =	vld.idx.msk [tilespmem:v9+s23+$0x0], $0xffff  }
0x6da: {  	v6 =	vmul.f32 v6, v5;
	_ =	sdelay $0x1  }
0x6db: {  	v6 =	vadd.f32 v6, v12;
	v12 =	vor.u32 v25, v46;
	_ =	sdelay $0x1  }
0x6dc: {  	v25 =	vor.u32 v33, v46;
	v6 =	vmul.f32 v6, v47;
	_ =	sdelay $0x1  }
0x6dd: {  	[tilespmem:v8+s16+$0x0] =	vst.idx.msk $0xffff, v6  }
0x6de: {  	v6 =	vld.idx.msk [tilespmem:v12+s18+$0x0], $0xffff;
	_ =	sdelay $0x1  }
0x6df: {  	v8 =	vld.idx.msk [tilespmem:v25+s16+$0x0], $0xffff;
	_ =	sdelay $0x2  }
0x6e0: {  	v6 =	vmul.f32 v6, v5;
	_ =	sdelay $0x1  }
0x6e1: {  	v6 =	vadd.f32 v6, v8;
	v8 =	vor.u32 v23, v46;
	_ =	sdelay $0x1  }
0x6e2: {  	v12 =	vor.u32 v35, v46;
	v6 =	vmul.f32 v6, v47;
	_ =	sdelay $0x1  }
0x6e3: {  	[tilespmem:v25+s16+$0x0] =	vst.idx.msk $0xffff, v6  }
0x6e4: {  	v6 =	vld.idx.msk [tilespmem:v8+s18+$0x0], $0xffff;
	_ =	sdelay $0x1  }
0x6e5: {  	v8 =	vld.idx.msk [tilespmem:v12+s16+$0x0], $0xffff;
	_ =	sdelay $0x2  }
0x6e6: {  	v6 =	vmul.f32 v6, v5;
	_ =	sdelay $0x1  }
0x6e7: {  	v6 =	vadd.f32 v6, v8;
	v8 =	vor.u32 v21, v46;
	_ =	sdelay $0x1  }
0x6e8: {  	v21 =	vor.u32 v40, v46;
	v6 =	vmul.f32 v6, v47;
	_ =	sdelay $0x1  }
0x6e9: {  	[tilespmem:v12+s16+$0x0] =	vst.idx.msk $0xffff, v6  }
0x6ea: {  	v6 =	vld.idx.msk [tilespmem:v8+s18+$0x0], $0xffff;
	_ =	sdelay $0x1  }
0x6eb: {  	v8 =	vld.idx.msk [tilespmem:v21+s16+$0x0], $0xffff;
	_ =	sdelay $0x2  }
0x6ec: {  	v6 =	vmul.f32 v6, v5;
	_ =	sdelay $0x1  }
0x6ed: {  	v6 =	vadd.f32 v6, v8;
	v8 =	vor.u32 v20, v46;
	_ =	sdelay $0x1  }
0x6ee: {  	v12 =	vor.u32 v43, v46;
	v6 =	vmul.f32 v6, v47;
	_ =	sdelay $0x1  }
0x6ef: {  	[tilespmem:v21+s16+$0x0] =	vst.idx.msk $0xffff, v6  }
0x6f0: {  	v6 =	vld.idx.msk [tilespmem:v8+s18+$0x0], $0xffff;
	_ =	sdelay $0x1  }
0x6f1: {  	v8 =	vld.idx.msk [tilespmem:v12+s16+$0x0], $0xffff;
	_ =	sdelay $0x2  }
0x6f2: {  	v6 =	vmul.f32 v6, v5;
	_ =	sdelay $0x1  }
0x6f3: {  	v6 =	vadd.f32 v6, v8;
	v8 =	vor.u32 v15, v46;
	_ =	sdelay $0x1  }
0x6f4: {  	v1 =	vor.u32 v1, v46;
	v6 =	vmul.f32 v6, v47;
	_ =	sdelay $0x1  }
0x6f5: {  	[tilespmem:v12+s16+$0x0] =	vst.idx.msk $0xffff, v6  }
0x6f6: {  	v6 =	vld.idx.msk [tilespmem:v8+s18+$0x0], $0xffff;
	_ =	sdelay $0x1  }
0x6f7: {  	v8 =	vld.idx.msk [tilespmem:v1+s16+$0x0], $0xffff;
	_ =	sdelay $0x2  }
0x6f8: {  	v6 =	vmul.f32 v6, v5;
	_ =	sdelay $0x1  }
0x6f9: {  	v6 =	vadd.f32 v6, v8;
	v8 =	vor.u32 v11, v46;
	_ =	sdelay $0x1  }
0x6fa: {  	v2 =	vor.u32 v2, v46;
	v6 =	vmul.f32 v6, v47;
	_ =	sdelay $0x1  }
0x6fb: {  	[tilespmem:v1+s16+$0x0] =	vst.idx.msk $0xffff, v6  }
0x6fc: {  	v1 =	vld.idx.msk [tilespmem:v8+s18+$0x0], $0xffff;
	_ =	sdelay $0x1  }
0x6fd: {  	v6 =	vld.idx.msk [tilespmem:v2+s16+$0x0], $0xffff;
	_ =	sdelay $0x2  }
0x6fe: {  	v1 =	vmul.f32 v1, v5;
	_ =	sdelay $0x1  }
0x6ff: {  	v1 =	vadd.f32 v1, v6;
	v6 =	vor.u32 v10, v46;
	_ =	sdelay $0x1  }
0x700: {  	v3 =	vor.u32 v3, v46;
	v1 =	vmul.f32 v1, v47;
	_ =	sdelay $0x1  }
0x701: {  	[tilespmem:v2+s16+$0x0] =	vst.idx.msk $0xffff, v1  }
0x702: {  	v1 =	vld.idx.msk [tilespmem:v6+s18+$0x0], $0xffff;
	_ =	sdelay $0x1  }
0x703: {  	v2 =	vld.idx.msk [tilespmem:v3+s16+$0x0], $0xffff;
	_ =	sdelay $0x2  }
0x704: {  	v1 =	vmul.f32 v1, v5;
	_ =	sdelay $0x1  }
0x705: {  	v1 =	vadd.f32 v1, v2;
	_ =	sdelay $0x1  }
0x706: {  	v1 =	vmul.f32 v1, v47;
	_ =	sdelay $0x1  }
0x707: {  	[tilespmem:v3+s16+$0x0] =	vst.idx.msk $0xffff, v1  }
0x708: {  	[hbm4b:s8+s3] =	stream.linear.scatter [tilespmem:s16], [sflag:$0x2], $0x2000, $0x38;
	[tilespmem:$0x11A90] =	vst v63  }
0x709: {  	_ =	swait.ge [sflag:s15], $0x2000  }
0x70a: {  	[sflag:s15] =	ssyncset.done $0x0  }
0x70b: {  	[sflag:s15] =	ssyncadd.s32 $0xFFFFE000  }
0x70c: {  	[hbm4b:s9+s3] =	stream.linear.scatter [tilespmem:s24], [sflag:$0x2], $0x2000, $0x38;
	[tilespmem:$0x11A90] =	vst v63  }
0x70d: {  	_ =	swait.ge [sflag:s15], $0x2000  }
0x70e: {  	[sflag:s15] =	ssyncset.done $0x0  }
0x70f: {  	[sflag:s15] =	ssyncadd.s32 $0xFFFFE000  }
0x710: {  	[hbm4b:s10+s3] =	stream.linear.scatter [tilespmem:s25], [sflag:$0x2], $0x2000, $0x38;
	[tilespmem:$0x11A90] =	vst v63  }
0x711: {  	_ =	swait.ge [sflag:s15], $0x2000  }
0x712: {  	[sflag:s15] =	ssyncset.done $0x0  }
0x713: {  	[sflag:s15] =	ssyncadd.s32 $0xFFFFE000  }
0x714: {  	[hbm4b:s11+s3] =	stream.linear.scatter [tilespmem:s26], [sflag:$0x2], $0x2000, $0x38;
	[tilespmem:$0x11A90] =	vst v63  }
0x715: {  	s29 =	sadd.s32 $0x1, s29;
	_ =	swait.ge [sflag:s15], $0x2000  }
0x716: {  	p0 =	sne.s32 s29, s13;
	[sflag:s15] =	ssyncset.done $0x0  }
.Ltmp8:
0x717: {  	[sflag:s15] =	ssyncadd.s32 $0xFFFFE000;
	(pc) =	sbr.rel @p0 .LBB2_1-.Ltmp8, $4  }
0x718: {  	[hbm4b:s12+s3] =	stream.linear.scatter [tilespmem:s28], [sflag:$0x2], $0x2000, $0x38;
	[tilespmem:$0x11A90] =	vst v63  }
0x719: {  	_ =	swait.ge [sflag:s15], $0x2000  }
0x71a: {  	[sflag:s15] =	ssyncset.done $0x0  }
0x71b: {  	[sflag:s15] =	ssyncadd.s32 $0xFFFFE000  }
0x71c: {  	_ =	sfence.sel $0x180000  }
0x71d: {  	[bflag:$0x0] =	sbarrier.arrive $0xFFFF  }
0x71e: {  	_ =	strace $0x9000004D  }
0x71f: {  	s0 =	stileid.u32;
	[bflag:$0x2] =	sbarrier.arrive $0xFFFF  }
0x720: {  	p0 =	sne.s32 s0, $0x0;
	s0 =	rddreg [dreg:$0x2]  }
0x721: {  	s0 =	sadd.s32 @!p0 $0x100000, s0  }
0x722: {  	[sflag:s0] =	ssyncadd.tile.s32 @!p0 $0x1;
	_ =	shalt  }
.Lfunc_end2:
_tile_overlayer_lowered:
.L_overlay_start_2:
0x723: {  	(tag) =	ssettag $0x2  }
0x724: {  	s0 =	rddreg [dreg:$0x0];
	s2 =	stileid.u32  }
0x725: {  	s1 =	rddreg [dreg:$0x1];
	p0 =	sne.s32 s2, $0x0  }
0x726: {  	s3 =	rddreg [dreg:$0x2];
	[bflag:$0x3] =	sbarrier.arrive $0xFFFF;
	s2 =	simm.s32 @!p0 $0x1C02  }
0x727: {  	[timem:s3], [sflag:s2] =	dma.local @!p0 [hbm:s0], s1  }
0x728: {  	s0 =	simm.s32 @!p0 $0x2  }
0x729: {  	_ =	swait.ge @!p0 [sflag:s0], s1  }
0x72a: {  	s1 =	ssub.s32 @!p0 $0x0, s1;
	[sflag:s0] =	ssyncset.done @!p0 $0x0  }
0x72b: {  	[sflag:s0] =	ssyncadd.s32 @!p0 s1  }
0x72c: {  	[bflag:$0x3] =	sbarrier.arrive $0xFFFF  }
0x72d: {  	_ =	shalt  }

// kernel: kernel.4.cloned.1.call-start
scs
__scs_entry_jumppad:
0x0: {  	(pc) =	sbr.rel $0x88, $3  }
0x1: {  	(tag) =	ssettag $0x0;
	lr =	simm.s32 $0x1  }
0x2: {  	[smem:$0x3F8D] =	sst lr;
	_ =	strace $0xD0000000  }
0x3: {  	_ = 	snop  }
0x4: {  	_ = 	snop  }
0x5: {  	_ = 	snop  }
0x6: {  	_ = 	snop  }
0x7: {  	_ = 	snop  }
__scs_overlays_trampoline_lowered:
0x8: {  	[smem:$0x3F9C] =	sst s0  }
0x9: {  	[smem:$0x3F9D] =	sst s1  }
0xa: {  	[smem:$0x3F9E] =	sst s2  }
0xb: {  	[smem:$0x3F9F] =	sst s3  }
0xc: {  	[smem:$0x3FA0] =	sst s4  }
0xd: {  	[smem:$0x3FA1] =	sst s5  }
0xe: {  	[smem:$0x3FA2] =	sst s6  }
0xf: {  	[smem:$0x3FA3] =	sst s7  }
0x10: {  	[smem:$0x3FA4] =	sst s8  }
0x11: {  	[smem:$0x3FA5] =	sst s9;
	s0 =	simm.s32 @!p0 $0x0  }
0x12: {  	s1 =	sld [smem:$0x3F8B];
	s0 =	simm.s32 @p0 $0x1  }
0x13: {  	[smem:$0x3FA6] =	sst s0;
	s0 =	simm.s32 @!p1 $0x0  }
0x14: {  	s2 =	sld [smem:$0x3F8A];
	s0 =	simm.s32 @p1 $0x1  }
0x15: {  	[smem:$0x3FA7] =	sst s0;
	s0 =	simm.s32 @!p2 $0x0  }
0x16: {  	s3 =	sld [smem:$0x3FDB];
	s0 =	simm.s32 @p2 $0x1  }
0x17: {  	s4 =	simm.s32 $0x1BF5;
	[smem:$0x3FA9] =	sst s0  }
0x18: {  	s0 =	sld [smem:$0x3F8C];
	_ =	swait.ge [sflag:s4], $0x0  }
0x19: {  	s7 =	sld [smem:$0x3F8D]  }
0x1a: {  	s8 =	sadd.s32 $0xFFFFE003, lr  }
0x1b: {  	s9 =	sadd.s32 $0xFFFFFEF7, lr;
	s5 =	simm.s32 $0xFFFFFFFF;
	p2 =	slt.u32 s8, $0xFFFFF086  }
0x1c: {  	p1 =	slt.u32 s9, $0xF7A;
	s5 =	simm.s32 @!p2 $0x0  }
0x1d: {  	s5 =	simm.s32 @p1 $0x1;
	p0 =	seq.s32 s7, s2  }
0x1e: {  	s7 =	smul.u32 @!p0 $0xF7A, s2;
	p2 =	seq.s32 @!p0 s5, $0x0  }
0x1f: {  	s9 =	smul.u32 $0xF7A, s1;
	s8 =	simm.s32 @!p0 $0x1BF5;
	p2 =	por !p2, p0  }
0x20: {  	[sflag:s8] =	ssyncset.s32 @!p0 $0xFFFFF086;
	s6 =	sadd.s32 @!p0 s3, s7;
	s7 =	simm.s32 @!p0 $0x108  }
0x21: {  	s3 =	sadd.s32 s3, s9;
	s6 =	sadd.s32 @!p0 $0x88, s6;
	s7 =	simm.s32 @p2 $0x1082  }
0x22: {  	[simem:s7], [sflag:s8] =	dma.local @!p0 [hbm:s6], $0xF7A  }
0x23: {  	s9 =	sor.u32 $0xD0000000, s2;
	s6 =	simm.s32 $0x108;
	_ =	swait.ge @!p0 [sflag:s8], $0x0  }
0x24: {  	s3 =	sadd.s32 $0x88, s3;
	s6 =	simm.s32 @!p1 $0x1082;
	[sflag:s4] =	ssyncset.s32 $0xFFFFF086  }
0x25: {  	[simem:s6], [sflag:s4] =	dma.local [hbm:s3], $0xF7A  }
0x26: {  	[smem:$0x3F8D] =	sst s1;
	(tag) =	ssettag s2;
	_ =	strace s9  }
0x27: {  	s1 =	sld [smem:$0x3F9D]  }
0x28: {  	s2 =	sld [smem:$0x3F9E]  }
0x29: {  	s4 =	sld [smem:$0x3FA0]  }
0x2a: {  	p0 =	seq.s32 s5, $0x0;
	s5 =	sld [smem:$0x3FA1]  }
0x2b: {  	s6 =	sld [smem:$0x3FA2]  }
0x2c: {  	s7 =	sld [smem:$0x3FA3]  }
0x2d: {  	s3 =	simm.s32 $0x108;
	s8 =	sld [smem:$0x3FA4]  }
0x2e: {  	s3 =	simm.s32 @!p0 $0x1082;
	s9 =	sld [smem:$0x3FA5]  }
0x2f: {  	lr =	sadd.s32 s0, s3;
	s0 =	sld [smem:$0x3F9C]  }
0x30: {  	s3 =	sld [smem:$0x3F9F]  }
0x31: {  	[smem:$0x3FA8] =	sst s10  }
0x32: {  	s10 =	sld [smem:$0x3FA6];
	_ =	sdelay $0x3  }
0x33: {  	p0 =	seq.s32 s10, $0x1;
	s10 =	sld [smem:$0x3FA8];
	_ =	sdelay $0x3  }
0x34: {  	[smem:$0x3FA8] =	sst s10  }
0x35: {  	s10 =	sld [smem:$0x3FA7];
	_ =	sdelay $0x3  }
0x36: {  	p1 =	seq.s32 s10, $0x1;
	s10 =	sld [smem:$0x3FA8];
	_ =	sdelay $0x3  }
0x37: {  	[smem:$0x3FA8] =	sst s10  }
0x38: {  	s10 =	sld [smem:$0x3FA9]  }
0x39: {  	_ = 	snop;
	(pc) =	sbr.ind lr, $3  }
0x3a: {  	_ = 	snop  }
0x3b: {  	_ = 	snop  }
0x3c: {  	p2 =	seq.s32 s10, $0x1;
	s10 =	sld [smem:$0x3FA8]  }
0x3d: {  	_ =	shalt  }
0x3e: {  	_ =	shalt  }
0x3f: {  	_ =	shalt  }
0x40: {  	_ =	shalt  }
0x41: {  	_ =	shalt  }
0x42: {  	_ =	shalt  }
0x43: {  	_ =	shalt  }
0x44: {  	_ =	shalt  }
0x45: {  	_ =	shalt  }
0x46: {  	_ =	shalt  }
0x47: {  	_ =	shalt  }
0x48: {  	_ =	shalt  }
0x49: {  	_ =	shalt  }
0x4a: {  	_ =	shalt  }
0x4b: {  	_ =	shalt  }
0x4c: {  	_ =	shalt  }
0x4d: {  	_ =	shalt  }
0x4e: {  	_ =	shalt  }
0x4f: {  	_ =	shalt  }
0x50: {  	_ =	shalt  }
0x51: {  	_ =	shalt  }
0x52: {  	_ =	shalt  }
0x53: {  	_ =	shalt  }
0x54: {  	_ =	shalt  }
0x55: {  	_ =	shalt  }
0x56: {  	_ =	shalt  }
0x57: {  	_ =	shalt  }
0x58: {  	_ =	shalt  }
0x59: {  	_ =	shalt  }
0x5a: {  	_ =	shalt  }
0x5b: {  	_ =	shalt  }
0x5c: {  	_ =	shalt  }
0x5d: {  	_ =	shalt  }
0x5e: {  	_ =	shalt  }
0x5f: {  	_ =	shalt  }
0x60: {  	_ =	shalt  }
0x61: {  	_ =	shalt  }
0x62: {  	_ =	shalt  }
0x63: {  	_ =	shalt  }
0x64: {  	_ =	shalt  }
0x65: {  	_ =	shalt  }
0x66: {  	_ =	shalt  }
0x67: {  	_ =	shalt  }
0x68: {  	_ =	shalt  }
0x69: {  	_ =	shalt  }
0x6a: {  	_ =	shalt  }
0x6b: {  	_ =	shalt  }
0x6c: {  	_ =	shalt  }
0x6d: {  	_ =	shalt  }
0x6e: {  	_ =	shalt  }
0x6f: {  	_ =	shalt  }
0x70: {  	_ =	shalt  }
0x71: {  	_ =	shalt  }
0x72: {  	_ =	shalt  }
0x73: {  	_ =	shalt  }
0x74: {  	_ =	shalt  }
0x75: {  	_ =	shalt  }
0x76: {  	_ =	shalt  }
0x77: {  	_ =	shalt  }
0x78: {  	_ =	shalt  }
0x79: {  	_ =	shalt  }
0x7a: {  	_ =	shalt  }
0x7b: {  	_ =	shalt  }
0x7c: {  	_ =	shalt  }
0x7d: {  	_ =	shalt  }
0x7e: {  	_ =	shalt  }
0x7f: {  	_ =	shalt  }
0x80: {  	_ =	shalt  }
0x81: {  	_ =	shalt  }
0x82: {  	_ =	shalt  }
0x83: {  	_ =	shalt  }
0x84: {  	_ =	shalt  }
0x85: {  	_ =	shalt  }
0x86: {  	_ =	shalt  }
0x87: {  	_ =	shalt  }
.Lfunc_end0:
.L_simem_size_0:
called_computation.2_lowered:
.L_overlay_start_0:
0x88: {  	s2 =	sld [smem:$0x3FD9]  }
0x89: {  	s3 =	sld [smem:$0x3FFE];
	_ =	sdelay $0x1  }
0x8a: {  	s1 =	srdreg.scid  }
0x8b: {  	s0 =	sand.u32 $0x1, s1  }
0x8c: {  	s16 =	sshll.u32 s0, $0xA;
	s2 =	sadd.s32 s3, s2  }
0x8d: {  	s2 =	sadd.s32 s2, s16  }
0x8e: {  	[smem:$0x3FB4] =	sst s2  }
0x8f: {  	_ = 	snop  }
0x90: {  	(tm) =	ssettm $0x1  }
0x91: {  	s17 =	sld [smem:$0x3FFB];
	_ =	sdelay $0x3  }
0x92: {  	_ =	strace s17  }
0x93: {  	s2 =	sld [smem:$0x3FFC];
	_ =	sdelay $0x3  }
0x94: {  	_ =	strace s2  }
0x95: {  	s2 =	sld [smem:$0x3FFD];
	_ =	sdelay $0x3  }
0x96: {  	_ =	strace s2  }
0x97: {  	_ =	strace $0x8FFFFFFF  }
0x98: {  	s18 =	sld [smem:$0x3FDB];
	_ =	sdelay $0x1  }
0x99: {  	s19 =	simm.s32 $_scs_section_size  }
0x9a: {  	s4 =	simm.s32 $_size__tile_overlayer_lowered;
	s5 =	simm.s32 $_tile_overlayer_lowered  }
0x9b: {  	s22 =	simm.s32 $0x1BFF;
	s21 =	sshll.u32 s5, $0x1;
	s2 =	sadd.s32 s19, s18  }
0x9c: {  	s6 =	simm.s32 $0x0;
	s20 =	sshll.u32 s4, $0x1;
	s4 =	sadd.s32 s21, s2  }
0x9d: {  	[timem:s6], [sflag:s22] =	dma.local [hbm:s4], s20  }
0x9e: {  	_ =	swait.ge [sflag:s22], s20  }
0x9f: {  	s3 =	ssub.s32 $0x0, s20;
	[sflag:s22] =	ssyncset.done $0x0  }
0xa0: {  	[sflag:s22] =	ssyncadd.s32 s3;
	_ =	sdelay $0x1  }
0xa1: {  	s23 =	simm.s32 $0x1B8B  }
0xa2: {  	_ =	swait.ge [sflag:s23], $0x1  }
0xa3: {  	[sflag:s23] =	ssyncset.done $0x0  }
0xa4: {  	s25 =	simm.s32 $0x1B8E;
	s24 =	sld [smem:$0x3FFE];
	[sflag:s23] =	ssyncadd.s32 $0xFFFFFFFF  }
0xa5: {  	s26 =	simm.s32 $execute0_lowered;
	[smem:$0x3FD2] =	sst s25  }
0xa6: {  	s4 =	sshll.u32 s26, $0x1;
	_ =	strace $0x80000046;
	[dreg:$0x1] =	wrdreg $0xFFFFFFFF  }
0xa7: {  	s28 =	simm.s32 $_size_execute0_lowered;
	s2 =	sadd.s32 s2, s4;
	[dreg:$0x0] =	wrdreg $0x0  }
0xa8: {  	s4 =	sshll.u32 s28, $0x1;
	[dreg:$0x2] =	wrdreg s2  }
0xa9: {  	[dreg:$0x3] =	wrdreg s4  }
0xaa: {  	[dreg:$0x4] =	wrdreg $0xC0  }
0xab: {  	_ =	task [dreg:s6], $0x5FFFF  }
0xac: {  	[dreg:$0x1] =	wrdreg $0xFFFFFFFF  }
0xad: {  	[dreg:$0x0] =	wrdreg $0x60  }
0xae: {  	[dreg:$0x2] =	wrdreg s24  }
0xaf: {  	[dreg:$0x3] =	wrdreg $0x9  }
0xb0: {  	_ =	task.clear_ibuf [dreg:s6], $0x4FFFF;
	_ =	strace $0x90000046  }
0xb1: {  	s29 =	simm.s32 $0x9;
	_ =	strace $0x80000048  }
0xb2: {  	_ =	swait.ge [sflag:s29], $0x1  }
0xb3: {  	[sflag:s29] =	ssyncadd.s32 $0xFFFFFFFF  }
0xb4: {  	_ =	strace $0x90000048  }
0xb5: {  	_ =	sfence  }
0xb6: {  	s30 =	sld [smem:$0x0];
	_ =	sdelay $0x2  }
0xb7: {  	s31 =	sshll.u32 s1, $0xD;
	s1 =	sshrl.u32 s1, $0x2  }
0xb8: {  	s3 =	sand.u32 $0x4000, s31;
	s1 =	sadd.s32 s1, s30  }
0xb9: {  	s0 =	sor.u32 s3, s0;
	s1 =	sshll.u32 s1, $0x11  }
0xba: {  	s0 =	sor.u32 s1, s0  }
0xbb: {  	s0 =	sadd.s32 $0x8F2B, s0  }
0xbc: {  	[sflag:s0] =	ssyncadd.remote.s32 $0x1  }
0xbd: {  	_ =	sfence.sel $0xFFFF  }
0xbe: {  	[dreg:$0x0] =	wrdreg $0xFFFFFFFF;
	(pc) =	sbr.abs _section_cstart, $3  }
0xbf: {  	[dreg:$0x1] =	wrdreg $0xFFFFFFFF  }
0xc0: {  	_ =	task.clear_ibuf [dreg:s6], $0x2FFFF;
	_ =	strace $0x9FFFFFFF  }
0xc1: {  	(tm) =	ssettm $0x7FFFFFFF  }
tec
execute0_lowered:
.L_overlay_start_1:
0x0: {  	(tag) =	ssettag $0x1  }
0x1: {  	s5 =	rddreg [dreg:$0x0]  }
0x2: {  	s1 =	srdreg.scid;
	s0 =	rddreg [dreg:$0x1];
	s2 =	simm.s32 $0x0  }
0x3: {  	v2 =	vimm.s32 $0xEDCBA987;
	s10 =	simm.s32 $0x7D0;
	s11 =	simm.s32 $0x8120;
	s12 =	simm.s32 $0xFA0  }
0x4: {  	v0 =	vlaneseq.u32;
	v3 =	vimm.s32 $0x65432100;
	v4 =	vimm.s32 $0xFFEDCBA9;
	s13 =	simm.s32 $0x4860;
	s14 =	simm.s32 $0x0;
	s3 =	sand.u32 $0x1, s1  }
0x5: {  	v5 =	vimm.s32 $0x87654321;
	s15 =	simm.s32 $0x0;
	s1 =	stileid.u32;
	v1 =	vmul.u32 $0x1C0, v0;
	v2 =	vunpack.c.l.s4.s8 v2;
	s4 =	sshll.u32 s3, $0x4  }
0x6: {  	[smem:$0x7FF] =	sst s2;
	v3 =	vunpack.c.l.s4.s8 v3;
	v4 =	vunpack.c.l.s4.s8 v4;
	v5 =	vunpack.c.l.s4.s8 v5;
	s8 =	ssub.s32 $0x2, s3;
	s6 =	sor.u32 s1, s4  }
0x7: {  	vm0 =	vcmask $0x3F3C;
	_ =	strace $0x80000047;
	s9 =	sshrl.u32 s8, $0x1;
	v6 =	vunpack.c.0.s8.s32 v2;
	v2 =	vadd.s32 $0x1C00, v1;
	s7 =	smul.u32 $0x700, s6  }
0x8: {  	s3 =	sadd.s32 $0xDC00, s5;
	s4 =	sadd.s32 $0x3E00, s5;
	v7 =	vunpack.c.0.s8.s32 v3;
	v8 =	vunpack.c.0.s8.s32 v4;
	v9 =	vunpack.c.0.s8.s32 v5;
	s8 =	ssub.s32 s8, s9  }
0x9: {  	v3 =	vimm.s32 $0x1E8480;
	v5 =	vor.u32 $0x80000000, v0;
	s9 =	simm.s32 $0x1;
	s8 =	smax.u32 s8, $0x1;
	v6 =	vand.u32 $0xF, v6;
	s7 =	sadd.s32 s7, s5  }
0xa: {  	s5 =	smul.u32 $0x2710, s6;
	v4 =	vcombine.low v7, v6;
	v6 =	vcombine.low v9, v8;
	v7 =	vadd.s32 $0x1, v0;
	s6 =	sadd.s32 $0x17A00, s7;
	s7 =	sadd.s32 $0x25A00, s7  }
.LBB2_1:
0xb: {  	[tilespmem:$0x8120] =	vst v1;
	v8 =	vor.u32 s2, v0  }
0xc: {  	[tilespmem:$0x8130] =	vst v2;
	v8 =	vand.u32 $0x1FFF, v8  }
0xd: {  	[tilespmem:s12+$0x0] =	vst v8  }
0xe: {  	s16 =	simm.s32 $0x10;
	s17 =	simm.s32 $0xFA0;
	s18 =	simm.s32 $0x4860;
	[tilespmem:s13+$0x0] =	vst v3  }
.LBB2_2:
0xf: {  	p0 =	sne.s32 s16, $0x37F0  }
.Ltmp0:
0x10: {  	_ = 	snop;
	(pc) =	sbr.rel @p0 .LBB2_2-.Ltmp0, $4  }
0x11: {  	v8 =	vor.u32 s16, v0  }
0x12: {  	s17 =	sadd.s32 $0x10, s17;
	v8 =	vand.u32 $0x1FFF, v8  }
0x13: {  	s18 =	sadd.s32 $0x10, s18;
	[tilespmem:s17+$0x0] =	vst v8  }
0x14: {  	s16 =	sadd.s32 $0x10, s16;
	[tilespmem:s18+$0x0] =	vst v3  }
0x15: {  	s16 =	simm.s32 $0x0  }
.LBB2_4:
0x16: {  	s17 =	smul.u32 $0x7D0, s16;
	_ =	sdelay $0x1  }
0x17: {  	s17 =	sadd.s32 s5, s17  }
0x18: {  	s17 =	sshrl.u32 s17, $0x3  }
0x19: {  	s18 =	sadd.s32 s3, s17  }
0x1a: {  	[tilespmem:s15], [sflag:$0x1] =	stream.linear.gather [hbm4b:s18+s15], $0x7D0, $0x38;
	[tilespmem:$0x8140] =	vst v63  }
0x1b: {  	_ =	swait.ge [sflag:s9], $0x7D0  }
0x1c: {  	[sflag:s9] =	ssyncset.done $0x0  }
0x1d: {  	s17 =	sadd.s32 s4, s17;
	[sflag:s9] =	ssyncadd.s32 $0xFFFFF830  }
0x1e: {  	[tilespmem:s10], [sflag:$0x1] =	stream.linear.gather [hbm4b:s17+s15], $0x7D0, $0x38;
	[tilespmem:$0x8140] =	vst v63  }
0x1f: {  	_ =	swait.ge [sflag:s9], $0x7D0  }
0x20: {  	[sflag:s9] =	ssyncset.done $0x0  }
0x21: {  	s31 =	simm.s32 $0x0;
	[sflag:s9] =	ssyncadd.s32 $0xFFFFF830  }
0x22: {  	v8 =	vld [tilespmem:s31+$0x7D0]  }
0x23: {  	s17 =	simm.s32 $0x40;
	v9 =	vld [tilespmem:s31+$0x0]  }
.LBB2_5:
0x24: {  	p0 =	sne.s32 s17, $0x1F00;
	_ =	sdelay $0x2  }
0x25: {  	v10 =	vshrl.u32 v8, $0x6  }
0x26: {  	v10 =	vmul.u32 $0x199A, v10;
	_ =	sdelay $0x1  }
0x27: {  	v10 =	vshrl.u32 v10, $0xF  }
0x28: {  	v10 =	vor.u32 $0x80000000, v10  }
0x29: {  	(xrf1) =	vsort.ascd.msk.u32 $0xffff, v10, v0;
	_ =	sdelay $0xd  }
0x2a: {  	v10, v11, _ =	vpop (xrf1)  }
0x2b: {  	v10 =	vxor.u32 $0x80000000, v10  }
0x2c: {  	v12 =	vperm.xlane v10, v4;
	_ =	sdelay $0x1  }
0x2d: {  	vm1 =	veq.s32 v10, v12  }
0x2e: {  	v12 =	vsel vm1, $0x80000000, v5  }
0x2f: {  	(xrf0) =	vmax.scan.msk.u32 $0xffff, v12;
	_ =	sdelay $0x1  }
0x30: {  	v12 =	vld.idx.msk [tilespmem:v10+s11+$0x0], $0xffff;
	_ =	sdelay $0x3  }
0x31: {  	v13, _, _ =	vpop (xrf0)  }
0x32: {  	v14 =	vperm.xlane v10, v6;
	v13 =	vxor.u32 $0x80000000, v13  }
0x33: {  	v12 =	vsub.s32 v12, v13  }
0x34: {  	vm1 =	vne.s32 v10, v14;
	v12 =	vadd.s32 v0, v12  }
0x35: {  	vm1 =	vmor vm1, vm0;
	_ =	sdelay $0x1  }
0x36: {  	v9 =	vperm.xlane v9, v11  }
0x37: {  	v8 =	vperm.xlane v8, v11  }
.Ltmp1:
0x38: {  	[tilespmem:v12+s12+$0x0] =	vst.idx.msk $0xffff, v9;
	(pc) =	sbr.rel @p0 .LBB2_5-.Ltmp1, $4  }
0x39: {  	[tilespmem:v12+s13+$0x0] =	vst.idx.msk $0xffff, v8;
	v8 =	vsub.s32 v7, v13  }
0x3a: {  	s18 =	sshra.s32 s17, $0x2;
	[tilespmem:v10+s11+$0x0] =	vst.idx.add.s32.msk vm1, v8  }
0x3b: {  	v8 =	vld [tilespmem:s18+$0x7D0]  }
0x3c: {  	s17 =	sadd.s32 $0x40, s17;
	v9 =	vld [tilespmem:s18+$0x0]  }
0x3d: {  	_ =	sdelay $0x2  }
0x3e: {  	v10 =	vshrl.u32 v8, $0x6  }
0x3f: {  	v10 =	vmul.u32 $0x199A, v10;
	_ =	sdelay $0x1  }
0x40: {  	v10 =	vshrl.u32 v10, $0xF  }
0x41: {  	v10 =	vor.u32 $0x80000000, v10  }
0x42: {  	(xrf1) =	vsort.ascd.msk.u32 $0xffff, v10, v0;
	_ =	sdelay $0xd  }
0x43: {  	v10, v11, _ =	vpop (xrf1)  }
0x44: {  	v10 =	vxor.u32 $0x80000000, v10  }
0x45: {  	v12 =	vperm.xlane v10, v4;
	_ =	sdelay $0x1  }
0x46: {  	vm1 =	veq.s32 v10, v12  }
0x47: {  	v12 =	vsel vm1, $0x80000000, v5  }
0x48: {  	(xrf0) =	vmax.scan.msk.u32 $0xffff, v12;
	_ =	sdelay $0x2  }
0x49: {  	v63 =	vld.idx.msk [tilespmem:v10+s11+$0x0], $0xffff;
	_ =	sdelay $0x2  }
0x4a: {  	v13, _, _ =	vpop (xrf0)  }
0x4b: {  	v14 =	vperm.xlane v10, v6;
	v13 =	vxor.u32 $0x80000000, v13  }
0x4c: {  	v12 =	vsub.s32 v63, v13  }
0x4d: {  	vm1 =	vne.s32 v10, v14;
	v12 =	vadd.s32 v0, v12  }
0x4e: {  	s16 =	sadd.s32 $0x1, s16;
	vm1 =	vmor vm1, vm0  }
0x4f: {  	p0 =	sne.s32 s16, $0x5  }
.Ltmp2:
0x50: {  	v9 =	vperm.xlane v9, v11;
	(pc) =	sbr.rel @p0 .LBB2_4-.Ltmp2, $4  }
0x51: {  	v8 =	vperm.xlane v8, v11  }
0x52: {  	[tilespmem:v12+s12+$0x0] =	vst.idx.msk $0xffff, v9  }
0x53: {  	[tilespmem:v12+s13+$0x0] =	vst.idx.msk $0xffff, v8;
	v8 =	vsub.s32 v7, v13  }
0x54: {  	[tilespmem:v10+s11+$0x0] =	vst.idx.add.s32.msk vm1, v8  }
0x55: {  	[hbm4b:s6+s2] =	stream.linear.scatter [tilespmem:s12], [sflag:$0x1], $0x3800, $0x38;
	[tilespmem:$0x8140] =	vst v63  }
0x56: {  	s14 =	sadd.s32 $0x1, s14;
	_ =	swait.ge [sflag:s9], $0x3800  }
0x57: {  	p0 =	sne.s32 s14, s8;
	[sflag:s9] =	ssyncset.done $0x0  }
.Ltmp3:
0x58: {  	[sflag:s9] =	ssyncadd.s32 $0xFFFFC800;
	(pc) =	sbr.rel @p0 .LBB2_1-.Ltmp3, $4  }
0x59: {  	[hbm4b:s7+s2] =	stream.linear.scatter [tilespmem:s13], [sflag:$0x1], $0x3800, $0x38;
	[tilespmem:$0x8140] =	vst v63  }
0x5a: {  	_ =	swait.ge [sflag:s9], $0x3800  }
0x5b: {  	[sflag:s9] =	ssyncset.done $0x0  }
0x5c: {  	[sflag:s9] =	ssyncadd.s32 $0xFFFFC800  }
0x5d: {  	_ =	sfence.sel $0x180000  }
0x5e: {  	[bflag:$0x0] =	sbarrier.arrive $0xFFFF  }
0x5f: {  	p0 =	sne.s32 s1, $0x0;
	_ =	strace $0x90000047  }
0x60: {  	s0 =	sadd.s32 @!p0 $0x100000, s0;
	[bflag:$0x2] =	sbarrier.arrive $0xFFFF  }
0x61: {  	[sflag:s0] =	ssyncadd.tile.s32 @!p0 $0x1;
	_ =	shalt  }
.Lfunc_end2:
_tile_overlayer_lowered:
.L_overlay_start_2:
0x62: {  	(tag) =	ssettag $0x2  }
0x63: {  	s0 =	rddreg [dreg:$0x0];
	s2 =	stileid.u32  }
0x64: {  	s1 =	rddreg [dreg:$0x1];
	p0 =	sne.s32 s2, $0x0  }
0x65: {  	s3 =	rddreg [dreg:$0x2];
	[bflag:$0x3] =	sbarrier.arrive $0xFFFF;
	s2 =	simm.s32 @!p0 $0x1C01  }
0x66: {  	[timem:s3], [sflag:s2] =	dma.local @!p0 [hbm:s0], s1  }
0x67: {  	s0 =	simm.s32 @!p0 $0x1  }
0x68: {  	_ =	swait.ge @!p0 [sflag:s0], s1  }
0x69: {  	s1 =	ssub.s32 @!p0 $0x0, s1;
	[sflag:s0] =	ssyncset.done @!p0 $0x0  }
0x6a: {  	[sflag:s0] =	ssyncadd.s32 @!p0 s1  }
0x6b: {  	[bflag:$0x3] =	sbarrier.arrive $0xFFFF  }
0x6c: {  	_ =	shalt  }

</sc_bundles>
